<compile_context>
chip_gen: v7x
topology: tpu7x:2x2x1
jax: 0.10.2.dev20260603
libtpu: 0.0.44.dev20260713+nightly
codegen_flags: <defaults>
</compile_context>

<pallas_src>
import functools

import jax
import jax.numpy as jnp
from jax import lax
from jax.experimental import pallas as pl
from jax.experimental.pallas import tpu as pltpu
from jax.experimental.pallas import tpu_sc as plsc

C = 16
L = 16
NB = 4
U = 4


def kernel(x, pos, pos_embedding):
    B, S, D = x.shape
    N = B * S
    xf = x.reshape(N, D)
    idx = pos.reshape(N).astype(jnp.int32)

    info = plsc.get_sparse_core_info()
    NC, NS = info.num_cores, info.num_subcores
    NW = NC * NS
    R = N // NW
    ng = R // C

    mesh = plsc.VectorSubcoreMesh(core_axis_name="core", subcore_axis_name="subcore")

    @functools.partial(
        pl.kernel,
        out_type=jax.ShapeDtypeStruct((N, D), x.dtype),
        mesh=mesh,
        scratch_types=[
            pltpu.VMEM((R,), jnp.int32),
            pltpu.VMEM((C, D), jnp.float32),
            pltpu.VMEM((C, D), jnp.float32),
            pltpu.VMEM((C, D), jnp.float32),
            pltpu.VMEM((C, D), jnp.float32),
            pltpu.VMEM((C, D), jnp.float32),
            pltpu.VMEM((C, D), jnp.float32),
            pltpu.SemaphoreType.DMA,
            pltpu.SemaphoreType.DMA,
            pltpu.SemaphoreType.DMA,
            pltpu.SemaphoreType.DMA,
            pltpu.SemaphoreType.DMA,
            pltpu.SemaphoreType.DMA,
            pltpu.SemaphoreType.DMA,
            pltpu.SemaphoreType.DMA,
            pltpu.SemaphoreType.DMA,
            pltpu.SemaphoreType.DMA,
        ],
    )
    def run(x_hbm, i_hbm, t_hbm, o_hbm, idx_v,
            bg0, bg1, bg2, bg3, bx0, bx1,
            sg0, sg1, sg2, sg3, sx0, sx1, so0, so1, so2, so3):
        bg = (bg0, bg1, bg2, bg3)
        bx = (bx0, bx1)
        sg = (sg0, sg1, sg2, sg3)
        sx = (sx0, sx1)
        so = (so0, so1, so2, so3)

        wid = lax.axis_index("core") * NS + lax.axis_index("subcore")
        base = wid * R
        pltpu.sync_copy(i_hbm.at[pl.ds(base, R)], idx_v)

        def start_g(g, b):
            pltpu.async_copy(t_hbm.at[idx_v.at[pl.ds(g * C, C)]], bg[b], sg[b])

        def wait_g(g, b):
            pltpu.make_async_copy(
                t_hbm.at[idx_v.at[pl.ds(g * C, C)]], bg[b], sg[b]).wait()

        def start_x(g, b):
            pltpu.async_copy(x_hbm.at[pl.ds(base + g * C, C)], bx[b], sx[b])

        def wait_x(g, b):
            pltpu.make_async_copy(
                x_hbm.at[pl.ds(base + g * C, C)], bx[b], sx[b]).wait()

        def wait_out(b):
            pltpu.make_async_copy(bg[b], o_hbm.at[pl.ds(base, C)], so[b]).wait()

        start_g(0, 0)
        start_g(1, 1)
        start_x(0, 0)

        @pl.loop(0, ng // U)
        def _(p):
            for u in range(U):
                g = p * U + u

                @pl.when(g + 2 < ng)
                def _():
                    @pl.when(g >= 2)
                    def _():
                        wait_out((u + 2) % NB)

                    start_g(g + 2, (u + 2) % NB)

                @pl.when(g + 1 < ng)
                def _():
                    start_x(g + 1, (u + 1) % 2)

                wait_g(g, u % NB)
                wait_x(g, u % 2)

                @pl.loop(0, C)
                def _(r):
                    for c0 in range(0, D, 8 * L):
                        vals = [
                            bx[u % 2].at[(r, pl.ds(c0 + j * L, L))][...]
                            for j in range(8)
                        ]
                        for j in range(8):
                            plsc.addupdate(
                                bg[u % NB].at[(r, pl.ds(c0 + j * L, L))],
                                vals[j])

                pltpu.async_copy(
                    bg[u % NB], o_hbm.at[pl.ds(base + g * C, C)], so[u % NB])

        for b in range(NB):
            wait_out(b)

    out = run(xf, idx, pos_embedding)
    return out.reshape(B, S, D)

# --- scband reference (transcript-rebuilt; emitter-appended) ---
"""Pipeline reference for scband-learnable-positional-encoding-21449066676703 (READ-ONLY COPY).

The authoritative reference and input builder live on the scoring server;
editing this copy changes nothing except your own understanding.
"""

import jax, jax.numpy as jnp
import numpy as np

D_MODEL = 1024
MAX_LEN = 8192
BATCH = 4
SEQ = 8192

def setup_inputs(seed: int = 0) -> dict:
    key = jax.random.key(seed)
    k_x, k_pos, k_tab = jax.random.split(key, 3)
    x = jax.random.normal(k_x, (BATCH, SEQ, D_MODEL), dtype=jnp.float32)
    pos = jax.random.randint(k_pos, (BATCH, SEQ), 0, MAX_LEN, dtype=jnp.int64 if jax.config.jax_enable_x64 else jnp.int32)
    pos_embedding = jax.random.normal(k_tab, (MAX_LEN, D_MODEL), dtype=jnp.float32)
    return {"x": x, "pos": pos, "pos_embedding": pos_embedding}

def reference(x, pos, pos_embedding):
    # x + pos_embedding(pos); dropout p=0.0 (identity / eval mode)
    gathered = jnp.take(pos_embedding, pos, axis=0)  # [B, S, D]
    return x + gathered

if __name__ == "__main__":
    import jax
    _d = setup_inputs()
    print(jax.jit(kernel)(*tuple(_d.values())))

</pallas_src>

<mosaic_0001>
#map = affine_map<(d0, d1) -> (0, 0)>
#map1 = affine_map<(d0, d1) -> (0)>
module attributes {stable_mosaic.version = 14 : i64} {
  func.func @run(%arg0: i32, %arg1: i32, %arg2: memref<32768x1024xf32, #tpu.memory_space<hbm>>, %arg3: memref<32768xi32, #tpu.memory_space<hbm>>, %arg4: memref<8192x1024xf32, #tpu.memory_space<hbm>>, %arg5: memref<32768x1024xf32, #tpu.memory_space<hbm>>, %arg6: memref<1024xi32, #tpu.memory_space<vmem>>, %arg7: memref<16x1024xf32, #tpu.memory_space<vmem>>, %arg8: memref<16x1024xf32, #tpu.memory_space<vmem>>, %arg9: memref<16x1024xf32, #tpu.memory_space<vmem>>, %arg10: memref<16x1024xf32, #tpu.memory_space<vmem>>, %arg11: memref<16x1024xf32, #tpu.memory_space<vmem>>, %arg12: memref<16x1024xf32, #tpu.memory_space<vmem>>, %arg13: memref<!tpu.dma_semaphore, #tpu.memory_space<semaphore_mem>>, %arg14: memref<!tpu.dma_semaphore, #tpu.memory_space<semaphore_mem>>, %arg15: memref<!tpu.dma_semaphore, #tpu.memory_space<semaphore_mem>>, %arg16: memref<!tpu.dma_semaphore, #tpu.memory_space<semaphore_mem>>, %arg17: memref<!tpu.dma_semaphore, #tpu.memory_space<semaphore_mem>>, %arg18: memref<!tpu.dma_semaphore, #tpu.memory_space<semaphore_mem>>, %arg19: memref<!tpu.dma_semaphore, #tpu.memory_space<semaphore_mem>>, %arg20: memref<!tpu.dma_semaphore, #tpu.memory_space<semaphore_mem>>, %arg21: memref<!tpu.dma_semaphore, #tpu.memory_space<semaphore_mem>>, %arg22: memref<!tpu.dma_semaphore, #tpu.memory_space<semaphore_mem>>) attributes {dimension_semantics = [#tpu.dimension_semantics<core_parallel>, #tpu.dimension_semantics<subcore_parallel>], iteration_bounds = array<i64: 2, 16>, scalar_prefetch = 0 : i64, scratch_operands = 17 : i64, tpu.core_type = #tpu.core_type<sc_vector_subcore>, window_params = [{transform_indices = #map}, {transform_indices = #map1}, {transform_indices = #map}, {transform_indices = #map}]} {
    %mul3A = arith.constant 16 : i32
    %mul3A_0 = arith.muli %arg0, %mul3A : i32
    %add3A = arith.addi %mul3A_0, %arg1 : i32
    %mul3A_1 = arith.constant 1024 : i32
    %mul3A_2 = arith.muli %add3A, %mul3A_1 : i32
    "tpu.region"() ({
      %run_scoped3A = tpu.sem_alloc : memref<!tpu.dma_semaphore, #tpu.memory_space<semaphore_mem>>
      %dma_start3A_37 = tpu.memref_slice %arg3[%mul3A_2] : memref<32768xi32, #tpu.memory_space<hbm>> -> memref<1024xi32, #tpu.memory_space<hbm>>
      %dma_start3A_38 = tpu.memref_slice %arg3[%mul3A_2] : memref<32768xi32, #tpu.memory_space<hbm>> -> memref<1024xi32, #tpu.memory_space<hbm>>
      tpu.enqueue_dma source(%dma_start3A_38 : memref<1024xi32, #tpu.memory_space<hbm>>) target(%arg6 : memref<1024xi32, #tpu.memory_space<vmem>>) target_semaphore(%run_scoped3A : memref<!tpu.dma_semaphore, #tpu.memory_space<semaphore_mem>>)
      %dma_wait3A_39 = tpu.memref_slice %arg3[%mul3A_2] : memref<32768xi32, #tpu.memory_space<hbm>> -> memref<1024xi32, #tpu.memory_space<hbm>>
      %dma_wait3A_40 = tpu.memref_slice %arg3[%mul3A_2] : memref<32768xi32, #tpu.memory_space<hbm>> -> memref<1024xi32, #tpu.memory_space<hbm>>
      tpu.wait_dma2 semaphore(%run_scoped3A : memref<!tpu.dma_semaphore, #tpu.memory_space<semaphore_mem>>) src(%dma_wait3A_40 : memref<1024xi32, #tpu.memory_space<hbm>>) dst(%arg6 : memref<1024xi32, #tpu.memory_space<vmem>>)
      tpu.yield
    }) : () -> ()
    %dma_start3A = arith.constant 0 : i32
    %dma_start3A_3 = tpu.memref_slice %arg6[%dma_start3A] : memref<1024xi32, #tpu.memory_space<vmem>> -> memref<16xi32, #tpu.memory_space<vmem>>
    %dma_start3A_4 = arith.constant 0 : i32
    %dma_start3A_5 = arith.constant 0 : i32
    %dma_start3A_6 = tpu.memref_slice %arg4[%dma_start3A_4, %dma_start3A_5] : memref<8192x1024xf32, #tpu.memory_space<hbm>> -> memref<8192x1024xf32, #tpu.memory_space<hbm>>
    tpu.enqueue_indirect_dma source(%dma_start3A_6 : memref<8192x1024xf32, #tpu.memory_space<hbm>>) target(%arg7 : memref<16x1024xf32, #tpu.memory_space<vmem>>) offsets(%dma_start3A_3 : memref<16xi32, #tpu.memory_space<vmem>>) semaphore(%arg13 : memref<!tpu.dma_semaphore, #tpu.memory_space<semaphore_mem>>)
    %dma_start3A_7 = arith.constant 16 : i32
    %dma_start3A_8 = tpu.memref_slice %arg6[%dma_start3A_7] : memref<1024xi32, #tpu.memory_space<vmem>> -> memref<16xi32, #tpu.memory_space<vmem>>
    %dma_start3A_9 = arith.constant 0 : i32
    %dma_start3A_10 = arith.constant 0 : i32
    %dma_start3A_11 = tpu.memref_slice %arg4[%dma_start3A_9, %dma_start3A_10] : memref<8192x1024xf32, #tpu.memory_space<hbm>> -> memref<8192x1024xf32, #tpu.memory_space<hbm>>
    tpu.enqueue_indirect_dma source(%dma_start3A_11 : memref<8192x1024xf32, #tpu.memory_space<hbm>>) target(%arg8 : memref<16x1024xf32, #tpu.memory_space<vmem>>) offsets(%dma_start3A_8 : memref<16xi32, #tpu.memory_space<vmem>>) semaphore(%arg14 : memref<!tpu.dma_semaphore, #tpu.memory_space<semaphore_mem>>)
    %add3A_12 = arith.constant 0 : i32
    %add3A_13 = arith.addi %mul3A_2, %add3A_12 : i32
    %dma_start3A_14 = arith.constant 0 : i32
    %dma_start3A_15 = tpu.memref_slice %arg2[%add3A_13, %dma_start3A_14] : memref<32768x1024xf32, #tpu.memory_space<hbm>> -> memref<16x1024xf32, #tpu.memory_space<hbm>>
    %dma_start3A_16 = arith.constant 0 : i32
    %dma_start3A_17 = tpu.memref_slice %arg2[%add3A_13, %dma_start3A_16] : memref<32768x1024xf32, #tpu.memory_space<hbm>> -> memref<16x1024xf32, #tpu.memory_space<hbm>>
    tpu.enqueue_dma source(%dma_start3A_17 : memref<16x1024xf32, #tpu.memory_space<hbm>>) target(%arg11 : memref<16x1024xf32, #tpu.memory_space<vmem>>) target_semaphore(%arg17 : memref<!tpu.dma_semaphore, #tpu.memory_space<semaphore_mem>>)
    %scan3A = arith.constant 0 : i32
    %scan3A_18 = arith.constant 16 : i32
    %scan3A_19 = arith.addi %scan3A, %scan3A_18 : i32
    %scan3A_20 = arith.constant 1 : i32
    scf.for %scan3A_37 = %scan3A to %scan3A_19 step %scan3A_20  : i32 {
      %mul3A_38 = arith.constant 1 : i32
      %mul3A_39 = arith.muli %scan3A_37, %mul3A_38 : i32
      %add3A_40 = arith.constant 0 : i32
      %add3A_41 = arith.addi %add3A_40, %mul3A_39 : i32
      %mul3A_42 = arith.constant 4 : i32
      %mul3A_43 = arith.muli %add3A_41, %mul3A_42 : i32
      %add3A_44 = arith.constant 0 : i32
      %add3A_45 = arith.addi %mul3A_43, %add3A_44 : i32
      %add3A_46 = arith.constant 2 : i32
      %add3A_47 = arith.addi %add3A_45, %add3A_46 : i32
      %lt3A = arith.constant 64 : i32
      %lt3A_48 = arith.cmpi slt, %add3A_47, %lt3A : i32
      %convert_element_type3A = arith.extui %lt3A_48 : i1 to i32
      %cond3A = arith.constant 0 : i32
      %cond3A_49 = arith.cmpi ne, %convert_element_type3A, %cond3A : i32
      scf.if %cond3A_49 {
        %ge3A = arith.constant 2 : i32
        %ge3A_211 = arith.cmpi sge, %add3A_45, %ge3A : i32
        %convert_element_type3A_212 = arith.extui %ge3A_211 : i1 to i32
        %cond3A_213 = arith.constant 0 : i32
        %cond3A_214 = arith.cmpi ne, %convert_element_type3A_212, %cond3A_213 : i32
        scf.if %cond3A_214 {
          %dma_wait3A_223 = arith.constant 0 : i32
          %dma_wait3A_224 = tpu.memref_slice %arg5[%mul3A_2, %dma_wait3A_223] : memref<32768x1024xf32, #tpu.memory_space<hbm>> -> memref<16x1024xf32, #tpu.memory_space<hbm>>
          %dma_wait3A_225 = arith.constant 0 : i32
          %dma_wait3A_226 = tpu.memref_slice %arg5[%mul3A_2, %dma_wait3A_225] : memref<32768x1024xf32, #tpu.memory_space<hbm>> -> memref<16x1024xf32, #tpu.memory_space<hbm>>
          tpu.wait_dma2 semaphore(%arg21 : memref<!tpu.dma_semaphore, #tpu.memory_space<semaphore_mem>>) src(%arg9 : memref<16x1024xf32, #tpu.memory_space<vmem>>) dst(%dma_wait3A_226 : memref<16x1024xf32, #tpu.memory_space<hbm>>)
        } else {
        }
        %add3A_215 = arith.constant 2 : i32
        %add3A_216 = arith.addi %add3A_45, %add3A_215 : i32
        %mul3A_217 = arith.constant 16 : i32
        %mul3A_218 = arith.muli %add3A_216, %mul3A_217 : i32
        %dma_start3A_219 = tpu.memref_slice %arg6[%mul3A_218] : memref<1024xi32, #tpu.memory_space<vmem>> -> memref<16xi32, #tpu.memory_space<vmem>>
        %dma_start3A_220 = arith.constant 0 : i32
        %dma_start3A_221 = arith.constant 0 : i32
        %dma_start3A_222 = tpu.memref_slice %arg4[%dma_start3A_220, %dma_start3A_221] : memref<8192x1024xf32, #tpu.memory_space<hbm>> -> memref<8192x1024xf32, #tpu.memory_space<hbm>>
        tpu.enqueue_indirect_dma source(%dma_start3A_222 : memref<8192x1024xf32, #tpu.memory_space<hbm>>) target(%arg9 : memref<16x1024xf32, #tpu.memory_space<vmem>>) offsets(%dma_start3A_219 : memref<16xi32, #tpu.memory_space<vmem>>) semaphore(%arg15 : memref<!tpu.dma_semaphore, #tpu.memory_space<semaphore_mem>>)
      } else {
      }
      %add3A_50 = arith.constant 1 : i32
      %add3A_51 = arith.addi %add3A_45, %add3A_50 : i32
      %lt3A_52 = arith.constant 64 : i32
      %lt3A_53 = arith.cmpi slt, %add3A_51, %lt3A_52 : i32
      %convert_element_type3A_54 = arith.extui %lt3A_53 : i1 to i32
      %cond3A_55 = arith.constant 0 : i32
      %cond3A_56 = arith.cmpi ne, %convert_element_type3A_54, %cond3A_55 : i32
      scf.if %cond3A_56 {
        %add3A_211 = arith.constant 1 : i32
        %add3A_212 = arith.addi %add3A_45, %add3A_211 : i32
        %mul3A_213 = arith.constant 16 : i32
        %mul3A_214 = arith.muli %add3A_212, %mul3A_213 : i32
        %add3A_215 = arith.addi %mul3A_2, %mul3A_214 : i32
        %dma_start3A_216 = arith.constant 0 : i32
        %dma_start3A_217 = tpu.memref_slice %arg2[%add3A_215, %dma_start3A_216] : memref<32768x1024xf32, #tpu.memory_space<hbm>> -> memref<16x1024xf32, #tpu.memory_space<hbm>>
        %dma_start3A_218 = arith.constant 0 : i32
        %dma_start3A_219 = tpu.memref_slice %arg2[%add3A_215, %dma_start3A_218] : memref<32768x1024xf32, #tpu.memory_space<hbm>> -> memref<16x1024xf32, #tpu.memory_space<hbm>>
        tpu.enqueue_dma source(%dma_start3A_219 : memref<16x1024xf32, #tpu.memory_space<hbm>>) target(%arg12 : memref<16x1024xf32, #tpu.memory_space<vmem>>) target_semaphore(%arg18 : memref<!tpu.dma_semaphore, #tpu.memory_space<semaphore_mem>>)
      } else {
      }
      %mul3A_57 = arith.constant 16 : i32
      %mul3A_58 = arith.muli %add3A_45, %mul3A_57 : i32
      %dma_wait3A_59 = tpu.memref_slice %arg6[%mul3A_58] : memref<1024xi32, #tpu.memory_space<vmem>> -> memref<16xi32, #tpu.memory_space<vmem>>
      %dma_wait3A_60 = arith.constant 0 : i32
      %dma_wait3A_61 = arith.constant 0 : i32
      %dma_wait3A_62 = tpu.memref_slice %arg4[%dma_wait3A_60, %dma_wait3A_61] : memref<8192x1024xf32, #tpu.memory_space<hbm>> -> memref<8192x1024xf32, #tpu.memory_space<hbm>>
      tpu.wait_indirect_dma semaphore(%arg13 : memref<!tpu.dma_semaphore, #tpu.memory_space<semaphore_mem>>) src(%dma_wait3A_62 : memref<8192x1024xf32, #tpu.memory_space<hbm>>) dst(%arg7 : memref<16x1024xf32, #tpu.memory_space<vmem>>)
      %mul3A_63 = arith.constant 16 : i32
      %mul3A_64 = arith.muli %add3A_45, %mul3A_63 : i32
      %add3A_65 = arith.addi %mul3A_2, %mul3A_64 : i32
      %dma_wait3A_66 = arith.constant 0 : i32
      %dma_wait3A_67 = tpu.memref_slice %arg2[%add3A_65, %dma_wait3A_66] : memref<32768x1024xf32, #tpu.memory_space<hbm>> -> memref<16x1024xf32, #tpu.memory_space<hbm>>
      %dma_wait3A_68 = arith.constant 0 : i32
      %dma_wait3A_69 = tpu.memref_slice %arg2[%add3A_65, %dma_wait3A_68] : memref<32768x1024xf32, #tpu.memory_space<hbm>> -> memref<16x1024xf32, #tpu.memory_space<hbm>>
      tpu.wait_dma2 semaphore(%arg17 : memref<!tpu.dma_semaphore, #tpu.memory_space<semaphore_mem>>) src(%dma_wait3A_69 : memref<16x1024xf32, #tpu.memory_space<hbm>>) dst(%arg11 : memref<16x1024xf32, #tpu.memory_space<vmem>>)
      %scan3A_70 = arith.constant 0 : i32
      %scan3A_71 = arith.constant 16 : i32
      %scan3A_72 = arith.addi %scan3A_70, %scan3A_71 : i32
      %scan3A_73 = arith.constant 1 : i32
      scf.for %scan3A_211 = %scan3A_70 to %scan3A_72 step %scan3A_73  : i32 {
        %mul3A_212 = arith.constant 1 : i32
        %mul3A_213 = arith.muli %scan3A_211, %mul3A_212 : i32
        %add3A_214 = arith.constant 0 : i32
        %add3A_215 = arith.addi %add3A_214, %mul3A_213 : i32
        %get3A = arith.index_cast %add3A_215 : i32 to index
        %get3A_216 = arith.constant 0 : index
        %get3A_217 = tpu.vector_load %arg11[%get3A, %get3A_216] {strides = array<i32>} : memref<16x1024xf32, #tpu.memory_space<vmem>>, vector<1x16xf32>,
        %get3A_218 = vector.shape_cast %get3A_217 : vector<1x16xf32> to vector<16xf32>
        %get3A_219 = arith.index_cast %add3A_215 : i32 to index
        %get3A_220 = arith.constant 16 : index
        %get3A_221 = tpu.vector_load %arg11[%get3A_219, %get3A_220] {strides = array<i32>} : memref<16x1024xf32, #tpu.memory_space<vmem>>, vector<1x16xf32>,
        %get3A_222 = vector.shape_cast %get3A_221 : vector<1x16xf32> to vector<16xf32>
        %get3A_223 = arith.index_cast %add3A_215 : i32 to index
        %get3A_224 = arith.constant 32 : index
        %get3A_225 = tpu.vector_load %arg11[%get3A_223, %get3A_224] {strides = array<i32>} : memref<16x1024xf32, #tpu.memory_space<vmem>>, vector<1x16xf32>,
        %get3A_226 = vector.shape_cast %get3A_225 : vector<1x16xf32> to vector<16xf32>
        %get3A_227 = arith.index_cast %add3A_215 : i32 to index
        %get3A_228 = arith.constant 48 : index
        %get3A_229 = tpu.vector_load %arg11[%get3A_227, %get3A_228] {strides = array<i32>} : memref<16x1024xf32, #tpu.memory_space<vmem>>, vector<1x16xf32>,
        %get3A_230 = vector.shape_cast %get3A_229 : vector<1x16xf32> to vector<16xf32>
        %get3A_231 = arith.index_cast %add3A_215 : i32 to index
        %get3A_232 = arith.constant 64 : index
        %get3A_233 = tpu.vector_load %arg11[%get3A_231, %get3A_232] {strides = array<i32>} : memref<16x1024xf32, #tpu.memory_space<vmem>>, vector<1x16xf32>,
        %get3A_234 = vector.shape_cast %get3A_233 : vector<1x16xf32> to vector<16xf32>
        %get3A_235 = arith.index_cast %add3A_215 : i32 to index
        %get3A_236 = arith.constant 80 : index
        %get3A_237 = tpu.vector_load %arg11[%get3A_235, %get3A_236] {strides = array<i32>} : memref<16x1024xf32, #tpu.memory_space<vmem>>, vector<1x16xf32>,
        %get3A_238 = vector.shape_cast %get3A_237 : vector<1x16xf32> to vector<16xf32>
        %get3A_239 = arith.index_cast %add3A_215 : i32 to index
        %get3A_240 = arith.constant 96 : index
        %get3A_241 = tpu.vector_load %arg11[%get3A_239, %get3A_240] {strides = array<i32>} : memref<16x1024xf32, #tpu.memory_space<vmem>>, vector<1x16xf32>,
        %get3A_242 = vector.shape_cast %get3A_241 : vector<1x16xf32> to vector<16xf32>
        %get3A_243 = arith.index_cast %add3A_215 : i32 to index
        %get3A_244 = arith.constant 112 : index
        %get3A_245 = tpu.vector_load %arg11[%get3A_243, %get3A_244] {strides = array<i32>} : memref<16x1024xf32, #tpu.memory_space<vmem>>, vector<1x16xf32>,
        %get3A_246 = vector.shape_cast %get3A_245 : vector<1x16xf32> to vector<16xf32>
        %swap3A = arith.index_cast %add3A_215 : i32 to index
        %swap3A_247 = arith.constant 0 : index
        %swap3A_248 = tpu.vector_load %arg7[%swap3A, %swap3A_247] {strides = array<i32>} : memref<16x1024xf32, #tpu.memory_space<vmem>>, vector<1x16xf32>,
        %swap3A_249 = vector.shape_cast %swap3A_248 : vector<1x16xf32> to vector<16xf32>
        %swap3A_250 = vector.shape_cast %get3A_218 : vector<16xf32> to vector<1x16xf32>
        tpu.vector_store %arg7[%swap3A, %swap3A_247], %swap3A_250 {add = true, strides = array<i32>} : memref<16x1024xf32, #tpu.memory_space<vmem>>, vector<1x16xf32>,
        %swap3A_251 = arith.index_cast %add3A_215 : i32 to index
        %swap3A_252 = arith.constant 16 : index
        %swap3A_253 = tpu.vector_load %arg7[%swap3A_251, %swap3A_252] {strides = array<i32>} : memref<16x1024xf32, #tpu.memory_space<vmem>>, vector<1x16xf32>,
        %swap3A_254 = vector.shape_cast %swap3A_253 : vector<1x16xf32> to vector<16xf32>
        %swap3A_255 = vector.shape_cast %get3A_222 : vector<16xf32> to vector<1x16xf32>
        tpu.vector_store %arg7[%swap3A_251, %swap3A_252], %swap3A_255 {add = true, strides = array<i32>} : memref<16x1024xf32, #tpu.memory_space<vmem>>, vector<1x16xf32>,
        %swap3A_256 = arith.index_cast %add3A_215 : i32 to index
        %swap3A_257 = arith.constant 32 : index
        %swap3A_258 = tpu.vector_load %arg7[%swap3A_256, %swap3A_257] {strides = array<i32>} : memref<16x1024xf32, #tpu.memory_space<vmem>>, vector<1x16xf32>,
        %swap3A_259 = vector.shape_cast %swap3A_258 : vector<1x16xf32> to vector<16xf32>
        %swap3A_260 = vector.shape_cast %get3A_226 : vector<16xf32> to vector<1x16xf32>
        tpu.vector_store %arg7[%swap3A_256, %swap3A_257], %swap3A_260 {add = true, strides = array<i32>} : memref<16x1024xf32, #tpu.memory_space<vmem>>, vector<1x16xf32>,
        %swap3A_261 = arith.index_cast %add3A_215 : i32 to index
        %swap3A_262 = arith.constant 48 : index
        %swap3A_263 = tpu.vector_load %arg7[%swap3A_261, %swap3A_262] {strides = array<i32>} : memref<16x1024xf32, #tpu.memory_space<vmem>>, vector<1x16xf32>,
        %swap3A_264 = vector.shape_cast %swap3A_263 : vector<1x16xf32> to vector<16xf32>
        %swap3A_265 = vector.shape_cast %get3A_230 : vector<16xf32> to vector<1x16xf32>
        tpu.vector_store %arg7[%swap3A_261, %swap3A_262], %swap3A_265 {add = true, strides = array<i32>} : memref<16x1024xf32, #tpu.memory_space<vmem>>, vector<1x16xf32>,
        %swap3A_266 = arith.index_cast %add3A_215 : i32 to index
        %swap3A_267 = arith.constant 64 : index
        %swap3A_268 = tpu.vector_load %arg7[%swap3A_266, %swap3A_267] {strides = array<i32>} : memref<16x1024xf32, #tpu.memory_space<vmem>>, vector<1x16xf32>,
        %swap3A_269 = vector.shape_cast %swap3A_268 : vector<1x16xf32> to vector<16xf32>
        %swap3A_270 = vector.shape_cast %get3A_234 : vector<16xf32> to vector<1x16xf32>
        tpu.vector_store %arg7[%swap3A_266, %swap3A_267], %swap3A_270 {add = true, strides = array<i32>} : memref<16x1024xf32, #tpu.memory_space<vmem>>, vector<1x16xf32>,
        %swap3A_271 = arith.index_cast %add3A_215 : i32 to index
        %swap3A_272 = arith.constant 80 : index
        %swap3A_273 = tpu.vector_load %arg7[%swap3A_271, %swap3A_272] {strides = array<i32>} : memref<16x1024xf32, #tpu.memory_space<vmem>>, vector<1x16xf32>,
        %swap3A_274 = vector.shape_cast %swap3A_273 : vector<1x16xf32> to vector<16xf32>
        %swap3A_275 = vector.shape_cast %get3A_238 : vector<16xf32> to vector<1x16xf32>
        tpu.vector_store %arg7[%swap3A_271, %swap3A_272], %swap3A_275 {add = true, strides = array<i32>} : memref<16x1024xf32, #tpu.memory_space<vmem>>, vector<1x16xf32>,
        %swap3A_276 = arith.index_cast %add3A_215 : i32 to index
        %swap3A_277 = arith.constant 96 : index
        %swap3A_278 = tpu.vector_load %arg7[%swap3A_276, %swap3A_277] {strides = array<i32>} : memref<16x1024xf32, #tpu.memory_space<vmem>>, vector<1x16xf32>,
        %swap3A_279 = vector.shape_cast %swap3A_278 : vector<1x16xf32> to vector<16xf32>
        %swap3A_280 = vector.shape_cast %get3A_242 : vector<16xf32> to vector<1x16xf32>
        tpu.vector_store %arg7[%swap3A_276, %swap3A_277], %swap3A_280 {add = true, strides = array<i32>} : memref<16x1024xf32, #tpu.memory_space<vmem>>, vector<1x16xf32>,
        %swap3A_281 = arith.index_cast %add3A_215 : i32 to index
        %swap3A_282 = arith.constant 112 : index
        %swap3A_283 = tpu.vector_load %arg7[%swap3A_281, %swap3A_282] {strides = array<i32>} : memref<16x1024xf32, #tpu.memory_space<vmem>>, vector<1x16xf32>,
        %swap3A_284 = vector.shape_cast %swap3A_283 : vector<1x16xf32> to vector<16xf32>
        %swap3A_285 = vector.shape_cast %get3A_246 : vector<16xf32> to vector<1x16xf32>
        tpu.vector_store %arg7[%swap3A_281, %swap3A_282], %swap3A_285 {add = true, strides = array<i32>} : memref<16x1024xf32, #tpu.memory_space<vmem>>, vector<1x16xf32>,
        %get3A_286 = arith.index_cast %add3A_215 : i32 to index
        %get3A_287 = arith.constant 128 : index
        %get3A_288 = tpu.vector_load %arg11[%get3A_286, %get3A_287] {strides = array<i32>} : memref<16x1024xf32, #tpu.memory_space<vmem>>, vector<1x16xf32>,
        %get3A_289 = vector.shape_cast %get3A_288 : vector<1x16xf32> to vector<16xf32>
        %get3A_290 = arith.index_cast %add3A_215 : i32 to index
        %get3A_291 = arith.constant 144 : index
        %get3A_292 = tpu.vector_load %arg11[%get3A_290, %get3A_291] {strides = array<i32>} : memref<16x1024xf32, #tpu.memory_space<vmem>>, vector<1x16xf32>,
        %get3A_293 = vector.shape_cast %get3A_292 : vector<1x16xf32> to vector<16xf32>
        %get3A_294 = arith.index_cast %add3A_215 : i32 to index
        %get3A_295 = arith.constant 160 : index
        %get3A_296 = tpu.vector_load %arg11[%get3A_294, %get3A_295] {strides = array<i32>} : memref<16x1024xf32, #tpu.memory_space<vmem>>, vector<1x16xf32>,
        %get3A_297 = vector.shape_cast %get3A_296 : vector<1x16xf32> to vector<16xf32>
        %get3A_298 = arith.index_cast %add3A_215 : i32 to index
        %get3A_299 = arith.constant 176 : index
        %get3A_300 = tpu.vector_load %arg11[%get3A_298, %get3A_299] {strides = array<i32>} : memref<16x1024xf32, #tpu.memory_space<vmem>>, vector<1x16xf32>,
        %get3A_301 = vector.shape_cast %get3A_300 : vector<1x16xf32> to vector<16xf32>
        %get3A_302 = arith.index_cast %add3A_215 : i32 to index
        %get3A_303 = arith.constant 192 : index
        %get3A_304 = tpu.vector_load %arg11[%get3A_302, %get3A_303] {strides = array<i32>} : memref<16x1024xf32, #tpu.memory_space<vmem>>, vector<1x16xf32>,
        %get3A_305 = vector.shape_cast %get3A_304 : vector<1x16xf32> to vector<16xf32>
        %get3A_306 = arith.index_cast %add3A_215 : i32 to index
        %get3A_307 = arith.constant 208 : index
        %get3A_308 = tpu.vector_load %arg11[%get3A_306, %get3A_307] {strides = array<i32>} : memref<16x1024xf32, #tpu.memory_space<vmem>>, vector<1x16xf32>,
        %get3A_309 = vector.shape_cast %get3A_308 : vector<1x16xf32> to vector<16xf32>
        %get3A_310 = arith.index_cast %add3A_215 : i32 to index
        %get3A_311 = arith.constant 224 : index
        %get3A_312 = tpu.vector_load %arg11[%get3A_310, %get3A_311] {strides = array<i32>} : memref<16x1024xf32, #tpu.memory_space<vmem>>, vector<1x16xf32>,
        %get3A_313 = vector.shape_cast %get3A_312 : vector<1x16xf32> to vector<16xf32>
        %get3A_314 = arith.index_cast %add3A_215 : i32 to index
        %get3A_315 = arith.constant 240 : index
        %get3A_316 = tpu.vector_load %arg11[%get3A_314, %get3A_315] {strides = array<i32>} : memref<16x1024xf32, #tpu.memory_space<vmem>>, vector<1x16xf32>,
        %get3A_317 = vector.shape_cast %get3A_316 : vector<1x16xf32> to vector<16xf32>
        %swap3A_318 = arith.index_cast %add3A_215 : i32 to index
        %swap3A_319 = arith.constant 128 : index
        %swap3A_320 = tpu.vector_load %arg7[%swap3A_318, %swap3A_319] {strides = array<i32>} : memref<16x1024xf32, #tpu.memory_space<vmem>>, vector<1x16xf32>,
        %swap3A_321 = vector.shape_cast %swap3A_320 : vector<1x16xf32> to vector<16xf32>
        %swap3A_322 = vector.shape_cast %get3A_289 : vector<16xf32> to vector<1x16xf32>
        tpu.vector_store %arg7[%swap3A_318, %swap3A_319], %swap3A_322 {add = true, strides = array<i32>} : memref<16x1024xf32, #tpu.memory_space<vmem>>, vector<1x16xf32>,
        %swap3A_323 = arith.index_cast %add3A_215 : i32 to index
        %swap3A_324 = arith.constant 144 : index
        %swap3A_325 = tpu.vector_load %arg7[%swap3A_323, %swap3A_324] {strides = array<i32>} : memref<16x1024xf32, #tpu.memory_space<vmem>>, vector<1x16xf32>,
        %swap3A_326 = vector.shape_cast %swap3A_325 : vector<1x16xf32> to vector<16xf32>
        %swap3A_327 = vector.shape_cast %get3A_293 : vector<16xf32> to vector<1x16xf32>
        tpu.vector_store %arg7[%swap3A_323, %swap3A_324], %swap3A_327 {add = true, strides = array<i32>} : memref<16x1024xf32, #tpu.memory_space<vmem>>, vector<1x16xf32>,
        %swap3A_328 = arith.index_cast %add3A_215 : i32 to index
        %swap3A_329 = arith.constant 160 : index
        %swap3A_330 = tpu.vector_load %arg7[%swap3A_328, %swap3A_329] {strides = array<i32>} : memref<16x1024xf32, #tpu.memory_space<vmem>>, vector<1x16xf32>,
        %swap3A_331 = vector.shape_cast %swap3A_330 : vector<1x16xf32> to vector<16xf32>
        %swap3A_332 = vector.shape_cast %get3A_297 : vector<16xf32> to vector<1x16xf32>
        tpu.vector_store %arg7[%swap3A_328, %swap3A_329], %swap3A_332 {add = true, strides = array<i32>} : memref<16x1024xf32, #tpu.memory_space<vmem>>, vector<1x16xf32>,
        %swap3A_333 = arith.index_cast %add3A_215 : i32 to index
        %swap3A_334 = arith.constant 176 : index
        %swap3A_335 = tpu.vector_load %arg7[%swap3A_333, %swap3A_334] {strides = array<i32>} : memref<16x1024xf32, #tpu.memory_space<vmem>>, vector<1x16xf32>,
        %swap3A_336 = vector.shape_cast %swap3A_335 : vector<1x16xf32> to vector<16xf32>
        %swap3A_337 = vector.shape_cast %get3A_301 : vector<16xf32> to vector<1x16xf32>
        tpu.vector_store %arg7[%swap3A_333, %swap3A_334], %swap3A_337 {add = true, strides = array<i32>} : memref<16x1024xf32, #tpu.memory_space<vmem>>, vector<1x16xf32>,
        %swap3A_338 = arith.index_cast %add3A_215 : i32 to index
        %swap3A_339 = arith.constant 192 : index
        %swap3A_340 = tpu.vector_load %arg7[%swap3A_338, %swap3A_339] {strides = array<i32>} : memref<16x1024xf32, #tpu.memory_space<vmem>>, vector<1x16xf32>,
        %swap3A_341 = vector.shape_cast %swap3A_340 : vector<1x16xf32> to vector<16xf32>
        %swap3A_342 = vector.shape_cast %get3A_305 : vector<16xf32> to vector<1x16xf32>
        tpu.vector_store %arg7[%swap3A_338, %swap3A_339], %swap3A_342 {add = true, strides = array<i32>} : memref<16x1024xf32, #tpu.memory_space<vmem>>, vector<1x16xf32>,
        %swap3A_343 = arith.index_cast %add3A_215 : i32 to index
        %swap3A_344 = arith.constant 208 : index
        %swap3A_345 = tpu.vector_load %arg7[%swap3A_343, %swap3A_344] {strides = array<i32>} : memref<16x1024xf32, #tpu.memory_space<vmem>>, vector<1x16xf32>,
        %swap3A_346 = vector.shape_cast %swap3A_345 : vector<1x16xf32> to vector<16xf32>
        %swap3A_347 = vector.shape_cast %get3A_309 : vector<16xf32> to vector<1x16xf32>
        tpu.vector_store %arg7[%swap3A_343, %swap3A_344], %swap3A_347 {add = true, strides = array<i32>} : memref<16x1024xf32, #tpu.memory_space<vmem>>, vector<1x16xf32>,
        %swap3A_348 = arith.index_cast %add3A_215 : i32 to index
        %swap3A_349 = arith.constant 224 : index
        %swap3A_350 = tpu.vector_load %arg7[%swap3A_348, %swap3A_349] {strides = array<i32>} : memref<16x1024xf32, #tpu.memory_space<vmem>>, vector<1x16xf32>,
        %swap3A_351 = vector.shape_cast %swap3A_350 : vector<1x16xf32> to vector<16xf32>
        %swap3A_352 = vector.shape_cast %get3A_313 : vector<16xf32> to vector<1x16xf32>
        tpu.vector_store %arg7[%swap3A_348, %swap3A_349], %swap3A_352 {add = true, strides = array<i32>} : memref<16x1024xf32, #tpu.memory_space<vmem>>, vector<1x16xf32>,
        %swap3A_353 = arith.index_cast %add3A_215 : i32 to index
        %swap3A_354 = arith.constant 240 : index
        %swap3A_355 = tpu.vector_load %arg7[%swap3A_353, %swap3A_354] {strides = array<i32>} : memref<16x1024xf32, #tpu.memory_space<vmem>>, vector<1x16xf32>,
        %swap3A_356 = vector.shape_cast %swap3A_355 : vector<1x16xf32> to vector<16xf32>
        %swap3A_357 = vector.shape_cast %get3A_317 : vector<16xf32> to vector<1x16xf32>
        tpu.vector_store %arg7[%swap3A_353, %swap3A_354], %swap3A_357 {add = true, strides = array<i32>} : memref<16x1024xf32, #tpu.memory_space<vmem>>, vector<1x16xf32>,
        %get3A_358 = arith.index_cast %add3A_215 : i32 to index
        %get3A_359 = arith.constant 256 : index
        %get3A_360 = tpu.vector_load %arg11[%get3A_358, %get3A_359] {strides = array<i32>} : memref<16x1024xf32, #tpu.memory_space<vmem>>, vector<1x16xf32>,
        %get3A_361 = vector.shape_cast %get3A_360 : vector<1x16xf32> to vector<16xf32>
        %get3A_362 = arith.index_cast %add3A_215 : i32 to index
        %get3A_363 = arith.constant 272 : index
        %get3A_364 = tpu.vector_load %arg11[%get3A_362, %get3A_363] {strides = array<i32>} : memref<16x1024xf32, #tpu.memory_space<vmem>>, vector<1x16xf32>,
        %get3A_365 = vector.shape_cast %get3A_364 : vector<1x16xf32> to vector<16xf32>
        %get3A_366 = arith.index_cast %add3A_215 : i32 to index
        %get3A_367 = arith.constant 288 : index
        %get3A_368 = tpu.vector_load %arg11[%get3A_366, %get3A_367] {strides = array<i32>} : memref<16x1024xf32, #tpu.memory_space<vmem>>, vector<1x16xf32>,
        %get3A_369 = vector.shape_cast %get3A_368 : vector<1x16xf32> to vector<16xf32>
        %get3A_370 = arith.index_cast %add3A_215 : i32 to index
        %get3A_371 = arith.constant 304 : index
        %get3A_372 = tpu.vector_load %arg11[%get3A_370, %get3A_371] {strides = array<i32>} : memref<16x1024xf32, #tpu.memory_space<vmem>>, vector<1x16xf32>,
        %get3A_373 = vector.shape_cast %get3A_372 : vector<1x16xf32> to vector<16xf32>
        %get3A_374 = arith.index_cast %add3A_215 : i32 to index
        %get3A_375 = arith.constant 320 : index
        %get3A_376 = tpu.vector_load %arg11[%get3A_374, %get3A_375] {strides = array<i32>} : memref<16x1024xf32, #tpu.memory_space<vmem>>, vector<1x16xf32>,
        %get3A_377 = vector.shape_cast %get3A_376 : vector<1x16xf32> to vector<16xf32>
        %get3A_378 = arith.index_cast %add3A_215 : i32 to index
        %get3A_379 = arith.constant 336 : index
        %get3A_380 = tpu.vector_load %arg11[%get3A_378, %get3A_379] {strides = array<i32>} : memref<16x1024xf32, #tpu.memory_space<vmem>>, vector<1x16xf32>,
        %get3A_381 = vector.shape_cast %get3A_380 : vector<1x16xf32> to vector<16xf32>
        %get3A_382 = arith.index_cast %add3A_215 : i32 to index
        %get3A_383 = arith.constant 352 : index
        %get3A_384 = tpu.vector_load %arg11[%get3A_382, %get3A_383] {strides = array<i32>} : memref<16x1024xf32, #tpu.memory_space<vmem>>, vector<1x16xf32>,
        %get3A_385 = vector.shape_cast %get3A_384 : vector<1x16xf32> to vector<16xf32>
        %get3A_386 = arith.index_cast %add3A_215 : i32 to index
        %get3A_387 = arith.constant 368 : index
        %get3A_388 = tpu.vector_load %arg11[%get3A_386, %get3A_387] {strides = array<i32>} : memref<16x1024xf32, #tpu.memory_space<vmem>>, vector<1x16xf32>,
        %get3A_389 = vector.shape_cast %get3A_388 : vector<1x16xf32> to vector<16xf32>
        %swap3A_390 = arith.index_cast %add3A_215 : i32 to index
        %swap3A_391 = arith.constant 256 : index
        %swap3A_392 = tpu.vector_load %arg7[%swap3A_390, %swap3A_391] {strides = array<i32>} : memref<16x1024xf32, #tpu.memory_space<vmem>>, vector<1x16xf32>,
        %swap3A_393 = vector.shape_cast %swap3A_392 : vector<1x16xf32> to vector<16xf32>
        %swap3A_394 = vector.shape_cast %get3A_361 : vector<16xf32> to vector<1x16xf32>
        tpu.vector_store %arg7[%swap3A_390, %swap3A_391], %swap3A_394 {add = true, strides = array<i32>} : memref<16x1024xf32, #tpu.memory_space<vmem>>, vector<1x16xf32>,
        %swap3A_395 = arith.index_cast %add3A_215 : i32 to index
        %swap3A_396 = arith.constant 272 : index
        %swap3A_397 = tpu.vector_load %arg7[%swap3A_395, %swap3A_396] {strides = array<i32>} : memref<16x1024xf32, #tpu.memory_space<vmem>>, vector<1x16xf32>,
        %swap3A_398 = vector.shape_cast %swap3A_397 : vector<1x16xf32> to vector<16xf32>
        %swap3A_399 = vector.shape_cast %get3A_365 : vector<16xf32> to vector<1x16xf32>
        tpu.vector_store %arg7[%swap3A_395, %swap3A_396], %swap3A_399 {add = true, strides = array<i32>} : memref<16x1024xf32, #tpu.memory_space<vmem>>, vector<1x16xf32>,
        %swap3A_400 = arith.index_cast %add3A_215 : i32 to index
        %swap3A_401 = arith.constant 288 : index
        %swap3A_402 = tpu.vector_load %arg7[%swap3A_400, %swap3A_401] {strides = array<i32>} : memref<16x1024xf32, #tpu.memory_space<vmem>>, vector<1x16xf32>,
        %swap3A_403 = vector.shape_cast %swap3A_402 : vector<1x16xf32> to vector<16xf32>
        %swap3A_404 = vector.shape_cast %get3A_369 : vector<16xf32> to vector<1x16xf32>
        tpu.vector_store %arg7[%swap3A_400, %swap3A_401], %swap3A_404 {add = true, strides = array<i32>} : memref<16x1024xf32, #tpu.memory_space<vmem>>, vector<1x16xf32>,
        %swap3A_405 = arith.index_cast %add3A_215 : i32 to index
        %swap3A_406 = arith.constant 304 : index
        %swap3A_407 = tpu.vector_load %arg7[%swap3A_405, %swap3A_406] {strides = array<i32>} : memref<16x1024xf32, #tpu.memory_space<vmem>>, vector<1x16xf32>,
        %swap3A_408 = vector.shape_cast %swap3A_407 : vector<1x16xf32> to vector<16xf32>
        %swap3A_409 = vector.shape_cast %get3A_373 : vector<16xf32> to vector<1x16xf32>
        tpu.vector_store %arg7[%swap3A_405, %swap3A_406], %swap3A_409 {add = true, strides = array<i32>} : memref<16x1024xf32, #tpu.memory_space<vmem>>, vector<1x16xf32>,
        %swap3A_410 = arith.index_cast %add3A_215 : i32 to index
        %swap3A_411 = arith.constant 320 : index
        %swap3A_412 = tpu.vector_load %arg7[%swap3A_410, %swap3A_411] {strides = array<i32>} : memref<16x1024xf32, #tpu.memory_space<vmem>>, vector<1x16xf32>,
        %swap3A_413 = vector.shape_cast %swap3A_412 : vector<1x16xf32> to vector<16xf32>
        %swap3A_414 = vector.shape_cast %get3A_377 : vector<16xf32> to vector<1x16xf32>
        tpu.vector_store %arg7[%swap3A_410, %swap3A_411], %swap3A_414 {add = true, strides = array<i32>} : memref<16x1024xf32, #tpu.memory_space<vmem>>, vector<1x16xf32>,
        %swap3A_415 = arith.index_cast %add3A_215 : i32 to index
        %swap3A_416 = arith.constant 336 : index
        %swap3A_417 = tpu.vector_load %arg7[%swap3A_415, %swap3A_416] {strides = array<i32>} : memref<16x1024xf32, #tpu.memory_space<vmem>>, vector<1x16xf32>,
        %swap3A_418 = vector.shape_cast %swap3A_417 : vector<1x16xf32> to vector<16xf32>
        %swap3A_419 = vector.shape_cast %get3A_381 : vector<16xf32> to vector<1x16xf32>
        tpu.vector_store %arg7[%swap3A_415, %swap3A_416], %swap3A_419 {add = true, strides = array<i32>} : memref<16x1024xf32, #tpu.memory_space<vmem>>, vector<1x16xf32>,
        %swap3A_420 = arith.index_cast %add3A_215 : i32 to index
        %swap3A_421 = arith.constant 352 : index
        %swap3A_422 = tpu.vector_load %arg7[%swap3A_420, %swap3A_421] {strides = array<i32>} : memref<16x1024xf32, #tpu.memory_space<vmem>>, vector<1x16xf32>,
        %swap3A_423 = vector.shape_cast %swap3A_422 : vector<1x16xf32> to vector<16xf32>
        %swap3A_424 = vector.shape_cast %get3A_385 : vector<16xf32> to vector<1x16xf32>
        tpu.vector_store %arg7[%swap3A_420, %swap3A_421], %swap3A_424 {add = true, strides = array<i32>} : memref<16x1024xf32, #tpu.memory_space<vmem>>, vector<1x16xf32>,
        %swap3A_425 = arith.index_cast %add3A_215 : i32 to index
        %swap3A_426 = arith.constant 368 : index
        %swap3A_427 = tpu.vector_load %arg7[%swap3A_425, %swap3A_426] {strides = array<i32>} : memref<16x1024xf32, #tpu.memory_space<vmem>>, vector<1x16xf32>,
        %swap3A_428 = vector.shape_cast %swap3A_427 : vector<1x16xf32> to vector<16xf32>
        %swap3A_429 = vector.shape_cast %get3A_389 : vector<16xf32> to vector<1x16xf32>
        tpu.vector_store %arg7[%swap3A_425, %swap3A_426], %swap3A_429 {add = true, strides = array<i32>} : memref<16x1024xf32, #tpu.memory_space<vmem>>, vector<1x16xf32>,
        %get3A_430 = arith.index_cast %add3A_215 : i32 to index
        %get3A_431 = arith.constant 384 : index
        %get3A_432 = tpu.vector_load %arg11[%get3A_430, %get3A_431] {strides = array<i32>} : memref<16x1024xf32, #tpu.memory_space<vmem>>, vector<1x16xf32>,
        %get3A_433 = vector.shape_cast %get3A_432 : vector<1x16xf32> to vector<16xf32>
        %get3A_434 = arith.index_cast %add3A_215 : i32 to index
        %get3A_435 = arith.constant 400 : index
        %get3A_436 = tpu.vector_load %arg11[%get3A_434, %get3A_435] {strides = array<i32>} : memref<16x1024xf32, #tpu.memory_space<vmem>>, vector<1x16xf32>,
        %get3A_437 = vector.shape_cast %get3A_436 : vector<1x16xf32> to vector<16xf32>
        %get3A_438 = arith.index_cast %add3A_215 : i32 to index
        %get3A_439 = arith.constant 416 : index
        %get3A_440 = tpu.vector_load %arg11[%get3A_438, %get3A_439] {strides = array<i32>} : memref<16x1024xf32, #tpu.memory_space<vmem>>, vector<1x16xf32>,
        %get3A_441 = vector.shape_cast %get3A_440 : vector<1x16xf32> to vector<16xf32>
        %get3A_442 = arith.index_cast %add3A_215 : i32 to index
        %get3A_443 = arith.constant 432 : index
        %get3A_444 = tpu.vector_load %arg11[%get3A_442, %get3A_443] {strides = array<i32>} : memref<16x1024xf32, #tpu.memory_space<vmem>>, vector<1x16xf32>,
        %get3A_445 = vector.shape_cast %get3A_444 : vector<1x16xf32> to vector<16xf32>
        %get3A_446 = arith.index_cast %add3A_215 : i32 to index
        %get3A_447 = arith.constant 448 : index
        %get3A_448 = tpu.vector_load %arg11[%get3A_446, %get3A_447] {strides = array<i32>} : memref<16x1024xf32, #tpu.memory_space<vmem>>, vector<1x16xf32>,
        %get3A_449 = vector.shape_cast %get3A_448 : vector<1x16xf32> to vector<16xf32>
        %get3A_450 = arith.index_cast %add3A_215 : i32 to index
        %get3A_451 = arith.constant 464 : index
        %get3A_452 = tpu.vector_load %arg11[%get3A_450, %get3A_451] {strides = array<i32>} : memref<16x1024xf32, #tpu.memory_space<vmem>>, vector<1x16xf32>,
        %get3A_453 = vector.shape_cast %get3A_452 : vector<1x16xf32> to vector<16xf32>
        %get3A_454 = arith.index_cast %add3A_215 : i32 to index
        %get3A_455 = arith.constant 480 : index
        %get3A_456 = tpu.vector_load %arg11[%get3A_454, %get3A_455] {strides = array<i32>} : memref<16x1024xf32, #tpu.memory_space<vmem>>, vector<1x16xf32>,
        %get3A_457 = vector.shape_cast %get3A_456 : vector<1x16xf32> to vector<16xf32>
        %get3A_458 = arith.index_cast %add3A_215 : i32 to index
        %get3A_459 = arith.constant 496 : index
        %get3A_460 = tpu.vector_load %arg11[%get3A_458, %get3A_459] {strides = array<i32>} : memref<16x1024xf32, #tpu.memory_space<vmem>>, vector<1x16xf32>,
        %get3A_461 = vector.shape_cast %get3A_460 : vector<1x16xf32> to vector<16xf32>
        %swap3A_462 = arith.index_cast %add3A_215 : i32 to index
        %swap3A_463 = arith.constant 384 : index
        %swap3A_464 = tpu.vector_load %arg7[%swap3A_462, %swap3A_463] {strides = array<i32>} : memref<16x1024xf32, #tpu.memory_space<vmem>>, vector<1x16xf32>,
        %swap3A_465 = vector.shape_cast %swap3A_464 : vector<1x16xf32> to vector<16xf32>
        %swap3A_466 = vector.shape_cast %get3A_433 : vector<16xf32> to vector<1x16xf32>
        tpu.vector_store %arg7[%swap3A_462, %swap3A_463], %swap3A_466 {add = true, strides = array<i32>} : memref<16x1024xf32, #tpu.memory_space<vmem>>, vector<1x16xf32>,
        %swap3A_467 = arith.index_cast %add3A_215 : i32 to index
        %swap3A_468 = arith.constant 400 : index
        %swap3A_469 = tpu.vector_load %arg7[%swap3A_467, %swap3A_468] {strides = array<i32>} : memref<16x1024xf32, #tpu.memory_space<vmem>>, vector<1x16xf32>,
        %swap3A_470 = vector.shape_cast %swap3A_469 : vector<1x16xf32> to vector<16xf32>
        %swap3A_471 = vector.shape_cast %get3A_437 : vector<16xf32> to vector<1x16xf32>
        tpu.vector_store %arg7[%swap3A_467, %swap3A_468], %swap3A_471 {add = true, strides = array<i32>} : memref<16x1024xf32, #tpu.memory_space<vmem>>, vector<1x16xf32>,
        %swap3A_472 = arith.index_cast %add3A_215 : i32 to index
        %swap3A_473 = arith.constant 416 : index
        %swap3A_474 = tpu.vector_load %arg7[%swap3A_472, %swap3A_473] {strides = array<i32>} : memref<16x1024xf32, #tpu.memory_space<vmem>>, vector<1x16xf32>,
        %swap3A_475 = vector.shape_cast %swap3A_474 : vector<1x16xf32> to vector<16xf32>
        %swap3A_476 = vector.shape_cast %get3A_441 : vector<16xf32> to vector<1x16xf32>
        tpu.vector_store %arg7[%swap3A_472, %swap3A_473], %swap3A_476 {add = true, strides = array<i32>} : memref<16x1024xf32, #tpu.memory_space<vmem>>, vector<1x16xf32>,
        %swap3A_477 = arith.index_cast %add3A_215 : i32 to index
        %swap3A_478 = arith.constant 432 : index
        %swap3A_479 = tpu.vector_load %arg7[%swap3A_477, %swap3A_478] {strides = array<i32>} : memref<16x1024xf32, #tpu.memory_space<vmem>>, vector<1x16xf32>,
        %swap3A_480 = vector.shape_cast %swap3A_479 : vector<1x16xf32> to vector<16xf32>
        %swap3A_481 = vector.shape_cast %get3A_445 : vector<16xf32> to vector<1x16xf32>
        tpu.vector_store %arg7[%swap3A_477, %swap3A_478], %swap3A_481 {add = true, strides = array<i32>} : memref<16x1024xf32, #tpu.memory_space<vmem>>, vector<1x16xf32>,
        %swap3A_482 = arith.index_cast %add3A_215 : i32 to index
        %swap3A_483 = arith.constant 448 : index
        %swap3A_484 = tpu.vector_load %arg7[%swap3A_482, %swap3A_483] {strides = array<i32>} : memref<16x1024xf32, #tpu.memory_space<vmem>>, vector<1x16xf32>,
        %swap3A_485 = vector.shape_cast %swap3A_484 : vector<1x16xf32> to vector<16xf32>
        %swap3A_486 = vector.shape_cast %get3A_449 : vector<16xf32> to vector<1x16xf32>
        tpu.vector_store %arg7[%swap3A_482, %swap3A_483], %swap3A_486 {add = true, strides = array<i32>} : memref<16x1024xf32, #tpu.memory_space<vmem>>, vector<1x16xf32>,
        %swap3A_487 = arith.index_cast %add3A_215 : i32 to index
        %swap3A_488 = arith.constant 464 : index
        %swap3A_489 = tpu.vector_load %arg7[%swap3A_487, %swap3A_488] {strides = array<i32>} : memref<16x1024xf32, #tpu.memory_space<vmem>>, vector<1x16xf32>,
        %swap3A_490 = vector.shape_cast %swap3A_489 : vector<1x16xf32> to vector<16xf32>
        %swap3A_491 = vector.shape_cast %get3A_453 : vector<16xf32> to vector<1x16xf32>
        tpu.vector_store %arg7[%swap3A_487, %swap3A_488], %swap3A_491 {add = true, strides = array<i32>} : memref<16x1024xf32, #tpu.memory_space<vmem>>, vector<1x16xf32>,
        %swap3A_492 = arith.index_cast %add3A_215 : i32 to index
        %swap3A_493 = arith.constant 480 : index
        %swap3A_494 = tpu.vector_load %arg7[%swap3A_492, %swap3A_493] {strides = array<i32>} : memref<16x1024xf32, #tpu.memory_space<vmem>>, vector<1x16xf32>,
        %swap3A_495 = vector.shape_cast %swap3A_494 : vector<1x16xf32> to vector<16xf32>
        %swap3A_496 = vector.shape_cast %get3A_457 : vector<16xf32> to vector<1x16xf32>
        tpu.vector_store %arg7[%swap3A_492, %swap3A_493], %swap3A_496 {add = true, strides = array<i32>} : memref<16x1024xf32, #tpu.memory_space<vmem>>, vector<1x16xf32>,
        %swap3A_497 = arith.index_cast %add3A_215 : i32 to index
        %swap3A_498 = arith.constant 496 : index
        %swap3A_499 = tpu.vector_load %arg7[%swap3A_497, %swap3A_498] {strides = array<i32>} : memref<16x1024xf32, #tpu.memory_space<vmem>>, vector<1x16xf32>,
        %swap3A_500 = vector.shape_cast %swap3A_499 : vector<1x16xf32> to vector<16xf32>
        %swap3A_501 = vector.shape_cast %get3A_461 : vector<16xf32> to vector<1x16xf32>
        tpu.vector_store %arg7[%swap3A_497, %swap3A_498], %swap3A_501 {add = true, strides = array<i32>} : memref<16x1024xf32, #tpu.memory_space<vmem>>, vector<1x16xf32>,
        %get3A_502 = arith.index_cast %add3A_215 : i32 to index
        %get3A_503 = arith.constant 512 : index
        %get3A_504 = tpu.vector_load %arg11[%get3A_502, %get3A_503] {strides = array<i32>} : memref<16x1024xf32, #tpu.memory_space<vmem>>, vector<1x16xf32>,
        %get3A_505 = vector.shape_cast %get3A_504 : vector<1x16xf32> to vector<16xf32>
        %get3A_506 = arith.index_cast %add3A_215 : i32 to index
        %get3A_507 = arith.constant 528 : index
        %get3A_508 = tpu.vector_load %arg11[%get3A_506, %get3A_507] {strides = array<i32>} : memref<16x1024xf32, #tpu.memory_space<vmem>>, vector<1x16xf32>,
        %get3A_509 = vector.shape_cast %get3A_508 : vector<1x16xf32> to vector<16xf32>
        %get3A_510 = arith.index_cast %add3A_215 : i32 to index
        %get3A_511 = arith.constant 544 : index
        %get3A_512 = tpu.vector_load %arg11[%get3A_510, %get3A_511] {strides = array<i32>} : memref<16x1024xf32, #tpu.memory_space<vmem>>, vector<1x16xf32>,
        %get3A_513 = vector.shape_cast %get3A_512 : vector<1x16xf32> to vector<16xf32>
        %get3A_514 = arith.index_cast %add3A_215 : i32 to index
        %get3A_515 = arith.constant 560 : index
        %get3A_516 = tpu.vector_load %arg11[%get3A_514, %get3A_515] {strides = array<i32>} : memref<16x1024xf32, #tpu.memory_space<vmem>>, vector<1x16xf32>,
        %get3A_517 = vector.shape_cast %get3A_516 : vector<1x16xf32> to vector<16xf32>
        %get3A_518 = arith.index_cast %add3A_215 : i32 to index
        %get3A_519 = arith.constant 576 : index
        %get3A_520 = tpu.vector_load %arg11[%get3A_518, %get3A_519] {strides = array<i32>} : memref<16x1024xf32, #tpu.memory_space<vmem>>, vector<1x16xf32>,
        %get3A_521 = vector.shape_cast %get3A_520 : vector<1x16xf32> to vector<16xf32>
        %get3A_522 = arith.index_cast %add3A_215 : i32 to index
        %get3A_523 = arith.constant 592 : index
        %get3A_524 = tpu.vector_load %arg11[%get3A_522, %get3A_523] {strides = array<i32>} : memref<16x1024xf32, #tpu.memory_space<vmem>>, vector<1x16xf32>,
        %get3A_525 = vector.shape_cast %get3A_524 : vector<1x16xf32> to vector<16xf32>
        %get3A_526 = arith.index_cast %add3A_215 : i32 to index
        %get3A_527 = arith.constant 608 : index
        %get3A_528 = tpu.vector_load %arg11[%get3A_526, %get3A_527] {strides = array<i32>} : memref<16x1024xf32, #tpu.memory_space<vmem>>, vector<1x16xf32>,
        %get3A_529 = vector.shape_cast %get3A_528 : vector<1x16xf32> to vector<16xf32>
        %get3A_530 = arith.index_cast %add3A_215 : i32 to index
        %get3A_531 = arith.constant 624 : index
        %get3A_532 = tpu.vector_load %arg11[%get3A_530, %get3A_531] {strides = array<i32>} : memref<16x1024xf32, #tpu.memory_space<vmem>>, vector<1x16xf32>,
        %get3A_533 = vector.shape_cast %get3A_532 : vector<1x16xf32> to vector<16xf32>
        %swap3A_534 = arith.index_cast %add3A_215 : i32 to index
        %swap3A_535 = arith.constant 512 : index
        %swap3A_536 = tpu.vector_load %arg7[%swap3A_534, %swap3A_535] {strides = array<i32>} : memref<16x1024xf32, #tpu.memory_space<vmem>>, vector<1x16xf32>,
        %swap3A_537 = vector.shape_cast %swap3A_536 : vector<1x16xf32> to vector<16xf32>
        %swap3A_538 = vector.shape_cast %get3A_505 : vector<16xf32> to vector<1x16xf32>
        tpu.vector_store %arg7[%swap3A_534, %swap3A_535], %swap3A_538 {add = true, strides = array<i32>} : memref<16x1024xf32, #tpu.memory_space<vmem>>, vector<1x16xf32>,
        %swap3A_539 = arith.index_cast %add3A_215 : i32 to index
        %swap3A_540 = arith.constant 528 : index
        %swap3A_541 = tpu.vector_load %arg7[%swap3A_539, %swap3A_540] {strides = array<i32>} : memref<16x1024xf32, #tpu.memory_space<vmem>>, vector<1x16xf32>,
        %swap3A_542 = vector.shape_cast %swap3A_541 : vector<1x16xf32> to vector<16xf32>
        %swap3A_543 = vector.shape_cast %get3A_509 : vector<16xf32> to vector<1x16xf32>
        tpu.vector_store %arg7[%swap3A_539, %swap3A_540], %swap3A_543 {add = true, strides = array<i32>} : memref<16x1024xf32, #tpu.memory_space<vmem>>, vector<1x16xf32>,
        %swap3A_544 = arith.index_cast %add3A_215 : i32 to index
        %swap3A_545 = arith.constant 544 : index
        %swap3A_546 = tpu.vector_load %arg7[%swap3A_544, %swap3A_545] {strides = array<i32>} : memref<16x1024xf32, #tpu.memory_space<vmem>>, vector<1x16xf32>,
        %swap3A_547 = vector.shape_cast %swap3A_546 : vector<1x16xf32> to vector<16xf32>
        %swap3A_548 = vector.shape_cast %get3A_513 : vector<16xf32> to vector<1x16xf32>
        tpu.vector_store %arg7[%swap3A_544, %swap3A_545], %swap3A_548 {add = true, strides = array<i32>} : memref<16x1024xf32, #tpu.memory_space<vmem>>, vector<1x16xf32>,
        %swap3A_549 = arith.index_cast %add3A_215 : i32 to index
        %swap3A_550 = arith.constant 560 : index
        %swap3A_551 = tpu.vector_load %arg7[%swap3A_549, %swap3A_550] {strides = array<i32>} : memref<16x1024xf32, #tpu.memory_space<vmem>>, vector<1x16xf32>,
        %swap3A_552 = vector.shape_cast %swap3A_551 : vector<1x16xf32> to vector<16xf32>
        %swap3A_553 = vector.shape_cast %get3A_517 : vector<16xf32> to vector<1x16xf32>
        tpu.vector_store %arg7[%swap3A_549, %swap3A_550], %swap3A_553 {add = true, strides = array<i32>} : memref<16x1024xf32, #tpu.memory_space<vmem>>, vector<1x16xf32>,
        %swap3A_554 = arith.index_cast %add3A_215 : i32 to index
        %swap3A_555 = arith.constant 576 : index
        %swap3A_556 = tpu.vector_load %arg7[%swap3A_554, %swap3A_555] {strides = array<i32>} : memref<16x1024xf32, #tpu.memory_space<vmem>>, vector<1x16xf32>,
        %swap3A_557 = vector.shape_cast %swap3A_556 : vector<1x16xf32> to vector<16xf32>
        %swap3A_558 = vector.shape_cast %get3A_521 : vector<16xf32> to vector<1x16xf32>
        tpu.vector_store %arg7[%swap3A_554, %swap3A_555], %swap3A_558 {add = true, strides = array<i32>} : memref<16x1024xf32, #tpu.memory_space<vmem>>, vector<1x16xf32>,
        %swap3A_559 = arith.index_cast %add3A_215 : i32 to index
        %swap3A_560 = arith.constant 592 : index
        %swap3A_561 = tpu.vector_load %arg7[%swap3A_559, %swap3A_560] {strides = array<i32>} : memref<16x1024xf32, #tpu.memory_space<vmem>>, vector<1x16xf32>,
        %swap3A_562 = vector.shape_cast %swap3A_561 : vector<1x16xf32> to vector<16xf32>
        %swap3A_563 = vector.shape_cast %get3A_525 : vector<16xf32> to vector<1x16xf32>
        tpu.vector_store %arg7[%swap3A_559, %swap3A_560], %swap3A_563 {add = true, strides = array<i32>} : memref<16x1024xf32, #tpu.memory_space<vmem>>, vector<1x16xf32>,
        %swap3A_564 = arith.index_cast %add3A_215 : i32 to index
        %swap3A_565 = arith.constant 608 : index
        %swap3A_566 = tpu.vector_load %arg7[%swap3A_564, %swap3A_565] {strides = array<i32>} : memref<16x1024xf32, #tpu.memory_space<vmem>>, vector<1x16xf32>,
        %swap3A_567 = vector.shape_cast %swap3A_566 : vector<1x16xf32> to vector<16xf32>
        %swap3A_568 = vector.shape_cast %get3A_529 : vector<16xf32> to vector<1x16xf32>
        tpu.vector_store %arg7[%swap3A_564, %swap3A_565], %swap3A_568 {add = true, strides = array<i32>} : memref<16x1024xf32, #tpu.memory_space<vmem>>, vector<1x16xf32>,
        %swap3A_569 = arith.index_cast %add3A_215 : i32 to index
        %swap3A_570 = arith.constant 624 : index
        %swap3A_571 = tpu.vector_load %arg7[%swap3A_569, %swap3A_570] {strides = array<i32>} : memref<16x1024xf32, #tpu.memory_space<vmem>>, vector<1x16xf32>,
        %swap3A_572 = vector.shape_cast %swap3A_571 : vector<1x16xf32> to vector<16xf32>
        %swap3A_573 = vector.shape_cast %get3A_533 : vector<16xf32> to vector<1x16xf32>
        tpu.vector_store %arg7[%swap3A_569, %swap3A_570], %swap3A_573 {add = true, strides = array<i32>} : memref<16x1024xf32, #tpu.memory_space<vmem>>, vector<1x16xf32>,
        %get3A_574 = arith.index_cast %add3A_215 : i32 to index
        %get3A_575 = arith.constant 640 : index
        %get3A_576 = tpu.vector_load %arg11[%get3A_574, %get3A_575] {strides = array<i32>} : memref<16x1024xf32, #tpu.memory_space<vmem>>, vector<1x16xf32>,
        %get3A_577 = vector.shape_cast %get3A_576 : vector<1x16xf32> to vector<16xf32>
        %get3A_578 = arith.index_cast %add3A_215 : i32 to index
        %get3A_579 = arith.constant 656 : index
        %get3A_580 = tpu.vector_load %arg11[%get3A_578, %get3A_579] {strides = array<i32>} : memref<16x1024xf32, #tpu.memory_space<vmem>>, vector<1x16xf32>,
        %get3A_581 = vector.shape_cast %get3A_580 : vector<1x16xf32> to vector<16xf32>
        %get3A_582 = arith.index_cast %add3A_215 : i32 to index
        %get3A_583 = arith.constant 672 : index
        %get3A_584 = tpu.vector_load %arg11[%get3A_582, %get3A_583] {strides = array<i32>} : memref<16x1024xf32, #tpu.memory_space<vmem>>, vector<1x16xf32>,
        %get3A_585 = vector.shape_cast %get3A_584 : vector<1x16xf32> to vector<16xf32>
        %get3A_586 = arith.index_cast %add3A_215 : i32 to index
        %get3A_587 = arith.constant 688 : index
        %get3A_588 = tpu.vector_load %arg11[%get3A_586, %get3A_587] {strides = array<i32>} : memref<16x1024xf32, #tpu.memory_space<vmem>>, vector<1x16xf32>,
        %get3A_589 = vector.shape_cast %get3A_588 : vector<1x16xf32> to vector<16xf32>
        %get3A_590 = arith.index_cast %add3A_215 : i32 to index
        %get3A_591 = arith.constant 704 : index
        %get3A_592 = tpu.vector_load %arg11[%get3A_590, %get3A_591] {strides = array<i32>} : memref<16x1024xf32, #tpu.memory_space<vmem>>, vector<1x16xf32>,
        %get3A_593 = vector.shape_cast %get3A_592 : vector<1x16xf32> to vector<16xf32>
        %get3A_594 = arith.index_cast %add3A_215 : i32 to index
        %get3A_595 = arith.constant 720 : index
        %get3A_596 = tpu.vector_load %arg11[%get3A_594, %get3A_595] {strides = array<i32>} : memref<16x1024xf32, #tpu.memory_space<vmem>>, vector<1x16xf32>,
        %get3A_597 = vector.shape_cast %get3A_596 : vector<1x16xf32> to vector<16xf32>
        %get3A_598 = arith.index_cast %add3A_215 : i32 to index
        %get3A_599 = arith.constant 736 : index
        %get3A_600 = tpu.vector_load %arg11[%get3A_598, %get3A_599] {strides = array<i32>} : memref<16x1024xf32, #tpu.memory_space<vmem>>, vector<1x16xf32>,
        %get3A_601 = vector.shape_cast %get3A_600 : vector<1x16xf32> to vector<16xf32>
        %get3A_602 = arith.index_cast %add3A_215 : i32 to index
        %get3A_603 = arith.constant 752 : index
        %get3A_604 = tpu.vector_load %arg11[%get3A_602, %get3A_603] {strides = array<i32>} : memref<16x1024xf32, #tpu.memory_space<vmem>>, vector<1x16xf32>,
        %get3A_605 = vector.shape_cast %get3A_604 : vector<1x16xf32> to vector<16xf32>
        %swap3A_606 = arith.index_cast %add3A_215 : i32 to index
        %swap3A_607 = arith.constant 640 : index
        %swap3A_608 = tpu.vector_load %arg7[%swap3A_606, %swap3A_607] {strides = array<i32>} : memref<16x1024xf32, #tpu.memory_space<vmem>>, vector<1x16xf32>,
        %swap3A_609 = vector.shape_cast %swap3A_608 : vector<1x16xf32> to vector<16xf32>
        %swap3A_610 = vector.shape_cast %get3A_577 : vector<16xf32> to vector<1x16xf32>
        tpu.vector_store %arg7[%swap3A_606, %swap3A_607], %swap3A_610 {add = true, strides = array<i32>} : memref<16x1024xf32, #tpu.memory_space<vmem>>, vector<1x16xf32>,
        %swap3A_611 = arith.index_cast %add3A_215 : i32 to index
        %swap3A_612 = arith.constant 656 : index
        %swap3A_613 = tpu.vector_load %arg7[%swap3A_611, %swap3A_612] {strides = array<i32>} : memref<16x1024xf32, #tpu.memory_space<vmem>>, vector<1x16xf32>,
        %swap3A_614 = vector.shape_cast %swap3A_613 : vector<1x16xf32> to vector<16xf32>
        %swap3A_615 = vector.shape_cast %get3A_581 : vector<16xf32> to vector<1x16xf32>
        tpu.vector_store %arg7[%swap3A_611, %swap3A_612], %swap3A_615 {add = true, strides = array<i32>} : memref<16x1024xf32, #tpu.memory_space<vmem>>, vector<1x16xf32>,
        %swap3A_616 = arith.index_cast %add3A_215 : i32 to index
        %swap3A_617 = arith.constant 672 : index
        %swap3A_618 = tpu.vector_load %arg7[%swap3A_616, %swap3A_617] {strides = array<i32>} : memref<16x1024xf32, #tpu.memory_space<vmem>>, vector<1x16xf32>,
        %swap3A_619 = vector.shape_cast %swap3A_618 : vector<1x16xf32> to vector<16xf32>
        %swap3A_620 = vector.shape_cast %get3A_585 : vector<16xf32> to vector<1x16xf32>
        tpu.vector_store %arg7[%swap3A_616, %swap3A_617], %swap3A_620 {add = true, strides = array<i32>} : memref<16x1024xf32, #tpu.memory_space<vmem>>, vector<1x16xf32>,
        %swap3A_621 = arith.index_cast %add3A_215 : i32 to index
        %swap3A_622 = arith.constant 688 : index
        %swap3A_623 = tpu.vector_load %arg7[%swap3A_621, %swap3A_622] {strides = array<i32>} : memref<16x1024xf32, #tpu.memory_space<vmem>>, vector<1x16xf32>,
        %swap3A_624 = vector.shape_cast %swap3A_623 : vector<1x16xf32> to vector<16xf32>
        %swap3A_625 = vector.shape_cast %get3A_589 : vector<16xf32> to vector<1x16xf32>
        tpu.vector_store %arg7[%swap3A_621, %swap3A_622], %swap3A_625 {add = true, strides = array<i32>} : memref<16x1024xf32, #tpu.memory_space<vmem>>, vector<1x16xf32>,
        %swap3A_626 = arith.index_cast %add3A_215 : i32 to index
        %swap3A_627 = arith.constant 704 : index
        %swap3A_628 = tpu.vector_load %arg7[%swap3A_626, %swap3A_627] {strides = array<i32>} : memref<16x1024xf32, #tpu.memory_space<vmem>>, vector<1x16xf32>,
        %swap3A_629 = vector.shape_cast %swap3A_628 : vector<1x16xf32> to vector<16xf32>
        %swap3A_630 = vector.shape_cast %get3A_593 : vector<16xf32> to vector<1x16xf32>
        tpu.vector_store %arg7[%swap3A_626, %swap3A_627], %swap3A_630 {add = true, strides = array<i32>} : memref<16x1024xf32, #tpu.memory_space<vmem>>, vector<1x16xf32>,
        %swap3A_631 = arith.index_cast %add3A_215 : i32 to index
        %swap3A_632 = arith.constant 720 : index
        %swap3A_633 = tpu.vector_load %arg7[%swap3A_631, %swap3A_632] {strides = array<i32>} : memref<16x1024xf32, #tpu.memory_space<vmem>>, vector<1x16xf32>,
        %swap3A_634 = vector.shape_cast %swap3A_633 : vector<1x16xf32> to vector<16xf32>
        %swap3A_635 = vector.shape_cast %get3A_597 : vector<16xf32> to vector<1x16xf32>
        tpu.vector_store %arg7[%swap3A_631, %swap3A_632], %swap3A_635 {add = true, strides = array<i32>} : memref<16x1024xf32, #tpu.memory_space<vmem>>, vector<1x16xf32>,
        %swap3A_636 = arith.index_cast %add3A_215 : i32 to index
        %swap3A_637 = arith.constant 736 : index
        %swap3A_638 = tpu.vector_load %arg7[%swap3A_636, %swap3A_637] {strides = array<i32>} : memref<16x1024xf32, #tpu.memory_space<vmem>>, vector<1x16xf32>,
        %swap3A_639 = vector.shape_cast %swap3A_638 : vector<1x16xf32> to vector<16xf32>
        %swap3A_640 = vector.shape_cast %get3A_601 : vector<16xf32> to vector<1x16xf32>
        tpu.vector_store %arg7[%swap3A_636, %swap3A_637], %swap3A_640 {add = true, strides = array<i32>} : memref<16x1024xf32, #tpu.memory_space<vmem>>, vector<1x16xf32>,
        %swap3A_641 = arith.index_cast %add3A_215 : i32 to index
        %swap3A_642 = arith.constant 752 : index
        %swap3A_643 = tpu.vector_load %arg7[%swap3A_641, %swap3A_642] {strides = array<i32>} : memref<16x1024xf32, #tpu.memory_space<vmem>>, vector<1x16xf32>,
        %swap3A_644 = vector.shape_cast %swap3A_643 : vector<1x16xf32> to vector<16xf32>
        %swap3A_645 = vector.shape_cast %get3A_605 : vector<16xf32> to vector<1x16xf32>
        tpu.vector_store %arg7[%swap3A_641, %swap3A_642], %swap3A_645 {add = true, strides = array<i32>} : memref<16x1024xf32, #tpu.memory_space<vmem>>, vector<1x16xf32>,
        %get3A_646 = arith.index_cast %add3A_215 : i32 to index
        %get3A_647 = arith.constant 768 : index
        %get3A_648 = tpu.vector_load %arg11[%get3A_646, %get3A_647] {strides = array<i32>} : memref<16x1024xf32, #tpu.memory_space<vmem>>, vector<1x16xf32>,
        %get3A_649 = vector.shape_cast %get3A_648 : vector<1x16xf32> to vector<16xf32>
        %get3A_650 = arith.index_cast %add3A_215 : i32 to index
        %get3A_651 = arith.constant 784 : index
        %get3A_652 = tpu.vector_load %arg11[%get3A_650, %get3A_651] {strides = array<i32>} : memref<16x1024xf32, #tpu.memory_space<vmem>>, vector<1x16xf32>,
        %get3A_653 = vector.shape_cast %get3A_652 : vector<1x16xf32> to vector<16xf32>
        %get3A_654 = arith.index_cast %add3A_215 : i32 to index
        %get3A_655 = arith.constant 800 : index
        %get3A_656 = tpu.vector_load %arg11[%get3A_654, %get3A_655] {strides = array<i32>} : memref<16x1024xf32, #tpu.memory_space<vmem>>, vector<1x16xf32>,
        %get3A_657 = vector.shape_cast %get3A_656 : vector<1x16xf32> to vector<16xf32>
        %get3A_658 = arith.index_cast %add3A_215 : i32 to index
        %get3A_659 = arith.constant 816 : index
        %get3A_660 = tpu.vector_load %arg11[%get3A_658, %get3A_659] {strides = array<i32>} : memref<16x1024xf32, #tpu.memory_space<vmem>>, vector<1x16xf32>,
        %get3A_661 = vector.shape_cast %get3A_660 : vector<1x16xf32> to vector<16xf32>
        %get3A_662 = arith.index_cast %add3A_215 : i32 to index
        %get3A_663 = arith.constant 832 : index
        %get3A_664 = tpu.vector_load %arg11[%get3A_662, %get3A_663] {strides = array<i32>} : memref<16x1024xf32, #tpu.memory_space<vmem>>, vector<1x16xf32>,
        %get3A_665 = vector.shape_cast %get3A_664 : vector<1x16xf32> to vector<16xf32>
        %get3A_666 = arith.index_cast %add3A_215 : i32 to index
        %get3A_667 = arith.constant 848 : index
        %get3A_668 = tpu.vector_load %arg11[%get3A_666, %get3A_667] {strides = array<i32>} : memref<16x1024xf32, #tpu.memory_space<vmem>>, vector<1x16xf32>,
        %get3A_669 = vector.shape_cast %get3A_668 : vector<1x16xf32> to vector<16xf32>
        %get3A_670 = arith.index_cast %add3A_215 : i32 to index
        %get3A_671 = arith.constant 864 : index
        %get3A_672 = tpu.vector_load %arg11[%get3A_670, %get3A_671] {strides = array<i32>} : memref<16x1024xf32, #tpu.memory_space<vmem>>, vector<1x16xf32>,
        %get3A_673 = vector.shape_cast %get3A_672 : vector<1x16xf32> to vector<16xf32>
        %get3A_674 = arith.index_cast %add3A_215 : i32 to index
        %get3A_675 = arith.constant 880 : index
        %get3A_676 = tpu.vector_load %arg11[%get3A_674, %get3A_675] {strides = array<i32>} : memref<16x1024xf32, #tpu.memory_space<vmem>>, vector<1x16xf32>,
        %get3A_677 = vector.shape_cast %get3A_676 : vector<1x16xf32> to vector<16xf32>
        %swap3A_678 = arith.index_cast %add3A_215 : i32 to index
        %swap3A_679 = arith.constant 768 : index
        %swap3A_680 = tpu.vector_load %arg7[%swap3A_678, %swap3A_679] {strides = array<i32>} : memref<16x1024xf32, #tpu.memory_space<vmem>>, vector<1x16xf32>,
        %swap3A_681 = vector.shape_cast %swap3A_680 : vector<1x16xf32> to vector<16xf32>
        %swap3A_682 = vector.shape_cast %get3A_649 : vector<16xf32> to vector<1x16xf32>
        tpu.vector_store %arg7[%swap3A_678, %swap3A_679], %swap3A_682 {add = true, strides = array<i32>} : memref<16x1024xf32, #tpu.memory_space<vmem>>, vector<1x16xf32>,
        %swap3A_683 = arith.index_cast %add3A_215 : i32 to index
        %swap3A_684 = arith.constant 784 : index
        %swap3A_685 = tpu.vector_load %arg7[%swap3A_683, %swap3A_684] {strides = array<i32>} : memref<16x1024xf32, #tpu.memory_space<vmem>>, vector<1x16xf32>,
        %swap3A_686 = vector.shape_cast %swap3A_685 : vector<1x16xf32> to vector<16xf32>
        %swap3A_687 = vector.shape_cast %get3A_653 : vector<16xf32> to vector<1x16xf32>
        tpu.vector_store %arg7[%swap3A_683, %swap3A_684], %swap3A_687 {add = true, strides = array<i32>} : memref<16x1024xf32, #tpu.memory_space<vmem>>, vector<1x16xf32>,
        %swap3A_688 = arith.index_cast %add3A_215 : i32 to index
        %swap3A_689 = arith.constant 800 : index
        %swap3A_690 = tpu.vector_load %arg7[%swap3A_688, %swap3A_689] {strides = array<i32>} : memref<16x1024xf32, #tpu.memory_space<vmem>>, vector<1x16xf32>,
        %swap3A_691 = vector.shape_cast %swap3A_690 : vector<1x16xf32> to vector<16xf32>
        %swap3A_692 = vector.shape_cast %get3A_657 : vector<16xf32> to vector<1x16xf32>
        tpu.vector_store %arg7[%swap3A_688, %swap3A_689], %swap3A_692 {add = true, strides = array<i32>} : memref<16x1024xf32, #tpu.memory_space<vmem>>, vector<1x16xf32>,
        %swap3A_693 = arith.index_cast %add3A_215 : i32 to index
        %swap3A_694 = arith.constant 816 : index
        %swap3A_695 = tpu.vector_load %arg7[%swap3A_693, %swap3A_694] {strides = array<i32>} : memref<16x1024xf32, #tpu.memory_space<vmem>>, vector<1x16xf32>,
        %swap3A_696 = vector.shape_cast %swap3A_695 : vector<1x16xf32> to vector<16xf32>
        %swap3A_697 = vector.shape_cast %get3A_661 : vector<16xf32> to vector<1x16xf32>
        tpu.vector_store %arg7[%swap3A_693, %swap3A_694], %swap3A_697 {add = true, strides = array<i32>} : memref<16x1024xf32, #tpu.memory_space<vmem>>, vector<1x16xf32>,
        %swap3A_698 = arith.index_cast %add3A_215 : i32 to index
        %swap3A_699 = arith.constant 832 : index
        %swap3A_700 = tpu.vector_load %arg7[%swap3A_698, %swap3A_699] {strides = array<i32>} : memref<16x1024xf32, #tpu.memory_space<vmem>>, vector<1x16xf32>,
        %swap3A_701 = vector.shape_cast %swap3A_700 : vector<1x16xf32> to vector<16xf32>
        %swap3A_702 = vector.shape_cast %get3A_665 : vector<16xf32> to vector<1x16xf32>
        tpu.vector_store %arg7[%swap3A_698, %swap3A_699], %swap3A_702 {add = true, strides = array<i32>} : memref<16x1024xf32, #tpu.memory_space<vmem>>, vector<1x16xf32>,
        %swap3A_703 = arith.index_cast %add3A_215 : i32 to index
        %swap3A_704 = arith.constant 848 : index
        %swap3A_705 = tpu.vector_load %arg7[%swap3A_703, %swap3A_704] {strides = array<i32>} : memref<16x1024xf32, #tpu.memory_space<vmem>>, vector<1x16xf32>,
        %swap3A_706 = vector.shape_cast %swap3A_705 : vector<1x16xf32> to vector<16xf32>
        %swap3A_707 = vector.shape_cast %get3A_669 : vector<16xf32> to vector<1x16xf32>
        tpu.vector_store %arg7[%swap3A_703, %swap3A_704], %swap3A_707 {add = true, strides = array<i32>} : memref<16x1024xf32, #tpu.memory_space<vmem>>, vector<1x16xf32>,
        %swap3A_708 = arith.index_cast %add3A_215 : i32 to index
        %swap3A_709 = arith.constant 864 : index
        %swap3A_710 = tpu.vector_load %arg7[%swap3A_708, %swap3A_709] {strides = array<i32>} : memref<16x1024xf32, #tpu.memory_space<vmem>>, vector<1x16xf32>,
        %swap3A_711 = vector.shape_cast %swap3A_710 : vector<1x16xf32> to vector<16xf32>
        %swap3A_712 = vector.shape_cast %get3A_673 : vector<16xf32> to vector<1x16xf32>
        tpu.vector_store %arg7[%swap3A_708, %swap3A_709], %swap3A_712 {add = true, strides = array<i32>} : memref<16x1024xf32, #tpu.memory_space<vmem>>, vector<1x16xf32>,
        %swap3A_713 = arith.index_cast %add3A_215 : i32 to index
        %swap3A_714 = arith.constant 880 : index
        %swap3A_715 = tpu.vector_load %arg7[%swap3A_713, %swap3A_714] {strides = array<i32>} : memref<16x1024xf32, #tpu.memory_space<vmem>>, vector<1x16xf32>,
        %swap3A_716 = vector.shape_cast %swap3A_715 : vector<1x16xf32> to vector<16xf32>
        %swap3A_717 = vector.shape_cast %get3A_677 : vector<16xf32> to vector<1x16xf32>
        tpu.vector_store %arg7[%swap3A_713, %swap3A_714], %swap3A_717 {add = true, strides = array<i32>} : memref<16x1024xf32, #tpu.memory_space<vmem>>, vector<1x16xf32>,
        %get3A_718 = arith.index_cast %add3A_215 : i32 to index
        %get3A_719 = arith.constant 896 : index
        %get3A_720 = tpu.vector_load %arg11[%get3A_718, %get3A_719] {strides = array<i32>} : memref<16x1024xf32, #tpu.memory_space<vmem>>, vector<1x16xf32>,
        %get3A_721 = vector.shape_cast %get3A_720 : vector<1x16xf32> to vector<16xf32>
        %get3A_722 = arith.index_cast %add3A_215 : i32 to index
        %get3A_723 = arith.constant 912 : index
        %get3A_724 = tpu.vector_load %arg11[%get3A_722, %get3A_723] {strides = array<i32>} : memref<16x1024xf32, #tpu.memory_space<vmem>>, vector<1x16xf32>,
        %get3A_725 = vector.shape_cast %get3A_724 : vector<1x16xf32> to vector<16xf32>
        %get3A_726 = arith.index_cast %add3A_215 : i32 to index
        %get3A_727 = arith.constant 928 : index
        %get3A_728 = tpu.vector_load %arg11[%get3A_726, %get3A_727] {strides = array<i32>} : memref<16x1024xf32, #tpu.memory_space<vmem>>, vector<1x16xf32>,
        %get3A_729 = vector.shape_cast %get3A_728 : vector<1x16xf32> to vector<16xf32>
        %get3A_730 = arith.index_cast %add3A_215 : i32 to index
        %get3A_731 = arith.constant 944 : index
        %get3A_732 = tpu.vector_load %arg11[%get3A_730, %get3A_731] {strides = array<i32>} : memref<16x1024xf32, #tpu.memory_space<vmem>>, vector<1x16xf32>,
        %get3A_733 = vector.shape_cast %get3A_732 : vector<1x16xf32> to vector<16xf32>
        %get3A_734 = arith.index_cast %add3A_215 : i32 to index
        %get3A_735 = arith.constant 960 : index
        %get3A_736 = tpu.vector_load %arg11[%get3A_734, %get3A_735] {strides = array<i32>} : memref<16x1024xf32, #tpu.memory_space<vmem>>, vector<1x16xf32>,
        %get3A_737 = vector.shape_cast %get3A_736 : vector<1x16xf32> to vector<16xf32>
        %get3A_738 = arith.index_cast %add3A_215 : i32 to index
        %get3A_739 = arith.constant 976 : index
        %get3A_740 = tpu.vector_load %arg11[%get3A_738, %get3A_739] {strides = array<i32>} : memref<16x1024xf32, #tpu.memory_space<vmem>>, vector<1x16xf32>,
        %get3A_741 = vector.shape_cast %get3A_740 : vector<1x16xf32> to vector<16xf32>
        %get3A_742 = arith.index_cast %add3A_215 : i32 to index
        %get3A_743 = arith.constant 992 : index
        %get3A_744 = tpu.vector_load %arg11[%get3A_742, %get3A_743] {strides = array<i32>} : memref<16x1024xf32, #tpu.memory_space<vmem>>, vector<1x16xf32>,
        %get3A_745 = vector.shape_cast %get3A_744 : vector<1x16xf32> to vector<16xf32>
        %get3A_746 = arith.index_cast %add3A_215 : i32 to index
        %get3A_747 = arith.constant 1008 : index
        %get3A_748 = tpu.vector_load %arg11[%get3A_746, %get3A_747] {strides = array<i32>} : memref<16x1024xf32, #tpu.memory_space<vmem>>, vector<1x16xf32>,
        %get3A_749 = vector.shape_cast %get3A_748 : vector<1x16xf32> to vector<16xf32>
        %swap3A_750 = arith.index_cast %add3A_215 : i32 to index
        %swap3A_751 = arith.constant 896 : index
        %swap3A_752 = tpu.vector_load %arg7[%swap3A_750, %swap3A_751] {strides = array<i32>} : memref<16x1024xf32, #tpu.memory_space<vmem>>, vector<1x16xf32>,
        %swap3A_753 = vector.shape_cast %swap3A_752 : vector<1x16xf32> to vector<16xf32>
        %swap3A_754 = vector.shape_cast %get3A_721 : vector<16xf32> to vector<1x16xf32>
        tpu.vector_store %arg7[%swap3A_750, %swap3A_751], %swap3A_754 {add = true, strides = array<i32>} : memref<16x1024xf32, #tpu.memory_space<vmem>>, vector<1x16xf32>,
        %swap3A_755 = arith.index_cast %add3A_215 : i32 to index
        %swap3A_756 = arith.constant 912 : index
        %swap3A_757 = tpu.vector_load %arg7[%swap3A_755, %swap3A_756] {strides = array<i32>} : memref<16x1024xf32, #tpu.memory_space<vmem>>, vector<1x16xf32>,
        %swap3A_758 = vector.shape_cast %swap3A_757 : vector<1x16xf32> to vector<16xf32>
        %swap3A_759 = vector.shape_cast %get3A_725 : vector<16xf32> to vector<1x16xf32>
        tpu.vector_store %arg7[%swap3A_755, %swap3A_756], %swap3A_759 {add = true, strides = array<i32>} : memref<16x1024xf32, #tpu.memory_space<vmem>>, vector<1x16xf32>,
        %swap3A_760 = arith.index_cast %add3A_215 : i32 to index
        %swap3A_761 = arith.constant 928 : index
        %swap3A_762 = tpu.vector_load %arg7[%swap3A_760, %swap3A_761] {strides = array<i32>} : memref<16x1024xf32, #tpu.memory_space<vmem>>, vector<1x16xf32>,
        %swap3A_763 = vector.shape_cast %swap3A_762 : vector<1x16xf32> to vector<16xf32>
        %swap3A_764 = vector.shape_cast %get3A_729 : vector<16xf32> to vector<1x16xf32>
        tpu.vector_store %arg7[%swap3A_760, %swap3A_761], %swap3A_764 {add = true, strides = array<i32>} : memref<16x1024xf32, #tpu.memory_space<vmem>>, vector<1x16xf32>,
        %swap3A_765 = arith.index_cast %add3A_215 : i32 to index
        %swap3A_766 = arith.constant 944 : index
        %swap3A_767 = tpu.vector_load %arg7[%swap3A_765, %swap3A_766] {strides = array<i32>} : memref<16x1024xf32, #tpu.memory_space<vmem>>, vector<1x16xf32>,
        %swap3A_768 = vector.shape_cast %swap3A_767 : vector<1x16xf32> to vector<16xf32>
        %swap3A_769 = vector.shape_cast %get3A_733 : vector<16xf32> to vector<1x16xf32>
        tpu.vector_store %arg7[%swap3A_765, %swap3A_766], %swap3A_769 {add = true, strides = array<i32>} : memref<16x1024xf32, #tpu.memory_space<vmem>>, vector<1x16xf32>,
        %swap3A_770 = arith.index_cast %add3A_215 : i32 to index
        %swap3A_771 = arith.constant 960 : index
        %swap3A_772 = tpu.vector_load %arg7[%swap3A_770, %swap3A_771] {strides = array<i32>} : memref<16x1024xf32, #tpu.memory_space<vmem>>, vector<1x16xf32>,
        %swap3A_773 = vector.shape_cast %swap3A_772 : vector<1x16xf32> to vector<16xf32>
        %swap3A_774 = vector.shape_cast %get3A_737 : vector<16xf32> to vector<1x16xf32>
        tpu.vector_store %arg7[%swap3A_770, %swap3A_771], %swap3A_774 {add = true, strides = array<i32>} : memref<16x1024xf32, #tpu.memory_space<vmem>>, vector<1x16xf32>,
        %swap3A_775 = arith.index_cast %add3A_215 : i32 to index
        %swap3A_776 = arith.constant 976 : index
        %swap3A_777 = tpu.vector_load %arg7[%swap3A_775, %swap3A_776] {strides = array<i32>} : memref<16x1024xf32, #tpu.memory_space<vmem>>, vector<1x16xf32>,
        %swap3A_778 = vector.shape_cast %swap3A_777 : vector<1x16xf32> to vector<16xf32>
        %swap3A_779 = vector.shape_cast %get3A_741 : vector<16xf32> to vector<1x16xf32>
        tpu.vector_store %arg7[%swap3A_775, %swap3A_776], %swap3A_779 {add = true, strides = array<i32>} : memref<16x1024xf32, #tpu.memory_space<vmem>>, vector<1x16xf32>,
        %swap3A_780 = arith.index_cast %add3A_215 : i32 to index
        %swap3A_781 = arith.constant 992 : index
        %swap3A_782 = tpu.vector_load %arg7[%swap3A_780, %swap3A_781] {strides = array<i32>} : memref<16x1024xf32, #tpu.memory_space<vmem>>, vector<1x16xf32>,
        %swap3A_783 = vector.shape_cast %swap3A_782 : vector<1x16xf32> to vector<16xf32>
        %swap3A_784 = vector.shape_cast %get3A_745 : vector<16xf32> to vector<1x16xf32>
        tpu.vector_store %arg7[%swap3A_780, %swap3A_781], %swap3A_784 {add = true, strides = array<i32>} : memref<16x1024xf32, #tpu.memory_space<vmem>>, vector<1x16xf32>,
        %swap3A_785 = arith.index_cast %add3A_215 : i32 to index
        %swap3A_786 = arith.constant 1008 : index
        %swap3A_787 = tpu.vector_load %arg7[%swap3A_785, %swap3A_786] {strides = array<i32>} : memref<16x1024xf32, #tpu.memory_space<vmem>>, vector<1x16xf32>,
        %swap3A_788 = vector.shape_cast %swap3A_787 : vector<1x16xf32> to vector<16xf32>
        %swap3A_789 = vector.shape_cast %get3A_749 : vector<16xf32> to vector<1x16xf32>
        tpu.vector_store %arg7[%swap3A_785, %swap3A_786], %swap3A_789 {add = true, strides = array<i32>} : memref<16x1024xf32, #tpu.memory_space<vmem>>, vector<1x16xf32>,
      }
      %scan3A_74 = arith.constant 16 : i32
      %mul3A_75 = arith.constant 16 : i32
      %mul3A_76 = arith.muli %add3A_45, %mul3A_75 : i32
      %add3A_77 = arith.addi %mul3A_2, %mul3A_76 : i32
      %dma_start3A_78 = arith.constant 0 : i32
      %dma_start3A_79 = tpu.memref_slice %arg5[%add3A_77, %dma_start3A_78] : memref<32768x1024xf32, #tpu.memory_space<hbm>> -> memref<16x1024xf32, #tpu.memory_space<hbm>>
      %dma_start3A_80 = arith.constant 0 : i32
      %dma_start3A_81 = tpu.memref_slice %arg5[%add3A_77, %dma_start3A_80] : memref<32768x1024xf32, #tpu.memory_space<hbm>> -> memref<16x1024xf32, #tpu.memory_space<hbm>>
      tpu.enqueue_dma source(%arg7 : memref<16x1024xf32, #tpu.memory_space<vmem>>) target(%dma_start3A_81 : memref<16x1024xf32, #tpu.memory_space<hbm>>) target_semaphore(%arg19 : memref<!tpu.dma_semaphore, #tpu.memory_space<semaphore_mem>>)
      %mul3A_82 = arith.constant 4 : i32
      %mul3A_83 = arith.muli %add3A_41, %mul3A_82 : i32
      %add3A_84 = arith.constant 1 : i32
      %add3A_85 = arith.addi %mul3A_83, %add3A_84 : i32
      %add3A_86 = arith.constant 2 : i32
      %add3A_87 = arith.addi %add3A_85, %add3A_86 : i32
      %lt3A_88 = arith.constant 64 : i32
      %lt3A_89 = arith.cmpi slt, %add3A_87, %lt3A_88 : i32
      %convert_element_type3A_90 = arith.extui %lt3A_89 : i1 to i32
      %cond3A_91 = arith.constant 0 : i32
      %cond3A_92 = arith.cmpi ne, %convert_element_type3A_90, %cond3A_91 : i32
      scf.if %cond3A_92 {
        %ge3A = arith.constant 2 : i32
        %ge3A_211 = arith.cmpi sge, %add3A_85, %ge3A : i32
        %convert_element_type3A_212 = arith.extui %ge3A_211 : i1 to i32
        %cond3A_213 = arith.constant 0 : i32
        %cond3A_214 = arith.cmpi ne, %convert_element_type3A_212, %cond3A_213 : i32
        scf.if %cond3A_214 {
          %dma_wait3A_223 = arith.constant 0 : i32
          %dma_wait3A_224 = tpu.memref_slice %arg5[%mul3A_2, %dma_wait3A_223] : memref<32768x1024xf32, #tpu.memory_space<hbm>> -> memref<16x1024xf32, #tpu.memory_space<hbm>>
          %dma_wait3A_225 = arith.constant 0 : i32
          %dma_wait3A_226 = tpu.memref_slice %arg5[%mul3A_2, %dma_wait3A_225] : memref<32768x1024xf32, #tpu.memory_space<hbm>> -> memref<16x1024xf32, #tpu.memory_space<hbm>>
          tpu.wait_dma2 semaphore(%arg22 : memref<!tpu.dma_semaphore, #tpu.memory_space<semaphore_mem>>) src(%arg10 : memref<16x1024xf32, #tpu.memory_space<vmem>>) dst(%dma_wait3A_226 : memref<16x1024xf32, #tpu.memory_space<hbm>>)
        } else {
        }
        %add3A_215 = arith.constant 2 : i32
        %add3A_216 = arith.addi %add3A_85, %add3A_215 : i32
        %mul3A_217 = arith.constant 16 : i32
        %mul3A_218 = arith.muli %add3A_216, %mul3A_217 : i32
        %dma_start3A_219 = tpu.memref_slice %arg6[%mul3A_218] : memref<1024xi32, #tpu.memory_space<vmem>> -> memref<16xi32, #tpu.memory_space<vmem>>
        %dma_start3A_220 = arith.constant 0 : i32
        %dma_start3A_221 = arith.constant 0 : i32
        %dma_start3A_222 = tpu.memref_slice %arg4[%dma_start3A_220, %dma_start3A_221] : memref<8192x1024xf32, #tpu.memory_space<hbm>> -> memref<8192x1024xf32, #tpu.memory_space<hbm>>
        tpu.enqueue_indirect_dma source(%dma_start3A_222 : memref<8192x1024xf32, #tpu.memory_space<hbm>>) target(%arg10 : memref<16x1024xf32, #tpu.memory_space<vmem>>) offsets(%dma_start3A_219 : memref<16xi32, #tpu.memory_space<vmem>>) semaphore(%arg16 : memref<!tpu.dma_semaphore, #tpu.memory_space<semaphore_mem>>)
      } else {
      }
      %add3A_93 = arith.constant 1 : i32
      %add3A_94 = arith.addi %add3A_85, %add3A_93 : i32
      %lt3A_95 = arith.constant 64 : i32
      %lt3A_96 = arith.cmpi slt, %add3A_94, %lt3A_95 : i32
      %convert_element_type3A_97 = arith.extui %lt3A_96 : i1 to i32
      %cond3A_98 = arith.constant 0 : i32
      %cond3A_99 = arith.cmpi ne, %convert_element_type3A_97, %cond3A_98 : i32
      scf.if %cond3A_99 {
        %add3A_211 = arith.constant 1 : i32
        %add3A_212 = arith.addi %add3A_85, %add3A_211 : i32
        %mul3A_213 = arith.constant 16 : i32
        %mul3A_214 = arith.muli %add3A_212, %mul3A_213 : i32
        %add3A_215 = arith.addi %mul3A_2, %mul3A_214 : i32
        %dma_start3A_216 = arith.constant 0 : i32
        %dma_start3A_217 = tpu.memref_slice %arg2[%add3A_215, %dma_start3A_216] : memref<32768x1024xf32, #tpu.memory_space<hbm>> -> memref<16x1024xf32, #tpu.memory_space<hbm>>
        %dma_start3A_218 = arith.constant 0 : i32
        %dma_start3A_219 = tpu.memref_slice %arg2[%add3A_215, %dma_start3A_218] : memref<32768x1024xf32, #tpu.memory_space<hbm>> -> memref<16x1024xf32, #tpu.memory_space<hbm>>
        tpu.enqueue_dma source(%dma_start3A_219 : memref<16x1024xf32, #tpu.memory_space<hbm>>) target(%arg11 : memref<16x1024xf32, #tpu.memory_space<vmem>>) target_semaphore(%arg17 : memref<!tpu.dma_semaphore, #tpu.memory_space<semaphore_mem>>)
      } else {
      }
      %mul3A_100 = arith.constant 16 : i32
      %mul3A_101 = arith.muli %add3A_85, %mul3A_100 : i32
      %dma_wait3A_102 = tpu.memref_slice %arg6[%mul3A_101] : memref<1024xi32, #tpu.memory_space<vmem>> -> memref<16xi32, #tpu.memory_space<vmem>>
      %dma_wait3A_103 = arith.constant 0 : i32
      %dma_wait3A_104 = arith.constant 0 : i32
      %dma_wait3A_105 = tpu.memref_slice %arg4[%dma_wait3A_103, %dma_wait3A_104] : memref<8192x1024xf32, #tpu.memory_space<hbm>> -> memref<8192x1024xf32, #tpu.memory_space<hbm>>
      tpu.wait_indirect_dma semaphore(%arg14 : memref<!tpu.dma_semaphore, #tpu.memory_space<semaphore_mem>>) src(%dma_wait3A_105 : memref<8192x1024xf32, #tpu.memory_space<hbm>>) dst(%arg8 : memref<16x1024xf32, #tpu.memory_space<vmem>>)
      %mul3A_106 = arith.constant 16 : i32
      %mul3A_107 = arith.muli %add3A_85, %mul3A_106 : i32
      %add3A_108 = arith.addi %mul3A_2, %mul3A_107 : i32
      %dma_wait3A_109 = arith.constant 0 : i32
      %dma_wait3A_110 = tpu.memref_slice %arg2[%add3A_108, %dma_wait3A_109] : memref<32768x1024xf32, #tpu.memory_space<hbm>> -> memref<16x1024xf32, #tpu.memory_space<hbm>>
      %dma_wait3A_111 = arith.constant 0 : i32
      %dma_wait3A_112 = tpu.memref_slice %arg2[%add3A_108, %dma_wait3A_111] : memref<32768x1024xf32, #tpu.memory_space<hbm>> -> memref<16x1024xf32, #tpu.memory_space<hbm>>
      tpu.wait_dma2 semaphore(%arg18 : memref<!tpu.dma_semaphore, #tpu.memory_space<semaphore_mem>>) src(%dma_wait3A_112 : memref<16x1024xf32, #tpu.memory_space<hbm>>) dst(%arg12 : memref<16x1024xf32, #tpu.memory_space<vmem>>)
      %scan3A_113 = arith.constant 0 : i32
      %scan3A_114 = arith.constant 16 : i32
      %scan3A_115 = arith.addi %scan3A_113, %scan3A_114 : i32
      %scan3A_116 = arith.constant 1 : i32
      scf.for %scan3A_211 = %scan3A_113 to %scan3A_115 step %scan3A_116  : i32 {
        %mul3A_212 = arith.constant 1 : i32
        %mul3A_213 = arith.muli %scan3A_211, %mul3A_212 : i32
        %add3A_214 = arith.constant 0 : i32
        %add3A_215 = arith.addi %add3A_214, %mul3A_213 : i32
        %get3A = arith.index_cast %add3A_215 : i32 to index
        %get3A_216 = arith.constant 0 : index
        %get3A_217 = tpu.vector_load %arg12[%get3A, %get3A_216] {strides = array<i32>} : memref<16x1024xf32, #tpu.memory_space<vmem>>, vector<1x16xf32>,
        %get3A_218 = vector.shape_cast %get3A_217 : vector<1x16xf32> to vector<16xf32>
        %get3A_219 = arith.index_cast %add3A_215 : i32 to index
        %get3A_220 = arith.constant 16 : index
        %get3A_221 = tpu.vector_load %arg12[%get3A_219, %get3A_220] {strides = array<i32>} : memref<16x1024xf32, #tpu.memory_space<vmem>>, vector<1x16xf32>,
        %get3A_222 = vector.shape_cast %get3A_221 : vector<1x16xf32> to vector<16xf32>
        %get3A_223 = arith.index_cast %add3A_215 : i32 to index
        %get3A_224 = arith.constant 32 : index
        %get3A_225 = tpu.vector_load %arg12[%get3A_223, %get3A_224] {strides = array<i32>} : memref<16x1024xf32, #tpu.memory_space<vmem>>, vector<1x16xf32>,
        %get3A_226 = vector.shape_cast %get3A_225 : vector<1x16xf32> to vector<16xf32>
        %get3A_227 = arith.index_cast %add3A_215 : i32 to index
        %get3A_228 = arith.constant 48 : index
        %get3A_229 = tpu.vector_load %arg12[%get3A_227, %get3A_228] {strides = array<i32>} : memref<16x1024xf32, #tpu.memory_space<vmem>>, vector<1x16xf32>,
        %get3A_230 = vector.shape_cast %get3A_229 : vector<1x16xf32> to vector<16xf32>
        %get3A_231 = arith.index_cast %add3A_215 : i32 to index
        %get3A_232 = arith.constant 64 : index
        %get3A_233 = tpu.vector_load %arg12[%get3A_231, %get3A_232] {strides = array<i32>} : memref<16x1024xf32, #tpu.memory_space<vmem>>, vector<1x16xf32>,
        %get3A_234 = vector.shape_cast %get3A_233 : vector<1x16xf32> to vector<16xf32>
        %get3A_235 = arith.index_cast %add3A_215 : i32 to index
        %get3A_236 = arith.constant 80 : index
        %get3A_237 = tpu.vector_load %arg12[%get3A_235, %get3A_236] {strides = array<i32>} : memref<16x1024xf32, #tpu.memory_space<vmem>>, vector<1x16xf32>,
        %get3A_238 = vector.shape_cast %get3A_237 : vector<1x16xf32> to vector<16xf32>
        %get3A_239 = arith.index_cast %add3A_215 : i32 to index
        %get3A_240 = arith.constant 96 : index
        %get3A_241 = tpu.vector_load %arg12[%get3A_239, %get3A_240] {strides = array<i32>} : memref<16x1024xf32, #tpu.memory_space<vmem>>, vector<1x16xf32>,
        %get3A_242 = vector.shape_cast %get3A_241 : vector<1x16xf32> to vector<16xf32>
        %get3A_243 = arith.index_cast %add3A_215 : i32 to index
        %get3A_244 = arith.constant 112 : index
        %get3A_245 = tpu.vector_load %arg12[%get3A_243, %get3A_244] {strides = array<i32>} : memref<16x1024xf32, #tpu.memory_space<vmem>>, vector<1x16xf32>,
        %get3A_246 = vector.shape_cast %get3A_245 : vector<1x16xf32> to vector<16xf32>
        %swap3A = arith.index_cast %add3A_215 : i32 to index
        %swap3A_247 = arith.constant 0 : index
        %swap3A_248 = tpu.vector_load %arg8[%swap3A, %swap3A_247] {strides = array<i32>} : memref<16x1024xf32, #tpu.memory_space<vmem>>, vector<1x16xf32>,
        %swap3A_249 = vector.shape_cast %swap3A_248 : vector<1x16xf32> to vector<16xf32>
        %swap3A_250 = vector.shape_cast %get3A_218 : vector<16xf32> to vector<1x16xf32>
        tpu.vector_store %arg8[%swap3A, %swap3A_247], %swap3A_250 {add = true, strides = array<i32>} : memref<16x1024xf32, #tpu.memory_space<vmem>>, vector<1x16xf32>,
        %swap3A_251 = arith.index_cast %add3A_215 : i32 to index
        %swap3A_252 = arith.constant 16 : index
        %swap3A_253 = tpu.vector_load %arg8[%swap3A_251, %swap3A_252] {strides = array<i32>} : memref<16x1024xf32, #tpu.memory_space<vmem>>, vector<1x16xf32>,
        %swap3A_254 = vector.shape_cast %swap3A_253 : vector<1x16xf32> to vector<16xf32>
        %swap3A_255 = vector.shape_cast %get3A_222 : vector<16xf32> to vector<1x16xf32>
        tpu.vector_store %arg8[%swap3A_251, %swap3A_252], %swap3A_255 {add = true, strides = array<i32>} : memref<16x1024xf32, #tpu.memory_space<vmem>>, vector<1x16xf32>,
        %swap3A_256 = arith.index_cast %add3A_215 : i32 to index
        %swap3A_257 = arith.constant 32 : index
        %swap3A_258 = tpu.vector_load %arg8[%swap3A_256, %swap3A_257] {strides = array<i32>} : memref<16x1024xf32, #tpu.memory_space<vmem>>, vector<1x16xf32>,
        %swap3A_259 = vector.shape_cast %swap3A_258 : vector<1x16xf32> to vector<16xf32>
        %swap3A_260 = vector.shape_cast %get3A_226 : vector<16xf32> to vector<1x16xf32>
        tpu.vector_store %arg8[%swap3A_256, %swap3A_257], %swap3A_260 {add = true, strides = array<i32>} : memref<16x1024xf32, #tpu.memory_space<vmem>>, vector<1x16xf32>,
        %swap3A_261 = arith.index_cast %add3A_215 : i32 to index
        %swap3A_262 = arith.constant 48 : index
        %swap3A_263 = tpu.vector_load %arg8[%swap3A_261, %swap3A_262] {strides = array<i32>} : memref<16x1024xf32, #tpu.memory_space<vmem>>, vector<1x16xf32>,
        %swap3A_264 = vector.shape_cast %swap3A_263 : vector<1x16xf32> to vector<16xf32>
        %swap3A_265 = vector.shape_cast %get3A_230 : vector<16xf32> to vector<1x16xf32>
        tpu.vector_store %arg8[%swap3A_261, %swap3A_262], %swap3A_265 {add = true, strides = array<i32>} : memref<16x1024xf32, #tpu.memory_space<vmem>>, vector<1x16xf32>,
        %swap3A_266 = arith.index_cast %add3A_215 : i32 to index
        %swap3A_267 = arith.constant 64 : index
        %swap3A_268 = tpu.vector_load %arg8[%swap3A_266, %swap3A_267] {strides = array<i32>} : memref<16x1024xf32, #tpu.memory_space<vmem>>, vector<1x16xf32>,
        %swap3A_269 = vector.shape_cast %swap3A_268 : vector<1x16xf32> to vector<16xf32>
        %swap3A_270 = vector.shape_cast %get3A_234 : vector<16xf32> to vector<1x16xf32>
        tpu.vector_store %arg8[%swap3A_266, %swap3A_267], %swap3A_270 {add = true, strides = array<i32>} : memref<16x1024xf32, #tpu.memory_space<vmem>>, vector<1x16xf32>,
        %swap3A_271 = arith.index_cast %add3A_215 : i32 to index
        %swap3A_272 = arith.constant 80 : index
        %swap3A_273 = tpu.vector_load %arg8[%swap3A_271, %swap3A_272] {strides = array<i32>} : memref<16x1024xf32, #tpu.memory_space<vmem>>, vector<1x16xf32>,
        %swap3A_274 = vector.shape_cast %swap3A_273 : vector<1x16xf32> to vector<16xf32>
        %swap3A_275 = vector.shape_cast %get3A_238 : vector<16xf32> to vector<1x16xf32>
        tpu.vector_store %arg8[%swap3A_271, %swap3A_272], %swap3A_275 {add = true, strides = array<i32>} : memref<16x1024xf32, #tpu.memory_space<vmem>>, vector<1x16xf32>,
        %swap3A_276 = arith.index_cast %add3A_215 : i32 to index
        %swap3A_277 = arith.constant 96 : index
        %swap3A_278 = tpu.vector_load %arg8[%swap3A_276, %swap3A_277] {strides = array<i32>} : memref<16x1024xf32, #tpu.memory_space<vmem>>, vector<1x16xf32>,
        %swap3A_279 = vector.shape_cast %swap3A_278 : vector<1x16xf32> to vector<16xf32>
        %swap3A_280 = vector.shape_cast %get3A_242 : vector<16xf32> to vector<1x16xf32>
        tpu.vector_store %arg8[%swap3A_276, %swap3A_277], %swap3A_280 {add = true, strides = array<i32>} : memref<16x1024xf32, #tpu.memory_space<vmem>>, vector<1x16xf32>,
        %swap3A_281 = arith.index_cast %add3A_215 : i32 to index
        %swap3A_282 = arith.constant 112 : index
        %swap3A_283 = tpu.vector_load %arg8[%swap3A_281, %swap3A_282] {strides = array<i32>} : memref<16x1024xf32, #tpu.memory_space<vmem>>, vector<1x16xf32>,
        %swap3A_284 = vector.shape_cast %swap3A_283 : vector<1x16xf32> to vector<16xf32>
        %swap3A_285 = vector.shape_cast %get3A_246 : vector<16xf32> to vector<1x16xf32>
        tpu.vector_store %arg8[%swap3A_281, %swap3A_282], %swap3A_285 {add = true, strides = array<i32>} : memref<16x1024xf32, #tpu.memory_space<vmem>>, vector<1x16xf32>,
        %get3A_286 = arith.index_cast %add3A_215 : i32 to index
        %get3A_287 = arith.constant 128 : index
        %get3A_288 = tpu.vector_load %arg12[%get3A_286, %get3A_287] {strides = array<i32>} : memref<16x1024xf32, #tpu.memory_space<vmem>>, vector<1x16xf32>,
        %get3A_289 = vector.shape_cast %get3A_288 : vector<1x16xf32> to vector<16xf32>
        %get3A_290 = arith.index_cast %add3A_215 : i32 to index
        %get3A_291 = arith.constant 144 : index
        %get3A_292 = tpu.vector_load %arg12[%get3A_290, %get3A_291] {strides = array<i32>} : memref<16x1024xf32, #tpu.memory_space<vmem>>, vector<1x16xf32>,
        %get3A_293 = vector.shape_cast %get3A_292 : vector<1x16xf32> to vector<16xf32>
        %get3A_294 = arith.index_cast %add3A_215 : i32 to index
        %get3A_295 = arith.constant 160 : index
        %get3A_296 = tpu.vector_load %arg12[%get3A_294, %get3A_295] {strides = array<i32>} : memref<16x1024xf32, #tpu.memory_space<vmem>>, vector<1x16xf32>,
        %get3A_297 = vector.shape_cast %get3A_296 : vector<1x16xf32> to vector<16xf32>
        %get3A_298 = arith.index_cast %add3A_215 : i32 to index
        %get3A_299 = arith.constant 176 : index
        %get3A_300 = tpu.vector_load %arg12[%get3A_298, %get3A_299] {strides = array<i32>} : memref<16x1024xf32, #tpu.memory_space<vmem>>, vector<1x16xf32>,
        %get3A_301 = vector.shape_cast %get3A_300 : vector<1x16xf32> to vector<16xf32>
        %get3A_302 = arith.index_cast %add3A_215 : i32 to index
        %get3A_303 = arith.constant 192 : index
        %get3A_304 = tpu.vector_load %arg12[%get3A_302, %get3A_303] {strides = array<i32>} : memref<16x1024xf32, #tpu.memory_space<vmem>>, vector<1x16xf32>,
        %get3A_305 = vector.shape_cast %get3A_304 : vector<1x16xf32> to vector<16xf32>
        %get3A_306 = arith.index_cast %add3A_215 : i32 to index
        %get3A_307 = arith.constant 208 : index
        %get3A_308 = tpu.vector_load %arg12[%get3A_306, %get3A_307] {strides = array<i32>} : memref<16x1024xf32, #tpu.memory_space<vmem>>, vector<1x16xf32>,
        %get3A_309 = vector.shape_cast %get3A_308 : vector<1x16xf32> to vector<16xf32>
        %get3A_310 = arith.index_cast %add3A_215 : i32 to index
        %get3A_311 = arith.constant 224 : index
        %get3A_312 = tpu.vector_load %arg12[%get3A_310, %get3A_311] {strides = array<i32>} : memref<16x1024xf32, #tpu.memory_space<vmem>>, vector<1x16xf32>,
        %get3A_313 = vector.shape_cast %get3A_312 : vector<1x16xf32> to vector<16xf32>
        %get3A_314 = arith.index_cast %add3A_215 : i32 to index
        %get3A_315 = arith.constant 240 : index
        %get3A_316 = tpu.vector_load %arg12[%get3A_314, %get3A_315] {strides = array<i32>} : memref<16x1024xf32, #tpu.memory_space<vmem>>, vector<1x16xf32>,
        %get3A_317 = vector.shape_cast %get3A_316 : vector<1x16xf32> to vector<16xf32>
        %swap3A_318 = arith.index_cast %add3A_215 : i32 to index
        %swap3A_319 = arith.constant 128 : index
        %swap3A_320 = tpu.vector_load %arg8[%swap3A_318, %swap3A_319] {strides = array<i32>} : memref<16x1024xf32, #tpu.memory_space<vmem>>, vector<1x16xf32>,
        %swap3A_321 = vector.shape_cast %swap3A_320 : vector<1x16xf32> to vector<16xf32>
        %swap3A_322 = vector.shape_cast %get3A_289 : vector<16xf32> to vector<1x16xf32>
        tpu.vector_store %arg8[%swap3A_318, %swap3A_319], %swap3A_322 {add = true, strides = array<i32>} : memref<16x1024xf32, #tpu.memory_space<vmem>>, vector<1x16xf32>,
        %swap3A_323 = arith.index_cast %add3A_215 : i32 to index
        %swap3A_324 = arith.constant 144 : index
        %swap3A_325 = tpu.vector_load %arg8[%swap3A_323, %swap3A_324] {strides = array<i32>} : memref<16x1024xf32, #tpu.memory_space<vmem>>, vector<1x16xf32>,
        %swap3A_326 = vector.shape_cast %swap3A_325 : vector<1x16xf32> to vector<16xf32>
        %swap3A_327 = vector.shape_cast %get3A_293 : vector<16xf32> to vector<1x16xf32>
        tpu.vector_store %arg8[%swap3A_323, %swap3A_324], %swap3A_327 {add = true, strides = array<i32>} : memref<16x1024xf32, #tpu.memory_space<vmem>>, vector<1x16xf32>,
        %swap3A_328 = arith.index_cast %add3A_215 : i32 to index
        %swap3A_329 = arith.constant 160 : index
        %swap3A_330 = tpu.vector_load %arg8[%swap3A_328, %swap3A_329] {strides = array<i32>} : memref<16x1024xf32, #tpu.memory_space<vmem>>, vector<1x16xf32>,
        %swap3A_331 = vector.shape_cast %swap3A_330 : vector<1x16xf32> to vector<16xf32>
        %swap3A_332 = vector.shape_cast %get3A_297 : vector<16xf32> to vector<1x16xf32>
        tpu.vector_store %arg8[%swap3A_328, %swap3A_329], %swap3A_332 {add = true, strides = array<i32>} : memref<16x1024xf32, #tpu.memory_space<vmem>>, vector<1x16xf32>,
        %swap3A_333 = arith.index_cast %add3A_215 : i32 to index
        %swap3A_334 = arith.constant 176 : index
        %swap3A_335 = tpu.vector_load %arg8[%swap3A_333, %swap3A_334] {strides = array<i32>} : memref<16x1024xf32, #tpu.memory_space<vmem>>, vector<1x16xf32>,
        %swap3A_336 = vector.shape_cast %swap3A_335 : vector<1x16xf32> to vector<16xf32>
        %swap3A_337 = vector.shape_cast %get3A_301 : vector<16xf32> to vector<1x16xf32>
        tpu.vector_store %arg8[%swap3A_333, %swap3A_334], %swap3A_337 {add = true, strides = array<i32>} : memref<16x1024xf32, #tpu.memory_space<vmem>>, vector<1x16xf32>,
        %swap3A_338 = arith.index_cast %add3A_215 : i32 to index
        %swap3A_339 = arith.constant 192 : index
        %swap3A_340 = tpu.vector_load %arg8[%swap3A_338, %swap3A_339] {strides = array<i32>} : memref<16x1024xf32, #tpu.memory_space<vmem>>, vector<1x16xf32>,
        %swap3A_341 = vector.shape_cast %swap3A_340 : vector<1x16xf32> to vector<16xf32>
        %swap3A_342 = vector.shape_cast %get3A_305 : vector<16xf32> to vector<1x16xf32>
        tpu.vector_store %arg8[%swap3A_338, %swap3A_339], %swap3A_342 {add = true, strides = array<i32>} : memref<16x1024xf32, #tpu.memory_space<vmem>>, vector<1x16xf32>,
        %swap3A_343 = arith.index_cast %add3A_215 : i32 to index
        %swap3A_344 = arith.constant 208 : index
        %swap3A_345 = tpu.vector_load %arg8[%swap3A_343, %swap3A_344] {strides = array<i32>} : memref<16x1024xf32, #tpu.memory_space<vmem>>, vector<1x16xf32>,
        %swap3A_346 = vector.shape_cast %swap3A_345 : vector<1x16xf32> to vector<16xf32>
        %swap3A_347 = vector.shape_cast %get3A_309 : vector<16xf32> to vector<1x16xf32>
        tpu.vector_store %arg8[%swap3A_343, %swap3A_344], %swap3A_347 {add = true, strides = array<i32>} : memref<16x1024xf32, #tpu.memory_space<vmem>>, vector<1x16xf32>,
        %swap3A_348 = arith.index_cast %add3A_215 : i32 to index
        %swap3A_349 = arith.constant 224 : index
        %swap3A_350 = tpu.vector_load %arg8[%swap3A_348, %swap3A_349] {strides = array<i32>} : memref<16x1024xf32, #tpu.memory_space<vmem>>, vector<1x16xf32>,
        %swap3A_351 = vector.shape_cast %swap3A_350 : vector<1x16xf32> to vector<16xf32>
        %swap3A_352 = vector.shape_cast %get3A_313 : vector<16xf32> to vector<1x16xf32>
        tpu.vector_store %arg8[%swap3A_348, %swap3A_349], %swap3A_352 {add = true, strides = array<i32>} : memref<16x1024xf32, #tpu.memory_space<vmem>>, vector<1x16xf32>,
        %swap3A_353 = arith.index_cast %add3A_215 : i32 to index
        %swap3A_354 = arith.constant 240 : index
        %swap3A_355 = tpu.vector_load %arg8[%swap3A_353, %swap3A_354] {strides = array<i32>} : memref<16x1024xf32, #tpu.memory_space<vmem>>, vector<1x16xf32>,
        %swap3A_356 = vector.shape_cast %swap3A_355 : vector<1x16xf32> to vector<16xf32>
        %swap3A_357 = vector.shape_cast %get3A_317 : vector<16xf32> to vector<1x16xf32>
        tpu.vector_store %arg8[%swap3A_353, %swap3A_354], %swap3A_357 {add = true, strides = array<i32>} : memref<16x1024xf32, #tpu.memory_space<vmem>>, vector<1x16xf32>,
        %get3A_358 = arith.index_cast %add3A_215 : i32 to index
        %get3A_359 = arith.constant 256 : index
        %get3A_360 = tpu.vector_load %arg12[%get3A_358, %get3A_359] {strides = array<i32>} : memref<16x1024xf32, #tpu.memory_space<vmem>>, vector<1x16xf32>,
        %get3A_361 = vector.shape_cast %get3A_360 : vector<1x16xf32> to vector<16xf32>
        %get3A_362 = arith.index_cast %add3A_215 : i32 to index
        %get3A_363 = arith.constant 272 : index
        %get3A_364 = tpu.vector_load %arg12[%get3A_362, %get3A_363] {strides = array<i32>} : memref<16x1024xf32, #tpu.memory_space<vmem>>, vector<1x16xf32>,
        %get3A_365 = vector.shape_cast %get3A_364 : vector<1x16xf32> to vector<16xf32>
        %get3A_366 = arith.index_cast %add3A_215 : i32 to index
        %get3A_367 = arith.constant 288 : index
        %get3A_368 = tpu.vector_load %arg12[%get3A_366, %get3A_367] {strides = array<i32>} : memref<16x1024xf32, #tpu.memory_space<vmem>>, vector<1x16xf32>,
        %get3A_369 = vector.shape_cast %get3A_368 : vector<1x16xf32> to vector<16xf32>
        %get3A_370 = arith.index_cast %add3A_215 : i32 to index
        %get3A_371 = arith.constant 304 : index
        %get3A_372 = tpu.vector_load %arg12[%get3A_370, %get3A_371] {strides = array<i32>} : memref<16x1024xf32, #tpu.memory_space<vmem>>, vector<1x16xf32>,
        %get3A_373 = vector.shape_cast %get3A_372 : vector<1x16xf32> to vector<16xf32>
        %get3A_374 = arith.index_cast %add3A_215 : i32 to index
        %get3A_375 = arith.constant 320 : index
        %get3A_376 = tpu.vector_load %arg12[%get3A_374, %get3A_375] {strides = array<i32>} : memref<16x1024xf32, #tpu.memory_space<vmem>>, vector<1x16xf32>,
        %get3A_377 = vector.shape_cast %get3A_376 : vector<1x16xf32> to vector<16xf32>
        %get3A_378 = arith.index_cast %add3A_215 : i32 to index
        %get3A_379 = arith.constant 336 : index
        %get3A_380 = tpu.vector_load %arg12[%get3A_378, %get3A_379] {strides = array<i32>} : memref<16x1024xf32, #tpu.memory_space<vmem>>, vector<1x16xf32>,
        %get3A_381 = vector.shape_cast %get3A_380 : vector<1x16xf32> to vector<16xf32>
        %get3A_382 = arith.index_cast %add3A_215 : i32 to index
        %get3A_383 = arith.constant 352 : index
        %get3A_384 = tpu.vector_load %arg12[%get3A_382, %get3A_383] {strides = array<i32>} : memref<16x1024xf32, #tpu.memory_space<vmem>>, vector<1x16xf32>,
        %get3A_385 = vector.shape_cast %get3A_384 : vector<1x16xf32> to vector<16xf32>
        %get3A_386 = arith.index_cast %add3A_215 : i32 to index
        %get3A_387 = arith.constant 368 : index
        %get3A_388 = tpu.vector_load %arg12[%get3A_386, %get3A_387] {strides = array<i32>} : memref<16x1024xf32, #tpu.memory_space<vmem>>, vector<1x16xf32>,
        %get3A_389 = vector.shape_cast %get3A_388 : vector<1x16xf32> to vector<16xf32>
        %swap3A_390 = arith.index_cast %add3A_215 : i32 to index
        %swap3A_391 = arith.constant 256 : index
        %swap3A_392 = tpu.vector_load %arg8[%swap3A_390, %swap3A_391] {strides = array<i32>} : memref<16x1024xf32, #tpu.memory_space<vmem>>, vector<1x16xf32>,
        %swap3A_393 = vector.shape_cast %swap3A_392 : vector<1x16xf32> to vector<16xf32>
        %swap3A_394 = vector.shape_cast %get3A_361 : vector<16xf32> to vector<1x16xf32>
        tpu.vector_store %arg8[%swap3A_390, %swap3A_391], %swap3A_394 {add = true, strides = array<i32>} : memref<16x1024xf32, #tpu.memory_space<vmem>>, vector<1x16xf32>,
        %swap3A_395 = arith.index_cast %add3A_215 : i32 to index
        %swap3A_396 = arith.constant 272 : index
        %swap3A_397 = tpu.vector_load %arg8[%swap3A_395, %swap3A_396] {strides = array<i32>} : memref<16x1024xf32, #tpu.memory_space<vmem>>, vector<1x16xf32>,
        %swap3A_398 = vector.shape_cast %swap3A_397 : vector<1x16xf32> to vector<16xf32>
        %swap3A_399 = vector.shape_cast %get3A_365 : vector<16xf32> to vector<1x16xf32>
        tpu.vector_store %arg8[%swap3A_395, %swap3A_396], %swap3A_399 {add = true, strides = array<i32>} : memref<16x1024xf32, #tpu.memory_space<vmem>>, vector<1x16xf32>,
        %swap3A_400 = arith.index_cast %add3A_215 : i32 to index
        %swap3A_401 = arith.constant 288 : index
        %swap3A_402 = tpu.vector_load %arg8[%swap3A_400, %swap3A_401] {strides = array<i32>} : memref<16x1024xf32, #tpu.memory_space<vmem>>, vector<1x16xf32>,
        %swap3A_403 = vector.shape_cast %swap3A_402 : vector<1x16xf32> to vector<16xf32>
        %swap3A_404 = vector.shape_cast %get3A_369 : vector<16xf32> to vector<1x16xf32>
        tpu.vector_store %arg8[%swap3A_400, %swap3A_401], %swap3A_404 {add = true, strides = array<i32>} : memref<16x1024xf32, #tpu.memory_space<vmem>>, vector<1x16xf32>,
        %swap3A_405 = arith.index_cast %add3A_215 : i32 to index
        %swap3A_406 = arith.constant 304 : index
        %swap3A_407 = tpu.vector_load %arg8[%swap3A_405, %swap3A_406] {strides = array<i32>} : memref<16x1024xf32, #tpu.memory_space<vmem>>, vector<1x16xf32>,
        %swap3A_408 = vector.shape_cast %swap3A_407 : vector<1x16xf32> to vector<16xf32>
        %swap3A_409 = vector.shape_cast %get3A_373 : vector<16xf32> to vector<1x16xf32>
        tpu.vector_store %arg8[%swap3A_405, %swap3A_406], %swap3A_409 {add = true, strides = array<i32>} : memref<16x1024xf32, #tpu.memory_space<vmem>>, vector<1x16xf32>,
        %swap3A_410 = arith.index_cast %add3A_215 : i32 to index
        %swap3A_411 = arith.constant 320 : index
        %swap3A_412 = tpu.vector_load %arg8[%swap3A_410, %swap3A_411] {strides = array<i32>} : memref<16x1024xf32, #tpu.memory_space<vmem>>, vector<1x16xf32>,
        %swap3A_413 = vector.shape_cast %swap3A_412 : vector<1x16xf32> to vector<16xf32>
        %swap3A_414 = vector.shape_cast %get3A_377 : vector<16xf32> to vector<1x16xf32>
        tpu.vector_store %arg8[%swap3A_410, %swap3A_411], %swap3A_414 {add = true, strides = array<i32>} : memref<16x1024xf32, #tpu.memory_space<vmem>>, vector<1x16xf32>,
        %swap3A_415 = arith.index_cast %add3A_215 : i32 to index
        %swap3A_416 = arith.constant 336 : index
        %swap3A_417 = tpu.vector_load %arg8[%swap3A_415, %swap3A_416] {strides = array<i32>} : memref<16x1024xf32, #tpu.memory_space<vmem>>, vector<1x16xf32>,
        %swap3A_418 = vector.shape_cast %swap3A_417 : vector<1x16xf32> to vector<16xf32>
        %swap3A_419 = vector.shape_cast %get3A_381 : vector<16xf32> to vector<1x16xf32>
        tpu.vector_store %arg8[%swap3A_415, %swap3A_416], %swap3A_419 {add = true, strides = array<i32>} : memref<16x1024xf32, #tpu.memory_space<vmem>>, vector<1x16xf32>,
        %swap3A_420 = arith.index_cast %add3A_215 : i32 to index
        %swap3A_421 = arith.constant 352 : index
        %swap3A_422 = tpu.vector_load %arg8[%swap3A_420, %swap3A_421] {strides = array<i32>} : memref<16x1024xf32, #tpu.memory_space<vmem>>, vector<1x16xf32>,
        %swap3A_423 = vector.shape_cast %swap3A_422 : vector<1x16xf32> to vector<16xf32>
        %swap3A_424 = vector.shape_cast %get3A_385 : vector<16xf32> to vector<1x16xf32>
        tpu.vector_store %arg8[%swap3A_420, %swap3A_421], %swap3A_424 {add = true, strides = array<i32>} : memref<16x1024xf32, #tpu.memory_space<vmem>>, vector<1x16xf32>,
        %swap3A_425 = arith.index_cast %add3A_215 : i32 to index
        %swap3A_426 = arith.constant 368 : index
        %swap3A_427 = tpu.vector_load %arg8[%swap3A_425, %swap3A_426] {strides = array<i32>} : memref<16x1024xf32, #tpu.memory_space<vmem>>, vector<1x16xf32>,
        %swap3A_428 = vector.shape_cast %swap3A_427 : vector<1x16xf32> to vector<16xf32>
        %swap3A_429 = vector.shape_cast %get3A_389 : vector<16xf32> to vector<1x16xf32>
        tpu.vector_store %arg8[%swap3A_425, %swap3A_426], %swap3A_429 {add = true, strides = array<i32>} : memref<16x1024xf32, #tpu.memory_space<vmem>>, vector<1x16xf32>,
        %get3A_430 = arith.index_cast %add3A_215 : i32 to index
        %get3A_431 = arith.constant 384 : index
        %get3A_432 = tpu.vector_load %arg12[%get3A_430, %get3A_431] {strides = array<i32>} : memref<16x1024xf32, #tpu.memory_space<vmem>>, vector<1x16xf32>,
        %get3A_433 = vector.shape_cast %get3A_432 : vector<1x16xf32> to vector<16xf32>
        %get3A_434 = arith.index_cast %add3A_215 : i32 to index
        %get3A_435 = arith.constant 400 : index
        %get3A_436 = tpu.vector_load %arg12[%get3A_434, %get3A_435] {strides = array<i32>} : memref<16x1024xf32, #tpu.memory_space<vmem>>, vector<1x16xf32>,
        %get3A_437 = vector.shape_cast %get3A_436 : vector<1x16xf32> to vector<16xf32>
        %get3A_438 = arith.index_cast %add3A_215 : i32 to index
        %get3A_439 = arith.constant 416 : index
        %get3A_440 = tpu.vector_load %arg12[%get3A_438, %get3A_439] {strides = array<i32>} : memref<16x1024xf32, #tpu.memory_space<vmem>>, vector<1x16xf32>,
        %get3A_441 = vector.shape_cast %get3A_440 : vector<1x16xf32> to vector<16xf32>
        %get3A_442 = arith.index_cast %add3A_215 : i32 to index
        %get3A_443 = arith.constant 432 : index
        %get3A_444 = tpu.vector_load %arg12[%get3A_442, %get3A_443] {strides = array<i32>} : memref<16x1024xf32, #tpu.memory_space<vmem>>, vector<1x16xf32>,
        %get3A_445 = vector.shape_cast %get3A_444 : vector<1x16xf32> to vector<16xf32>
        %get3A_446 = arith.index_cast %add3A_215 : i32 to index
        %get3A_447 = arith.constant 448 : index
        %get3A_448 = tpu.vector_load %arg12[%get3A_446, %get3A_447] {strides = array<i32>} : memref<16x1024xf32, #tpu.memory_space<vmem>>, vector<1x16xf32>,
        %get3A_449 = vector.shape_cast %get3A_448 : vector<1x16xf32> to vector<16xf32>
        %get3A_450 = arith.index_cast %add3A_215 : i32 to index
        %get3A_451 = arith.constant 464 : index
        %get3A_452 = tpu.vector_load %arg12[%get3A_450, %get3A_451] {strides = array<i32>} : memref<16x1024xf32, #tpu.memory_space<vmem>>, vector<1x16xf32>,
        %get3A_453 = vector.shape_cast %get3A_452 : vector<1x16xf32> to vector<16xf32>
        %get3A_454 = arith.index_cast %add3A_215 : i32 to index
        %get3A_455 = arith.constant 480 : index
        %get3A_456 = tpu.vector_load %arg12[%get3A_454, %get3A_455] {strides = array<i32>} : memref<16x1024xf32, #tpu.memory_space<vmem>>, vector<1x16xf32>,
        %get3A_457 = vector.shape_cast %get3A_456 : vector<1x16xf32> to vector<16xf32>
        %get3A_458 = arith.index_cast %add3A_215 : i32 to index
        %get3A_459 = arith.constant 496 : index
        %get3A_460 = tpu.vector_load %arg12[%get3A_458, %get3A_459] {strides = array<i32>} : memref<16x1024xf32, #tpu.memory_space<vmem>>, vector<1x16xf32>,
        %get3A_461 = vector.shape_cast %get3A_460 : vector<1x16xf32> to vector<16xf32>
        %swap3A_462 = arith.index_cast %add3A_215 : i32 to index
        %swap3A_463 = arith.constant 384 : index
        %swap3A_464 = tpu.vector_load %arg8[%swap3A_462, %swap3A_463] {strides = array<i32>} : memref<16x1024xf32, #tpu.memory_space<vmem>>, vector<1x16xf32>,
        %swap3A_465 = vector.shape_cast %swap3A_464 : vector<1x16xf32> to vector<16xf32>
        %swap3A_466 = vector.shape_cast %get3A_433 : vector<16xf32> to vector<1x16xf32>
        tpu.vector_store %arg8[%swap3A_462, %swap3A_463], %swap3A_466 {add = true, strides = array<i32>} : memref<16x1024xf32, #tpu.memory_space<vmem>>, vector<1x16xf32>,
        %swap3A_467 = arith.index_cast %add3A_215 : i32 to index
        %swap3A_468 = arith.constant 400 : index
        %swap3A_469 = tpu.vector_load %arg8[%swap3A_467, %swap3A_468] {strides = array<i32>} : memref<16x1024xf32, #tpu.memory_space<vmem>>, vector<1x16xf32>,
        %swap3A_470 = vector.shape_cast %swap3A_469 : vector<1x16xf32> to vector<16xf32>
        %swap3A_471 = vector.shape_cast %get3A_437 : vector<16xf32> to vector<1x16xf32>
        tpu.vector_store %arg8[%swap3A_467, %swap3A_468], %swap3A_471 {add = true, strides = array<i32>} : memref<16x1024xf32, #tpu.memory_space<vmem>>, vector<1x16xf32>,
        %swap3A_472 = arith.index_cast %add3A_215 : i32 to index
        %swap3A_473 = arith.constant 416 : index
        %swap3A_474 = tpu.vector_load %arg8[%swap3A_472, %swap3A_473] {strides = array<i32>} : memref<16x1024xf32, #tpu.memory_space<vmem>>, vector<1x16xf32>,
        %swap3A_475 = vector.shape_cast %swap3A_474 : vector<1x16xf32> to vector<16xf32>
        %swap3A_476 = vector.shape_cast %get3A_441 : vector<16xf32> to vector<1x16xf32>
        tpu.vector_store %arg8[%swap3A_472, %swap3A_473], %swap3A_476 {add = true, strides = array<i32>} : memref<16x1024xf32, #tpu.memory_space<vmem>>, vector<1x16xf32>,
        %swap3A_477 = arith.index_cast %add3A_215 : i32 to index
        %swap3A_478 = arith.constant 432 : index
        %swap3A_479 = tpu.vector_load %arg8[%swap3A_477, %swap3A_478] {strides = array<i32>} : memref<16x1024xf32, #tpu.memory_space<vmem>>, vector<1x16xf32>,
        %swap3A_480 = vector.shape_cast %swap3A_479 : vector<1x16xf32> to vector<16xf32>
        %swap3A_481 = vector.shape_cast %get3A_445 : vector<16xf32> to vector<1x16xf32>
        tpu.vector_store %arg8[%swap3A_477, %swap3A_478], %swap3A_481 {add = true, strides = array<i32>} : memref<16x1024xf32, #tpu.memory_space<vmem>>, vector<1x16xf32>,
        %swap3A_482 = arith.index_cast %add3A_215 : i32 to index
        %swap3A_483 = arith.constant 448 : index
        %swap3A_484 = tpu.vector_load %arg8[%swap3A_482, %swap3A_483] {strides = array<i32>} : memref<16x1024xf32, #tpu.memory_space<vmem>>, vector<1x16xf32>,
        %swap3A_485 = vector.shape_cast %swap3A_484 : vector<1x16xf32> to vector<16xf32>
        %swap3A_486 = vector.shape_cast %get3A_449 : vector<16xf32> to vector<1x16xf32>
        tpu.vector_store %arg8[%swap3A_482, %swap3A_483], %swap3A_486 {add = true, strides = array<i32>} : memref<16x1024xf32, #tpu.memory_space<vmem>>, vector<1x16xf32>,
        %swap3A_487 = arith.index_cast %add3A_215 : i32 to index
        %swap3A_488 = arith.constant 464 : index
        %swap3A_489 = tpu.vector_load %arg8[%swap3A_487, %swap3A_488] {strides = array<i32>} : memref<16x1024xf32, #tpu.memory_space<vmem>>, vector<1x16xf32>,
        %swap3A_490 = vector.shape_cast %swap3A_489 : vector<1x16xf32> to vector<16xf32>
        %swap3A_491 = vector.shape_cast %get3A_453 : vector<16xf32> to vector<1x16xf32>
        tpu.vector_store %arg8[%swap3A_487, %swap3A_488], %swap3A_491 {add = true, strides = array<i32>} : memref<16x1024xf32, #tpu.memory_space<vmem>>, vector<1x16xf32>,
        %swap3A_492 = arith.index_cast %add3A_215 : i32 to index
        %swap3A_493 = arith.constant 480 : index
        %swap3A_494 = tpu.vector_load %arg8[%swap3A_492, %swap3A_493] {strides = array<i32>} : memref<16x1024xf32, #tpu.memory_space<vmem>>, vector<1x16xf32>,
        %swap3A_495 = vector.shape_cast %swap3A_494 : vector<1x16xf32> to vector<16xf32>
        %swap3A_496 = vector.shape_cast %get3A_457 : vector<16xf32> to vector<1x16xf32>
        tpu.vector_store %arg8[%swap3A_492, %swap3A_493], %swap3A_496 {add = true, strides = array<i32>} : memref<16x1024xf32, #tpu.memory_space<vmem>>, vector<1x16xf32>,
        %swap3A_497 = arith.index_cast %add3A_215 : i32 to index
        %swap3A_498 = arith.constant 496 : index
        %swap3A_499 = tpu.vector_load %arg8[%swap3A_497, %swap3A_498] {strides = array<i32>} : memref<16x1024xf32, #tpu.memory_space<vmem>>, vector<1x16xf32>,
        %swap3A_500 = vector.shape_cast %swap3A_499 : vector<1x16xf32> to vector<16xf32>
        %swap3A_501 = vector.shape_cast %get3A_461 : vector<16xf32> to vector<1x16xf32>
        tpu.vector_store %arg8[%swap3A_497, %swap3A_498], %swap3A_501 {add = true, strides = array<i32>} : memref<16x1024xf32, #tpu.memory_space<vmem>>, vector<1x16xf32>,
        %get3A_502 = arith.index_cast %add3A_215 : i32 to index
        %get3A_503 = arith.constant 512 : index
        %get3A_504 = tpu.vector_load %arg12[%get3A_502, %get3A_503] {strides = array<i32>} : memref<16x1024xf32, #tpu.memory_space<vmem>>, vector<1x16xf32>,
        %get3A_505 = vector.shape_cast %get3A_504 : vector<1x16xf32> to vector<16xf32>
        %get3A_506 = arith.index_cast %add3A_215 : i32 to index
        %get3A_507 = arith.constant 528 : index
        %get3A_508 = tpu.vector_load %arg12[%get3A_506, %get3A_507] {strides = array<i32>} : memref<16x1024xf32, #tpu.memory_space<vmem>>, vector<1x16xf32>,
        %get3A_509 = vector.shape_cast %get3A_508 : vector<1x16xf32> to vector<16xf32>
        %get3A_510 = arith.index_cast %add3A_215 : i32 to index
        %get3A_511 = arith.constant 544 : index
        %get3A_512 = tpu.vector_load %arg12[%get3A_510, %get3A_511] {strides = array<i32>} : memref<16x1024xf32, #tpu.memory_space<vmem>>, vector<1x16xf32>,
        %get3A_513 = vector.shape_cast %get3A_512 : vector<1x16xf32> to vector<16xf32>
        %get3A_514 = arith.index_cast %add3A_215 : i32 to index
        %get3A_515 = arith.constant 560 : index
        %get3A_516 = tpu.vector_load %arg12[%get3A_514, %get3A_515] {strides = array<i32>} : memref<16x1024xf32, #tpu.memory_space<vmem>>, vector<1x16xf32>,
        %get3A_517 = vector.shape_cast %get3A_516 : vector<1x16xf32> to vector<16xf32>
        %get3A_518 = arith.index_cast %add3A_215 : i32 to index
        %get3A_519 = arith.constant 576 : index
        %get3A_520 = tpu.vector_load %arg12[%get3A_518, %get3A_519] {strides = array<i32>} : memref<16x1024xf32, #tpu.memory_space<vmem>>, vector<1x16xf32>,
        %get3A_521 = vector.shape_cast %get3A_520 : vector<1x16xf32> to vector<16xf32>
        %get3A_522 = arith.index_cast %add3A_215 : i32 to index
        %get3A_523 = arith.constant 592 : index
        %get3A_524 = tpu.vector_load %arg12[%get3A_522, %get3A_523] {strides = array<i32>} : memref<16x1024xf32, #tpu.memory_space<vmem>>, vector<1x16xf32>,
        %get3A_525 = vector.shape_cast %get3A_524 : vector<1x16xf32> to vector<16xf32>
        %get3A_526 = arith.index_cast %add3A_215 : i32 to index
        %get3A_527 = arith.constant 608 : index
        %get3A_528 = tpu.vector_load %arg12[%get3A_526, %get3A_527] {strides = array<i32>} : memref<16x1024xf32, #tpu.memory_space<vmem>>, vector<1x16xf32>,
        %get3A_529 = vector.shape_cast %get3A_528 : vector<1x16xf32> to vector<16xf32>
        %get3A_530 = arith.index_cast %add3A_215 : i32 to index
        %get3A_531 = arith.constant 624 : index
        %get3A_532 = tpu.vector_load %arg12[%get3A_530, %get3A_531] {strides = array<i32>} : memref<16x1024xf32, #tpu.memory_space<vmem>>, vector<1x16xf32>,
        %get3A_533 = vector.shape_cast %get3A_532 : vector<1x16xf32> to vector<16xf32>
        %swap3A_534 = arith.index_cast %add3A_215 : i32 to index
        %swap3A_535 = arith.constant 512 : index
        %swap3A_536 = tpu.vector_load %arg8[%swap3A_534, %swap3A_535] {strides = array<i32>} : memref<16x1024xf32, #tpu.memory_space<vmem>>, vector<1x16xf32>,
        %swap3A_537 = vector.shape_cast %swap3A_536 : vector<1x16xf32> to vector<16xf32>
        %swap3A_538 = vector.shape_cast %get3A_505 : vector<16xf32> to vector<1x16xf32>
        tpu.vector_store %arg8[%swap3A_534, %swap3A_535], %swap3A_538 {add = true, strides = array<i32>} : memref<16x1024xf32, #tpu.memory_space<vmem>>, vector<1x16xf32>,
        %swap3A_539 = arith.index_cast %add3A_215 : i32 to index
        %swap3A_540 = arith.constant 528 : index
        %swap3A_541 = tpu.vector_load %arg8[%swap3A_539, %swap3A_540] {strides = array<i32>} : memref<16x1024xf32, #tpu.memory_space<vmem>>, vector<1x16xf32>,
        %swap3A_542 = vector.shape_cast %swap3A_541 : vector<1x16xf32> to vector<16xf32>
        %swap3A_543 = vector.shape_cast %get3A_509 : vector<16xf32> to vector<1x16xf32>
        tpu.vector_store %arg8[%swap3A_539, %swap3A_540], %swap3A_543 {add = true, strides = array<i32>} : memref<16x1024xf32, #tpu.memory_space<vmem>>, vector<1x16xf32>,
        %swap3A_544 = arith.index_cast %add3A_215 : i32 to index
        %swap3A_545 = arith.constant 544 : index
        %swap3A_546 = tpu.vector_load %arg8[%swap3A_544, %swap3A_545] {strides = array<i32>} : memref<16x1024xf32, #tpu.memory_space<vmem>>, vector<1x16xf32>,
        %swap3A_547 = vector.shape_cast %swap3A_546 : vector<1x16xf32> to vector<16xf32>
        %swap3A_548 = vector.shape_cast %get3A_513 : vector<16xf32> to vector<1x16xf32>
        tpu.vector_store %arg8[%swap3A_544, %swap3A_545], %swap3A_548 {add = true, strides = array<i32>} : memref<16x1024xf32, #tpu.memory_space<vmem>>, vector<1x16xf32>,
        %swap3A_549 = arith.index_cast %add3A_215 : i32 to index
        %swap3A_550 = arith.constant 560 : index
        %swap3A_551 = tpu.vector_load %arg8[%swap3A_549, %swap3A_550] {strides = array<i32>} : memref<16x1024xf32, #tpu.memory_space<vmem>>, vector<1x16xf32>,
        %swap3A_552 = vector.shape_cast %swap3A_551 : vector<1x16xf32> to vector<16xf32>
        %swap3A_553 = vector.shape_cast %get3A_517 : vector<16xf32> to vector<1x16xf32>
        tpu.vector_store %arg8[%swap3A_549, %swap3A_550], %swap3A_553 {add = true, strides = array<i32>} : memref<16x1024xf32, #tpu.memory_space<vmem>>, vector<1x16xf32>,
        %swap3A_554 = arith.index_cast %add3A_215 : i32 to index
        %swap3A_555 = arith.constant 576 : index
        %swap3A_556 = tpu.vector_load %arg8[%swap3A_554, %swap3A_555] {strides = array<i32>} : memref<16x1024xf32, #tpu.memory_space<vmem>>, vector<1x16xf32>,
        %swap3A_557 = vector.shape_cast %swap3A_556 : vector<1x16xf32> to vector<16xf32>
        %swap3A_558 = vector.shape_cast %get3A_521 : vector<16xf32> to vector<1x16xf32>
        tpu.vector_store %arg8[%swap3A_554, %swap3A_555], %swap3A_558 {add = true, strides = array<i32>} : memref<16x1024xf32, #tpu.memory_space<vmem>>, vector<1x16xf32>,
        %swap3A_559 = arith.index_cast %add3A_215 : i32 to index
        %swap3A_560 = arith.constant 592 : index
        %swap3A_561 = tpu.vector_load %arg8[%swap3A_559, %swap3A_560] {strides = array<i32>} : memref<16x1024xf32, #tpu.memory_space<vmem>>, vector<1x16xf32>,
        %swap3A_562 = vector.shape_cast %swap3A_561 : vector<1x16xf32> to vector<16xf32>
        %swap3A_563 = vector.shape_cast %get3A_525 : vector<16xf32> to vector<1x16xf32>
        tpu.vector_store %arg8[%swap3A_559, %swap3A_560], %swap3A_563 {add = true, strides = array<i32>} : memref<16x1024xf32, #tpu.memory_space<vmem>>, vector<1x16xf32>,
        %swap3A_564 = arith.index_cast %add3A_215 : i32 to index
        %swap3A_565 = arith.constant 608 : index
        %swap3A_566 = tpu.vector_load %arg8[%swap3A_564, %swap3A_565] {strides = array<i32>} : memref<16x1024xf32, #tpu.memory_space<vmem>>, vector<1x16xf32>,
        %swap3A_567 = vector.shape_cast %swap3A_566 : vector<1x16xf32> to vector<16xf32>
        %swap3A_568 = vector.shape_cast %get3A_529 : vector<16xf32> to vector<1x16xf32>
        tpu.vector_store %arg8[%swap3A_564, %swap3A_565], %swap3A_568 {add = true, strides = array<i32>} : memref<16x1024xf32, #tpu.memory_space<vmem>>, vector<1x16xf32>,
        %swap3A_569 = arith.index_cast %add3A_215 : i32 to index
        %swap3A_570 = arith.constant 624 : index
        %swap3A_571 = tpu.vector_load %arg8[%swap3A_569, %swap3A_570] {strides = array<i32>} : memref<16x1024xf32, #tpu.memory_space<vmem>>, vector<1x16xf32>,
        %swap3A_572 = vector.shape_cast %swap3A_571 : vector<1x16xf32> to vector<16xf32>
        %swap3A_573 = vector.shape_cast %get3A_533 : vector<16xf32> to vector<1x16xf32>
        tpu.vector_store %arg8[%swap3A_569, %swap3A_570], %swap3A_573 {add = true, strides = array<i32>} : memref<16x1024xf32, #tpu.memory_space<vmem>>, vector<1x16xf32>,
        %get3A_574 = arith.index_cast %add3A_215 : i32 to index
        %get3A_575 = arith.constant 640 : index
        %get3A_576 = tpu.vector_load %arg12[%get3A_574, %get3A_575] {strides = array<i32>} : memref<16x1024xf32, #tpu.memory_space<vmem>>, vector<1x16xf32>,
        %get3A_577 = vector.shape_cast %get3A_576 : vector<1x16xf32> to vector<16xf32>
        %get3A_578 = arith.index_cast %add3A_215 : i32 to index
        %get3A_579 = arith.constant 656 : index
        %get3A_580 = tpu.vector_load %arg12[%get3A_578, %get3A_579] {strides = array<i32>} : memref<16x1024xf32, #tpu.memory_space<vmem>>, vector<1x16xf32>,
        %get3A_581 = vector.shape_cast %get3A_580 : vector<1x16xf32> to vector<16xf32>
        %get3A_582 = arith.index_cast %add3A_215 : i32 to index
        %get3A_583 = arith.constant 672 : index
        %get3A_584 = tpu.vector_load %arg12[%get3A_582, %get3A_583] {strides = array<i32>} : memref<16x1024xf32, #tpu.memory_space<vmem>>, vector<1x16xf32>,
        %get3A_585 = vector.shape_cast %get3A_584 : vector<1x16xf32> to vector<16xf32>
        %get3A_586 = arith.index_cast %add3A_215 : i32 to index
        %get3A_587 = arith.constant 688 : index
        %get3A_588 = tpu.vector_load %arg12[%get3A_586, %get3A_587] {strides = array<i32>} : memref<16x1024xf32, #tpu.memory_space<vmem>>, vector<1x16xf32>,
        %get3A_589 = vector.shape_cast %get3A_588 : vector<1x16xf32> to vector<16xf32>
        %get3A_590 = arith.index_cast %add3A_215 : i32 to index
        %get3A_591 = arith.constant 704 : index
        %get3A_592 = tpu.vector_load %arg12[%get3A_590, %get3A_591] {strides = array<i32>} : memref<16x1024xf32, #tpu.memory_space<vmem>>, vector<1x16xf32>,
        %get3A_593 = vector.shape_cast %get3A_592 : vector<1x16xf32> to vector<16xf32>
        %get3A_594 = arith.index_cast %add3A_215 : i32 to index
        %get3A_595 = arith.constant 720 : index
        %get3A_596 = tpu.vector_load %arg12[%get3A_594, %get3A_595] {strides = array<i32>} : memref<16x1024xf32, #tpu.memory_space<vmem>>, vector<1x16xf32>,
        %get3A_597 = vector.shape_cast %get3A_596 : vector<1x16xf32> to vector<16xf32>
        %get3A_598 = arith.index_cast %add3A_215 : i32 to index
        %get3A_599 = arith.constant 736 : index
        %get3A_600 = tpu.vector_load %arg12[%get3A_598, %get3A_599] {strides = array<i32>} : memref<16x1024xf32, #tpu.memory_space<vmem>>, vector<1x16xf32>,
        %get3A_601 = vector.shape_cast %get3A_600 : vector<1x16xf32> to vector<16xf32>
        %get3A_602 = arith.index_cast %add3A_215 : i32 to index
        %get3A_603 = arith.constant 752 : index
        %get3A_604 = tpu.vector_load %arg12[%get3A_602, %get3A_603] {strides = array<i32>} : memref<16x1024xf32, #tpu.memory_space<vmem>>, vector<1x16xf32>,
        %get3A_605 = vector.shape_cast %get3A_604 : vector<1x16xf32> to vector<16xf32>
        %swap3A_606 = arith.index_cast %add3A_215 : i32 to index
        %swap3A_607 = arith.constant 640 : index
        %swap3A_608 = tpu.vector_load %arg8[%swap3A_606, %swap3A_607] {strides = array<i32>} : memref<16x1024xf32, #tpu.memory_space<vmem>>, vector<1x16xf32>,
        %swap3A_609 = vector.shape_cast %swap3A_608 : vector<1x16xf32> to vector<16xf32>
        %swap3A_610 = vector.shape_cast %get3A_577 : vector<16xf32> to vector<1x16xf32>
        tpu.vector_store %arg8[%swap3A_606, %swap3A_607], %swap3A_610 {add = true, strides = array<i32>} : memref<16x1024xf32, #tpu.memory_space<vmem>>, vector<1x16xf32>,
        %swap3A_611 = arith.index_cast %add3A_215 : i32 to index
        %swap3A_612 = arith.constant 656 : index
        %swap3A_613 = tpu.vector_load %arg8[%swap3A_611, %swap3A_612] {strides = array<i32>} : memref<16x1024xf32, #tpu.memory_space<vmem>>, vector<1x16xf32>,
        %swap3A_614 = vector.shape_cast %swap3A_613 : vector<1x16xf32> to vector<16xf32>
        %swap3A_615 = vector.shape_cast %get3A_581 : vector<16xf32> to vector<1x16xf32>
        tpu.vector_store %arg8[%swap3A_611, %swap3A_612], %swap3A_615 {add = true, strides = array<i32>} : memref<16x1024xf32, #tpu.memory_space<vmem>>, vector<1x16xf32>,
        %swap3A_616 = arith.index_cast %add3A_215 : i32 to index
        %swap3A_617 = arith.constant 672 : index
        %swap3A_618 = tpu.vector_load %arg8[%swap3A_616, %swap3A_617] {strides = array<i32>} : memref<16x1024xf32, #tpu.memory_space<vmem>>, vector<1x16xf32>,
        %swap3A_619 = vector.shape_cast %swap3A_618 : vector<1x16xf32> to vector<16xf32>
        %swap3A_620 = vector.shape_cast %get3A_585 : vector<16xf32> to vector<1x16xf32>
        tpu.vector_store %arg8[%swap3A_616, %swap3A_617], %swap3A_620 {add = true, strides = array<i32>} : memref<16x1024xf32, #tpu.memory_space<vmem>>, vector<1x16xf32>,
        %swap3A_621 = arith.index_cast %add3A_215 : i32 to index
        %swap3A_622 = arith.constant 688 : index
        %swap3A_623 = tpu.vector_load %arg8[%swap3A_621, %swap3A_622] {strides = array<i32>} : memref<16x1024xf32, #tpu.memory_space<vmem>>, vector<1x16xf32>,
        %swap3A_624 = vector.shape_cast %swap3A_623 : vector<1x16xf32> to vector<16xf32>
        %swap3A_625 = vector.shape_cast %get3A_589 : vector<16xf32> to vector<1x16xf32>
        tpu.vector_store %arg8[%swap3A_621, %swap3A_622], %swap3A_625 {add = true, strides = array<i32>} : memref<16x1024xf32, #tpu.memory_space<vmem>>, vector<1x16xf32>,
        %swap3A_626 = arith.index_cast %add3A_215 : i32 to index
        %swap3A_627 = arith.constant 704 : index
        %swap3A_628 = tpu.vector_load %arg8[%swap3A_626, %swap3A_627] {strides = array<i32>} : memref<16x1024xf32, #tpu.memory_space<vmem>>, vector<1x16xf32>,
        %swap3A_629 = vector.shape_cast %swap3A_628 : vector<1x16xf32> to vector<16xf32>
        %swap3A_630 = vector.shape_cast %get3A_593 : vector<16xf32> to vector<1x16xf32>
        tpu.vector_store %arg8[%swap3A_626, %swap3A_627], %swap3A_630 {add = true, strides = array<i32>} : memref<16x1024xf32, #tpu.memory_space<vmem>>, vector<1x16xf32>,
        %swap3A_631 = arith.index_cast %add3A_215 : i32 to index
        %swap3A_632 = arith.constant 720 : index
        %swap3A_633 = tpu.vector_load %arg8[%swap3A_631, %swap3A_632] {strides = array<i32>} : memref<16x1024xf32, #tpu.memory_space<vmem>>, vector<1x16xf32>,
        %swap3A_634 = vector.shape_cast %swap3A_633 : vector<1x16xf32> to vector<16xf32>
        %swap3A_635 = vector.shape_cast %get3A_597 : vector<16xf32> to vector<1x16xf32>
        tpu.vector_store %arg8[%swap3A_631, %swap3A_632], %swap3A_635 {add = true, strides = array<i32>} : memref<16x1024xf32, #tpu.memory_space<vmem>>, vector<1x16xf32>,
        %swap3A_636 = arith.index_cast %add3A_215 : i32 to index
        %swap3A_637 = arith.constant 736 : index
        %swap3A_638 = tpu.vector_load %arg8[%swap3A_636, %swap3A_637] {strides = array<i32>} : memref<16x1024xf32, #tpu.memory_space<vmem>>, vector<1x16xf32>,
        %swap3A_639 = vector.shape_cast %swap3A_638 : vector<1x16xf32> to vector<16xf32>
        %swap3A_640 = vector.shape_cast %get3A_601 : vector<16xf32> to vector<1x16xf32>
        tpu.vector_store %arg8[%swap3A_636, %swap3A_637], %swap3A_640 {add = true, strides = array<i32>} : memref<16x1024xf32, #tpu.memory_space<vmem>>, vector<1x16xf32>,
        %swap3A_641 = arith.index_cast %add3A_215 : i32 to index
        %swap3A_642 = arith.constant 752 : index
        %swap3A_643 = tpu.vector_load %arg8[%swap3A_641, %swap3A_642] {strides = array<i32>} : memref<16x1024xf32, #tpu.memory_space<vmem>>, vector<1x16xf32>,
        %swap3A_644 = vector.shape_cast %swap3A_643 : vector<1x16xf32> to vector<16xf32>
        %swap3A_645 = vector.shape_cast %get3A_605 : vector<16xf32> to vector<1x16xf32>
        tpu.vector_store %arg8[%swap3A_641, %swap3A_642], %swap3A_645 {add = true, strides = array<i32>} : memref<16x1024xf32, #tpu.memory_space<vmem>>, vector<1x16xf32>,
        %get3A_646 = arith.index_cast %add3A_215 : i32 to index
        %get3A_647 = arith.constant 768 : index
        %get3A_648 = tpu.vector_load %arg12[%get3A_646, %get3A_647] {strides = array<i32>} : memref<16x1024xf32, #tpu.memory_space<vmem>>, vector<1x16xf32>,
        %get3A_649 = vector.shape_cast %get3A_648 : vector<1x16xf32> to vector<16xf32>
        %get3A_650 = arith.index_cast %add3A_215 : i32 to index
        %get3A_651 = arith.constant 784 : index
        %get3A_652 = tpu.vector_load %arg12[%get3A_650, %get3A_651] {strides = array<i32>} : memref<16x1024xf32, #tpu.memory_space<vmem>>, vector<1x16xf32>,
        %get3A_653 = vector.shape_cast %get3A_652 : vector<1x16xf32> to vector<16xf32>
        %get3A_654 = arith.index_cast %add3A_215 : i32 to index
        %get3A_655 = arith.constant 800 : index
        %get3A_656 = tpu.vector_load %arg12[%get3A_654, %get3A_655] {strides = array<i32>} : memref<16x1024xf32, #tpu.memory_space<vmem>>, vector<1x16xf32>,
        %get3A_657 = vector.shape_cast %get3A_656 : vector<1x16xf32> to vector<16xf32>
        %get3A_658 = arith.index_cast %add3A_215 : i32 to index
        %get3A_659 = arith.constant 816 : index
        %get3A_660 = tpu.vector_load %arg12[%get3A_658, %get3A_659] {strides = array<i32>} : memref<16x1024xf32, #tpu.memory_space<vmem>>, vector<1x16xf32>,
        %get3A_661 = vector.shape_cast %get3A_660 : vector<1x16xf32> to vector<16xf32>
        %get3A_662 = arith.index_cast %add3A_215 : i32 to index
        %get3A_663 = arith.constant 832 : index
        %get3A_664 = tpu.vector_load %arg12[%get3A_662, %get3A_663] {strides = array<i32>} : memref<16x1024xf32, #tpu.memory_space<vmem>>, vector<1x16xf32>,
        %get3A_665 = vector.shape_cast %get3A_664 : vector<1x16xf32> to vector<16xf32>
        %get3A_666 = arith.index_cast %add3A_215 : i32 to index
        %get3A_667 = arith.constant 848 : index
        %get3A_668 = tpu.vector_load %arg12[%get3A_666, %get3A_667] {strides = array<i32>} : memref<16x1024xf32, #tpu.memory_space<vmem>>, vector<1x16xf32>,
        %get3A_669 = vector.shape_cast %get3A_668 : vector<1x16xf32> to vector<16xf32>
        %get3A_670 = arith.index_cast %add3A_215 : i32 to index
        %get3A_671 = arith.constant 864 : index
        %get3A_672 = tpu.vector_load %arg12[%get3A_670, %get3A_671] {strides = array<i32>} : memref<16x1024xf32, #tpu.memory_space<vmem>>, vector<1x16xf32>,
        %get3A_673 = vector.shape_cast %get3A_672 : vector<1x16xf32> to vector<16xf32>
        %get3A_674 = arith.index_cast %add3A_215 : i32 to index
        %get3A_675 = arith.constant 880 : index
        %get3A_676 = tpu.vector_load %arg12[%get3A_674, %get3A_675] {strides = array<i32>} : memref<16x1024xf32, #tpu.memory_space<vmem>>, vector<1x16xf32>,
        %get3A_677 = vector.shape_cast %get3A_676 : vector<1x16xf32> to vector<16xf32>
        %swap3A_678 = arith.index_cast %add3A_215 : i32 to index
        %swap3A_679 = arith.constant 768 : index
        %swap3A_680 = tpu.vector_load %arg8[%swap3A_678, %swap3A_679] {strides = array<i32>} : memref<16x1024xf32, #tpu.memory_space<vmem>>, vector<1x16xf32>,
        %swap3A_681 = vector.shape_cast %swap3A_680 : vector<1x16xf32> to vector<16xf32>
        %swap3A_682 = vector.shape_cast %get3A_649 : vector<16xf32> to vector<1x16xf32>
        tpu.vector_store %arg8[%swap3A_678, %swap3A_679], %swap3A_682 {add = true, strides = array<i32>} : memref<16x1024xf32, #tpu.memory_space<vmem>>, vector<1x16xf32>,
        %swap3A_683 = arith.index_cast %add3A_215 : i32 to index
        %swap3A_684 = arith.constant 784 : index
        %swap3A_685 = tpu.vector_load %arg8[%swap3A_683, %swap3A_684] {strides = array<i32>} : memref<16x1024xf32, #tpu.memory_space<vmem>>, vector<1x16xf32>,
        %swap3A_686 = vector.shape_cast %swap3A_685 : vector<1x16xf32> to vector<16xf32>
        %swap3A_687 = vector.shape_cast %get3A_653 : vector<16xf32> to vector<1x16xf32>
        tpu.vector_store %arg8[%swap3A_683, %swap3A_684], %swap3A_687 {add = true, strides = array<i32>} : memref<16x1024xf32, #tpu.memory_space<vmem>>, vector<1x16xf32>,
        %swap3A_688 = arith.index_cast %add3A_215 : i32 to index
        %swap3A_689 = arith.constant 800 : index
        %swap3A_690 = tpu.vector_load %arg8[%swap3A_688, %swap3A_689] {strides = array<i32>} : memref<16x1024xf32, #tpu.memory_space<vmem>>, vector<1x16xf32>,
        %swap3A_691 = vector.shape_cast %swap3A_690 : vector<1x16xf32> to vector<16xf32>
        %swap3A_692 = vector.shape_cast %get3A_657 : vector<16xf32> to vector<1x16xf32>
        tpu.vector_store %arg8[%swap3A_688, %swap3A_689], %swap3A_692 {add = true, strides = array<i32>} : memref<16x1024xf32, #tpu.memory_space<vmem>>, vector<1x16xf32>,
        %swap3A_693 = arith.index_cast %add3A_215 : i32 to index
        %swap3A_694 = arith.constant 816 : index
        %swap3A_695 = tpu.vector_load %arg8[%swap3A_693, %swap3A_694] {strides = array<i32>} : memref<16x1024xf32, #tpu.memory_space<vmem>>, vector<1x16xf32>,
        %swap3A_696 = vector.shape_cast %swap3A_695 : vector<1x16xf32> to vector<16xf32>
        %swap3A_697 = vector.shape_cast %get3A_661 : vector<16xf32> to vector<1x16xf32>
        tpu.vector_store %arg8[%swap3A_693, %swap3A_694], %swap3A_697 {add = true, strides = array<i32>} : memref<16x1024xf32, #tpu.memory_space<vmem>>, vector<1x16xf32>,
        %swap3A_698 = arith.index_cast %add3A_215 : i32 to index
        %swap3A_699 = arith.constant 832 : index
        %swap3A_700 = tpu.vector_load %arg8[%swap3A_698, %swap3A_699] {strides = array<i32>} : memref<16x1024xf32, #tpu.memory_space<vmem>>, vector<1x16xf32>,
        %swap3A_701 = vector.shape_cast %swap3A_700 : vector<1x16xf32> to vector<16xf32>
        %swap3A_702 = vector.shape_cast %get3A_665 : vector<16xf32> to vector<1x16xf32>
        tpu.vector_store %arg8[%swap3A_698, %swap3A_699], %swap3A_702 {add = true, strides = array<i32>} : memref<16x1024xf32, #tpu.memory_space<vmem>>, vector<1x16xf32>,
        %swap3A_703 = arith.index_cast %add3A_215 : i32 to index
        %swap3A_704 = arith.constant 848 : index
        %swap3A_705 = tpu.vector_load %arg8[%swap3A_703, %swap3A_704] {strides = array<i32>} : memref<16x1024xf32, #tpu.memory_space<vmem>>, vector<1x16xf32>,
        %swap3A_706 = vector.shape_cast %swap3A_705 : vector<1x16xf32> to vector<16xf32>
        %swap3A_707 = vector.shape_cast %get3A_669 : vector<16xf32> to vector<1x16xf32>
        tpu.vector_store %arg8[%swap3A_703, %swap3A_704], %swap3A_707 {add = true, strides = array<i32>} : memref<16x1024xf32, #tpu.memory_space<vmem>>, vector<1x16xf32>,
        %swap3A_708 = arith.index_cast %add3A_215 : i32 to index
        %swap3A_709 = arith.constant 864 : index
        %swap3A_710 = tpu.vector_load %arg8[%swap3A_708, %swap3A_709] {strides = array<i32>} : memref<16x1024xf32, #tpu.memory_space<vmem>>, vector<1x16xf32>,
        %swap3A_711 = vector.shape_cast %swap3A_710 : vector<1x16xf32> to vector<16xf32>
        %swap3A_712 = vector.shape_cast %get3A_673 : vector<16xf32> to vector<1x16xf32>
        tpu.vector_store %arg8[%swap3A_708, %swap3A_709], %swap3A_712 {add = true, strides = array<i32>} : memref<16x1024xf32, #tpu.memory_space<vmem>>, vector<1x16xf32>,
        %swap3A_713 = arith.index_cast %add3A_215 : i32 to index
        %swap3A_714 = arith.constant 880 : index
        %swap3A_715 = tpu.vector_load %arg8[%swap3A_713, %swap3A_714] {strides = array<i32>} : memref<16x1024xf32, #tpu.memory_space<vmem>>, vector<1x16xf32>,
        %swap3A_716 = vector.shape_cast %swap3A_715 : vector<1x16xf32> to vector<16xf32>
        %swap3A_717 = vector.shape_cast %get3A_677 : vector<16xf32> to vector<1x16xf32>
        tpu.vector_store %arg8[%swap3A_713, %swap3A_714], %swap3A_717 {add = true, strides = array<i32>} : memref<16x1024xf32, #tpu.memory_space<vmem>>, vector<1x16xf32>,
        %get3A_718 = arith.index_cast %add3A_215 : i32 to index
        %get3A_719 = arith.constant 896 : index
        %get3A_720 = tpu.vector_load %arg12[%get3A_718, %get3A_719] {strides = array<i32>} : memref<16x1024xf32, #tpu.memory_space<vmem>>, vector<1x16xf32>,
        %get3A_721 = vector.shape_cast %get3A_720 : vector<1x16xf32> to vector<16xf32>
        %get3A_722 = arith.index_cast %add3A_215 : i32 to index
        %get3A_723 = arith.constant 912 : index
        %get3A_724 = tpu.vector_load %arg12[%get3A_722, %get3A_723] {strides = array<i32>} : memref<16x1024xf32, #tpu.memory_space<vmem>>, vector<1x16xf32>,
        %get3A_725 = vector.shape_cast %get3A_724 : vector<1x16xf32> to vector<16xf32>
        %get3A_726 = arith.index_cast %add3A_215 : i32 to index
        %get3A_727 = arith.constant 928 : index
        %get3A_728 = tpu.vector_load %arg12[%get3A_726, %get3A_727] {strides = array<i32>} : memref<16x1024xf32, #tpu.memory_space<vmem>>, vector<1x16xf32>,
        %get3A_729 = vector.shape_cast %get3A_728 : vector<1x16xf32> to vector<16xf32>
        %get3A_730 = arith.index_cast %add3A_215 : i32 to index
        %get3A_731 = arith.constant 944 : index
        %get3A_732 = tpu.vector_load %arg12[%get3A_730, %get3A_731] {strides = array<i32>} : memref<16x1024xf32, #tpu.memory_space<vmem>>, vector<1x16xf32>,
        %get3A_733 = vector.shape_cast %get3A_732 : vector<1x16xf32> to vector<16xf32>
        %get3A_734 = arith.index_cast %add3A_215 : i32 to index
        %get3A_735 = arith.constant 960 : index
        %get3A_736 = tpu.vector_load %arg12[%get3A_734, %get3A_735] {strides = array<i32>} : memref<16x1024xf32, #tpu.memory_space<vmem>>, vector<1x16xf32>,
        %get3A_737 = vector.shape_cast %get3A_736 : vector<1x16xf32> to vector<16xf32>
        %get3A_738 = arith.index_cast %add3A_215 : i32 to index
        %get3A_739 = arith.constant 976 : index
        %get3A_740 = tpu.vector_load %arg12[%get3A_738, %get3A_739] {strides = array<i32>} : memref<16x1024xf32, #tpu.memory_space<vmem>>, vector<1x16xf32>,
        %get3A_741 = vector.shape_cast %get3A_740 : vector<1x16xf32> to vector<16xf32>
        %get3A_742 = arith.index_cast %add3A_215 : i32 to index
        %get3A_743 = arith.constant 992 : index
        %get3A_744 = tpu.vector_load %arg12[%get3A_742, %get3A_743] {strides = array<i32>} : memref<16x1024xf32, #tpu.memory_space<vmem>>, vector<1x16xf32>,
        %get3A_745 = vector.shape_cast %get3A_744 : vector<1x16xf32> to vector<16xf32>
        %get3A_746 = arith.index_cast %add3A_215 : i32 to index
        %get3A_747 = arith.constant 1008 : index
        %get3A_748 = tpu.vector_load %arg12[%get3A_746, %get3A_747] {strides = array<i32>} : memref<16x1024xf32, #tpu.memory_space<vmem>>, vector<1x16xf32>,
        %get3A_749 = vector.shape_cast %get3A_748 : vector<1x16xf32> to vector<16xf32>
        %swap3A_750 = arith.index_cast %add3A_215 : i32 to index
        %swap3A_751 = arith.constant 896 : index
        %swap3A_752 = tpu.vector_load %arg8[%swap3A_750, %swap3A_751] {strides = array<i32>} : memref<16x1024xf32, #tpu.memory_space<vmem>>, vector<1x16xf32>,
        %swap3A_753 = vector.shape_cast %swap3A_752 : vector<1x16xf32> to vector<16xf32>
        %swap3A_754 = vector.shape_cast %get3A_721 : vector<16xf32> to vector<1x16xf32>
        tpu.vector_store %arg8[%swap3A_750, %swap3A_751], %swap3A_754 {add = true, strides = array<i32>} : memref<16x1024xf32, #tpu.memory_space<vmem>>, vector<1x16xf32>,
        %swap3A_755 = arith.index_cast %add3A_215 : i32 to index
        %swap3A_756 = arith.constant 912 : index
        %swap3A_757 = tpu.vector_load %arg8[%swap3A_755, %swap3A_756] {strides = array<i32>} : memref<16x1024xf32, #tpu.memory_space<vmem>>, vector<1x16xf32>,
        %swap3A_758 = vector.shape_cast %swap3A_757 : vector<1x16xf32> to vector<16xf32>
        %swap3A_759 = vector.shape_cast %get3A_725 : vector<16xf32> to vector<1x16xf32>
        tpu.vector_store %arg8[%swap3A_755, %swap3A_756], %swap3A_759 {add = true, strides = array<i32>} : memref<16x1024xf32, #tpu.memory_space<vmem>>, vector<1x16xf32>,
        %swap3A_760 = arith.index_cast %add3A_215 : i32 to index
        %swap3A_761 = arith.constant 928 : index
        %swap3A_762 = tpu.vector_load %arg8[%swap3A_760, %swap3A_761] {strides = array<i32>} : memref<16x1024xf32, #tpu.memory_space<vmem>>, vector<1x16xf32>,
        %swap3A_763 = vector.shape_cast %swap3A_762 : vector<1x16xf32> to vector<16xf32>
        %swap3A_764 = vector.shape_cast %get3A_729 : vector<16xf32> to vector<1x16xf32>
        tpu.vector_store %arg8[%swap3A_760, %swap3A_761], %swap3A_764 {add = true, strides = array<i32>} : memref<16x1024xf32, #tpu.memory_space<vmem>>, vector<1x16xf32>,
        %swap3A_765 = arith.index_cast %add3A_215 : i32 to index
        %swap3A_766 = arith.constant 944 : index
        %swap3A_767 = tpu.vector_load %arg8[%swap3A_765, %swap3A_766] {strides = array<i32>} : memref<16x1024xf32, #tpu.memory_space<vmem>>, vector<1x16xf32>,
        %swap3A_768 = vector.shape_cast %swap3A_767 : vector<1x16xf32> to vector<16xf32>
        %swap3A_769 = vector.shape_cast %get3A_733 : vector<16xf32> to vector<1x16xf32>
        tpu.vector_store %arg8[%swap3A_765, %swap3A_766], %swap3A_769 {add = true, strides = array<i32>} : memref<16x1024xf32, #tpu.memory_space<vmem>>, vector<1x16xf32>,
        %swap3A_770 = arith.index_cast %add3A_215 : i32 to index
        %swap3A_771 = arith.constant 960 : index
        %swap3A_772 = tpu.vector_load %arg8[%swap3A_770, %swap3A_771] {strides = array<i32>} : memref<16x1024xf32, #tpu.memory_space<vmem>>, vector<1x16xf32>,
        %swap3A_773 = vector.shape_cast %swap3A_772 : vector<1x16xf32> to vector<16xf32>
        %swap3A_774 = vector.shape_cast %get3A_737 : vector<16xf32> to vector<1x16xf32>
        tpu.vector_store %arg8[%swap3A_770, %swap3A_771], %swap3A_774 {add = true, strides = array<i32>} : memref<16x1024xf32, #tpu.memory_space<vmem>>, vector<1x16xf32>,
        %swap3A_775 = arith.index_cast %add3A_215 : i32 to index
        %swap3A_776 = arith.constant 976 : index
        %swap3A_777 = tpu.vector_load %arg8[%swap3A_775, %swap3A_776] {strides = array<i32>} : memref<16x1024xf32, #tpu.memory_space<vmem>>, vector<1x16xf32>,
        %swap3A_778 = vector.shape_cast %swap3A_777 : vector<1x16xf32> to vector<16xf32>
        %swap3A_779 = vector.shape_cast %get3A_741 : vector<16xf32> to vector<1x16xf32>
        tpu.vector_store %arg8[%swap3A_775, %swap3A_776], %swap3A_779 {add = true, strides = array<i32>} : memref<16x1024xf32, #tpu.memory_space<vmem>>, vector<1x16xf32>,
        %swap3A_780 = arith.index_cast %add3A_215 : i32 to index
        %swap3A_781 = arith.constant 992 : index
        %swap3A_782 = tpu.vector_load %arg8[%swap3A_780, %swap3A_781] {strides = array<i32>} : memref<16x1024xf32, #tpu.memory_space<vmem>>, vector<1x16xf32>,
        %swap3A_783 = vector.shape_cast %swap3A_782 : vector<1x16xf32> to vector<16xf32>
        %swap3A_784 = vector.shape_cast %get3A_745 : vector<16xf32> to vector<1x16xf32>
        tpu.vector_store %arg8[%swap3A_780, %swap3A_781], %swap3A_784 {add = true, strides = array<i32>} : memref<16x1024xf32, #tpu.memory_space<vmem>>, vector<1x16xf32>,
        %swap3A_785 = arith.index_cast %add3A_215 : i32 to index
        %swap3A_786 = arith.constant 1008 : index
        %swap3A_787 = tpu.vector_load %arg8[%swap3A_785, %swap3A_786] {strides = array<i32>} : memref<16x1024xf32, #tpu.memory_space<vmem>>, vector<1x16xf32>,
        %swap3A_788 = vector.shape_cast %swap3A_787 : vector<1x16xf32> to vector<16xf32>
        %swap3A_789 = vector.shape_cast %get3A_749 : vector<16xf32> to vector<1x16xf32>
        tpu.vector_store %arg8[%swap3A_785, %swap3A_786], %swap3A_789 {add = true, strides = array<i32>} : memref<16x1024xf32, #tpu.memory_space<vmem>>, vector<1x16xf32>,
      }
      %scan3A_117 = arith.constant 16 : i32
      %mul3A_118 = arith.constant 16 : i32
      %mul3A_119 = arith.muli %add3A_85, %mul3A_118 : i32
      %add3A_120 = arith.addi %mul3A_2, %mul3A_119 : i32
      %dma_start3A_121 = arith.constant 0 : i32
      %dma_start3A_122 = tpu.memref_slice %arg5[%add3A_120, %dma_start3A_121] : memref<32768x1024xf32, #tpu.memory_space<hbm>> -> memref<16x1024xf32, #tpu.memory_space<hbm>>
      %dma_start3A_123 = arith.constant 0 : i32
      %dma_start3A_124 = tpu.memref_slice %arg5[%add3A_120, %dma_start3A_123] : memref<32768x1024xf32, #tpu.memory_space<hbm>> -> memref<16x1024xf32, #tpu.memory_space<hbm>>
      tpu.enqueue_dma source(%arg8 : memref<16x1024xf32, #tpu.memory_space<vmem>>) target(%dma_start3A_124 : memref<16x1024xf32, #tpu.memory_space<hbm>>) target_semaphore(%arg20 : memref<!tpu.dma_semaphore, #tpu.memory_space<semaphore_mem>>)
      %mul3A_125 = arith.constant 4 : i32
      %mul3A_126 = arith.muli %add3A_41, %mul3A_125 : i32
      %add3A_127 = arith.constant 2 : i32
      %add3A_128 = arith.addi %mul3A_126, %add3A_127 : i32
      %add3A_129 = arith.constant 2 : i32
      %add3A_130 = arith.addi %add3A_128, %add3A_129 : i32
      %lt3A_131 = arith.constant 64 : i32
      %lt3A_132 = arith.cmpi slt, %add3A_130, %lt3A_131 : i32
      %convert_element_type3A_133 = arith.extui %lt3A_132 : i1 to i32
      %cond3A_134 = arith.constant 0 : i32
      %cond3A_135 = arith.cmpi ne, %convert_element_type3A_133, %cond3A_134 : i32
      scf.if %cond3A_135 {
        %ge3A = arith.constant 2 : i32
        %ge3A_211 = arith.cmpi sge, %add3A_128, %ge3A : i32
        %convert_element_type3A_212 = arith.extui %ge3A_211 : i1 to i32
        %cond3A_213 = arith.constant 0 : i32
        %cond3A_214 = arith.cmpi ne, %convert_element_type3A_212, %cond3A_213 : i32
        scf.if %cond3A_214 {
          %dma_wait3A_223 = arith.constant 0 : i32
          %dma_wait3A_224 = tpu.memref_slice %arg5[%mul3A_2, %dma_wait3A_223] : memref<32768x1024xf32, #tpu.memory_space<hbm>> -> memref<16x1024xf32, #tpu.memory_space<hbm>>
          %dma_wait3A_225 = arith.constant 0 : i32
          %dma_wait3A_226 = tpu.memref_slice %arg5[%mul3A_2, %dma_wait3A_225] : memref<32768x1024xf32, #tpu.memory_space<hbm>> -> memref<16x1024xf32, #tpu.memory_space<hbm>>
          tpu.wait_dma2 semaphore(%arg19 : memref<!tpu.dma_semaphore, #tpu.memory_space<semaphore_mem>>) src(%arg7 : memref<16x1024xf32, #tpu.memory_space<vmem>>) dst(%dma_wait3A_226 : memref<16x1024xf32, #tpu.memory_space<hbm>>)
        } else {
        }
        %add3A_215 = arith.constant 2 : i32
        %add3A_216 = arith.addi %add3A_128, %add3A_215 : i32
        %mul3A_217 = arith.constant 16 : i32
        %mul3A_218 = arith.muli %add3A_216, %mul3A_217 : i32
        %dma_start3A_219 = tpu.memref_slice %arg6[%mul3A_218] : memref<1024xi32, #tpu.memory_space<vmem>> -> memref<16xi32, #tpu.memory_space<vmem>>
        %dma_start3A_220 = arith.constant 0 : i32
        %dma_start3A_221 = arith.constant 0 : i32
        %dma_start3A_222 = tpu.memref_slice %arg4[%dma_start3A_220, %dma_start3A_221] : memref<8192x1024xf32, #tpu.memory_space<hbm>> -> memref<8192x1024xf32, #tpu.memory_space<hbm>>
        tpu.enqueue_indirect_dma source(%dma_start3A_222 : memref<8192x1024xf32, #tpu.memory_space<hbm>>) target(%arg7 : memref<16x1024xf32, #tpu.memory_space<vmem>>) offsets(%dma_start3A_219 : memref<16xi32, #tpu.memory_space<vmem>>) semaphore(%arg13 : memref<!tpu.dma_semaphore, #tpu.memory_space<semaphore_mem>>)
      } else {
      }
      %add3A_136 = arith.constant 1 : i32
      %add3A_137 = arith.addi %add3A_128, %add3A_136 : i32
      %lt3A_138 = arith.constant 64 : i32
      %lt3A_139 = arith.cmpi slt, %add3A_137, %lt3A_138 : i32
      %convert_element_type3A_140 = arith.extui %lt3A_139 : i1 to i32
      %cond3A_141 = arith.constant 0 : i32
      %cond3A_142 = arith.cmpi ne, %convert_element_type3A_140, %cond3A_141 : i32
      scf.if %cond3A_142 {
        %add3A_211 = arith.constant 1 : i32
        %add3A_212 = arith.addi %add3A_128, %add3A_211 : i32
        %mul3A_213 = arith.constant 16 : i32
        %mul3A_214 = arith.muli %add3A_212, %mul3A_213 : i32
        %add3A_215 = arith.addi %mul3A_2, %mul3A_214 : i32
        %dma_start3A_216 = arith.constant 0 : i32
        %dma_start3A_217 = tpu.memref_slice %arg2[%add3A_215, %dma_start3A_216] : memref<32768x1024xf32, #tpu.memory_space<hbm>> -> memref<16x1024xf32, #tpu.memory_space<hbm>>
        %dma_start3A_218 = arith.constant 0 : i32
        %dma_start3A_219 = tpu.memref_slice %arg2[%add3A_215, %dma_start3A_218] : memref<32768x1024xf32, #tpu.memory_space<hbm>> -> memref<16x1024xf32, #tpu.memory_space<hbm>>
        tpu.enqueue_dma source(%dma_start3A_219 : memref<16x1024xf32, #tpu.memory_space<hbm>>) target(%arg12 : memref<16x1024xf32, #tpu.memory_space<vmem>>) target_semaphore(%arg18 : memref<!tpu.dma_semaphore, #tpu.memory_space<semaphore_mem>>)
      } else {
      }
      %mul3A_143 = arith.constant 16 : i32
      %mul3A_144 = arith.muli %add3A_128, %mul3A_143 : i32
      %dma_wait3A_145 = tpu.memref_slice %arg6[%mul3A_144] : memref<1024xi32, #tpu.memory_space<vmem>> -> memref<16xi32, #tpu.memory_space<vmem>>
      %dma_wait3A_146 = arith.constant 0 : i32
      %dma_wait3A_147 = arith.constant 0 : i32
      %dma_wait3A_148 = tpu.memref_slice %arg4[%dma_wait3A_146, %dma_wait3A_147] : memref<8192x1024xf32, #tpu.memory_space<hbm>> -> memref<8192x1024xf32, #tpu.memory_space<hbm>>
      tpu.wait_indirect_dma semaphore(%arg15 : memref<!tpu.dma_semaphore, #tpu.memory_space<semaphore_mem>>) src(%dma_wait3A_148 : memref<8192x1024xf32, #tpu.memory_space<hbm>>) dst(%arg9 : memref<16x1024xf32, #tpu.memory_space<vmem>>)
      %mul3A_149 = arith.constant 16 : i32
      %mul3A_150 = arith.muli %add3A_128, %mul3A_149 : i32
      %add3A_151 = arith.addi %mul3A_2, %mul3A_150 : i32
      %dma_wait3A_152 = arith.constant 0 : i32
      %dma_wait3A_153 = tpu.memref_slice %arg2[%add3A_151, %dma_wait3A_152] : memref<32768x1024xf32, #tpu.memory_space<hbm>> -> memref<16x1024xf32, #tpu.memory_space<hbm>>
      %dma_wait3A_154 = arith.constant 0 : i32
      %dma_wait3A_155 = tpu.memref_slice %arg2[%add3A_151, %dma_wait3A_154] : memref<32768x1024xf32, #tpu.memory_space<hbm>> -> memref<16x1024xf32, #tpu.memory_space<hbm>>
      tpu.wait_dma2 semaphore(%arg17 : memref<!tpu.dma_semaphore, #tpu.memory_space<semaphore_mem>>) src(%dma_wait3A_155 : memref<16x1024xf32, #tpu.memory_space<hbm>>) dst(%arg11 : memref<16x1024xf32, #tpu.memory_space<vmem>>)
      %scan3A_156 = arith.constant 0 : i32
      %scan3A_157 = arith.constant 16 : i32
      %scan3A_158 = arith.addi %scan3A_156, %scan3A_157 : i32
      %scan3A_159 = arith.constant 1 : i32
      scf.for %scan3A_211 = %scan3A_156 to %scan3A_158 step %scan3A_159  : i32 {
        %mul3A_212 = arith.constant 1 : i32
        %mul3A_213 = arith.muli %scan3A_211, %mul3A_212 : i32
        %add3A_214 = arith.constant 0 : i32
        %add3A_215 = arith.addi %add3A_214, %mul3A_213 : i32
        %get3A = arith.index_cast %add3A_215 : i32 to index
        %get3A_216 = arith.constant 0 : index
        %get3A_217 = tpu.vector_load %arg11[%get3A, %get3A_216] {strides = array<i32>} : memref<16x1024xf32, #tpu.memory_space<vmem>>, vector<1x16xf32>,
        %get3A_218 = vector.shape_cast %get3A_217 : vector<1x16xf32> to vector<16xf32>
        %get3A_219 = arith.index_cast %add3A_215 : i32 to index
        %get3A_220 = arith.constant 16 : index
        %get3A_221 = tpu.vector_load %arg11[%get3A_219, %get3A_220] {strides = array<i32>} : memref<16x1024xf32, #tpu.memory_space<vmem>>, vector<1x16xf32>,
        %get3A_222 = vector.shape_cast %get3A_221 : vector<1x16xf32> to vector<16xf32>
        %get3A_223 = arith.index_cast %add3A_215 : i32 to index
        %get3A_224 = arith.constant 32 : index
        %get3A_225 = tpu.vector_load %arg11[%get3A_223, %get3A_224] {strides = array<i32>} : memref<16x1024xf32, #tpu.memory_space<vmem>>, vector<1x16xf32>,
        %get3A_226 = vector.shape_cast %get3A_225 : vector<1x16xf32> to vector<16xf32>
        %get3A_227 = arith.index_cast %add3A_215 : i32 to index
        %get3A_228 = arith.constant 48 : index
        %get3A_229 = tpu.vector_load %arg11[%get3A_227, %get3A_228] {strides = array<i32>} : memref<16x1024xf32, #tpu.memory_space<vmem>>, vector<1x16xf32>,
        %get3A_230 = vector.shape_cast %get3A_229 : vector<1x16xf32> to vector<16xf32>
        %get3A_231 = arith.index_cast %add3A_215 : i32 to index
        %get3A_232 = arith.constant 64 : index
        %get3A_233 = tpu.vector_load %arg11[%get3A_231, %get3A_232] {strides = array<i32>} : memref<16x1024xf32, #tpu.memory_space<vmem>>, vector<1x16xf32>,
        %get3A_234 = vector.shape_cast %get3A_233 : vector<1x16xf32> to vector<16xf32>
        %get3A_235 = arith.index_cast %add3A_215 : i32 to index
        %get3A_236 = arith.constant 80 : index
        %get3A_237 = tpu.vector_load %arg11[%get3A_235, %get3A_236] {strides = array<i32>} : memref<16x1024xf32, #tpu.memory_space<vmem>>, vector<1x16xf32>,
        %get3A_238 = vector.shape_cast %get3A_237 : vector<1x16xf32> to vector<16xf32>
        %get3A_239 = arith.index_cast %add3A_215 : i32 to index
        %get3A_240 = arith.constant 96 : index
        %get3A_241 = tpu.vector_load %arg11[%get3A_239, %get3A_240] {strides = array<i32>} : memref<16x1024xf32, #tpu.memory_space<vmem>>, vector<1x16xf32>,
        %get3A_242 = vector.shape_cast %get3A_241 : vector<1x16xf32> to vector<16xf32>
        %get3A_243 = arith.index_cast %add3A_215 : i32 to index
        %get3A_244 = arith.constant 112 : index
        %get3A_245 = tpu.vector_load %arg11[%get3A_243, %get3A_244] {strides = array<i32>} : memref<16x1024xf32, #tpu.memory_space<vmem>>, vector<1x16xf32>,
        %get3A_246 = vector.shape_cast %get3A_245 : vector<1x16xf32> to vector<16xf32>
        %swap3A = arith.index_cast %add3A_215 : i32 to index
        %swap3A_247 = arith.constant 0 : index
        %swap3A_248 = tpu.vector_load %arg9[%swap3A, %swap3A_247] {strides = array<i32>} : memref<16x1024xf32, #tpu.memory_space<vmem>>, vector<1x16xf32>,
        %swap3A_249 = vector.shape_cast %swap3A_248 : vector<1x16xf32> to vector<16xf32>
        %swap3A_250 = vector.shape_cast %get3A_218 : vector<16xf32> to vector<1x16xf32>
        tpu.vector_store %arg9[%swap3A, %swap3A_247], %swap3A_250 {add = true, strides = array<i32>} : memref<16x1024xf32, #tpu.memory_space<vmem>>, vector<1x16xf32>,
        %swap3A_251 = arith.index_cast %add3A_215 : i32 to index
        %swap3A_252 = arith.constant 16 : index
        %swap3A_253 = tpu.vector_load %arg9[%swap3A_251, %swap3A_252] {strides = array<i32>} : memref<16x1024xf32, #tpu.memory_space<vmem>>, vector<1x16xf32>,
        %swap3A_254 = vector.shape_cast %swap3A_253 : vector<1x16xf32> to vector<16xf32>
        %swap3A_255 = vector.shape_cast %get3A_222 : vector<16xf32> to vector<1x16xf32>
        tpu.vector_store %arg9[%swap3A_251, %swap3A_252], %swap3A_255 {add = true, strides = array<i32>} : memref<16x1024xf32, #tpu.memory_space<vmem>>, vector<1x16xf32>,
        %swap3A_256 = arith.index_cast %add3A_215 : i32 to index
        %swap3A_257 = arith.constant 32 : index
        %swap3A_258 = tpu.vector_load %arg9[%swap3A_256, %swap3A_257] {strides = array<i32>} : memref<16x1024xf32, #tpu.memory_space<vmem>>, vector<1x16xf32>,
        %swap3A_259 = vector.shape_cast %swap3A_258 : vector<1x16xf32> to vector<16xf32>
        %swap3A_260 = vector.shape_cast %get3A_226 : vector<16xf32> to vector<1x16xf32>
        tpu.vector_store %arg9[%swap3A_256, %swap3A_257], %swap3A_260 {add = true, strides = array<i32>} : memref<16x1024xf32, #tpu.memory_space<vmem>>, vector<1x16xf32>,
        %swap3A_261 = arith.index_cast %add3A_215 : i32 to index
        %swap3A_262 = arith.constant 48 : index
        %swap3A_263 = tpu.vector_load %arg9[%swap3A_261, %swap3A_262] {strides = array<i32>} : memref<16x1024xf32, #tpu.memory_space<vmem>>, vector<1x16xf32>,
        %swap3A_264 = vector.shape_cast %swap3A_263 : vector<1x16xf32> to vector<16xf32>
        %swap3A_265 = vector.shape_cast %get3A_230 : vector<16xf32> to vector<1x16xf32>
        tpu.vector_store %arg9[%swap3A_261, %swap3A_262], %swap3A_265 {add = true, strides = array<i32>} : memref<16x1024xf32, #tpu.memory_space<vmem>>, vector<1x16xf32>,
        %swap3A_266 = arith.index_cast %add3A_215 : i32 to index
        %swap3A_267 = arith.constant 64 : index
        %swap3A_268 = tpu.vector_load %arg9[%swap3A_266, %swap3A_267] {strides = array<i32>} : memref<16x1024xf32, #tpu.memory_space<vmem>>, vector<1x16xf32>,
        %swap3A_269 = vector.shape_cast %swap3A_268 : vector<1x16xf32> to vector<16xf32>
        %swap3A_270 = vector.shape_cast %get3A_234 : vector<16xf32> to vector<1x16xf32>
        tpu.vector_store %arg9[%swap3A_266, %swap3A_267], %swap3A_270 {add = true, strides = array<i32>} : memref<16x1024xf32, #tpu.memory_space<vmem>>, vector<1x16xf32>,
        %swap3A_271 = arith.index_cast %add3A_215 : i32 to index
        %swap3A_272 = arith.constant 80 : index
        %swap3A_273 = tpu.vector_load %arg9[%swap3A_271, %swap3A_272] {strides = array<i32>} : memref<16x1024xf32, #tpu.memory_space<vmem>>, vector<1x16xf32>,
        %swap3A_274 = vector.shape_cast %swap3A_273 : vector<1x16xf32> to vector<16xf32>
        %swap3A_275 = vector.shape_cast %get3A_238 : vector<16xf32> to vector<1x16xf32>
        tpu.vector_store %arg9[%swap3A_271, %swap3A_272], %swap3A_275 {add = true, strides = array<i32>} : memref<16x1024xf32, #tpu.memory_space<vmem>>, vector<1x16xf32>,
        %swap3A_276 = arith.index_cast %add3A_215 : i32 to index
        %swap3A_277 = arith.constant 96 : index
        %swap3A_278 = tpu.vector_load %arg9[%swap3A_276, %swap3A_277] {strides = array<i32>} : memref<16x1024xf32, #tpu.memory_space<vmem>>, vector<1x16xf32>,
        %swap3A_279 = vector.shape_cast %swap3A_278 : vector<1x16xf32> to vector<16xf32>
        %swap3A_280 = vector.shape_cast %get3A_242 : vector<16xf32> to vector<1x16xf32>
        tpu.vector_store %arg9[%swap3A_276, %swap3A_277], %swap3A_280 {add = true, strides = array<i32>} : memref<16x1024xf32, #tpu.memory_space<vmem>>, vector<1x16xf32>,
        %swap3A_281 = arith.index_cast %add3A_215 : i32 to index
        %swap3A_282 = arith.constant 112 : index
        %swap3A_283 = tpu.vector_load %arg9[%swap3A_281, %swap3A_282] {strides = array<i32>} : memref<16x1024xf32, #tpu.memory_space<vmem>>, vector<1x16xf32>,
        %swap3A_284 = vector.shape_cast %swap3A_283 : vector<1x16xf32> to vector<16xf32>
        %swap3A_285 = vector.shape_cast %get3A_246 : vector<16xf32> to vector<1x16xf32>
        tpu.vector_store %arg9[%swap3A_281, %swap3A_282], %swap3A_285 {add = true, strides = array<i32>} : memref<16x1024xf32, #tpu.memory_space<vmem>>, vector<1x16xf32>,
        %get3A_286 = arith.index_cast %add3A_215 : i32 to index
        %get3A_287 = arith.constant 128 : index
        %get3A_288 = tpu.vector_load %arg11[%get3A_286, %get3A_287] {strides = array<i32>} : memref<16x1024xf32, #tpu.memory_space<vmem>>, vector<1x16xf32>,
        %get3A_289 = vector.shape_cast %get3A_288 : vector<1x16xf32> to vector<16xf32>
        %get3A_290 = arith.index_cast %add3A_215 : i32 to index
        %get3A_291 = arith.constant 144 : index
        %get3A_292 = tpu.vector_load %arg11[%get3A_290, %get3A_291] {strides = array<i32>} : memref<16x1024xf32, #tpu.memory_space<vmem>>, vector<1x16xf32>,
        %get3A_293 = vector.shape_cast %get3A_292 : vector<1x16xf32> to vector<16xf32>
        %get3A_294 = arith.index_cast %add3A_215 : i32 to index
        %get3A_295 = arith.constant 160 : index
        %get3A_296 = tpu.vector_load %arg11[%get3A_294, %get3A_295] {strides = array<i32>} : memref<16x1024xf32, #tpu.memory_space<vmem>>, vector<1x16xf32>,
        %get3A_297 = vector.shape_cast %get3A_296 : vector<1x16xf32> to vector<16xf32>
        %get3A_298 = arith.index_cast %add3A_215 : i32 to index
        %get3A_299 = arith.constant 176 : index
        %get3A_300 = tpu.vector_load %arg11[%get3A_298, %get3A_299] {strides = array<i32>} : memref<16x1024xf32, #tpu.memory_space<vmem>>, vector<1x16xf32>,
        %get3A_301 = vector.shape_cast %get3A_300 : vector<1x16xf32> to vector<16xf32>
        %get3A_302 = arith.index_cast %add3A_215 : i32 to index
        %get3A_303 = arith.constant 192 : index
        %get3A_304 = tpu.vector_load %arg11[%get3A_302, %get3A_303] {strides = array<i32>} : memref<16x1024xf32, #tpu.memory_space<vmem>>, vector<1x16xf32>,
        %get3A_305 = vector.shape_cast %get3A_304 : vector<1x16xf32> to vector<16xf32>
        %get3A_306 = arith.index_cast %add3A_215 : i32 to index
        %get3A_307 = arith.constant 208 : index
        %get3A_308 = tpu.vector_load %arg11[%get3A_306, %get3A_307] {strides = array<i32>} : memref<16x1024xf32, #tpu.memory_space<vmem>>, vector<1x16xf32>,
        %get3A_309 = vector.shape_cast %get3A_308 : vector<1x16xf32> to vector<16xf32>
        %get3A_310 = arith.index_cast %add3A_215 : i32 to index
        %get3A_311 = arith.constant 224 : index
        %get3A_312 = tpu.vector_load %arg11[%get3A_310, %get3A_311] {strides = array<i32>} : memref<16x1024xf32, #tpu.memory_space<vmem>>, vector<1x16xf32>,
        %get3A_313 = vector.shape_cast %get3A_312 : vector<1x16xf32> to vector<16xf32>
        %get3A_314 = arith.index_cast %add3A_215 : i32 to index
        %get3A_315 = arith.constant 240 : index
        %get3A_316 = tpu.vector_load %arg11[%get3A_314, %get3A_315] {strides = array<i32>} : memref<16x1024xf32, #tpu.memory_space<vmem>>, vector<1x16xf32>,
        %get3A_317 = vector.shape_cast %get3A_316 : vector<1x16xf32> to vector<16xf32>
        %swap3A_318 = arith.index_cast %add3A_215 : i32 to index
        %swap3A_319 = arith.constant 128 : index
        %swap3A_320 = tpu.vector_load %arg9[%swap3A_318, %swap3A_319] {strides = array<i32>} : memref<16x1024xf32, #tpu.memory_space<vmem>>, vector<1x16xf32>,
        %swap3A_321 = vector.shape_cast %swap3A_320 : vector<1x16xf32> to vector<16xf32>
        %swap3A_322 = vector.shape_cast %get3A_289 : vector<16xf32> to vector<1x16xf32>
        tpu.vector_store %arg9[%swap3A_318, %swap3A_319], %swap3A_322 {add = true, strides = array<i32>} : memref<16x1024xf32, #tpu.memory_space<vmem>>, vector<1x16xf32>,
        %swap3A_323 = arith.index_cast %add3A_215 : i32 to index
        %swap3A_324 = arith.constant 144 : index
        %swap3A_325 = tpu.vector_load %arg9[%swap3A_323, %swap3A_324] {strides = array<i32>} : memref<16x1024xf32, #tpu.memory_space<vmem>>, vector<1x16xf32>,
        %swap3A_326 = vector.shape_cast %swap3A_325 : vector<1x16xf32> to vector<16xf32>
        %swap3A_327 = vector.shape_cast %get3A_293 : vector<16xf32> to vector<1x16xf32>
        tpu.vector_store %arg9[%swap3A_323, %swap3A_324], %swap3A_327 {add = true, strides = array<i32>} : memref<16x1024xf32, #tpu.memory_space<vmem>>, vector<1x16xf32>,
        %swap3A_328 = arith.index_cast %add3A_215 : i32 to index
        %swap3A_329 = arith.constant 160 : index
        %swap3A_330 = tpu.vector_load %arg9[%swap3A_328, %swap3A_329] {strides = array<i32>} : memref<16x1024xf32, #tpu.memory_space<vmem>>, vector<1x16xf32>,
        %swap3A_331 = vector.shape_cast %swap3A_330 : vector<1x16xf32> to vector<16xf32>
        %swap3A_332 = vector.shape_cast %get3A_297 : vector<16xf32> to vector<1x16xf32>
        tpu.vector_store %arg9[%swap3A_328, %swap3A_329], %swap3A_332 {add = true, strides = array<i32>} : memref<16x1024xf32, #tpu.memory_space<vmem>>, vector<1x16xf32>,
        %swap3A_333 = arith.index_cast %add3A_215 : i32 to index
        %swap3A_334 = arith.constant 176 : index
        %swap3A_335 = tpu.vector_load %arg9[%swap3A_333, %swap3A_334] {strides = array<i32>} : memref<16x1024xf32, #tpu.memory_space<vmem>>, vector<1x16xf32>,
        %swap3A_336 = vector.shape_cast %swap3A_335 : vector<1x16xf32> to vector<16xf32>
        %swap3A_337 = vector.shape_cast %get3A_301 : vector<16xf32> to vector<1x16xf32>
        tpu.vector_store %arg9[%swap3A_333, %swap3A_334], %swap3A_337 {add = true, strides = array<i32>} : memref<16x1024xf32, #tpu.memory_space<vmem>>, vector<1x16xf32>,
        %swap3A_338 = arith.index_cast %add3A_215 : i32 to index
        %swap3A_339 = arith.constant 192 : index
        %swap3A_340 = tpu.vector_load %arg9[%swap3A_338, %swap3A_339] {strides = array<i32>} : memref<16x1024xf32, #tpu.memory_space<vmem>>, vector<1x16xf32>,
        %swap3A_341 = vector.shape_cast %swap3A_340 : vector<1x16xf32> to vector<16xf32>
        %swap3A_342 = vector.shape_cast %get3A_305 : vector<16xf32> to vector<1x16xf32>
        tpu.vector_store %arg9[%swap3A_338, %swap3A_339], %swap3A_342 {add = true, strides = array<i32>} : memref<16x1024xf32, #tpu.memory_space<vmem>>, vector<1x16xf32>,
        %swap3A_343 = arith.index_cast %add3A_215 : i32 to index
        %swap3A_344 = arith.constant 208 : index
        %swap3A_345 = tpu.vector_load %arg9[%swap3A_343, %swap3A_344] {strides = array<i32>} : memref<16x1024xf32, #tpu.memory_space<vmem>>, vector<1x16xf32>,
        %swap3A_346 = vector.shape_cast %swap3A_345 : vector<1x16xf32> to vector<16xf32>
        %swap3A_347 = vector.shape_cast %get3A_309 : vector<16xf32> to vector<1x16xf32>
        tpu.vector_store %arg9[%swap3A_343, %swap3A_344], %swap3A_347 {add = true, strides = array<i32>} : memref<16x1024xf32, #tpu.memory_space<vmem>>, vector<1x16xf32>,
        %swap3A_348 = arith.index_cast %add3A_215 : i32 to index
        %swap3A_349 = arith.constant 224 : index
        %swap3A_350 = tpu.vector_load %arg9[%swap3A_348, %swap3A_349] {strides = array<i32>} : memref<16x1024xf32, #tpu.memory_space<vmem>>, vector<1x16xf32>,
        %swap3A_351 = vector.shape_cast %swap3A_350 : vector<1x16xf32> to vector<16xf32>
        %swap3A_352 = vector.shape_cast %get3A_313 : vector<16xf32> to vector<1x16xf32>
        tpu.vector_store %arg9[%swap3A_348, %swap3A_349], %swap3A_352 {add = true, strides = array<i32>} : memref<16x1024xf32, #tpu.memory_space<vmem>>, vector<1x16xf32>,
        %swap3A_353 = arith.index_cast %add3A_215 : i32 to index
        %swap3A_354 = arith.constant 240 : index
        %swap3A_355 = tpu.vector_load %arg9[%swap3A_353, %swap3A_354] {strides = array<i32>} : memref<16x1024xf32, #tpu.memory_space<vmem>>, vector<1x16xf32>,
        %swap3A_356 = vector.shape_cast %swap3A_355 : vector<1x16xf32> to vector<16xf32>
        %swap3A_357 = vector.shape_cast %get3A_317 : vector<16xf32> to vector<1x16xf32>
        tpu.vector_store %arg9[%swap3A_353, %swap3A_354], %swap3A_357 {add = true, strides = array<i32>} : memref<16x1024xf32, #tpu.memory_space<vmem>>, vector<1x16xf32>,
        %get3A_358 = arith.index_cast %add3A_215 : i32 to index
        %get3A_359 = arith.constant 256 : index
        %get3A_360 = tpu.vector_load %arg11[%get3A_358, %get3A_359] {strides = array<i32>} : memref<16x1024xf32, #tpu.memory_space<vmem>>, vector<1x16xf32>,
        %get3A_361 = vector.shape_cast %get3A_360 : vector<1x16xf32> to vector<16xf32>
        %get3A_362 = arith.index_cast %add3A_215 : i32 to index
        %get3A_363 = arith.constant 272 : index
        %get3A_364 = tpu.vector_load %arg11[%get3A_362, %get3A_363] {strides = array<i32>} : memref<16x1024xf32, #tpu.memory_space<vmem>>, vector<1x16xf32>,
        %get3A_365 = vector.shape_cast %get3A_364 : vector<1x16xf32> to vector<16xf32>
        %get3A_366 = arith.index_cast %add3A_215 : i32 to index
        %get3A_367 = arith.constant 288 : index
        %get3A_368 = tpu.vector_load %arg11[%get3A_366, %get3A_367] {strides = array<i32>} : memref<16x1024xf32, #tpu.memory_space<vmem>>, vector<1x16xf32>,
        %get3A_369 = vector.shape_cast %get3A_368 : vector<1x16xf32> to vector<16xf32>
        %get3A_370 = arith.index_cast %add3A_215 : i32 to index
        %get3A_371 = arith.constant 304 : index
        %get3A_372 = tpu.vector_load %arg11[%get3A_370, %get3A_371] {strides = array<i32>} : memref<16x1024xf32, #tpu.memory_space<vmem>>, vector<1x16xf32>,
        %get3A_373 = vector.shape_cast %get3A_372 : vector<1x16xf32> to vector<16xf32>
        %get3A_374 = arith.index_cast %add3A_215 : i32 to index
        %get3A_375 = arith.constant 320 : index
        %get3A_376 = tpu.vector_load %arg11[%get3A_374, %get3A_375] {strides = array<i32>} : memref<16x1024xf32, #tpu.memory_space<vmem>>, vector<1x16xf32>,
        %get3A_377 = vector.shape_cast %get3A_376 : vector<1x16xf32> to vector<16xf32>
        %get3A_378 = arith.index_cast %add3A_215 : i32 to index
        %get3A_379 = arith.constant 336 : index
        %get3A_380 = tpu.vector_load %arg11[%get3A_378, %get3A_379] {strides = array<i32>} : memref<16x1024xf32, #tpu.memory_space<vmem>>, vector<1x16xf32>,
        %get3A_381 = vector.shape_cast %get3A_380 : vector<1x16xf32> to vector<16xf32>
        %get3A_382 = arith.index_cast %add3A_215 : i32 to index
        %get3A_383 = arith.constant 352 : index
        %get3A_384 = tpu.vector_load %arg11[%get3A_382, %get3A_383] {strides = array<i32>} : memref<16x1024xf32, #tpu.memory_space<vmem>>, vector<1x16xf32>,
        %get3A_385 = vector.shape_cast %get3A_384 : vector<1x16xf32> to vector<16xf32>
        %get3A_386 = arith.index_cast %add3A_215 : i32 to index
        %get3A_387 = arith.constant 368 : index
        %get3A_388 = tpu.vector_load %arg11[%get3A_386, %get3A_387] {strides = array<i32>} : memref<16x1024xf32, #tpu.memory_space<vmem>>, vector<1x16xf32>,
        %get3A_389 = vector.shape_cast %get3A_388 : vector<1x16xf32> to vector<16xf32>
        %swap3A_390 = arith.index_cast %add3A_215 : i32 to index
        %swap3A_391 = arith.constant 256 : index
        %swap3A_392 = tpu.vector_load %arg9[%swap3A_390, %swap3A_391] {strides = array<i32>} : memref<16x1024xf32, #tpu.memory_space<vmem>>, vector<1x16xf32>,
        %swap3A_393 = vector.shape_cast %swap3A_392 : vector<1x16xf32> to vector<16xf32>
        %swap3A_394 = vector.shape_cast %get3A_361 : vector<16xf32> to vector<1x16xf32>
        tpu.vector_store %arg9[%swap3A_390, %swap3A_391], %swap3A_394 {add = true, strides = array<i32>} : memref<16x1024xf32, #tpu.memory_space<vmem>>, vector<1x16xf32>,
        %swap3A_395 = arith.index_cast %add3A_215 : i32 to index
        %swap3A_396 = arith.constant 272 : index
        %swap3A_397 = tpu.vector_load %arg9[%swap3A_395, %swap3A_396] {strides = array<i32>} : memref<16x1024xf32, #tpu.memory_space<vmem>>, vector<1x16xf32>,
        %swap3A_398 = vector.shape_cast %swap3A_397 : vector<1x16xf32> to vector<16xf32>
        %swap3A_399 = vector.shape_cast %get3A_365 : vector<16xf32> to vector<1x16xf32>
        tpu.vector_store %arg9[%swap3A_395, %swap3A_396], %swap3A_399 {add = true, strides = array<i32>} : memref<16x1024xf32, #tpu.memory_space<vmem>>, vector<1x16xf32>,
        %swap3A_400 = arith.index_cast %add3A_215 : i32 to index
        %swap3A_401 = arith.constant 288 : index
        %swap3A_402 = tpu.vector_load %arg9[%swap3A_400, %swap3A_401] {strides = array<i32>} : memref<16x1024xf32, #tpu.memory_space<vmem>>, vector<1x16xf32>,
        %swap3A_403 = vector.shape_cast %swap3A_402 : vector<1x16xf32> to vector<16xf32>
        %swap3A_404 = vector.shape_cast %get3A_369 : vector<16xf32> to vector<1x16xf32>
        tpu.vector_store %arg9[%swap3A_400, %swap3A_401], %swap3A_404 {add = true, strides = array<i32>} : memref<16x1024xf32, #tpu.memory_space<vmem>>, vector<1x16xf32>,
        %swap3A_405 = arith.index_cast %add3A_215 : i32 to index
        %swap3A_406 = arith.constant 304 : index
        %swap3A_407 = tpu.vector_load %arg9[%swap3A_405, %swap3A_406] {strides = array<i32>} : memref<16x1024xf32, #tpu.memory_space<vmem>>, vector<1x16xf32>,
        %swap3A_408 = vector.shape_cast %swap3A_407 : vector<1x16xf32> to vector<16xf32>
        %swap3A_409 = vector.shape_cast %get3A_373 : vector<16xf32> to vector<1x16xf32>
        tpu.vector_store %arg9[%swap3A_405, %swap3A_406], %swap3A_409 {add = true, strides = array<i32>} : memref<16x1024xf32, #tpu.memory_space<vmem>>, vector<1x16xf32>,
        %swap3A_410 = arith.index_cast %add3A_215 : i32 to index
        %swap3A_411 = arith.constant 320 : index
        %swap3A_412 = tpu.vector_load %arg9[%swap3A_410, %swap3A_411] {strides = array<i32>} : memref<16x1024xf32, #tpu.memory_space<vmem>>, vector<1x16xf32>,
        %swap3A_413 = vector.shape_cast %swap3A_412 : vector<1x16xf32> to vector<16xf32>
        %swap3A_414 = vector.shape_cast %get3A_377 : vector<16xf32> to vector<1x16xf32>
        tpu.vector_store %arg9[%swap3A_410, %swap3A_411], %swap3A_414 {add = true, strides = array<i32>} : memref<16x1024xf32, #tpu.memory_space<vmem>>, vector<1x16xf32>,
        %swap3A_415 = arith.index_cast %add3A_215 : i32 to index
        %swap3A_416 = arith.constant 336 : index
        %swap3A_417 = tpu.vector_load %arg9[%swap3A_415, %swap3A_416] {strides = array<i32>} : memref<16x1024xf32, #tpu.memory_space<vmem>>, vector<1x16xf32>,
        %swap3A_418 = vector.shape_cast %swap3A_417 : vector<1x16xf32> to vector<16xf32>
        %swap3A_419 = vector.shape_cast %get3A_381 : vector<16xf32> to vector<1x16xf32>
        tpu.vector_store %arg9[%swap3A_415, %swap3A_416], %swap3A_419 {add = true, strides = array<i32>} : memref<16x1024xf32, #tpu.memory_space<vmem>>, vector<1x16xf32>,
        %swap3A_420 = arith.index_cast %add3A_215 : i32 to index
        %swap3A_421 = arith.constant 352 : index
        %swap3A_422 = tpu.vector_load %arg9[%swap3A_420, %swap3A_421] {strides = array<i32>} : memref<16x1024xf32, #tpu.memory_space<vmem>>, vector<1x16xf32>,
        %swap3A_423 = vector.shape_cast %swap3A_422 : vector<1x16xf32> to vector<16xf32>
        %swap3A_424 = vector.shape_cast %get3A_385 : vector<16xf32> to vector<1x16xf32>
        tpu.vector_store %arg9[%swap3A_420, %swap3A_421], %swap3A_424 {add = true, strides = array<i32>} : memref<16x1024xf32, #tpu.memory_space<vmem>>, vector<1x16xf32>,
        %swap3A_425 = arith.index_cast %add3A_215 : i32 to index
        %swap3A_426 = arith.constant 368 : index
        %swap3A_427 = tpu.vector_load %arg9[%swap3A_425, %swap3A_426] {strides = array<i32>} : memref<16x1024xf32, #tpu.memory_space<vmem>>, vector<1x16xf32>,
        %swap3A_428 = vector.shape_cast %swap3A_427 : vector<1x16xf32> to vector<16xf32>
        %swap3A_429 = vector.shape_cast %get3A_389 : vector<16xf32> to vector<1x16xf32>
        tpu.vector_store %arg9[%swap3A_425, %swap3A_426], %swap3A_429 {add = true, strides = array<i32>} : memref<16x1024xf32, #tpu.memory_space<vmem>>, vector<1x16xf32>,
        %get3A_430 = arith.index_cast %add3A_215 : i32 to index
        %get3A_431 = arith.constant 384 : index
        %get3A_432 = tpu.vector_load %arg11[%get3A_430, %get3A_431] {strides = array<i32>} : memref<16x1024xf32, #tpu.memory_space<vmem>>, vector<1x16xf32>,
        %get3A_433 = vector.shape_cast %get3A_432 : vector<1x16xf32> to vector<16xf32>
        %get3A_434 = arith.index_cast %add3A_215 : i32 to index
        %get3A_435 = arith.constant 400 : index
        %get3A_436 = tpu.vector_load %arg11[%get3A_434, %get3A_435] {strides = array<i32>} : memref<16x1024xf32, #tpu.memory_space<vmem>>, vector<1x16xf32>,
        %get3A_437 = vector.shape_cast %get3A_436 : vector<1x16xf32> to vector<16xf32>
        %get3A_438 = arith.index_cast %add3A_215 : i32 to index
        %get3A_439 = arith.constant 416 : index
        %get3A_440 = tpu.vector_load %arg11[%get3A_438, %get3A_439] {strides = array<i32>} : memref<16x1024xf32, #tpu.memory_space<vmem>>, vector<1x16xf32>,
        %get3A_441 = vector.shape_cast %get3A_440 : vector<1x16xf32> to vector<16xf32>
        %get3A_442 = arith.index_cast %add3A_215 : i32 to index
        %get3A_443 = arith.constant 432 : index
        %get3A_444 = tpu.vector_load %arg11[%get3A_442, %get3A_443] {strides = array<i32>} : memref<16x1024xf32, #tpu.memory_space<vmem>>, vector<1x16xf32>,
        %get3A_445 = vector.shape_cast %get3A_444 : vector<1x16xf32> to vector<16xf32>
        %get3A_446 = arith.index_cast %add3A_215 : i32 to index
        %get3A_447 = arith.constant 448 : index
        %get3A_448 = tpu.vector_load %arg11[%get3A_446, %get3A_447] {strides = array<i32>} : memref<16x1024xf32, #tpu.memory_space<vmem>>, vector<1x16xf32>,
        %get3A_449 = vector.shape_cast %get3A_448 : vector<1x16xf32> to vector<16xf32>
        %get3A_450 = arith.index_cast %add3A_215 : i32 to index
        %get3A_451 = arith.constant 464 : index
        %get3A_452 = tpu.vector_load %arg11[%get3A_450, %get3A_451] {strides = array<i32>} : memref<16x1024xf32, #tpu.memory_space<vmem>>, vector<1x16xf32>,
        %get3A_453 = vector.shape_cast %get3A_452 : vector<1x16xf32> to vector<16xf32>
        %get3A_454 = arith.index_cast %add3A_215 : i32 to index
        %get3A_455 = arith.constant 480 : index
        %get3A_456 = tpu.vector_load %arg11[%get3A_454, %get3A_455] {strides = array<i32>} : memref<16x1024xf32, #tpu.memory_space<vmem>>, vector<1x16xf32>,
        %get3A_457 = vector.shape_cast %get3A_456 : vector<1x16xf32> to vector<16xf32>
        %get3A_458 = arith.index_cast %add3A_215 : i32 to index
        %get3A_459 = arith.constant 496 : index
        %get3A_460 = tpu.vector_load %arg11[%get3A_458, %get3A_459] {strides = array<i32>} : memref<16x1024xf32, #tpu.memory_space<vmem>>, vector<1x16xf32>,
        %get3A_461 = vector.shape_cast %get3A_460 : vector<1x16xf32> to vector<16xf32>
        %swap3A_462 = arith.index_cast %add3A_215 : i32 to index
        %swap3A_463 = arith.constant 384 : index
        %swap3A_464 = tpu.vector_load %arg9[%swap3A_462, %swap3A_463] {strides = array<i32>} : memref<16x1024xf32, #tpu.memory_space<vmem>>, vector<1x16xf32>,
        %swap3A_465 = vector.shape_cast %swap3A_464 : vector<1x16xf32> to vector<16xf32>
        %swap3A_466 = vector.shape_cast %get3A_433 : vector<16xf32> to vector<1x16xf32>
        tpu.vector_store %arg9[%swap3A_462, %swap3A_463], %swap3A_466 {add = true, strides = array<i32>} : memref<16x1024xf32, #tpu.memory_space<vmem>>, vector<1x16xf32>,
        %swap3A_467 = arith.index_cast %add3A_215 : i32 to index
        %swap3A_468 = arith.constant 400 : index
        %swap3A_469 = tpu.vector_load %arg9[%swap3A_467, %swap3A_468] {strides = array<i32>} : memref<16x1024xf32, #tpu.memory_space<vmem>>, vector<1x16xf32>,
        %swap3A_470 = vector.shape_cast %swap3A_469 : vector<1x16xf32> to vector<16xf32>
        %swap3A_471 = vector.shape_cast %get3A_437 : vector<16xf32> to vector<1x16xf32>
        tpu.vector_store %arg9[%swap3A_467, %swap3A_468], %swap3A_471 {add = true, strides = array<i32>} : memref<16x1024xf32, #tpu.memory_space<vmem>>, vector<1x16xf32>,
        %swap3A_472 = arith.index_cast %add3A_215 : i32 to index
        %swap3A_473 = arith.constant 416 : index
        %swap3A_474 = tpu.vector_load %arg9[%swap3A_472, %swap3A_473] {strides = array<i32>} : memref<16x1024xf32, #tpu.memory_space<vmem>>, vector<1x16xf32>,
        %swap3A_475 = vector.shape_cast %swap3A_474 : vector<1x16xf32> to vector<16xf32>
        %swap3A_476 = vector.shape_cast %get3A_441 : vector<16xf32> to vector<1x16xf32>
        tpu.vector_store %arg9[%swap3A_472, %swap3A_473], %swap3A_476 {add = true, strides = array<i32>} : memref<16x1024xf32, #tpu.memory_space<vmem>>, vector<1x16xf32>,
        %swap3A_477 = arith.index_cast %add3A_215 : i32 to index
        %swap3A_478 = arith.constant 432 : index
        %swap3A_479 = tpu.vector_load %arg9[%swap3A_477, %swap3A_478] {strides = array<i32>} : memref<16x1024xf32, #tpu.memory_space<vmem>>, vector<1x16xf32>,
        %swap3A_480 = vector.shape_cast %swap3A_479 : vector<1x16xf32> to vector<16xf32>
        %swap3A_481 = vector.shape_cast %get3A_445 : vector<16xf32> to vector<1x16xf32>
        tpu.vector_store %arg9[%swap3A_477, %swap3A_478], %swap3A_481 {add = true, strides = array<i32>} : memref<16x1024xf32, #tpu.memory_space<vmem>>, vector<1x16xf32>,
        %swap3A_482 = arith.index_cast %add3A_215 : i32 to index
        %swap3A_483 = arith.constant 448 : index
        %swap3A_484 = tpu.vector_load %arg9[%swap3A_482, %swap3A_483] {strides = array<i32>} : memref<16x1024xf32, #tpu.memory_space<vmem>>, vector<1x16xf32>,
        %swap3A_485 = vector.shape_cast %swap3A_484 : vector<1x16xf32> to vector<16xf32>
        %swap3A_486 = vector.shape_cast %get3A_449 : vector<16xf32> to vector<1x16xf32>
        tpu.vector_store %arg9[%swap3A_482, %swap3A_483], %swap3A_486 {add = true, strides = array<i32>} : memref<16x1024xf32, #tpu.memory_space<vmem>>, vector<1x16xf32>,
        %swap3A_487 = arith.index_cast %add3A_215 : i32 to index
        %swap3A_488 = arith.constant 464 : index
        %swap3A_489 = tpu.vector_load %arg9[%swap3A_487, %swap3A_488] {strides = array<i32>} : memref<16x1024xf32, #tpu.memory_space<vmem>>, vector<1x16xf32>,
        %swap3A_490 = vector.shape_cast %swap3A_489 : vector<1x16xf32> to vector<16xf32>
        %swap3A_491 = vector.shape_cast %get3A_453 : vector<16xf32> to vector<1x16xf32>
        tpu.vector_store %arg9[%swap3A_487, %swap3A_488], %swap3A_491 {add = true, strides = array<i32>} : memref<16x1024xf32, #tpu.memory_space<vmem>>, vector<1x16xf32>,
        %swap3A_492 = arith.index_cast %add3A_215 : i32 to index
        %swap3A_493 = arith.constant 480 : index
        %swap3A_494 = tpu.vector_load %arg9[%swap3A_492, %swap3A_493] {strides = array<i32>} : memref<16x1024xf32, #tpu.memory_space<vmem>>, vector<1x16xf32>,
        %swap3A_495 = vector.shape_cast %swap3A_494 : vector<1x16xf32> to vector<16xf32>
        %swap3A_496 = vector.shape_cast %get3A_457 : vector<16xf32> to vector<1x16xf32>
        tpu.vector_store %arg9[%swap3A_492, %swap3A_493], %swap3A_496 {add = true, strides = array<i32>} : memref<16x1024xf32, #tpu.memory_space<vmem>>, vector<1x16xf32>,
        %swap3A_497 = arith.index_cast %add3A_215 : i32 to index
        %swap3A_498 = arith.constant 496 : index
        %swap3A_499 = tpu.vector_load %arg9[%swap3A_497, %swap3A_498] {strides = array<i32>} : memref<16x1024xf32, #tpu.memory_space<vmem>>, vector<1x16xf32>,
        %swap3A_500 = vector.shape_cast %swap3A_499 : vector<1x16xf32> to vector<16xf32>
        %swap3A_501 = vector.shape_cast %get3A_461 : vector<16xf32> to vector<1x16xf32>
        tpu.vector_store %arg9[%swap3A_497, %swap3A_498], %swap3A_501 {add = true, strides = array<i32>} : memref<16x1024xf32, #tpu.memory_space<vmem>>, vector<1x16xf32>,
        %get3A_502 = arith.index_cast %add3A_215 : i32 to index
        %get3A_503 = arith.constant 512 : index
        %get3A_504 = tpu.vector_load %arg11[%get3A_502, %get3A_503] {strides = array<i32>} : memref<16x1024xf32, #tpu.memory_space<vmem>>, vector<1x16xf32>,
        %get3A_505 = vector.shape_cast %get3A_504 : vector<1x16xf32> to vector<16xf32>
        %get3A_506 = arith.index_cast %add3A_215 : i32 to index
        %get3A_507 = arith.constant 528 : index
        %get3A_508 = tpu.vector_load %arg11[%get3A_506, %get3A_507] {strides = array<i32>} : memref<16x1024xf32, #tpu.memory_space<vmem>>, vector<1x16xf32>,
        %get3A_509 = vector.shape_cast %get3A_508 : vector<1x16xf32> to vector<16xf32>
        %get3A_510 = arith.index_cast %add3A_215 : i32 to index
        %get3A_511 = arith.constant 544 : index
        %get3A_512 = tpu.vector_load %arg11[%get3A_510, %get3A_511] {strides = array<i32>} : memref<16x1024xf32, #tpu.memory_space<vmem>>, vector<1x16xf32>,
        %get3A_513 = vector.shape_cast %get3A_512 : vector<1x16xf32> to vector<16xf32>
        %get3A_514 = arith.index_cast %add3A_215 : i32 to index
        %get3A_515 = arith.constant 560 : index
        %get3A_516 = tpu.vector_load %arg11[%get3A_514, %get3A_515] {strides = array<i32>} : memref<16x1024xf32, #tpu.memory_space<vmem>>, vector<1x16xf32>,
        %get3A_517 = vector.shape_cast %get3A_516 : vector<1x16xf32> to vector<16xf32>
        %get3A_518 = arith.index_cast %add3A_215 : i32 to index
        %get3A_519 = arith.constant 576 : index
        %get3A_520 = tpu.vector_load %arg11[%get3A_518, %get3A_519] {strides = array<i32>} : memref<16x1024xf32, #tpu.memory_space<vmem>>, vector<1x16xf32>,
        %get3A_521 = vector.shape_cast %get3A_520 : vector<1x16xf32> to vector<16xf32>
        %get3A_522 = arith.index_cast %add3A_215 : i32 to index
        %get3A_523 = arith.constant 592 : index
        %get3A_524 = tpu.vector_load %arg11[%get3A_522, %get3A_523] {strides = array<i32>} : memref<16x1024xf32, #tpu.memory_space<vmem>>, vector<1x16xf32>,
        %get3A_525 = vector.shape_cast %get3A_524 : vector<1x16xf32> to vector<16xf32>
        %get3A_526 = arith.index_cast %add3A_215 : i32 to index
        %get3A_527 = arith.constant 608 : index
        %get3A_528 = tpu.vector_load %arg11[%get3A_526, %get3A_527] {strides = array<i32>} : memref<16x1024xf32, #tpu.memory_space<vmem>>, vector<1x16xf32>,
        %get3A_529 = vector.shape_cast %get3A_528 : vector<1x16xf32> to vector<16xf32>
        %get3A_530 = arith.index_cast %add3A_215 : i32 to index
        %get3A_531 = arith.constant 624 : index
        %get3A_532 = tpu.vector_load %arg11[%get3A_530, %get3A_531] {strides = array<i32>} : memref<16x1024xf32, #tpu.memory_space<vmem>>, vector<1x16xf32>,
        %get3A_533 = vector.shape_cast %get3A_532 : vector<1x16xf32> to vector<16xf32>
        %swap3A_534 = arith.index_cast %add3A_215 : i32 to index
        %swap3A_535 = arith.constant 512 : index
        %swap3A_536 = tpu.vector_load %arg9[%swap3A_534, %swap3A_535] {strides = array<i32>} : memref<16x1024xf32, #tpu.memory_space<vmem>>, vector<1x16xf32>,
        %swap3A_537 = vector.shape_cast %swap3A_536 : vector<1x16xf32> to vector<16xf32>
        %swap3A_538 = vector.shape_cast %get3A_505 : vector<16xf32> to vector<1x16xf32>
        tpu.vector_store %arg9[%swap3A_534, %swap3A_535], %swap3A_538 {add = true, strides = array<i32>} : memref<16x1024xf32, #tpu.memory_space<vmem>>, vector<1x16xf32>,
        %swap3A_539 = arith.index_cast %add3A_215 : i32 to index
        %swap3A_540 = arith.constant 528 : index
        %swap3A_541 = tpu.vector_load %arg9[%swap3A_539, %swap3A_540] {strides = array<i32>} : memref<16x1024xf32, #tpu.memory_space<vmem>>, vector<1x16xf32>,
        %swap3A_542 = vector.shape_cast %swap3A_541 : vector<1x16xf32> to vector<16xf32>
        %swap3A_543 = vector.shape_cast %get3A_509 : vector<16xf32> to vector<1x16xf32>
        tpu.vector_store %arg9[%swap3A_539, %swap3A_540], %swap3A_543 {add = true, strides = array<i32>} : memref<16x1024xf32, #tpu.memory_space<vmem>>, vector<1x16xf32>,
        %swap3A_544 = arith.index_cast %add3A_215 : i32 to index
        %swap3A_545 = arith.constant 544 : index
        %swap3A_546 = tpu.vector_load %arg9[%swap3A_544, %swap3A_545] {strides = array<i32>} : memref<16x1024xf32, #tpu.memory_space<vmem>>, vector<1x16xf32>,
        %swap3A_547 = vector.shape_cast %swap3A_546 : vector<1x16xf32> to vector<16xf32>
        %swap3A_548 = vector.shape_cast %get3A_513 : vector<16xf32> to vector<1x16xf32>
        tpu.vector_store %arg9[%swap3A_544, %swap3A_545], %swap3A_548 {add = true, strides = array<i32>} : memref<16x1024xf32, #tpu.memory_space<vmem>>, vector<1x16xf32>,
        %swap3A_549 = arith.index_cast %add3A_215 : i32 to index
        %swap3A_550 = arith.constant 560 : index
        %swap3A_551 = tpu.vector_load %arg9[%swap3A_549, %swap3A_550] {strides = array<i32>} : memref<16x1024xf32, #tpu.memory_space<vmem>>, vector<1x16xf32>,
        %swap3A_552 = vector.shape_cast %swap3A_551 : vector<1x16xf32> to vector<16xf32>
        %swap3A_553 = vector.shape_cast %get3A_517 : vector<16xf32> to vector<1x16xf32>
        tpu.vector_store %arg9[%swap3A_549, %swap3A_550], %swap3A_553 {add = true, strides = array<i32>} : memref<16x1024xf32, #tpu.memory_space<vmem>>, vector<1x16xf32>,
        %swap3A_554 = arith.index_cast %add3A_215 : i32 to index
        %swap3A_555 = arith.constant 576 : index
        %swap3A_556 = tpu.vector_load %arg9[%swap3A_554, %swap3A_555] {strides = array<i32>} : memref<16x1024xf32, #tpu.memory_space<vmem>>, vector<1x16xf32>,
        %swap3A_557 = vector.shape_cast %swap3A_556 : vector<1x16xf32> to vector<16xf32>
        %swap3A_558 = vector.shape_cast %get3A_521 : vector<16xf32> to vector<1x16xf32>
        tpu.vector_store %arg9[%swap3A_554, %swap3A_555], %swap3A_558 {add = true, strides = array<i32>} : memref<16x1024xf32, #tpu.memory_space<vmem>>, vector<1x16xf32>,
        %swap3A_559 = arith.index_cast %add3A_215 : i32 to index
        %swap3A_560 = arith.constant 592 : index
        %swap3A_561 = tpu.vector_load %arg9[%swap3A_559, %swap3A_560] {strides = array<i32>} : memref<16x1024xf32, #tpu.memory_space<vmem>>, vector<1x16xf32>,
        %swap3A_562 = vector.shape_cast %swap3A_561 : vector<1x16xf32> to vector<16xf32>
        %swap3A_563 = vector.shape_cast %get3A_525 : vector<16xf32> to vector<1x16xf32>
        tpu.vector_store %arg9[%swap3A_559, %swap3A_560], %swap3A_563 {add = true, strides = array<i32>} : memref<16x1024xf32, #tpu.memory_space<vmem>>, vector<1x16xf32>,
        %swap3A_564 = arith.index_cast %add3A_215 : i32 to index
        %swap3A_565 = arith.constant 608 : index
        %swap3A_566 = tpu.vector_load %arg9[%swap3A_564, %swap3A_565] {strides = array<i32>} : memref<16x1024xf32, #tpu.memory_space<vmem>>, vector<1x16xf32>,
        %swap3A_567 = vector.shape_cast %swap3A_566 : vector<1x16xf32> to vector<16xf32>
        %swap3A_568 = vector.shape_cast %get3A_529 : vector<16xf32> to vector<1x16xf32>
        tpu.vector_store %arg9[%swap3A_564, %swap3A_565], %swap3A_568 {add = true, strides = array<i32>} : memref<16x1024xf32, #tpu.memory_space<vmem>>, vector<1x16xf32>,
        %swap3A_569 = arith.index_cast %add3A_215 : i32 to index
        %swap3A_570 = arith.constant 624 : index
        %swap3A_571 = tpu.vector_load %arg9[%swap3A_569, %swap3A_570] {strides = array<i32>} : memref<16x1024xf32, #tpu.memory_space<vmem>>, vector<1x16xf32>,
        %swap3A_572 = vector.shape_cast %swap3A_571 : vector<1x16xf32> to vector<16xf32>
        %swap3A_573 = vector.shape_cast %get3A_533 : vector<16xf32> to vector<1x16xf32>
        tpu.vector_store %arg9[%swap3A_569, %swap3A_570], %swap3A_573 {add = true, strides = array<i32>} : memref<16x1024xf32, #tpu.memory_space<vmem>>, vector<1x16xf32>,
        %get3A_574 = arith.index_cast %add3A_215 : i32 to index
        %get3A_575 = arith.constant 640 : index
        %get3A_576 = tpu.vector_load %arg11[%get3A_574, %get3A_575] {strides = array<i32>} : memref<16x1024xf32, #tpu.memory_space<vmem>>, vector<1x16xf32>,
        %get3A_577 = vector.shape_cast %get3A_576 : vector<1x16xf32> to vector<16xf32>
        %get3A_578 = arith.index_cast %add3A_215 : i32 to index
        %get3A_579 = arith.constant 656 : index
        %get3A_580 = tpu.vector_load %arg11[%get3A_578, %get3A_579] {strides = array<i32>} : memref<16x1024xf32, #tpu.memory_space<vmem>>, vector<1x16xf32>,
        %get3A_581 = vector.shape_cast %get3A_580 : vector<1x16xf32> to vector<16xf32>
        %get3A_582 = arith.index_cast %add3A_215 : i32 to index
        %get3A_583 = arith.constant 672 : index
        %get3A_584 = tpu.vector_load %arg11[%get3A_582, %get3A_583] {strides = array<i32>} : memref<16x1024xf32, #tpu.memory_space<vmem>>, vector<1x16xf32>,
        %get3A_585 = vector.shape_cast %get3A_584 : vector<1x16xf32> to vector<16xf32>
        %get3A_586 = arith.index_cast %add3A_215 : i32 to index
        %get3A_587 = arith.constant 688 : index
        %get3A_588 = tpu.vector_load %arg11[%get3A_586, %get3A_587] {strides = array<i32>} : memref<16x1024xf32, #tpu.memory_space<vmem>>, vector<1x16xf32>,
        %get3A_589 = vector.shape_cast %get3A_588 : vector<1x16xf32> to vector<16xf32>
        %get3A_590 = arith.index_cast %add3A_215 : i32 to index
        %get3A_591 = arith.constant 704 : index
        %get3A_592 = tpu.vector_load %arg11[%get3A_590, %get3A_591] {strides = array<i32>} : memref<16x1024xf32, #tpu.memory_space<vmem>>, vector<1x16xf32>,
        %get3A_593 = vector.shape_cast %get3A_592 : vector<1x16xf32> to vector<16xf32>
        %get3A_594 = arith.index_cast %add3A_215 : i32 to index
        %get3A_595 = arith.constant 720 : index
        %get3A_596 = tpu.vector_load %arg11[%get3A_594, %get3A_595] {strides = array<i32>} : memref<16x1024xf32, #tpu.memory_space<vmem>>, vector<1x16xf32>,
        %get3A_597 = vector.shape_cast %get3A_596 : vector<1x16xf32> to vector<16xf32>
        %get3A_598 = arith.index_cast %add3A_215 : i32 to index
        %get3A_599 = arith.constant 736 : index
        %get3A_600 = tpu.vector_load %arg11[%get3A_598, %get3A_599] {strides = array<i32>} : memref<16x1024xf32, #tpu.memory_space<vmem>>, vector<1x16xf32>,
        %get3A_601 = vector.shape_cast %get3A_600 : vector<1x16xf32> to vector<16xf32>
        %get3A_602 = arith.index_cast %add3A_215 : i32 to index
        %get3A_603 = arith.constant 752 : index
        %get3A_604 = tpu.vector_load %arg11[%get3A_602, %get3A_603] {strides = array<i32>} : memref<16x1024xf32, #tpu.memory_space<vmem>>, vector<1x16xf32>,
        %get3A_605 = vector.shape_cast %get3A_604 : vector<1x16xf32> to vector<16xf32>
        %swap3A_606 = arith.index_cast %add3A_215 : i32 to index
        %swap3A_607 = arith.constant 640 : index
        %swap3A_608 = tpu.vector_load %arg9[%swap3A_606, %swap3A_607] {strides = array<i32>} : memref<16x1024xf32, #tpu.memory_space<vmem>>, vector<1x16xf32>,
        %swap3A_609 = vector.shape_cast %swap3A_608 : vector<1x16xf32> to vector<16xf32>
        %swap3A_610 = vector.shape_cast %get3A_577 : vector<16xf32> to vector<1x16xf32>
        tpu.vector_store %arg9[%swap3A_606, %swap3A_607], %swap3A_610 {add = true, strides = array<i32>} : memref<16x1024xf32, #tpu.memory_space<vmem>>, vector<1x16xf32>,
        %swap3A_611 = arith.index_cast %add3A_215 : i32 to index
        %swap3A_612 = arith.constant 656 : index
        %swap3A_613 = tpu.vector_load %arg9[%swap3A_611, %swap3A_612] {strides = array<i32>} : memref<16x1024xf32, #tpu.memory_space<vmem>>, vector<1x16xf32>,
        %swap3A_614 = vector.shape_cast %swap3A_613 : vector<1x16xf32> to vector<16xf32>
        %swap3A_615 = vector.shape_cast %get3A_581 : vector<16xf32> to vector<1x16xf32>
        tpu.vector_store %arg9[%swap3A_611, %swap3A_612], %swap3A_615 {add = true, strides = array<i32>} : memref<16x1024xf32, #tpu.memory_space<vmem>>, vector<1x16xf32>,
        %swap3A_616 = arith.index_cast %add3A_215 : i32 to index
        %swap3A_617 = arith.constant 672 : index
        %swap3A_618 = tpu.vector_load %arg9[%swap3A_616, %swap3A_617] {strides = array<i32>} : memref<16x1024xf32, #tpu.memory_space<vmem>>, vector<1x16xf32>,
        %swap3A_619 = vector.shape_cast %swap3A_618 : vector<1x16xf32> to vector<16xf32>
        %swap3A_620 = vector.shape_cast %get3A_585 : vector<16xf32> to vector<1x16xf32>
        tpu.vector_store %arg9[%swap3A_616, %swap3A_617], %swap3A_620 {add = true, strides = array<i32>} : memref<16x1024xf32, #tpu.memory_space<vmem>>, vector<1x16xf32>,
        %swap3A_621 = arith.index_cast %add3A_215 : i32 to index
        %swap3A_622 = arith.constant 688 : index
        %swap3A_623 = tpu.vector_load %arg9[%swap3A_621, %swap3A_622] {strides = array<i32>} : memref<16x1024xf32, #tpu.memory_space<vmem>>, vector<1x16xf32>,
        %swap3A_624 = vector.shape_cast %swap3A_623 : vector<1x16xf32> to vector<16xf32>
        %swap3A_625 = vector.shape_cast %get3A_589 : vector<16xf32> to vector<1x16xf32>
        tpu.vector_store %arg9[%swap3A_621, %swap3A_622], %swap3A_625 {add = true, strides = array<i32>} : memref<16x1024xf32, #tpu.memory_space<vmem>>, vector<1x16xf32>,
        %swap3A_626 = arith.index_cast %add3A_215 : i32 to index
        %swap3A_627 = arith.constant 704 : index
        %swap3A_628 = tpu.vector_load %arg9[%swap3A_626, %swap3A_627] {strides = array<i32>} : memref<16x1024xf32, #tpu.memory_space<vmem>>, vector<1x16xf32>,
        %swap3A_629 = vector.shape_cast %swap3A_628 : vector<1x16xf32> to vector<16xf32>
        %swap3A_630 = vector.shape_cast %get3A_593 : vector<16xf32> to vector<1x16xf32>
        tpu.vector_store %arg9[%swap3A_626, %swap3A_627], %swap3A_630 {add = true, strides = array<i32>} : memref<16x1024xf32, #tpu.memory_space<vmem>>, vector<1x16xf32>,
        %swap3A_631 = arith.index_cast %add3A_215 : i32 to index
        %swap3A_632 = arith.constant 720 : index
        %swap3A_633 = tpu.vector_load %arg9[%swap3A_631, %swap3A_632] {strides = array<i32>} : memref<16x1024xf32, #tpu.memory_space<vmem>>, vector<1x16xf32>,
        %swap3A_634 = vector.shape_cast %swap3A_633 : vector<1x16xf32> to vector<16xf32>
        %swap3A_635 = vector.shape_cast %get3A_597 : vector<16xf32> to vector<1x16xf32>
        tpu.vector_store %arg9[%swap3A_631, %swap3A_632], %swap3A_635 {add = true, strides = array<i32>} : memref<16x1024xf32, #tpu.memory_space<vmem>>, vector<1x16xf32>,
        %swap3A_636 = arith.index_cast %add3A_215 : i32 to index
        %swap3A_637 = arith.constant 736 : index
        %swap3A_638 = tpu.vector_load %arg9[%swap3A_636, %swap3A_637] {strides = array<i32>} : memref<16x1024xf32, #tpu.memory_space<vmem>>, vector<1x16xf32>,
        %swap3A_639 = vector.shape_cast %swap3A_638 : vector<1x16xf32> to vector<16xf32>
        %swap3A_640 = vector.shape_cast %get3A_601 : vector<16xf32> to vector<1x16xf32>
        tpu.vector_store %arg9[%swap3A_636, %swap3A_637], %swap3A_640 {add = true, strides = array<i32>} : memref<16x1024xf32, #tpu.memory_space<vmem>>, vector<1x16xf32>,
        %swap3A_641 = arith.index_cast %add3A_215 : i32 to index
        %swap3A_642 = arith.constant 752 : index
        %swap3A_643 = tpu.vector_load %arg9[%swap3A_641, %swap3A_642] {strides = array<i32>} : memref<16x1024xf32, #tpu.memory_space<vmem>>, vector<1x16xf32>,
        %swap3A_644 = vector.shape_cast %swap3A_643 : vector<1x16xf32> to vector<16xf32>
        %swap3A_645 = vector.shape_cast %get3A_605 : vector<16xf32> to vector<1x16xf32>
        tpu.vector_store %arg9[%swap3A_641, %swap3A_642], %swap3A_645 {add = true, strides = array<i32>} : memref<16x1024xf32, #tpu.memory_space<vmem>>, vector<1x16xf32>,
        %get3A_646 = arith.index_cast %add3A_215 : i32 to index
        %get3A_647 = arith.constant 768 : index
        %get3A_648 = tpu.vector_load %arg11[%get3A_646, %get3A_647] {strides = array<i32>} : memref<16x1024xf32, #tpu.memory_space<vmem>>, vector<1x16xf32>,
        %get3A_649 = vector.shape_cast %get3A_648 : vector<1x16xf32> to vector<16xf32>
        %get3A_650 = arith.index_cast %add3A_215 : i32 to index
        %get3A_651 = arith.constant 784 : index
        %get3A_652 = tpu.vector_load %arg11[%get3A_650, %get3A_651] {strides = array<i32>} : memref<16x1024xf32, #tpu.memory_space<vmem>>, vector<1x16xf32>,
        %get3A_653 = vector.shape_cast %get3A_652 : vector<1x16xf32> to vector<16xf32>
        %get3A_654 = arith.index_cast %add3A_215 : i32 to index
        %get3A_655 = arith.constant 800 : index
        %get3A_656 = tpu.vector_load %arg11[%get3A_654, %get3A_655] {strides = array<i32>} : memref<16x1024xf32, #tpu.memory_space<vmem>>, vector<1x16xf32>,
        %get3A_657 = vector.shape_cast %get3A_656 : vector<1x16xf32> to vector<16xf32>
        %get3A_658 = arith.index_cast %add3A_215 : i32 to index
        %get3A_659 = arith.constant 816 : index
        %get3A_660 = tpu.vector_load %arg11[%get3A_658, %get3A_659] {strides = array<i32>} : memref<16x1024xf32, #tpu.memory_space<vmem>>, vector<1x16xf32>,
        %get3A_661 = vector.shape_cast %get3A_660 : vector<1x16xf32> to vector<16xf32>
        %get3A_662 = arith.index_cast %add3A_215 : i32 to index
        %get3A_663 = arith.constant 832 : index
        %get3A_664 = tpu.vector_load %arg11[%get3A_662, %get3A_663] {strides = array<i32>} : memref<16x1024xf32, #tpu.memory_space<vmem>>, vector<1x16xf32>,
        %get3A_665 = vector.shape_cast %get3A_664 : vector<1x16xf32> to vector<16xf32>
        %get3A_666 = arith.index_cast %add3A_215 : i32 to index
        %get3A_667 = arith.constant 848 : index
        %get3A_668 = tpu.vector_load %arg11[%get3A_666, %get3A_667] {strides = array<i32>} : memref<16x1024xf32, #tpu.memory_space<vmem>>, vector<1x16xf32>,
        %get3A_669 = vector.shape_cast %get3A_668 : vector<1x16xf32> to vector<16xf32>
        %get3A_670 = arith.index_cast %add3A_215 : i32 to index
        %get3A_671 = arith.constant 864 : index
        %get3A_672 = tpu.vector_load %arg11[%get3A_670, %get3A_671] {strides = array<i32>} : memref<16x1024xf32, #tpu.memory_space<vmem>>, vector<1x16xf32>,
        %get3A_673 = vector.shape_cast %get3A_672 : vector<1x16xf32> to vector<16xf32>
        %get3A_674 = arith.index_cast %add3A_215 : i32 to index
        %get3A_675 = arith.constant 880 : index
        %get3A_676 = tpu.vector_load %arg11[%get3A_674, %get3A_675] {strides = array<i32>} : memref<16x1024xf32, #tpu.memory_space<vmem>>, vector<1x16xf32>,
        %get3A_677 = vector.shape_cast %get3A_676 : vector<1x16xf32> to vector<16xf32>
        %swap3A_678 = arith.index_cast %add3A_215 : i32 to index
        %swap3A_679 = arith.constant 768 : index
        %swap3A_680 = tpu.vector_load %arg9[%swap3A_678, %swap3A_679] {strides = array<i32>} : memref<16x1024xf32, #tpu.memory_space<vmem>>, vector<1x16xf32>,
        %swap3A_681 = vector.shape_cast %swap3A_680 : vector<1x16xf32> to vector<16xf32>
        %swap3A_682 = vector.shape_cast %get3A_649 : vector<16xf32> to vector<1x16xf32>
        tpu.vector_store %arg9[%swap3A_678, %swap3A_679], %swap3A_682 {add = true, strides = array<i32>} : memref<16x1024xf32, #tpu.memory_space<vmem>>, vector<1x16xf32>,
        %swap3A_683 = arith.index_cast %add3A_215 : i32 to index
        %swap3A_684 = arith.constant 784 : index
        %swap3A_685 = tpu.vector_load %arg9[%swap3A_683, %swap3A_684] {strides = array<i32>} : memref<16x1024xf32, #tpu.memory_space<vmem>>, vector<1x16xf32>,
        %swap3A_686 = vector.shape_cast %swap3A_685 : vector<1x16xf32> to vector<16xf32>
        %swap3A_687 = vector.shape_cast %get3A_653 : vector<16xf32> to vector<1x16xf32>
        tpu.vector_store %arg9[%swap3A_683, %swap3A_684], %swap3A_687 {add = true, strides = array<i32>} : memref<16x1024xf32, #tpu.memory_space<vmem>>, vector<1x16xf32>,
        %swap3A_688 = arith.index_cast %add3A_215 : i32 to index
        %swap3A_689 = arith.constant 800 : index
        %swap3A_690 = tpu.vector_load %arg9[%swap3A_688, %swap3A_689] {strides = array<i32>} : memref<16x1024xf32, #tpu.memory_space<vmem>>, vector<1x16xf32>,
        %swap3A_691 = vector.shape_cast %swap3A_690 : vector<1x16xf32> to vector<16xf32>
        %swap3A_692 = vector.shape_cast %get3A_657 : vector<16xf32> to vector<1x16xf32>
        tpu.vector_store %arg9[%swap3A_688, %swap3A_689], %swap3A_692 {add = true, strides = array<i32>} : memref<16x1024xf32, #tpu.memory_space<vmem>>, vector<1x16xf32>,
        %swap3A_693 = arith.index_cast %add3A_215 : i32 to index
        %swap3A_694 = arith.constant 816 : index
        %swap3A_695 = tpu.vector_load %arg9[%swap3A_693, %swap3A_694] {strides = array<i32>} : memref<16x1024xf32, #tpu.memory_space<vmem>>, vector<1x16xf32>,
        %swap3A_696 = vector.shape_cast %swap3A_695 : vector<1x16xf32> to vector<16xf32>
        %swap3A_697 = vector.shape_cast %get3A_661 : vector<16xf32> to vector<1x16xf32>
        tpu.vector_store %arg9[%swap3A_693, %swap3A_694], %swap3A_697 {add = true, strides = array<i32>} : memref<16x1024xf32, #tpu.memory_space<vmem>>, vector<1x16xf32>,
        %swap3A_698 = arith.index_cast %add3A_215 : i32 to index
        %swap3A_699 = arith.constant 832 : index
        %swap3A_700 = tpu.vector_load %arg9[%swap3A_698, %swap3A_699] {strides = array<i32>} : memref<16x1024xf32, #tpu.memory_space<vmem>>, vector<1x16xf32>,
        %swap3A_701 = vector.shape_cast %swap3A_700 : vector<1x16xf32> to vector<16xf32>
        %swap3A_702 = vector.shape_cast %get3A_665 : vector<16xf32> to vector<1x16xf32>
        tpu.vector_store %arg9[%swap3A_698, %swap3A_699], %swap3A_702 {add = true, strides = array<i32>} : memref<16x1024xf32, #tpu.memory_space<vmem>>, vector<1x16xf32>,
        %swap3A_703 = arith.index_cast %add3A_215 : i32 to index
        %swap3A_704 = arith.constant 848 : index
        %swap3A_705 = tpu.vector_load %arg9[%swap3A_703, %swap3A_704] {strides = array<i32>} : memref<16x1024xf32, #tpu.memory_space<vmem>>, vector<1x16xf32>,
        %swap3A_706 = vector.shape_cast %swap3A_705 : vector<1x16xf32> to vector<16xf32>
        %swap3A_707 = vector.shape_cast %get3A_669 : vector<16xf32> to vector<1x16xf32>
        tpu.vector_store %arg9[%swap3A_703, %swap3A_704], %swap3A_707 {add = true, strides = array<i32>} : memref<16x1024xf32, #tpu.memory_space<vmem>>, vector<1x16xf32>,
        %swap3A_708 = arith.index_cast %add3A_215 : i32 to index
        %swap3A_709 = arith.constant 864 : index
        %swap3A_710 = tpu.vector_load %arg9[%swap3A_708, %swap3A_709] {strides = array<i32>} : memref<16x1024xf32, #tpu.memory_space<vmem>>, vector<1x16xf32>,
        %swap3A_711 = vector.shape_cast %swap3A_710 : vector<1x16xf32> to vector<16xf32>
        %swap3A_712 = vector.shape_cast %get3A_673 : vector<16xf32> to vector<1x16xf32>
        tpu.vector_store %arg9[%swap3A_708, %swap3A_709], %swap3A_712 {add = true, strides = array<i32>} : memref<16x1024xf32, #tpu.memory_space<vmem>>, vector<1x16xf32>,
        %swap3A_713 = arith.index_cast %add3A_215 : i32 to index
        %swap3A_714 = arith.constant 880 : index
        %swap3A_715 = tpu.vector_load %arg9[%swap3A_713, %swap3A_714] {strides = array<i32>} : memref<16x1024xf32, #tpu.memory_space<vmem>>, vector<1x16xf32>,
        %swap3A_716 = vector.shape_cast %swap3A_715 : vector<1x16xf32> to vector<16xf32>
        %swap3A_717 = vector.shape_cast %get3A_677 : vector<16xf32> to vector<1x16xf32>
        tpu.vector_store %arg9[%swap3A_713, %swap3A_714], %swap3A_717 {add = true, strides = array<i32>} : memref<16x1024xf32, #tpu.memory_space<vmem>>, vector<1x16xf32>,
        %get3A_718 = arith.index_cast %add3A_215 : i32 to index
        %get3A_719 = arith.constant 896 : index
        %get3A_720 = tpu.vector_load %arg11[%get3A_718, %get3A_719] {strides = array<i32>} : memref<16x1024xf32, #tpu.memory_space<vmem>>, vector<1x16xf32>,
        %get3A_721 = vector.shape_cast %get3A_720 : vector<1x16xf32> to vector<16xf32>
        %get3A_722 = arith.index_cast %add3A_215 : i32 to index
        %get3A_723 = arith.constant 912 : index
        %get3A_724 = tpu.vector_load %arg11[%get3A_722, %get3A_723] {strides = array<i32>} : memref<16x1024xf32, #tpu.memory_space<vmem>>, vector<1x16xf32>,
        %get3A_725 = vector.shape_cast %get3A_724 : vector<1x16xf32> to vector<16xf32>
        %get3A_726 = arith.index_cast %add3A_215 : i32 to index
        %get3A_727 = arith.constant 928 : index
        %get3A_728 = tpu.vector_load %arg11[%get3A_726, %get3A_727] {strides = array<i32>} : memref<16x1024xf32, #tpu.memory_space<vmem>>, vector<1x16xf32>,
        %get3A_729 = vector.shape_cast %get3A_728 : vector<1x16xf32> to vector<16xf32>
        %get3A_730 = arith.index_cast %add3A_215 : i32 to index
        %get3A_731 = arith.constant 944 : index
        %get3A_732 = tpu.vector_load %arg11[%get3A_730, %get3A_731] {strides = array<i32>} : memref<16x1024xf32, #tpu.memory_space<vmem>>, vector<1x16xf32>,
        %get3A_733 = vector.shape_cast %get3A_732 : vector<1x16xf32> to vector<16xf32>
        %get3A_734 = arith.index_cast %add3A_215 : i32 to index
        %get3A_735 = arith.constant 960 : index
        %get3A_736 = tpu.vector_load %arg11[%get3A_734, %get3A_735] {strides = array<i32>} : memref<16x1024xf32, #tpu.memory_space<vmem>>, vector<1x16xf32>,
        %get3A_737 = vector.shape_cast %get3A_736 : vector<1x16xf32> to vector<16xf32>
        %get3A_738 = arith.index_cast %add3A_215 : i32 to index
        %get3A_739 = arith.constant 976 : index
        %get3A_740 = tpu.vector_load %arg11[%get3A_738, %get3A_739] {strides = array<i32>} : memref<16x1024xf32, #tpu.memory_space<vmem>>, vector<1x16xf32>,
        %get3A_741 = vector.shape_cast %get3A_740 : vector<1x16xf32> to vector<16xf32>
        %get3A_742 = arith.index_cast %add3A_215 : i32 to index
        %get3A_743 = arith.constant 992 : index
        %get3A_744 = tpu.vector_load %arg11[%get3A_742, %get3A_743] {strides = array<i32>} : memref<16x1024xf32, #tpu.memory_space<vmem>>, vector<1x16xf32>,
        %get3A_745 = vector.shape_cast %get3A_744 : vector<1x16xf32> to vector<16xf32>
        %get3A_746 = arith.index_cast %add3A_215 : i32 to index
        %get3A_747 = arith.constant 1008 : index
        %get3A_748 = tpu.vector_load %arg11[%get3A_746, %get3A_747] {strides = array<i32>} : memref<16x1024xf32, #tpu.memory_space<vmem>>, vector<1x16xf32>,
        %get3A_749 = vector.shape_cast %get3A_748 : vector<1x16xf32> to vector<16xf32>
        %swap3A_750 = arith.index_cast %add3A_215 : i32 to index
        %swap3A_751 = arith.constant 896 : index
        %swap3A_752 = tpu.vector_load %arg9[%swap3A_750, %swap3A_751] {strides = array<i32>} : memref<16x1024xf32, #tpu.memory_space<vmem>>, vector<1x16xf32>,
        %swap3A_753 = vector.shape_cast %swap3A_752 : vector<1x16xf32> to vector<16xf32>
        %swap3A_754 = vector.shape_cast %get3A_721 : vector<16xf32> to vector<1x16xf32>
        tpu.vector_store %arg9[%swap3A_750, %swap3A_751], %swap3A_754 {add = true, strides = array<i32>} : memref<16x1024xf32, #tpu.memory_space<vmem>>, vector<1x16xf32>,
        %swap3A_755 = arith.index_cast %add3A_215 : i32 to index
        %swap3A_756 = arith.constant 912 : index
        %swap3A_757 = tpu.vector_load %arg9[%swap3A_755, %swap3A_756] {strides = array<i32>} : memref<16x1024xf32, #tpu.memory_space<vmem>>, vector<1x16xf32>,
        %swap3A_758 = vector.shape_cast %swap3A_757 : vector<1x16xf32> to vector<16xf32>
        %swap3A_759 = vector.shape_cast %get3A_725 : vector<16xf32> to vector<1x16xf32>
        tpu.vector_store %arg9[%swap3A_755, %swap3A_756], %swap3A_759 {add = true, strides = array<i32>} : memref<16x1024xf32, #tpu.memory_space<vmem>>, vector<1x16xf32>,
        %swap3A_760 = arith.index_cast %add3A_215 : i32 to index
        %swap3A_761 = arith.constant 928 : index
        %swap3A_762 = tpu.vector_load %arg9[%swap3A_760, %swap3A_761] {strides = array<i32>} : memref<16x1024xf32, #tpu.memory_space<vmem>>, vector<1x16xf32>,
        %swap3A_763 = vector.shape_cast %swap3A_762 : vector<1x16xf32> to vector<16xf32>
        %swap3A_764 = vector.shape_cast %get3A_729 : vector<16xf32> to vector<1x16xf32>
        tpu.vector_store %arg9[%swap3A_760, %swap3A_761], %swap3A_764 {add = true, strides = array<i32>} : memref<16x1024xf32, #tpu.memory_space<vmem>>, vector<1x16xf32>,
        %swap3A_765 = arith.index_cast %add3A_215 : i32 to index
        %swap3A_766 = arith.constant 944 : index
        %swap3A_767 = tpu.vector_load %arg9[%swap3A_765, %swap3A_766] {strides = array<i32>} : memref<16x1024xf32, #tpu.memory_space<vmem>>, vector<1x16xf32>,
        %swap3A_768 = vector.shape_cast %swap3A_767 : vector<1x16xf32> to vector<16xf32>
        %swap3A_769 = vector.shape_cast %get3A_733 : vector<16xf32> to vector<1x16xf32>
        tpu.vector_store %arg9[%swap3A_765, %swap3A_766], %swap3A_769 {add = true, strides = array<i32>} : memref<16x1024xf32, #tpu.memory_space<vmem>>, vector<1x16xf32>,
        %swap3A_770 = arith.index_cast %add3A_215 : i32 to index
        %swap3A_771 = arith.constant 960 : index
        %swap3A_772 = tpu.vector_load %arg9[%swap3A_770, %swap3A_771] {strides = array<i32>} : memref<16x1024xf32, #tpu.memory_space<vmem>>, vector<1x16xf32>,
        %swap3A_773 = vector.shape_cast %swap3A_772 : vector<1x16xf32> to vector<16xf32>
        %swap3A_774 = vector.shape_cast %get3A_737 : vector<16xf32> to vector<1x16xf32>
        tpu.vector_store %arg9[%swap3A_770, %swap3A_771], %swap3A_774 {add = true, strides = array<i32>} : memref<16x1024xf32, #tpu.memory_space<vmem>>, vector<1x16xf32>,
        %swap3A_775 = arith.index_cast %add3A_215 : i32 to index
        %swap3A_776 = arith.constant 976 : index
        %swap3A_777 = tpu.vector_load %arg9[%swap3A_775, %swap3A_776] {strides = array<i32>} : memref<16x1024xf32, #tpu.memory_space<vmem>>, vector<1x16xf32>,
        %swap3A_778 = vector.shape_cast %swap3A_777 : vector<1x16xf32> to vector<16xf32>
        %swap3A_779 = vector.shape_cast %get3A_741 : vector<16xf32> to vector<1x16xf32>
        tpu.vector_store %arg9[%swap3A_775, %swap3A_776], %swap3A_779 {add = true, strides = array<i32>} : memref<16x1024xf32, #tpu.memory_space<vmem>>, vector<1x16xf32>,
        %swap3A_780 = arith.index_cast %add3A_215 : i32 to index
        %swap3A_781 = arith.constant 992 : index
        %swap3A_782 = tpu.vector_load %arg9[%swap3A_780, %swap3A_781] {strides = array<i32>} : memref<16x1024xf32, #tpu.memory_space<vmem>>, vector<1x16xf32>,
        %swap3A_783 = vector.shape_cast %swap3A_782 : vector<1x16xf32> to vector<16xf32>
        %swap3A_784 = vector.shape_cast %get3A_745 : vector<16xf32> to vector<1x16xf32>
        tpu.vector_store %arg9[%swap3A_780, %swap3A_781], %swap3A_784 {add = true, strides = array<i32>} : memref<16x1024xf32, #tpu.memory_space<vmem>>, vector<1x16xf32>,
        %swap3A_785 = arith.index_cast %add3A_215 : i32 to index
        %swap3A_786 = arith.constant 1008 : index
        %swap3A_787 = tpu.vector_load %arg9[%swap3A_785, %swap3A_786] {strides = array<i32>} : memref<16x1024xf32, #tpu.memory_space<vmem>>, vector<1x16xf32>,
        %swap3A_788 = vector.shape_cast %swap3A_787 : vector<1x16xf32> to vector<16xf32>
        %swap3A_789 = vector.shape_cast %get3A_749 : vector<16xf32> to vector<1x16xf32>
        tpu.vector_store %arg9[%swap3A_785, %swap3A_786], %swap3A_789 {add = true, strides = array<i32>} : memref<16x1024xf32, #tpu.memory_space<vmem>>, vector<1x16xf32>,
      }
      %scan3A_160 = arith.constant 16 : i32
      %mul3A_161 = arith.constant 16 : i32
      %mul3A_162 = arith.muli %add3A_128, %mul3A_161 : i32
      %add3A_163 = arith.addi %mul3A_2, %mul3A_162 : i32
      %dma_start3A_164 = arith.constant 0 : i32
      %dma_start3A_165 = tpu.memref_slice %arg5[%add3A_163, %dma_start3A_164] : memref<32768x1024xf32, #tpu.memory_space<hbm>> -> memref<16x1024xf32, #tpu.memory_space<hbm>>
      %dma_start3A_166 = arith.constant 0 : i32
      %dma_start3A_167 = tpu.memref_slice %arg5[%add3A_163, %dma_start3A_166] : memref<32768x1024xf32, #tpu.memory_space<hbm>> -> memref<16x1024xf32, #tpu.memory_space<hbm>>
      tpu.enqueue_dma source(%arg9 : memref<16x1024xf32, #tpu.memory_space<vmem>>) target(%dma_start3A_167 : memref<16x1024xf32, #tpu.memory_space<hbm>>) target_semaphore(%arg21 : memref<!tpu.dma_semaphore, #tpu.memory_space<semaphore_mem>>)
      %mul3A_168 = arith.constant 4 : i32
      %mul3A_169 = arith.muli %add3A_41, %mul3A_168 : i32
      %add3A_170 = arith.constant 3 : i32
      %add3A_171 = arith.addi %mul3A_169, %add3A_170 : i32
      %add3A_172 = arith.constant 2 : i32
      %add3A_173 = arith.addi %add3A_171, %add3A_172 : i32
      %lt3A_174 = arith.constant 64 : i32
      %lt3A_175 = arith.cmpi slt, %add3A_173, %lt3A_174 : i32
      %convert_element_type3A_176 = arith.extui %lt3A_175 : i1 to i32
      %cond3A_177 = arith.constant 0 : i32
      %cond3A_178 = arith.cmpi ne, %convert_element_type3A_176, %cond3A_177 : i32
      scf.if %cond3A_178 {
        %ge3A = arith.constant 2 : i32
        %ge3A_211 = arith.cmpi sge, %add3A_171, %ge3A : i32
        %convert_element_type3A_212 = arith.extui %ge3A_211 : i1 to i32
        %cond3A_213 = arith.constant 0 : i32
        %cond3A_214 = arith.cmpi ne, %convert_element_type3A_212, %cond3A_213 : i32
        scf.if %cond3A_214 {
          %dma_wait3A_223 = arith.constant 0 : i32
          %dma_wait3A_224 = tpu.memref_slice %arg5[%mul3A_2, %dma_wait3A_223] : memref<32768x1024xf32, #tpu.memory_space<hbm>> -> memref<16x1024xf32, #tpu.memory_space<hbm>>
          %dma_wait3A_225 = arith.constant 0 : i32
          %dma_wait3A_226 = tpu.memref_slice %arg5[%mul3A_2, %dma_wait3A_225] : memref<32768x1024xf32, #tpu.memory_space<hbm>> -> memref<16x1024xf32, #tpu.memory_space<hbm>>
          tpu.wait_dma2 semaphore(%arg20 : memref<!tpu.dma_semaphore, #tpu.memory_space<semaphore_mem>>) src(%arg8 : memref<16x1024xf32, #tpu.memory_space<vmem>>) dst(%dma_wait3A_226 : memref<16x1024xf32, #tpu.memory_space<hbm>>)
        } else {
        }
        %add3A_215 = arith.constant 2 : i32
        %add3A_216 = arith.addi %add3A_171, %add3A_215 : i32
        %mul3A_217 = arith.constant 16 : i32
        %mul3A_218 = arith.muli %add3A_216, %mul3A_217 : i32
        %dma_start3A_219 = tpu.memref_slice %arg6[%mul3A_218] : memref<1024xi32, #tpu.memory_space<vmem>> -> memref<16xi32, #tpu.memory_space<vmem>>
        %dma_start3A_220 = arith.constant 0 : i32
        %dma_start3A_221 = arith.constant 0 : i32
        %dma_start3A_222 = tpu.memref_slice %arg4[%dma_start3A_220, %dma_start3A_221] : memref<8192x1024xf32, #tpu.memory_space<hbm>> -> memref<8192x1024xf32, #tpu.memory_space<hbm>>
        tpu.enqueue_indirect_dma source(%dma_start3A_222 : memref<8192x1024xf32, #tpu.memory_space<hbm>>) target(%arg8 : memref<16x1024xf32, #tpu.memory_space<vmem>>) offsets(%dma_start3A_219 : memref<16xi32, #tpu.memory_space<vmem>>) semaphore(%arg14 : memref<!tpu.dma_semaphore, #tpu.memory_space<semaphore_mem>>)
      } else {
      }
      %add3A_179 = arith.constant 1 : i32
      %add3A_180 = arith.addi %add3A_171, %add3A_179 : i32
      %lt3A_181 = arith.constant 64 : i32
      %lt3A_182 = arith.cmpi slt, %add3A_180, %lt3A_181 : i32
      %convert_element_type3A_183 = arith.extui %lt3A_182 : i1 to i32
      %cond3A_184 = arith.constant 0 : i32
      %cond3A_185 = arith.cmpi ne, %convert_element_type3A_183, %cond3A_184 : i32
      scf.if %cond3A_185 {
        %add3A_211 = arith.constant 1 : i32
        %add3A_212 = arith.addi %add3A_171, %add3A_211 : i32
        %mul3A_213 = arith.constant 16 : i32
        %mul3A_214 = arith.muli %add3A_212, %mul3A_213 : i32
        %add3A_215 = arith.addi %mul3A_2, %mul3A_214 : i32
        %dma_start3A_216 = arith.constant 0 : i32
        %dma_start3A_217 = tpu.memref_slice %arg2[%add3A_215, %dma_start3A_216] : memref<32768x1024xf32, #tpu.memory_space<hbm>> -> memref<16x1024xf32, #tpu.memory_space<hbm>>
        %dma_start3A_218 = arith.constant 0 : i32
        %dma_start3A_219 = tpu.memref_slice %arg2[%add3A_215, %dma_start3A_218] : memref<32768x1024xf32, #tpu.memory_space<hbm>> -> memref<16x1024xf32, #tpu.memory_space<hbm>>
        tpu.enqueue_dma source(%dma_start3A_219 : memref<16x1024xf32, #tpu.memory_space<hbm>>) target(%arg11 : memref<16x1024xf32, #tpu.memory_space<vmem>>) target_semaphore(%arg17 : memref<!tpu.dma_semaphore, #tpu.memory_space<semaphore_mem>>)
      } else {
      }
      %mul3A_186 = arith.constant 16 : i32
      %mul3A_187 = arith.muli %add3A_171, %mul3A_186 : i32
      %dma_wait3A_188 = tpu.memref_slice %arg6[%mul3A_187] : memref<1024xi32, #tpu.memory_space<vmem>> -> memref<16xi32, #tpu.memory_space<vmem>>
      %dma_wait3A_189 = arith.constant 0 : i32
      %dma_wait3A_190 = arith.constant 0 : i32
      %dma_wait3A_191 = tpu.memref_slice %arg4[%dma_wait3A_189, %dma_wait3A_190] : memref<8192x1024xf32, #tpu.memory_space<hbm>> -> memref<8192x1024xf32, #tpu.memory_space<hbm>>
      tpu.wait_indirect_dma semaphore(%arg16 : memref<!tpu.dma_semaphore, #tpu.memory_space<semaphore_mem>>) src(%dma_wait3A_191 : memref<8192x1024xf32, #tpu.memory_space<hbm>>) dst(%arg10 : memref<16x1024xf32, #tpu.memory_space<vmem>>)
      %mul3A_192 = arith.constant 16 : i32
      %mul3A_193 = arith.muli %add3A_171, %mul3A_192 : i32
      %add3A_194 = arith.addi %mul3A_2, %mul3A_193 : i32
      %dma_wait3A_195 = arith.constant 0 : i32
      %dma_wait3A_196 = tpu.memref_slice %arg2[%add3A_194, %dma_wait3A_195] : memref<32768x1024xf32, #tpu.memory_space<hbm>> -> memref<16x1024xf32, #tpu.memory_space<hbm>>
      %dma_wait3A_197 = arith.constant 0 : i32
      %dma_wait3A_198 = tpu.memref_slice %arg2[%add3A_194, %dma_wait3A_197] : memref<32768x1024xf32, #tpu.memory_space<hbm>> -> memref<16x1024xf32, #tpu.memory_space<hbm>>
      tpu.wait_dma2 semaphore(%arg18 : memref<!tpu.dma_semaphore, #tpu.memory_space<semaphore_mem>>) src(%dma_wait3A_198 : memref<16x1024xf32, #tpu.memory_space<hbm>>) dst(%arg12 : memref<16x1024xf32, #tpu.memory_space<vmem>>)
      %scan3A_199 = arith.constant 0 : i32
      %scan3A_200 = arith.constant 16 : i32
      %scan3A_201 = arith.addi %scan3A_199, %scan3A_200 : i32
      %scan3A_202 = arith.constant 1 : i32
      scf.for %scan3A_211 = %scan3A_199 to %scan3A_201 step %scan3A_202  : i32 {
        %mul3A_212 = arith.constant 1 : i32
        %mul3A_213 = arith.muli %scan3A_211, %mul3A_212 : i32
        %add3A_214 = arith.constant 0 : i32
        %add3A_215 = arith.addi %add3A_214, %mul3A_213 : i32
        %get3A = arith.index_cast %add3A_215 : i32 to index
        %get3A_216 = arith.constant 0 : index
        %get3A_217 = tpu.vector_load %arg12[%get3A, %get3A_216] {strides = array<i32>} : memref<16x1024xf32, #tpu.memory_space<vmem>>, vector<1x16xf32>,
        %get3A_218 = vector.shape_cast %get3A_217 : vector<1x16xf32> to vector<16xf32>
        %get3A_219 = arith.index_cast %add3A_215 : i32 to index
        %get3A_220 = arith.constant 16 : index
        %get3A_221 = tpu.vector_load %arg12[%get3A_219, %get3A_220] {strides = array<i32>} : memref<16x1024xf32, #tpu.memory_space<vmem>>, vector<1x16xf32>,
        %get3A_222 = vector.shape_cast %get3A_221 : vector<1x16xf32> to vector<16xf32>
        %get3A_223 = arith.index_cast %add3A_215 : i32 to index
        %get3A_224 = arith.constant 32 : index
        %get3A_225 = tpu.vector_load %arg12[%get3A_223, %get3A_224] {strides = array<i32>} : memref<16x1024xf32, #tpu.memory_space<vmem>>, vector<1x16xf32>,
        %get3A_226 = vector.shape_cast %get3A_225 : vector<1x16xf32> to vector<16xf32>
        %get3A_227 = arith.index_cast %add3A_215 : i32 to index
        %get3A_228 = arith.constant 48 : index
        %get3A_229 = tpu.vector_load %arg12[%get3A_227, %get3A_228] {strides = array<i32>} : memref<16x1024xf32, #tpu.memory_space<vmem>>, vector<1x16xf32>,
        %get3A_230 = vector.shape_cast %get3A_229 : vector<1x16xf32> to vector<16xf32>
        %get3A_231 = arith.index_cast %add3A_215 : i32 to index
        %get3A_232 = arith.constant 64 : index
        %get3A_233 = tpu.vector_load %arg12[%get3A_231, %get3A_232] {strides = array<i32>} : memref<16x1024xf32, #tpu.memory_space<vmem>>, vector<1x16xf32>,
        %get3A_234 = vector.shape_cast %get3A_233 : vector<1x16xf32> to vector<16xf32>
        %get3A_235 = arith.index_cast %add3A_215 : i32 to index
        %get3A_236 = arith.constant 80 : index
        %get3A_237 = tpu.vector_load %arg12[%get3A_235, %get3A_236] {strides = array<i32>} : memref<16x1024xf32, #tpu.memory_space<vmem>>, vector<1x16xf32>,
        %get3A_238 = vector.shape_cast %get3A_237 : vector<1x16xf32> to vector<16xf32>
        %get3A_239 = arith.index_cast %add3A_215 : i32 to index
        %get3A_240 = arith.constant 96 : index
        %get3A_241 = tpu.vector_load %arg12[%get3A_239, %get3A_240] {strides = array<i32>} : memref<16x1024xf32, #tpu.memory_space<vmem>>, vector<1x16xf32>,
        %get3A_242 = vector.shape_cast %get3A_241 : vector<1x16xf32> to vector<16xf32>
        %get3A_243 = arith.index_cast %add3A_215 : i32 to index
        %get3A_244 = arith.constant 112 : index
        %get3A_245 = tpu.vector_load %arg12[%get3A_243, %get3A_244] {strides = array<i32>} : memref<16x1024xf32, #tpu.memory_space<vmem>>, vector<1x16xf32>,
        %get3A_246 = vector.shape_cast %get3A_245 : vector<1x16xf32> to vector<16xf32>
        %swap3A = arith.index_cast %add3A_215 : i32 to index
        %swap3A_247 = arith.constant 0 : index
        %swap3A_248 = tpu.vector_load %arg10[%swap3A, %swap3A_247] {strides = array<i32>} : memref<16x1024xf32, #tpu.memory_space<vmem>>, vector<1x16xf32>,
        %swap3A_249 = vector.shape_cast %swap3A_248 : vector<1x16xf32> to vector<16xf32>
        %swap3A_250 = vector.shape_cast %get3A_218 : vector<16xf32> to vector<1x16xf32>
        tpu.vector_store %arg10[%swap3A, %swap3A_247], %swap3A_250 {add = true, strides = array<i32>} : memref<16x1024xf32, #tpu.memory_space<vmem>>, vector<1x16xf32>,
        %swap3A_251 = arith.index_cast %add3A_215 : i32 to index
        %swap3A_252 = arith.constant 16 : index
        %swap3A_253 = tpu.vector_load %arg10[%swap3A_251, %swap3A_252] {strides = array<i32>} : memref<16x1024xf32, #tpu.memory_space<vmem>>, vector<1x16xf32>,
        %swap3A_254 = vector.shape_cast %swap3A_253 : vector<1x16xf32> to vector<16xf32>
        %swap3A_255 = vector.shape_cast %get3A_222 : vector<16xf32> to vector<1x16xf32>
        tpu.vector_store %arg10[%swap3A_251, %swap3A_252], %swap3A_255 {add = true, strides = array<i32>} : memref<16x1024xf32, #tpu.memory_space<vmem>>, vector<1x16xf32>,
        %swap3A_256 = arith.index_cast %add3A_215 : i32 to index
        %swap3A_257 = arith.constant 32 : index
        %swap3A_258 = tpu.vector_load %arg10[%swap3A_256, %swap3A_257] {strides = array<i32>} : memref<16x1024xf32, #tpu.memory_space<vmem>>, vector<1x16xf32>,
        %swap3A_259 = vector.shape_cast %swap3A_258 : vector<1x16xf32> to vector<16xf32>
        %swap3A_260 = vector.shape_cast %get3A_226 : vector<16xf32> to vector<1x16xf32>
        tpu.vector_store %arg10[%swap3A_256, %swap3A_257], %swap3A_260 {add = true, strides = array<i32>} : memref<16x1024xf32, #tpu.memory_space<vmem>>, vector<1x16xf32>,
        %swap3A_261 = arith.index_cast %add3A_215 : i32 to index
        %swap3A_262 = arith.constant 48 : index
        %swap3A_263 = tpu.vector_load %arg10[%swap3A_261, %swap3A_262] {strides = array<i32>} : memref<16x1024xf32, #tpu.memory_space<vmem>>, vector<1x16xf32>,
        %swap3A_264 = vector.shape_cast %swap3A_263 : vector<1x16xf32> to vector<16xf32>
        %swap3A_265 = vector.shape_cast %get3A_230 : vector<16xf32> to vector<1x16xf32>
        tpu.vector_store %arg10[%swap3A_261, %swap3A_262], %swap3A_265 {add = true, strides = array<i32>} : memref<16x1024xf32, #tpu.memory_space<vmem>>, vector<1x16xf32>,
        %swap3A_266 = arith.index_cast %add3A_215 : i32 to index
        %swap3A_267 = arith.constant 64 : index
        %swap3A_268 = tpu.vector_load %arg10[%swap3A_266, %swap3A_267] {strides = array<i32>} : memref<16x1024xf32, #tpu.memory_space<vmem>>, vector<1x16xf32>,
        %swap3A_269 = vector.shape_cast %swap3A_268 : vector<1x16xf32> to vector<16xf32>
        %swap3A_270 = vector.shape_cast %get3A_234 : vector<16xf32> to vector<1x16xf32>
        tpu.vector_store %arg10[%swap3A_266, %swap3A_267], %swap3A_270 {add = true, strides = array<i32>} : memref<16x1024xf32, #tpu.memory_space<vmem>>, vector<1x16xf32>,
        %swap3A_271 = arith.index_cast %add3A_215 : i32 to index
        %swap3A_272 = arith.constant 80 : index
        %swap3A_273 = tpu.vector_load %arg10[%swap3A_271, %swap3A_272] {strides = array<i32>} : memref<16x1024xf32, #tpu.memory_space<vmem>>, vector<1x16xf32>,
        %swap3A_274 = vector.shape_cast %swap3A_273 : vector<1x16xf32> to vector<16xf32>
        %swap3A_275 = vector.shape_cast %get3A_238 : vector<16xf32> to vector<1x16xf32>
        tpu.vector_store %arg10[%swap3A_271, %swap3A_272], %swap3A_275 {add = true, strides = array<i32>} : memref<16x1024xf32, #tpu.memory_space<vmem>>, vector<1x16xf32>,
        %swap3A_276 = arith.index_cast %add3A_215 : i32 to index
        %swap3A_277 = arith.constant 96 : index
        %swap3A_278 = tpu.vector_load %arg10[%swap3A_276, %swap3A_277] {strides = array<i32>} : memref<16x1024xf32, #tpu.memory_space<vmem>>, vector<1x16xf32>,
        %swap3A_279 = vector.shape_cast %swap3A_278 : vector<1x16xf32> to vector<16xf32>
        %swap3A_280 = vector.shape_cast %get3A_242 : vector<16xf32> to vector<1x16xf32>
        tpu.vector_store %arg10[%swap3A_276, %swap3A_277], %swap3A_280 {add = true, strides = array<i32>} : memref<16x1024xf32, #tpu.memory_space<vmem>>, vector<1x16xf32>,
        %swap3A_281 = arith.index_cast %add3A_215 : i32 to index
        %swap3A_282 = arith.constant 112 : index
        %swap3A_283 = tpu.vector_load %arg10[%swap3A_281, %swap3A_282] {strides = array<i32>} : memref<16x1024xf32, #tpu.memory_space<vmem>>, vector<1x16xf32>,
        %swap3A_284 = vector.shape_cast %swap3A_283 : vector<1x16xf32> to vector<16xf32>
        %swap3A_285 = vector.shape_cast %get3A_246 : vector<16xf32> to vector<1x16xf32>
        tpu.vector_store %arg10[%swap3A_281, %swap3A_282], %swap3A_285 {add = true, strides = array<i32>} : memref<16x1024xf32, #tpu.memory_space<vmem>>, vector<1x16xf32>,
        %get3A_286 = arith.index_cast %add3A_215 : i32 to index
        %get3A_287 = arith.constant 128 : index
        %get3A_288 = tpu.vector_load %arg12[%get3A_286, %get3A_287] {strides = array<i32>} : memref<16x1024xf32, #tpu.memory_space<vmem>>, vector<1x16xf32>,
        %get3A_289 = vector.shape_cast %get3A_288 : vector<1x16xf32> to vector<16xf32>
        %get3A_290 = arith.index_cast %add3A_215 : i32 to index
        %get3A_291 = arith.constant 144 : index
        %get3A_292 = tpu.vector_load %arg12[%get3A_290, %get3A_291] {strides = array<i32>} : memref<16x1024xf32, #tpu.memory_space<vmem>>, vector<1x16xf32>,
        %get3A_293 = vector.shape_cast %get3A_292 : vector<1x16xf32> to vector<16xf32>
        %get3A_294 = arith.index_cast %add3A_215 : i32 to index
        %get3A_295 = arith.constant 160 : index
        %get3A_296 = tpu.vector_load %arg12[%get3A_294, %get3A_295] {strides = array<i32>} : memref<16x1024xf32, #tpu.memory_space<vmem>>, vector<1x16xf32>,
        %get3A_297 = vector.shape_cast %get3A_296 : vector<1x16xf32> to vector<16xf32>
        %get3A_298 = arith.index_cast %add3A_215 : i32 to index
        %get3A_299 = arith.constant 176 : index
        %get3A_300 = tpu.vector_load %arg12[%get3A_298, %get3A_299] {strides = array<i32>} : memref<16x1024xf32, #tpu.memory_space<vmem>>, vector<1x16xf32>,
        %get3A_301 = vector.shape_cast %get3A_300 : vector<1x16xf32> to vector<16xf32>
        %get3A_302 = arith.index_cast %add3A_215 : i32 to index
        %get3A_303 = arith.constant 192 : index
        %get3A_304 = tpu.vector_load %arg12[%get3A_302, %get3A_303] {strides = array<i32>} : memref<16x1024xf32, #tpu.memory_space<vmem>>, vector<1x16xf32>,
        %get3A_305 = vector.shape_cast %get3A_304 : vector<1x16xf32> to vector<16xf32>
        %get3A_306 = arith.index_cast %add3A_215 : i32 to index
        %get3A_307 = arith.constant 208 : index
        %get3A_308 = tpu.vector_load %arg12[%get3A_306, %get3A_307] {strides = array<i32>} : memref<16x1024xf32, #tpu.memory_space<vmem>>, vector<1x16xf32>,
        %get3A_309 = vector.shape_cast %get3A_308 : vector<1x16xf32> to vector<16xf32>
        %get3A_310 = arith.index_cast %add3A_215 : i32 to index
        %get3A_311 = arith.constant 224 : index
        %get3A_312 = tpu.vector_load %arg12[%get3A_310, %get3A_311] {strides = array<i32>} : memref<16x1024xf32, #tpu.memory_space<vmem>>, vector<1x16xf32>,
        %get3A_313 = vector.shape_cast %get3A_312 : vector<1x16xf32> to vector<16xf32>
        %get3A_314 = arith.index_cast %add3A_215 : i32 to index
        %get3A_315 = arith.constant 240 : index
        %get3A_316 = tpu.vector_load %arg12[%get3A_314, %get3A_315] {strides = array<i32>} : memref<16x1024xf32, #tpu.memory_space<vmem>>, vector<1x16xf32>,
        %get3A_317 = vector.shape_cast %get3A_316 : vector<1x16xf32> to vector<16xf32>
        %swap3A_318 = arith.index_cast %add3A_215 : i32 to index
        %swap3A_319 = arith.constant 128 : index
        %swap3A_320 = tpu.vector_load %arg10[%swap3A_318, %swap3A_319] {strides = array<i32>} : memref<16x1024xf32, #tpu.memory_space<vmem>>, vector<1x16xf32>,
        %swap3A_321 = vector.shape_cast %swap3A_320 : vector<1x16xf32> to vector<16xf32>
        %swap3A_322 = vector.shape_cast %get3A_289 : vector<16xf32> to vector<1x16xf32>
        tpu.vector_store %arg10[%swap3A_318, %swap3A_319], %swap3A_322 {add = true, strides = array<i32>} : memref<16x1024xf32, #tpu.memory_space<vmem>>, vector<1x16xf32>,
        %swap3A_323 = arith.index_cast %add3A_215 : i32 to index
        %swap3A_324 = arith.constant 144 : index
        %swap3A_325 = tpu.vector_load %arg10[%swap3A_323, %swap3A_324] {strides = array<i32>} : memref<16x1024xf32, #tpu.memory_space<vmem>>, vector<1x16xf32>,
        %swap3A_326 = vector.shape_cast %swap3A_325 : vector<1x16xf32> to vector<16xf32>
        %swap3A_327 = vector.shape_cast %get3A_293 : vector<16xf32> to vector<1x16xf32>
        tpu.vector_store %arg10[%swap3A_323, %swap3A_324], %swap3A_327 {add = true, strides = array<i32>} : memref<16x1024xf32, #tpu.memory_space<vmem>>, vector<1x16xf32>,
        %swap3A_328 = arith.index_cast %add3A_215 : i32 to index
        %swap3A_329 = arith.constant 160 : index
        %swap3A_330 = tpu.vector_load %arg10[%swap3A_328, %swap3A_329] {strides = array<i32>} : memref<16x1024xf32, #tpu.memory_space<vmem>>, vector<1x16xf32>,
        %swap3A_331 = vector.shape_cast %swap3A_330 : vector<1x16xf32> to vector<16xf32>
        %swap3A_332 = vector.shape_cast %get3A_297 : vector<16xf32> to vector<1x16xf32>
        tpu.vector_store %arg10[%swap3A_328, %swap3A_329], %swap3A_332 {add = true, strides = array<i32>} : memref<16x1024xf32, #tpu.memory_space<vmem>>, vector<1x16xf32>,
        %swap3A_333 = arith.index_cast %add3A_215 : i32 to index
        %swap3A_334 = arith.constant 176 : index
        %swap3A_335 = tpu.vector_load %arg10[%swap3A_333, %swap3A_334] {strides = array<i32>} : memref<16x1024xf32, #tpu.memory_space<vmem>>, vector<1x16xf32>,
        %swap3A_336 = vector.shape_cast %swap3A_335 : vector<1x16xf32> to vector<16xf32>
        %swap3A_337 = vector.shape_cast %get3A_301 : vector<16xf32> to vector<1x16xf32>
        tpu.vector_store %arg10[%swap3A_333, %swap3A_334], %swap3A_337 {add = true, strides = array<i32>} : memref<16x1024xf32, #tpu.memory_space<vmem>>, vector<1x16xf32>,
        %swap3A_338 = arith.index_cast %add3A_215 : i32 to index
        %swap3A_339 = arith.constant 192 : index
        %swap3A_340 = tpu.vector_load %arg10[%swap3A_338, %swap3A_339] {strides = array<i32>} : memref<16x1024xf32, #tpu.memory_space<vmem>>, vector<1x16xf32>,
        %swap3A_341 = vector.shape_cast %swap3A_340 : vector<1x16xf32> to vector<16xf32>
        %swap3A_342 = vector.shape_cast %get3A_305 : vector<16xf32> to vector<1x16xf32>
        tpu.vector_store %arg10[%swap3A_338, %swap3A_339], %swap3A_342 {add = true, strides = array<i32>} : memref<16x1024xf32, #tpu.memory_space<vmem>>, vector<1x16xf32>,
        %swap3A_343 = arith.index_cast %add3A_215 : i32 to index
        %swap3A_344 = arith.constant 208 : index
        %swap3A_345 = tpu.vector_load %arg10[%swap3A_343, %swap3A_344] {strides = array<i32>} : memref<16x1024xf32, #tpu.memory_space<vmem>>, vector<1x16xf32>,
        %swap3A_346 = vector.shape_cast %swap3A_345 : vector<1x16xf32> to vector<16xf32>
        %swap3A_347 = vector.shape_cast %get3A_309 : vector<16xf32> to vector<1x16xf32>
        tpu.vector_store %arg10[%swap3A_343, %swap3A_344], %swap3A_347 {add = true, strides = array<i32>} : memref<16x1024xf32, #tpu.memory_space<vmem>>, vector<1x16xf32>,
        %swap3A_348 = arith.index_cast %add3A_215 : i32 to index
        %swap3A_349 = arith.constant 224 : index
        %swap3A_350 = tpu.vector_load %arg10[%swap3A_348, %swap3A_349] {strides = array<i32>} : memref<16x1024xf32, #tpu.memory_space<vmem>>, vector<1x16xf32>,
        %swap3A_351 = vector.shape_cast %swap3A_350 : vector<1x16xf32> to vector<16xf32>
        %swap3A_352 = vector.shape_cast %get3A_313 : vector<16xf32> to vector<1x16xf32>
        tpu.vector_store %arg10[%swap3A_348, %swap3A_349], %swap3A_352 {add = true, strides = array<i32>} : memref<16x1024xf32, #tpu.memory_space<vmem>>, vector<1x16xf32>,
        %swap3A_353 = arith.index_cast %add3A_215 : i32 to index
        %swap3A_354 = arith.constant 240 : index
        %swap3A_355 = tpu.vector_load %arg10[%swap3A_353, %swap3A_354] {strides = array<i32>} : memref<16x1024xf32, #tpu.memory_space<vmem>>, vector<1x16xf32>,
        %swap3A_356 = vector.shape_cast %swap3A_355 : vector<1x16xf32> to vector<16xf32>
        %swap3A_357 = vector.shape_cast %get3A_317 : vector<16xf32> to vector<1x16xf32>
        tpu.vector_store %arg10[%swap3A_353, %swap3A_354], %swap3A_357 {add = true, strides = array<i32>} : memref<16x1024xf32, #tpu.memory_space<vmem>>, vector<1x16xf32>,
        %get3A_358 = arith.index_cast %add3A_215 : i32 to index
        %get3A_359 = arith.constant 256 : index
        %get3A_360 = tpu.vector_load %arg12[%get3A_358, %get3A_359] {strides = array<i32>} : memref<16x1024xf32, #tpu.memory_space<vmem>>, vector<1x16xf32>,
        %get3A_361 = vector.shape_cast %get3A_360 : vector<1x16xf32> to vector<16xf32>
        %get3A_362 = arith.index_cast %add3A_215 : i32 to index
        %get3A_363 = arith.constant 272 : index
        %get3A_364 = tpu.vector_load %arg12[%get3A_362, %get3A_363] {strides = array<i32>} : memref<16x1024xf32, #tpu.memory_space<vmem>>, vector<1x16xf32>,
        %get3A_365 = vector.shape_cast %get3A_364 : vector<1x16xf32> to vector<16xf32>
        %get3A_366 = arith.index_cast %add3A_215 : i32 to index
        %get3A_367 = arith.constant 288 : index
        %get3A_368 = tpu.vector_load %arg12[%get3A_366, %get3A_367] {strides = array<i32>} : memref<16x1024xf32, #tpu.memory_space<vmem>>, vector<1x16xf32>,
        %get3A_369 = vector.shape_cast %get3A_368 : vector<1x16xf32> to vector<16xf32>
        %get3A_370 = arith.index_cast %add3A_215 : i32 to index
        %get3A_371 = arith.constant 304 : index
        %get3A_372 = tpu.vector_load %arg12[%get3A_370, %get3A_371] {strides = array<i32>} : memref<16x1024xf32, #tpu.memory_space<vmem>>, vector<1x16xf32>,
        %get3A_373 = vector.shape_cast %get3A_372 : vector<1x16xf32> to vector<16xf32>
        %get3A_374 = arith.index_cast %add3A_215 : i32 to index
        %get3A_375 = arith.constant 320 : index
        %get3A_376 = tpu.vector_load %arg12[%get3A_374, %get3A_375] {strides = array<i32>} : memref<16x1024xf32, #tpu.memory_space<vmem>>, vector<1x16xf32>,
        %get3A_377 = vector.shape_cast %get3A_376 : vector<1x16xf32> to vector<16xf32>
        %get3A_378 = arith.index_cast %add3A_215 : i32 to index
        %get3A_379 = arith.constant 336 : index
        %get3A_380 = tpu.vector_load %arg12[%get3A_378, %get3A_379] {strides = array<i32>} : memref<16x1024xf32, #tpu.memory_space<vmem>>, vector<1x16xf32>,
        %get3A_381 = vector.shape_cast %get3A_380 : vector<1x16xf32> to vector<16xf32>
        %get3A_382 = arith.index_cast %add3A_215 : i32 to index
        %get3A_383 = arith.constant 352 : index
        %get3A_384 = tpu.vector_load %arg12[%get3A_382, %get3A_383] {strides = array<i32>} : memref<16x1024xf32, #tpu.memory_space<vmem>>, vector<1x16xf32>,
        %get3A_385 = vector.shape_cast %get3A_384 : vector<1x16xf32> to vector<16xf32>
        %get3A_386 = arith.index_cast %add3A_215 : i32 to index
        %get3A_387 = arith.constant 368 : index
        %get3A_388 = tpu.vector_load %arg12[%get3A_386, %get3A_387] {strides = array<i32>} : memref<16x1024xf32, #tpu.memory_space<vmem>>, vector<1x16xf32>,
        %get3A_389 = vector.shape_cast %get3A_388 : vector<1x16xf32> to vector<16xf32>
        %swap3A_390 = arith.index_cast %add3A_215 : i32 to index
        %swap3A_391 = arith.constant 256 : index
        %swap3A_392 = tpu.vector_load %arg10[%swap3A_390, %swap3A_391] {strides = array<i32>} : memref<16x1024xf32, #tpu.memory_space<vmem>>, vector<1x16xf32>,
        %swap3A_393 = vector.shape_cast %swap3A_392 : vector<1x16xf32> to vector<16xf32>
        %swap3A_394 = vector.shape_cast %get3A_361 : vector<16xf32> to vector<1x16xf32>
        tpu.vector_store %arg10[%swap3A_390, %swap3A_391], %swap3A_394 {add = true, strides = array<i32>} : memref<16x1024xf32, #tpu.memory_space<vmem>>, vector<1x16xf32>,
        %swap3A_395 = arith.index_cast %add3A_215 : i32 to index
        %swap3A_396 = arith.constant 272 : index
        %swap3A_397 = tpu.vector_load %arg10[%swap3A_395, %swap3A_396] {strides = array<i32>} : memref<16x1024xf32, #tpu.memory_space<vmem>>, vector<1x16xf32>,
        %swap3A_398 = vector.shape_cast %swap3A_397 : vector<1x16xf32> to vector<16xf32>
        %swap3A_399 = vector.shape_cast %get3A_365 : vector<16xf32> to vector<1x16xf32>
        tpu.vector_store %arg10[%swap3A_395, %swap3A_396], %swap3A_399 {add = true, strides = array<i32>} : memref<16x1024xf32, #tpu.memory_space<vmem>>, vector<1x16xf32>,
        %swap3A_400 = arith.index_cast %add3A_215 : i32 to index
        %swap3A_401 = arith.constant 288 : index
        %swap3A_402 = tpu.vector_load %arg10[%swap3A_400, %swap3A_401] {strides = array<i32>} : memref<16x1024xf32, #tpu.memory_space<vmem>>, vector<1x16xf32>,
        %swap3A_403 = vector.shape_cast %swap3A_402 : vector<1x16xf32> to vector<16xf32>
        %swap3A_404 = vector.shape_cast %get3A_369 : vector<16xf32> to vector<1x16xf32>
        tpu.vector_store %arg10[%swap3A_400, %swap3A_401], %swap3A_404 {add = true, strides = array<i32>} : memref<16x1024xf32, #tpu.memory_space<vmem>>, vector<1x16xf32>,
        %swap3A_405 = arith.index_cast %add3A_215 : i32 to index
        %swap3A_406 = arith.constant 304 : index
        %swap3A_407 = tpu.vector_load %arg10[%swap3A_405, %swap3A_406] {strides = array<i32>} : memref<16x1024xf32, #tpu.memory_space<vmem>>, vector<1x16xf32>,
        %swap3A_408 = vector.shape_cast %swap3A_407 : vector<1x16xf32> to vector<16xf32>
        %swap3A_409 = vector.shape_cast %get3A_373 : vector<16xf32> to vector<1x16xf32>
        tpu.vector_store %arg10[%swap3A_405, %swap3A_406], %swap3A_409 {add = true, strides = array<i32>} : memref<16x1024xf32, #tpu.memory_space<vmem>>, vector<1x16xf32>,
        %swap3A_410 = arith.index_cast %add3A_215 : i32 to index
        %swap3A_411 = arith.constant 320 : index
        %swap3A_412 = tpu.vector_load %arg10[%swap3A_410, %swap3A_411] {strides = array<i32>} : memref<16x1024xf32, #tpu.memory_space<vmem>>, vector<1x16xf32>,
        %swap3A_413 = vector.shape_cast %swap3A_412 : vector<1x16xf32> to vector<16xf32>
        %swap3A_414 = vector.shape_cast %get3A_377 : vector<16xf32> to vector<1x16xf32>
        tpu.vector_store %arg10[%swap3A_410, %swap3A_411], %swap3A_414 {add = true, strides = array<i32>} : memref<16x1024xf32, #tpu.memory_space<vmem>>, vector<1x16xf32>,
        %swap3A_415 = arith.index_cast %add3A_215 : i32 to index
        %swap3A_416 = arith.constant 336 : index
        %swap3A_417 = tpu.vector_load %arg10[%swap3A_415, %swap3A_416] {strides = array<i32>} : memref<16x1024xf32, #tpu.memory_space<vmem>>, vector<1x16xf32>,
        %swap3A_418 = vector.shape_cast %swap3A_417 : vector<1x16xf32> to vector<16xf32>
        %swap3A_419 = vector.shape_cast %get3A_381 : vector<16xf32> to vector<1x16xf32>
        tpu.vector_store %arg10[%swap3A_415, %swap3A_416], %swap3A_419 {add = true, strides = array<i32>} : memref<16x1024xf32, #tpu.memory_space<vmem>>, vector<1x16xf32>,
        %swap3A_420 = arith.index_cast %add3A_215 : i32 to index
        %swap3A_421 = arith.constant 352 : index
        %swap3A_422 = tpu.vector_load %arg10[%swap3A_420, %swap3A_421] {strides = array<i32>} : memref<16x1024xf32, #tpu.memory_space<vmem>>, vector<1x16xf32>,
        %swap3A_423 = vector.shape_cast %swap3A_422 : vector<1x16xf32> to vector<16xf32>
        %swap3A_424 = vector.shape_cast %get3A_385 : vector<16xf32> to vector<1x16xf32>
        tpu.vector_store %arg10[%swap3A_420, %swap3A_421], %swap3A_424 {add = true, strides = array<i32>} : memref<16x1024xf32, #tpu.memory_space<vmem>>, vector<1x16xf32>,
        %swap3A_425 = arith.index_cast %add3A_215 : i32 to index
        %swap3A_426 = arith.constant 368 : index
        %swap3A_427 = tpu.vector_load %arg10[%swap3A_425, %swap3A_426] {strides = array<i32>} : memref<16x1024xf32, #tpu.memory_space<vmem>>, vector<1x16xf32>,
        %swap3A_428 = vector.shape_cast %swap3A_427 : vector<1x16xf32> to vector<16xf32>
        %swap3A_429 = vector.shape_cast %get3A_389 : vector<16xf32> to vector<1x16xf32>
        tpu.vector_store %arg10[%swap3A_425, %swap3A_426], %swap3A_429 {add = true, strides = array<i32>} : memref<16x1024xf32, #tpu.memory_space<vmem>>, vector<1x16xf32>,
        %get3A_430 = arith.index_cast %add3A_215 : i32 to index
        %get3A_431 = arith.constant 384 : index
        %get3A_432 = tpu.vector_load %arg12[%get3A_430, %get3A_431] {strides = array<i32>} : memref<16x1024xf32, #tpu.memory_space<vmem>>, vector<1x16xf32>,
        %get3A_433 = vector.shape_cast %get3A_432 : vector<1x16xf32> to vector<16xf32>
        %get3A_434 = arith.index_cast %add3A_215 : i32 to index
        %get3A_435 = arith.constant 400 : index
        %get3A_436 = tpu.vector_load %arg12[%get3A_434, %get3A_435] {strides = array<i32>} : memref<16x1024xf32, #tpu.memory_space<vmem>>, vector<1x16xf32>,
        %get3A_437 = vector.shape_cast %get3A_436 : vector<1x16xf32> to vector<16xf32>
        %get3A_438 = arith.index_cast %add3A_215 : i32 to index
        %get3A_439 = arith.constant 416 : index
        %get3A_440 = tpu.vector_load %arg12[%get3A_438, %get3A_439] {strides = array<i32>} : memref<16x1024xf32, #tpu.memory_space<vmem>>, vector<1x16xf32>,
        %get3A_441 = vector.shape_cast %get3A_440 : vector<1x16xf32> to vector<16xf32>
        %get3A_442 = arith.index_cast %add3A_215 : i32 to index
        %get3A_443 = arith.constant 432 : index
        %get3A_444 = tpu.vector_load %arg12[%get3A_442, %get3A_443] {strides = array<i32>} : memref<16x1024xf32, #tpu.memory_space<vmem>>, vector<1x16xf32>,
        %get3A_445 = vector.shape_cast %get3A_444 : vector<1x16xf32> to vector<16xf32>
        %get3A_446 = arith.index_cast %add3A_215 : i32 to index
        %get3A_447 = arith.constant 448 : index
        %get3A_448 = tpu.vector_load %arg12[%get3A_446, %get3A_447] {strides = array<i32>} : memref<16x1024xf32, #tpu.memory_space<vmem>>, vector<1x16xf32>,
        %get3A_449 = vector.shape_cast %get3A_448 : vector<1x16xf32> to vector<16xf32>
        %get3A_450 = arith.index_cast %add3A_215 : i32 to index
        %get3A_451 = arith.constant 464 : index
        %get3A_452 = tpu.vector_load %arg12[%get3A_450, %get3A_451] {strides = array<i32>} : memref<16x1024xf32, #tpu.memory_space<vmem>>, vector<1x16xf32>,
        %get3A_453 = vector.shape_cast %get3A_452 : vector<1x16xf32> to vector<16xf32>
        %get3A_454 = arith.index_cast %add3A_215 : i32 to index
        %get3A_455 = arith.constant 480 : index
        %get3A_456 = tpu.vector_load %arg12[%get3A_454, %get3A_455] {strides = array<i32>} : memref<16x1024xf32, #tpu.memory_space<vmem>>, vector<1x16xf32>,
        %get3A_457 = vector.shape_cast %get3A_456 : vector<1x16xf32> to vector<16xf32>
        %get3A_458 = arith.index_cast %add3A_215 : i32 to index
        %get3A_459 = arith.constant 496 : index
        %get3A_460 = tpu.vector_load %arg12[%get3A_458, %get3A_459] {strides = array<i32>} : memref<16x1024xf32, #tpu.memory_space<vmem>>, vector<1x16xf32>,
        %get3A_461 = vector.shape_cast %get3A_460 : vector<1x16xf32> to vector<16xf32>
        %swap3A_462 = arith.index_cast %add3A_215 : i32 to index
        %swap3A_463 = arith.constant 384 : index
        %swap3A_464 = tpu.vector_load %arg10[%swap3A_462, %swap3A_463] {strides = array<i32>} : memref<16x1024xf32, #tpu.memory_space<vmem>>, vector<1x16xf32>,
        %swap3A_465 = vector.shape_cast %swap3A_464 : vector<1x16xf32> to vector<16xf32>
        %swap3A_466 = vector.shape_cast %get3A_433 : vector<16xf32> to vector<1x16xf32>
        tpu.vector_store %arg10[%swap3A_462, %swap3A_463], %swap3A_466 {add = true, strides = array<i32>} : memref<16x1024xf32, #tpu.memory_space<vmem>>, vector<1x16xf32>,
        %swap3A_467 = arith.index_cast %add3A_215 : i32 to index
        %swap3A_468 = arith.constant 400 : index
        %swap3A_469 = tpu.vector_load %arg10[%swap3A_467, %swap3A_468] {strides = array<i32>} : memref<16x1024xf32, #tpu.memory_space<vmem>>, vector<1x16xf32>,
        %swap3A_470 = vector.shape_cast %swap3A_469 : vector<1x16xf32> to vector<16xf32>
        %swap3A_471 = vector.shape_cast %get3A_437 : vector<16xf32> to vector<1x16xf32>
        tpu.vector_store %arg10[%swap3A_467, %swap3A_468], %swap3A_471 {add = true, strides = array<i32>} : memref<16x1024xf32, #tpu.memory_space<vmem>>, vector<1x16xf32>,
        %swap3A_472 = arith.index_cast %add3A_215 : i32 to index
        %swap3A_473 = arith.constant 416 : index
        %swap3A_474 = tpu.vector_load %arg10[%swap3A_472, %swap3A_473] {strides = array<i32>} : memref<16x1024xf32, #tpu.memory_space<vmem>>, vector<1x16xf32>,
        %swap3A_475 = vector.shape_cast %swap3A_474 : vector<1x16xf32> to vector<16xf32>
        %swap3A_476 = vector.shape_cast %get3A_441 : vector<16xf32> to vector<1x16xf32>
        tpu.vector_store %arg10[%swap3A_472, %swap3A_473], %swap3A_476 {add = true, strides = array<i32>} : memref<16x1024xf32, #tpu.memory_space<vmem>>, vector<1x16xf32>,
        %swap3A_477 = arith.index_cast %add3A_215 : i32 to index
        %swap3A_478 = arith.constant 432 : index
        %swap3A_479 = tpu.vector_load %arg10[%swap3A_477, %swap3A_478] {strides = array<i32>} : memref<16x1024xf32, #tpu.memory_space<vmem>>, vector<1x16xf32>,
        %swap3A_480 = vector.shape_cast %swap3A_479 : vector<1x16xf32> to vector<16xf32>
        %swap3A_481 = vector.shape_cast %get3A_445 : vector<16xf32> to vector<1x16xf32>
        tpu.vector_store %arg10[%swap3A_477, %swap3A_478], %swap3A_481 {add = true, strides = array<i32>} : memref<16x1024xf32, #tpu.memory_space<vmem>>, vector<1x16xf32>,
        %swap3A_482 = arith.index_cast %add3A_215 : i32 to index
        %swap3A_483 = arith.constant 448 : index
        %swap3A_484 = tpu.vector_load %arg10[%swap3A_482, %swap3A_483] {strides = array<i32>} : memref<16x1024xf32, #tpu.memory_space<vmem>>, vector<1x16xf32>,
        %swap3A_485 = vector.shape_cast %swap3A_484 : vector<1x16xf32> to vector<16xf32>
        %swap3A_486 = vector.shape_cast %get3A_449 : vector<16xf32> to vector<1x16xf32>
        tpu.vector_store %arg10[%swap3A_482, %swap3A_483], %swap3A_486 {add = true, strides = array<i32>} : memref<16x1024xf32, #tpu.memory_space<vmem>>, vector<1x16xf32>,
        %swap3A_487 = arith.index_cast %add3A_215 : i32 to index
        %swap3A_488 = arith.constant 464 : index
        %swap3A_489 = tpu.vector_load %arg10[%swap3A_487, %swap3A_488] {strides = array<i32>} : memref<16x1024xf32, #tpu.memory_space<vmem>>, vector<1x16xf32>,
        %swap3A_490 = vector.shape_cast %swap3A_489 : vector<1x16xf32> to vector<16xf32>
        %swap3A_491 = vector.shape_cast %get3A_453 : vector<16xf32> to vector<1x16xf32>
        tpu.vector_store %arg10[%swap3A_487, %swap3A_488], %swap3A_491 {add = true, strides = array<i32>} : memref<16x1024xf32, #tpu.memory_space<vmem>>, vector<1x16xf32>,
        %swap3A_492 = arith.index_cast %add3A_215 : i32 to index
        %swap3A_493 = arith.constant 480 : index
        %swap3A_494 = tpu.vector_load %arg10[%swap3A_492, %swap3A_493] {strides = array<i32>} : memref<16x1024xf32, #tpu.memory_space<vmem>>, vector<1x16xf32>,
        %swap3A_495 = vector.shape_cast %swap3A_494 : vector<1x16xf32> to vector<16xf32>
        %swap3A_496 = vector.shape_cast %get3A_457 : vector<16xf32> to vector<1x16xf32>
        tpu.vector_store %arg10[%swap3A_492, %swap3A_493], %swap3A_496 {add = true, strides = array<i32>} : memref<16x1024xf32, #tpu.memory_space<vmem>>, vector<1x16xf32>,
        %swap3A_497 = arith.index_cast %add3A_215 : i32 to index
        %swap3A_498 = arith.constant 496 : index
        %swap3A_499 = tpu.vector_load %arg10[%swap3A_497, %swap3A_498] {strides = array<i32>} : memref<16x1024xf32, #tpu.memory_space<vmem>>, vector<1x16xf32>,
        %swap3A_500 = vector.shape_cast %swap3A_499 : vector<1x16xf32> to vector<16xf32>
        %swap3A_501 = vector.shape_cast %get3A_461 : vector<16xf32> to vector<1x16xf32>
        tpu.vector_store %arg10[%swap3A_497, %swap3A_498], %swap3A_501 {add = true, strides = array<i32>} : memref<16x1024xf32, #tpu.memory_space<vmem>>, vector<1x16xf32>,
        %get3A_502 = arith.index_cast %add3A_215 : i32 to index
        %get3A_503 = arith.constant 512 : index
        %get3A_504 = tpu.vector_load %arg12[%get3A_502, %get3A_503] {strides = array<i32>} : memref<16x1024xf32, #tpu.memory_space<vmem>>, vector<1x16xf32>,
        %get3A_505 = vector.shape_cast %get3A_504 : vector<1x16xf32> to vector<16xf32>
        %get3A_506 = arith.index_cast %add3A_215 : i32 to index
        %get3A_507 = arith.constant 528 : index
        %get3A_508 = tpu.vector_load %arg12[%get3A_506, %get3A_507] {strides = array<i32>} : memref<16x1024xf32, #tpu.memory_space<vmem>>, vector<1x16xf32>,
        %get3A_509 = vector.shape_cast %get3A_508 : vector<1x16xf32> to vector<16xf32>
        %get3A_510 = arith.index_cast %add3A_215 : i32 to index
        %get3A_511 = arith.constant 544 : index
        %get3A_512 = tpu.vector_load %arg12[%get3A_510, %get3A_511] {strides = array<i32>} : memref<16x1024xf32, #tpu.memory_space<vmem>>, vector<1x16xf32>,
        %get3A_513 = vector.shape_cast %get3A_512 : vector<1x16xf32> to vector<16xf32>
        %get3A_514 = arith.index_cast %add3A_215 : i32 to index
        %get3A_515 = arith.constant 560 : index
        %get3A_516 = tpu.vector_load %arg12[%get3A_514, %get3A_515] {strides = array<i32>} : memref<16x1024xf32, #tpu.memory_space<vmem>>, vector<1x16xf32>,
        %get3A_517 = vector.shape_cast %get3A_516 : vector<1x16xf32> to vector<16xf32>
        %get3A_518 = arith.index_cast %add3A_215 : i32 to index
        %get3A_519 = arith.constant 576 : index
        %get3A_520 = tpu.vector_load %arg12[%get3A_518, %get3A_519] {strides = array<i32>} : memref<16x1024xf32, #tpu.memory_space<vmem>>, vector<1x16xf32>,
        %get3A_521 = vector.shape_cast %get3A_520 : vector<1x16xf32> to vector<16xf32>
        %get3A_522 = arith.index_cast %add3A_215 : i32 to index
        %get3A_523 = arith.constant 592 : index
        %get3A_524 = tpu.vector_load %arg12[%get3A_522, %get3A_523] {strides = array<i32>} : memref<16x1024xf32, #tpu.memory_space<vmem>>, vector<1x16xf32>,
        %get3A_525 = vector.shape_cast %get3A_524 : vector<1x16xf32> to vector<16xf32>
        %get3A_526 = arith.index_cast %add3A_215 : i32 to index
        %get3A_527 = arith.constant 608 : index
        %get3A_528 = tpu.vector_load %arg12[%get3A_526, %get3A_527] {strides = array<i32>} : memref<16x1024xf32, #tpu.memory_space<vmem>>, vector<1x16xf32>,
        %get3A_529 = vector.shape_cast %get3A_528 : vector<1x16xf32> to vector<16xf32>
        %get3A_530 = arith.index_cast %add3A_215 : i32 to index
        %get3A_531 = arith.constant 624 : index
        %get3A_532 = tpu.vector_load %arg12[%get3A_530, %get3A_531] {strides = array<i32>} : memref<16x1024xf32, #tpu.memory_space<vmem>>, vector<1x16xf32>,
        %get3A_533 = vector.shape_cast %get3A_532 : vector<1x16xf32> to vector<16xf32>
        %swap3A_534 = arith.index_cast %add3A_215 : i32 to index
        %swap3A_535 = arith.constant 512 : index
        %swap3A_536 = tpu.vector_load %arg10[%swap3A_534, %swap3A_535] {strides = array<i32>} : memref<16x1024xf32, #tpu.memory_space<vmem>>, vector<1x16xf32>,
        %swap3A_537 = vector.shape_cast %swap3A_536 : vector<1x16xf32> to vector<16xf32>
        %swap3A_538 = vector.shape_cast %get3A_505 : vector<16xf32> to vector<1x16xf32>
        tpu.vector_store %arg10[%swap3A_534, %swap3A_535], %swap3A_538 {add = true, strides = array<i32>} : memref<16x1024xf32, #tpu.memory_space<vmem>>, vector<1x16xf32>,
        %swap3A_539 = arith.index_cast %add3A_215 : i32 to index
        %swap3A_540 = arith.constant 528 : index
        %swap3A_541 = tpu.vector_load %arg10[%swap3A_539, %swap3A_540] {strides = array<i32>} : memref<16x1024xf32, #tpu.memory_space<vmem>>, vector<1x16xf32>,
        %swap3A_542 = vector.shape_cast %swap3A_541 : vector<1x16xf32> to vector<16xf32>
        %swap3A_543 = vector.shape_cast %get3A_509 : vector<16xf32> to vector<1x16xf32>
        tpu.vector_store %arg10[%swap3A_539, %swap3A_540], %swap3A_543 {add = true, strides = array<i32>} : memref<16x1024xf32, #tpu.memory_space<vmem>>, vector<1x16xf32>,
        %swap3A_544 = arith.index_cast %add3A_215 : i32 to index
        %swap3A_545 = arith.constant 544 : index
        %swap3A_546 = tpu.vector_load %arg10[%swap3A_544, %swap3A_545] {strides = array<i32>} : memref<16x1024xf32, #tpu.memory_space<vmem>>, vector<1x16xf32>,
        %swap3A_547 = vector.shape_cast %swap3A_546 : vector<1x16xf32> to vector<16xf32>
        %swap3A_548 = vector.shape_cast %get3A_513 : vector<16xf32> to vector<1x16xf32>
        tpu.vector_store %arg10[%swap3A_544, %swap3A_545], %swap3A_548 {add = true, strides = array<i32>} : memref<16x1024xf32, #tpu.memory_space<vmem>>, vector<1x16xf32>,
        %swap3A_549 = arith.index_cast %add3A_215 : i32 to index
        %swap3A_550 = arith.constant 560 : index
        %swap3A_551 = tpu.vector_load %arg10[%swap3A_549, %swap3A_550] {strides = array<i32>} : memref<16x1024xf32, #tpu.memory_space<vmem>>, vector<1x16xf32>,
        %swap3A_552 = vector.shape_cast %swap3A_551 : vector<1x16xf32> to vector<16xf32>
        %swap3A_553 = vector.shape_cast %get3A_517 : vector<16xf32> to vector<1x16xf32>
        tpu.vector_store %arg10[%swap3A_549, %swap3A_550], %swap3A_553 {add = true, strides = array<i32>} : memref<16x1024xf32, #tpu.memory_space<vmem>>, vector<1x16xf32>,
        %swap3A_554 = arith.index_cast %add3A_215 : i32 to index
        %swap3A_555 = arith.constant 576 : index
        %swap3A_556 = tpu.vector_load %arg10[%swap3A_554, %swap3A_555] {strides = array<i32>} : memref<16x1024xf32, #tpu.memory_space<vmem>>, vector<1x16xf32>,
        %swap3A_557 = vector.shape_cast %swap3A_556 : vector<1x16xf32> to vector<16xf32>
        %swap3A_558 = vector.shape_cast %get3A_521 : vector<16xf32> to vector<1x16xf32>
        tpu.vector_store %arg10[%swap3A_554, %swap3A_555], %swap3A_558 {add = true, strides = array<i32>} : memref<16x1024xf32, #tpu.memory_space<vmem>>, vector<1x16xf32>,
        %swap3A_559 = arith.index_cast %add3A_215 : i32 to index
        %swap3A_560 = arith.constant 592 : index
        %swap3A_561 = tpu.vector_load %arg10[%swap3A_559, %swap3A_560] {strides = array<i32>} : memref<16x1024xf32, #tpu.memory_space<vmem>>, vector<1x16xf32>,
        %swap3A_562 = vector.shape_cast %swap3A_561 : vector<1x16xf32> to vector<16xf32>
        %swap3A_563 = vector.shape_cast %get3A_525 : vector<16xf32> to vector<1x16xf32>
        tpu.vector_store %arg10[%swap3A_559, %swap3A_560], %swap3A_563 {add = true, strides = array<i32>} : memref<16x1024xf32, #tpu.memory_space<vmem>>, vector<1x16xf32>,
        %swap3A_564 = arith.index_cast %add3A_215 : i32 to index
        %swap3A_565 = arith.constant 608 : index
        %swap3A_566 = tpu.vector_load %arg10[%swap3A_564, %swap3A_565] {strides = array<i32>} : memref<16x1024xf32, #tpu.memory_space<vmem>>, vector<1x16xf32>,
        %swap3A_567 = vector.shape_cast %swap3A_566 : vector<1x16xf32> to vector<16xf32>
        %swap3A_568 = vector.shape_cast %get3A_529 : vector<16xf32> to vector<1x16xf32>
        tpu.vector_store %arg10[%swap3A_564, %swap3A_565], %swap3A_568 {add = true, strides = array<i32>} : memref<16x1024xf32, #tpu.memory_space<vmem>>, vector<1x16xf32>,
        %swap3A_569 = arith.index_cast %add3A_215 : i32 to index
        %swap3A_570 = arith.constant 624 : index
        %swap3A_571 = tpu.vector_load %arg10[%swap3A_569, %swap3A_570] {strides = array<i32>} : memref<16x1024xf32, #tpu.memory_space<vmem>>, vector<1x16xf32>,
        %swap3A_572 = vector.shape_cast %swap3A_571 : vector<1x16xf32> to vector<16xf32>
        %swap3A_573 = vector.shape_cast %get3A_533 : vector<16xf32> to vector<1x16xf32>
        tpu.vector_store %arg10[%swap3A_569, %swap3A_570], %swap3A_573 {add = true, strides = array<i32>} : memref<16x1024xf32, #tpu.memory_space<vmem>>, vector<1x16xf32>,
        %get3A_574 = arith.index_cast %add3A_215 : i32 to index
        %get3A_575 = arith.constant 640 : index
        %get3A_576 = tpu.vector_load %arg12[%get3A_574, %get3A_575] {strides = array<i32>} : memref<16x1024xf32, #tpu.memory_space<vmem>>, vector<1x16xf32>,
        %get3A_577 = vector.shape_cast %get3A_576 : vector<1x16xf32> to vector<16xf32>
        %get3A_578 = arith.index_cast %add3A_215 : i32 to index
        %get3A_579 = arith.constant 656 : index
        %get3A_580 = tpu.vector_load %arg12[%get3A_578, %get3A_579] {strides = array<i32>} : memref<16x1024xf32, #tpu.memory_space<vmem>>, vector<1x16xf32>,
        %get3A_581 = vector.shape_cast %get3A_580 : vector<1x16xf32> to vector<16xf32>
        %get3A_582 = arith.index_cast %add3A_215 : i32 to index
        %get3A_583 = arith.constant 672 : index
        %get3A_584 = tpu.vector_load %arg12[%get3A_582, %get3A_583] {strides = array<i32>} : memref<16x1024xf32, #tpu.memory_space<vmem>>, vector<1x16xf32>,
        %get3A_585 = vector.shape_cast %get3A_584 : vector<1x16xf32> to vector<16xf32>
        %get3A_586 = arith.index_cast %add3A_215 : i32 to index
        %get3A_587 = arith.constant 688 : index
        %get3A_588 = tpu.vector_load %arg12[%get3A_586, %get3A_587] {strides = array<i32>} : memref<16x1024xf32, #tpu.memory_space<vmem>>, vector<1x16xf32>,
        %get3A_589 = vector.shape_cast %get3A_588 : vector<1x16xf32> to vector<16xf32>
        %get3A_590 = arith.index_cast %add3A_215 : i32 to index
        %get3A_591 = arith.constant 704 : index
        %get3A_592 = tpu.vector_load %arg12[%get3A_590, %get3A_591] {strides = array<i32>} : memref<16x1024xf32, #tpu.memory_space<vmem>>, vector<1x16xf32>,
        %get3A_593 = vector.shape_cast %get3A_592 : vector<1x16xf32> to vector<16xf32>
        %get3A_594 = arith.index_cast %add3A_215 : i32 to index
        %get3A_595 = arith.constant 720 : index
        %get3A_596 = tpu.vector_load %arg12[%get3A_594, %get3A_595] {strides = array<i32>} : memref<16x1024xf32, #tpu.memory_space<vmem>>, vector<1x16xf32>,
        %get3A_597 = vector.shape_cast %get3A_596 : vector<1x16xf32> to vector<16xf32>
        %get3A_598 = arith.index_cast %add3A_215 : i32 to index
        %get3A_599 = arith.constant 736 : index
        %get3A_600 = tpu.vector_load %arg12[%get3A_598, %get3A_599] {strides = array<i32>} : memref<16x1024xf32, #tpu.memory_space<vmem>>, vector<1x16xf32>,
        %get3A_601 = vector.shape_cast %get3A_600 : vector<1x16xf32> to vector<16xf32>
        %get3A_602 = arith.index_cast %add3A_215 : i32 to index
        %get3A_603 = arith.constant 752 : index
        %get3A_604 = tpu.vector_load %arg12[%get3A_602, %get3A_603] {strides = array<i32>} : memref<16x1024xf32, #tpu.memory_space<vmem>>, vector<1x16xf32>,
        %get3A_605 = vector.shape_cast %get3A_604 : vector<1x16xf32> to vector<16xf32>
        %swap3A_606 = arith.index_cast %add3A_215 : i32 to index
        %swap3A_607 = arith.constant 640 : index
        %swap3A_608 = tpu.vector_load %arg10[%swap3A_606, %swap3A_607] {strides = array<i32>} : memref<16x1024xf32, #tpu.memory_space<vmem>>, vector<1x16xf32>,
        %swap3A_609 = vector.shape_cast %swap3A_608 : vector<1x16xf32> to vector<16xf32>
        %swap3A_610 = vector.shape_cast %get3A_577 : vector<16xf32> to vector<1x16xf32>
        tpu.vector_store %arg10[%swap3A_606, %swap3A_607], %swap3A_610 {add = true, strides = array<i32>} : memref<16x1024xf32, #tpu.memory_space<vmem>>, vector<1x16xf32>,
        %swap3A_611 = arith.index_cast %add3A_215 : i32 to index
        %swap3A_612 = arith.constant 656 : index
        %swap3A_613 = tpu.vector_load %arg10[%swap3A_611, %swap3A_612] {strides = array<i32>} : memref<16x1024xf32, #tpu.memory_space<vmem>>, vector<1x16xf32>,
        %swap3A_614 = vector.shape_cast %swap3A_613 : vector<1x16xf32> to vector<16xf32>
        %swap3A_615 = vector.shape_cast %get3A_581 : vector<16xf32> to vector<1x16xf32>
        tpu.vector_store %arg10[%swap3A_611, %swap3A_612], %swap3A_615 {add = true, strides = array<i32>} : memref<16x1024xf32, #tpu.memory_space<vmem>>, vector<1x16xf32>,
        %swap3A_616 = arith.index_cast %add3A_215 : i32 to index
        %swap3A_617 = arith.constant 672 : index
        %swap3A_618 = tpu.vector_load %arg10[%swap3A_616, %swap3A_617] {strides = array<i32>} : memref<16x1024xf32, #tpu.memory_space<vmem>>, vector<1x16xf32>,
        %swap3A_619 = vector.shape_cast %swap3A_618 : vector<1x16xf32> to vector<16xf32>
        %swap3A_620 = vector.shape_cast %get3A_585 : vector<16xf32> to vector<1x16xf32>
        tpu.vector_store %arg10[%swap3A_616, %swap3A_617], %swap3A_620 {add = true, strides = array<i32>} : memref<16x1024xf32, #tpu.memory_space<vmem>>, vector<1x16xf32>,
        %swap3A_621 = arith.index_cast %add3A_215 : i32 to index
        %swap3A_622 = arith.constant 688 : index
        %swap3A_623 = tpu.vector_load %arg10[%swap3A_621, %swap3A_622] {strides = array<i32>} : memref<16x1024xf32, #tpu.memory_space<vmem>>, vector<1x16xf32>,
        %swap3A_624 = vector.shape_cast %swap3A_623 : vector<1x16xf32> to vector<16xf32>
        %swap3A_625 = vector.shape_cast %get3A_589 : vector<16xf32> to vector<1x16xf32>
        tpu.vector_store %arg10[%swap3A_621, %swap3A_622], %swap3A_625 {add = true, strides = array<i32>} : memref<16x1024xf32, #tpu.memory_space<vmem>>, vector<1x16xf32>,
        %swap3A_626 = arith.index_cast %add3A_215 : i32 to index
        %swap3A_627 = arith.constant 704 : index
        %swap3A_628 = tpu.vector_load %arg10[%swap3A_626, %swap3A_627] {strides = array<i32>} : memref<16x1024xf32, #tpu.memory_space<vmem>>, vector<1x16xf32>,
        %swap3A_629 = vector.shape_cast %swap3A_628 : vector<1x16xf32> to vector<16xf32>
        %swap3A_630 = vector.shape_cast %get3A_593 : vector<16xf32> to vector<1x16xf32>
        tpu.vector_store %arg10[%swap3A_626, %swap3A_627], %swap3A_630 {add = true, strides = array<i32>} : memref<16x1024xf32, #tpu.memory_space<vmem>>, vector<1x16xf32>,
        %swap3A_631 = arith.index_cast %add3A_215 : i32 to index
        %swap3A_632 = arith.constant 720 : index
        %swap3A_633 = tpu.vector_load %arg10[%swap3A_631, %swap3A_632] {strides = array<i32>} : memref<16x1024xf32, #tpu.memory_space<vmem>>, vector<1x16xf32>,
        %swap3A_634 = vector.shape_cast %swap3A_633 : vector<1x16xf32> to vector<16xf32>
        %swap3A_635 = vector.shape_cast %get3A_597 : vector<16xf32> to vector<1x16xf32>
        tpu.vector_store %arg10[%swap3A_631, %swap3A_632], %swap3A_635 {add = true, strides = array<i32>} : memref<16x1024xf32, #tpu.memory_space<vmem>>, vector<1x16xf32>,
        %swap3A_636 = arith.index_cast %add3A_215 : i32 to index
        %swap3A_637 = arith.constant 736 : index
        %swap3A_638 = tpu.vector_load %arg10[%swap3A_636, %swap3A_637] {strides = array<i32>} : memref<16x1024xf32, #tpu.memory_space<vmem>>, vector<1x16xf32>,
        %swap3A_639 = vector.shape_cast %swap3A_638 : vector<1x16xf32> to vector<16xf32>
        %swap3A_640 = vector.shape_cast %get3A_601 : vector<16xf32> to vector<1x16xf32>
        tpu.vector_store %arg10[%swap3A_636, %swap3A_637], %swap3A_640 {add = true, strides = array<i32>} : memref<16x1024xf32, #tpu.memory_space<vmem>>, vector<1x16xf32>,
        %swap3A_641 = arith.index_cast %add3A_215 : i32 to index
        %swap3A_642 = arith.constant 752 : index
        %swap3A_643 = tpu.vector_load %arg10[%swap3A_641, %swap3A_642] {strides = array<i32>} : memref<16x1024xf32, #tpu.memory_space<vmem>>, vector<1x16xf32>,
        %swap3A_644 = vector.shape_cast %swap3A_643 : vector<1x16xf32> to vector<16xf32>
        %swap3A_645 = vector.shape_cast %get3A_605 : vector<16xf32> to vector<1x16xf32>
        tpu.vector_store %arg10[%swap3A_641, %swap3A_642], %swap3A_645 {add = true, strides = array<i32>} : memref<16x1024xf32, #tpu.memory_space<vmem>>, vector<1x16xf32>,
        %get3A_646 = arith.index_cast %add3A_215 : i32 to index
        %get3A_647 = arith.constant 768 : index
        %get3A_648 = tpu.vector_load %arg12[%get3A_646, %get3A_647] {strides = array<i32>} : memref<16x1024xf32, #tpu.memory_space<vmem>>, vector<1x16xf32>,
        %get3A_649 = vector.shape_cast %get3A_648 : vector<1x16xf32> to vector<16xf32>
        %get3A_650 = arith.index_cast %add3A_215 : i32 to index
        %get3A_651 = arith.constant 784 : index
        %get3A_652 = tpu.vector_load %arg12[%get3A_650, %get3A_651] {strides = array<i32>} : memref<16x1024xf32, #tpu.memory_space<vmem>>, vector<1x16xf32>,
        %get3A_653 = vector.shape_cast %get3A_652 : vector<1x16xf32> to vector<16xf32>
        %get3A_654 = arith.index_cast %add3A_215 : i32 to index
        %get3A_655 = arith.constant 800 : index
        %get3A_656 = tpu.vector_load %arg12[%get3A_654, %get3A_655] {strides = array<i32>} : memref<16x1024xf32, #tpu.memory_space<vmem>>, vector<1x16xf32>,
        %get3A_657 = vector.shape_cast %get3A_656 : vector<1x16xf32> to vector<16xf32>
        %get3A_658 = arith.index_cast %add3A_215 : i32 to index
        %get3A_659 = arith.constant 816 : index
        %get3A_660 = tpu.vector_load %arg12[%get3A_658, %get3A_659] {strides = array<i32>} : memref<16x1024xf32, #tpu.memory_space<vmem>>, vector<1x16xf32>,
        %get3A_661 = vector.shape_cast %get3A_660 : vector<1x16xf32> to vector<16xf32>
        %get3A_662 = arith.index_cast %add3A_215 : i32 to index
        %get3A_663 = arith.constant 832 : index
        %get3A_664 = tpu.vector_load %arg12[%get3A_662, %get3A_663] {strides = array<i32>} : memref<16x1024xf32, #tpu.memory_space<vmem>>, vector<1x16xf32>,
        %get3A_665 = vector.shape_cast %get3A_664 : vector<1x16xf32> to vector<16xf32>
        %get3A_666 = arith.index_cast %add3A_215 : i32 to index
        %get3A_667 = arith.constant 848 : index
        %get3A_668 = tpu.vector_load %arg12[%get3A_666, %get3A_667] {strides = array<i32>} : memref<16x1024xf32, #tpu.memory_space<vmem>>, vector<1x16xf32>,
        %get3A_669 = vector.shape_cast %get3A_668 : vector<1x16xf32> to vector<16xf32>
        %get3A_670 = arith.index_cast %add3A_215 : i32 to index
        %get3A_671 = arith.constant 864 : index
        %get3A_672 = tpu.vector_load %arg12[%get3A_670, %get3A_671] {strides = array<i32>} : memref<16x1024xf32, #tpu.memory_space<vmem>>, vector<1x16xf32>,
        %get3A_673 = vector.shape_cast %get3A_672 : vector<1x16xf32> to vector<16xf32>
        %get3A_674 = arith.index_cast %add3A_215 : i32 to index
        %get3A_675 = arith.constant 880 : index
        %get3A_676 = tpu.vector_load %arg12[%get3A_674, %get3A_675] {strides = array<i32>} : memref<16x1024xf32, #tpu.memory_space<vmem>>, vector<1x16xf32>,
        %get3A_677 = vector.shape_cast %get3A_676 : vector<1x16xf32> to vector<16xf32>
        %swap3A_678 = arith.index_cast %add3A_215 : i32 to index
        %swap3A_679 = arith.constant 768 : index
        %swap3A_680 = tpu.vector_load %arg10[%swap3A_678, %swap3A_679] {strides = array<i32>} : memref<16x1024xf32, #tpu.memory_space<vmem>>, vector<1x16xf32>,
        %swap3A_681 = vector.shape_cast %swap3A_680 : vector<1x16xf32> to vector<16xf32>
        %swap3A_682 = vector.shape_cast %get3A_649 : vector<16xf32> to vector<1x16xf32>
        tpu.vector_store %arg10[%swap3A_678, %swap3A_679], %swap3A_682 {add = true, strides = array<i32>} : memref<16x1024xf32, #tpu.memory_space<vmem>>, vector<1x16xf32>,
        %swap3A_683 = arith.index_cast %add3A_215 : i32 to index
        %swap3A_684 = arith.constant 784 : index
        %swap3A_685 = tpu.vector_load %arg10[%swap3A_683, %swap3A_684] {strides = array<i32>} : memref<16x1024xf32, #tpu.memory_space<vmem>>, vector<1x16xf32>,
        %swap3A_686 = vector.shape_cast %swap3A_685 : vector<1x16xf32> to vector<16xf32>
        %swap3A_687 = vector.shape_cast %get3A_653 : vector<16xf32> to vector<1x16xf32>
        tpu.vector_store %arg10[%swap3A_683, %swap3A_684], %swap3A_687 {add = true, strides = array<i32>} : memref<16x1024xf32, #tpu.memory_space<vmem>>, vector<1x16xf32>,
        %swap3A_688 = arith.index_cast %add3A_215 : i32 to index
        %swap3A_689 = arith.constant 800 : index
        %swap3A_690 = tpu.vector_load %arg10[%swap3A_688, %swap3A_689] {strides = array<i32>} : memref<16x1024xf32, #tpu.memory_space<vmem>>, vector<1x16xf32>,
        %swap3A_691 = vector.shape_cast %swap3A_690 : vector<1x16xf32> to vector<16xf32>
        %swap3A_692 = vector.shape_cast %get3A_657 : vector<16xf32> to vector<1x16xf32>
        tpu.vector_store %arg10[%swap3A_688, %swap3A_689], %swap3A_692 {add = true, strides = array<i32>} : memref<16x1024xf32, #tpu.memory_space<vmem>>, vector<1x16xf32>,
        %swap3A_693 = arith.index_cast %add3A_215 : i32 to index
        %swap3A_694 = arith.constant 816 : index
        %swap3A_695 = tpu.vector_load %arg10[%swap3A_693, %swap3A_694] {strides = array<i32>} : memref<16x1024xf32, #tpu.memory_space<vmem>>, vector<1x16xf32>,
        %swap3A_696 = vector.shape_cast %swap3A_695 : vector<1x16xf32> to vector<16xf32>
        %swap3A_697 = vector.shape_cast %get3A_661 : vector<16xf32> to vector<1x16xf32>
        tpu.vector_store %arg10[%swap3A_693, %swap3A_694], %swap3A_697 {add = true, strides = array<i32>} : memref<16x1024xf32, #tpu.memory_space<vmem>>, vector<1x16xf32>,
        %swap3A_698 = arith.index_cast %add3A_215 : i32 to index
        %swap3A_699 = arith.constant 832 : index
        %swap3A_700 = tpu.vector_load %arg10[%swap3A_698, %swap3A_699] {strides = array<i32>} : memref<16x1024xf32, #tpu.memory_space<vmem>>, vector<1x16xf32>,
        %swap3A_701 = vector.shape_cast %swap3A_700 : vector<1x16xf32> to vector<16xf32>
        %swap3A_702 = vector.shape_cast %get3A_665 : vector<16xf32> to vector<1x16xf32>
        tpu.vector_store %arg10[%swap3A_698, %swap3A_699], %swap3A_702 {add = true, strides = array<i32>} : memref<16x1024xf32, #tpu.memory_space<vmem>>, vector<1x16xf32>,
        %swap3A_703 = arith.index_cast %add3A_215 : i32 to index
        %swap3A_704 = arith.constant 848 : index
        %swap3A_705 = tpu.vector_load %arg10[%swap3A_703, %swap3A_704] {strides = array<i32>} : memref<16x1024xf32, #tpu.memory_space<vmem>>, vector<1x16xf32>,
        %swap3A_706 = vector.shape_cast %swap3A_705 : vector<1x16xf32> to vector<16xf32>
        %swap3A_707 = vector.shape_cast %get3A_669 : vector<16xf32> to vector<1x16xf32>
        tpu.vector_store %arg10[%swap3A_703, %swap3A_704], %swap3A_707 {add = true, strides = array<i32>} : memref<16x1024xf32, #tpu.memory_space<vmem>>, vector<1x16xf32>,
        %swap3A_708 = arith.index_cast %add3A_215 : i32 to index
        %swap3A_709 = arith.constant 864 : index
        %swap3A_710 = tpu.vector_load %arg10[%swap3A_708, %swap3A_709] {strides = array<i32>} : memref<16x1024xf32, #tpu.memory_space<vmem>>, vector<1x16xf32>,
        %swap3A_711 = vector.shape_cast %swap3A_710 : vector<1x16xf32> to vector<16xf32>
        %swap3A_712 = vector.shape_cast %get3A_673 : vector<16xf32> to vector<1x16xf32>
        tpu.vector_store %arg10[%swap3A_708, %swap3A_709], %swap3A_712 {add = true, strides = array<i32>} : memref<16x1024xf32, #tpu.memory_space<vmem>>, vector<1x16xf32>,
        %swap3A_713 = arith.index_cast %add3A_215 : i32 to index
        %swap3A_714 = arith.constant 880 : index
        %swap3A_715 = tpu.vector_load %arg10[%swap3A_713, %swap3A_714] {strides = array<i32>} : memref<16x1024xf32, #tpu.memory_space<vmem>>, vector<1x16xf32>,
        %swap3A_716 = vector.shape_cast %swap3A_715 : vector<1x16xf32> to vector<16xf32>
        %swap3A_717 = vector.shape_cast %get3A_677 : vector<16xf32> to vector<1x16xf32>
        tpu.vector_store %arg10[%swap3A_713, %swap3A_714], %swap3A_717 {add = true, strides = array<i32>} : memref<16x1024xf32, #tpu.memory_space<vmem>>, vector<1x16xf32>,
        %get3A_718 = arith.index_cast %add3A_215 : i32 to index
        %get3A_719 = arith.constant 896 : index
        %get3A_720 = tpu.vector_load %arg12[%get3A_718, %get3A_719] {strides = array<i32>} : memref<16x1024xf32, #tpu.memory_space<vmem>>, vector<1x16xf32>,
        %get3A_721 = vector.shape_cast %get3A_720 : vector<1x16xf32> to vector<16xf32>
        %get3A_722 = arith.index_cast %add3A_215 : i32 to index
        %get3A_723 = arith.constant 912 : index
        %get3A_724 = tpu.vector_load %arg12[%get3A_722, %get3A_723] {strides = array<i32>} : memref<16x1024xf32, #tpu.memory_space<vmem>>, vector<1x16xf32>,
        %get3A_725 = vector.shape_cast %get3A_724 : vector<1x16xf32> to vector<16xf32>
        %get3A_726 = arith.index_cast %add3A_215 : i32 to index
        %get3A_727 = arith.constant 928 : index
        %get3A_728 = tpu.vector_load %arg12[%get3A_726, %get3A_727] {strides = array<i32>} : memref<16x1024xf32, #tpu.memory_space<vmem>>, vector<1x16xf32>,
        %get3A_729 = vector.shape_cast %get3A_728 : vector<1x16xf32> to vector<16xf32>
        %get3A_730 = arith.index_cast %add3A_215 : i32 to index
        %get3A_731 = arith.constant 944 : index
        %get3A_732 = tpu.vector_load %arg12[%get3A_730, %get3A_731] {strides = array<i32>} : memref<16x1024xf32, #tpu.memory_space<vmem>>, vector<1x16xf32>,
        %get3A_733 = vector.shape_cast %get3A_732 : vector<1x16xf32> to vector<16xf32>
        %get3A_734 = arith.index_cast %add3A_215 : i32 to index
        %get3A_735 = arith.constant 960 : index
        %get3A_736 = tpu.vector_load %arg12[%get3A_734, %get3A_735] {strides = array<i32>} : memref<16x1024xf32, #tpu.memory_space<vmem>>, vector<1x16xf32>,
        %get3A_737 = vector.shape_cast %get3A_736 : vector<1x16xf32> to vector<16xf32>
        %get3A_738 = arith.index_cast %add3A_215 : i32 to index
        %get3A_739 = arith.constant 976 : index
        %get3A_740 = tpu.vector_load %arg12[%get3A_738, %get3A_739] {strides = array<i32>} : memref<16x1024xf32, #tpu.memory_space<vmem>>, vector<1x16xf32>,
        %get3A_741 = vector.shape_cast %get3A_740 : vector<1x16xf32> to vector<16xf32>
        %get3A_742 = arith.index_cast %add3A_215 : i32 to index
        %get3A_743 = arith.constant 992 : index
        %get3A_744 = tpu.vector_load %arg12[%get3A_742, %get3A_743] {strides = array<i32>} : memref<16x1024xf32, #tpu.memory_space<vmem>>, vector<1x16xf32>,
        %get3A_745 = vector.shape_cast %get3A_744 : vector<1x16xf32> to vector<16xf32>
        %get3A_746 = arith.index_cast %add3A_215 : i32 to index
        %get3A_747 = arith.constant 1008 : index
        %get3A_748 = tpu.vector_load %arg12[%get3A_746, %get3A_747] {strides = array<i32>} : memref<16x1024xf32, #tpu.memory_space<vmem>>, vector<1x16xf32>,
        %get3A_749 = vector.shape_cast %get3A_748 : vector<1x16xf32> to vector<16xf32>
        %swap3A_750 = arith.index_cast %add3A_215 : i32 to index
        %swap3A_751 = arith.constant 896 : index
        %swap3A_752 = tpu.vector_load %arg10[%swap3A_750, %swap3A_751] {strides = array<i32>} : memref<16x1024xf32, #tpu.memory_space<vmem>>, vector<1x16xf32>,
        %swap3A_753 = vector.shape_cast %swap3A_752 : vector<1x16xf32> to vector<16xf32>
        %swap3A_754 = vector.shape_cast %get3A_721 : vector<16xf32> to vector<1x16xf32>
        tpu.vector_store %arg10[%swap3A_750, %swap3A_751], %swap3A_754 {add = true, strides = array<i32>} : memref<16x1024xf32, #tpu.memory_space<vmem>>, vector<1x16xf32>,
        %swap3A_755 = arith.index_cast %add3A_215 : i32 to index
        %swap3A_756 = arith.constant 912 : index
        %swap3A_757 = tpu.vector_load %arg10[%swap3A_755, %swap3A_756] {strides = array<i32>} : memref<16x1024xf32, #tpu.memory_space<vmem>>, vector<1x16xf32>,
        %swap3A_758 = vector.shape_cast %swap3A_757 : vector<1x16xf32> to vector<16xf32>
        %swap3A_759 = vector.shape_cast %get3A_725 : vector<16xf32> to vector<1x16xf32>
        tpu.vector_store %arg10[%swap3A_755, %swap3A_756], %swap3A_759 {add = true, strides = array<i32>} : memref<16x1024xf32, #tpu.memory_space<vmem>>, vector<1x16xf32>,
        %swap3A_760 = arith.index_cast %add3A_215 : i32 to index
        %swap3A_761 = arith.constant 928 : index
        %swap3A_762 = tpu.vector_load %arg10[%swap3A_760, %swap3A_761] {strides = array<i32>} : memref<16x1024xf32, #tpu.memory_space<vmem>>, vector<1x16xf32>,
        %swap3A_763 = vector.shape_cast %swap3A_762 : vector<1x16xf32> to vector<16xf32>
        %swap3A_764 = vector.shape_cast %get3A_729 : vector<16xf32> to vector<1x16xf32>
        tpu.vector_store %arg10[%swap3A_760, %swap3A_761], %swap3A_764 {add = true, strides = array<i32>} : memref<16x1024xf32, #tpu.memory_space<vmem>>, vector<1x16xf32>,
        %swap3A_765 = arith.index_cast %add3A_215 : i32 to index
        %swap3A_766 = arith.constant 944 : index
        %swap3A_767 = tpu.vector_load %arg10[%swap3A_765, %swap3A_766] {strides = array<i32>} : memref<16x1024xf32, #tpu.memory_space<vmem>>, vector<1x16xf32>,
        %swap3A_768 = vector.shape_cast %swap3A_767 : vector<1x16xf32> to vector<16xf32>
        %swap3A_769 = vector.shape_cast %get3A_733 : vector<16xf32> to vector<1x16xf32>
        tpu.vector_store %arg10[%swap3A_765, %swap3A_766], %swap3A_769 {add = true, strides = array<i32>} : memref<16x1024xf32, #tpu.memory_space<vmem>>, vector<1x16xf32>,
        %swap3A_770 = arith.index_cast %add3A_215 : i32 to index
        %swap3A_771 = arith.constant 960 : index
        %swap3A_772 = tpu.vector_load %arg10[%swap3A_770, %swap3A_771] {strides = array<i32>} : memref<16x1024xf32, #tpu.memory_space<vmem>>, vector<1x16xf32>,
        %swap3A_773 = vector.shape_cast %swap3A_772 : vector<1x16xf32> to vector<16xf32>
        %swap3A_774 = vector.shape_cast %get3A_737 : vector<16xf32> to vector<1x16xf32>
        tpu.vector_store %arg10[%swap3A_770, %swap3A_771], %swap3A_774 {add = true, strides = array<i32>} : memref<16x1024xf32, #tpu.memory_space<vmem>>, vector<1x16xf32>,
        %swap3A_775 = arith.index_cast %add3A_215 : i32 to index
        %swap3A_776 = arith.constant 976 : index
        %swap3A_777 = tpu.vector_load %arg10[%swap3A_775, %swap3A_776] {strides = array<i32>} : memref<16x1024xf32, #tpu.memory_space<vmem>>, vector<1x16xf32>,
        %swap3A_778 = vector.shape_cast %swap3A_777 : vector<1x16xf32> to vector<16xf32>
        %swap3A_779 = vector.shape_cast %get3A_741 : vector<16xf32> to vector<1x16xf32>
        tpu.vector_store %arg10[%swap3A_775, %swap3A_776], %swap3A_779 {add = true, strides = array<i32>} : memref<16x1024xf32, #tpu.memory_space<vmem>>, vector<1x16xf32>,
        %swap3A_780 = arith.index_cast %add3A_215 : i32 to index
        %swap3A_781 = arith.constant 992 : index
        %swap3A_782 = tpu.vector_load %arg10[%swap3A_780, %swap3A_781] {strides = array<i32>} : memref<16x1024xf32, #tpu.memory_space<vmem>>, vector<1x16xf32>,
        %swap3A_783 = vector.shape_cast %swap3A_782 : vector<1x16xf32> to vector<16xf32>
        %swap3A_784 = vector.shape_cast %get3A_745 : vector<16xf32> to vector<1x16xf32>
        tpu.vector_store %arg10[%swap3A_780, %swap3A_781], %swap3A_784 {add = true, strides = array<i32>} : memref<16x1024xf32, #tpu.memory_space<vmem>>, vector<1x16xf32>,
        %swap3A_785 = arith.index_cast %add3A_215 : i32 to index
        %swap3A_786 = arith.constant 1008 : index
        %swap3A_787 = tpu.vector_load %arg10[%swap3A_785, %swap3A_786] {strides = array<i32>} : memref<16x1024xf32, #tpu.memory_space<vmem>>, vector<1x16xf32>,
        %swap3A_788 = vector.shape_cast %swap3A_787 : vector<1x16xf32> to vector<16xf32>
        %swap3A_789 = vector.shape_cast %get3A_749 : vector<16xf32> to vector<1x16xf32>
        tpu.vector_store %arg10[%swap3A_785, %swap3A_786], %swap3A_789 {add = true, strides = array<i32>} : memref<16x1024xf32, #tpu.memory_space<vmem>>, vector<1x16xf32>,
      }
      %scan3A_203 = arith.constant 16 : i32
      %mul3A_204 = arith.constant 16 : i32
      %mul3A_205 = arith.muli %add3A_171, %mul3A_204 : i32
      %add3A_206 = arith.addi %mul3A_2, %mul3A_205 : i32
      %dma_start3A_207 = arith.constant 0 : i32
      %dma_start3A_208 = tpu.memref_slice %arg5[%add3A_206, %dma_start3A_207] : memref<32768x1024xf32, #tpu.memory_space<hbm>> -> memref<16x1024xf32, #tpu.memory_space<hbm>>
      %dma_start3A_209 = arith.constant 0 : i32
      %dma_start3A_210 = tpu.memref_slice %arg5[%add3A_206, %dma_start3A_209] : memref<32768x1024xf32, #tpu.memory_space<hbm>> -> memref<16x1024xf32, #tpu.memory_space<hbm>>
      tpu.enqueue_dma source(%arg10 : memref<16x1024xf32, #tpu.memory_space<vmem>>) target(%dma_start3A_210 : memref<16x1024xf32, #tpu.memory_space<hbm>>) target_semaphore(%arg22 : memref<!tpu.dma_semaphore, #tpu.memory_space<semaphore_mem>>)
    }
    %scan3A_21 = arith.constant 16 : i32
    %dma_wait3A = arith.constant 0 : i32
    %dma_wait3A_22 = tpu.memref_slice %arg5[%mul3A_2, %dma_wait3A] : memref<32768x1024xf32, #tpu.memory_space<hbm>> -> memref<16x1024xf32, #tpu.memory_space<hbm>>
    %dma_wait3A_23 = arith.constant 0 : i32
    %dma_wait3A_24 = tpu.memref_slice %arg5[%mul3A_2, %dma_wait3A_23] : memref<32768x1024xf32, #tpu.memory_space<hbm>> -> memref<16x1024xf32, #tpu.memory_space<hbm>>
    tpu.wait_dma2 semaphore(%arg19 : memref<!tpu.dma_semaphore, #tpu.memory_space<semaphore_mem>>) src(%arg7 : memref<16x1024xf32, #tpu.memory_space<vmem>>) dst(%dma_wait3A_24 : memref<16x1024xf32, #tpu.memory_space<hbm>>)
    %dma_wait3A_25 = arith.constant 0 : i32
    %dma_wait3A_26 = tpu.memref_slice %arg5[%mul3A_2, %dma_wait3A_25] : memref<32768x1024xf32, #tpu.memory_space<hbm>> -> memref<16x1024xf32, #tpu.memory_space<hbm>>
    %dma_wait3A_27 = arith.constant 0 : i32
    %dma_wait3A_28 = tpu.memref_slice %arg5[%mul3A_2, %dma_wait3A_27] : memref<32768x1024xf32, #tpu.memory_space<hbm>> -> memref<16x1024xf32, #tpu.memory_space<hbm>>
    tpu.wait_dma2 semaphore(%arg20 : memref<!tpu.dma_semaphore, #tpu.memory_space<semaphore_mem>>) src(%arg8 : memref<16x1024xf32, #tpu.memory_space<vmem>>) dst(%dma_wait3A_28 : memref<16x1024xf32, #tpu.memory_space<hbm>>)
    %dma_wait3A_29 = arith.constant 0 : i32
    %dma_wait3A_30 = tpu.memref_slice %arg5[%mul3A_2, %dma_wait3A_29] : memref<32768x1024xf32, #tpu.memory_space<hbm>> -> memref<16x1024xf32, #tpu.memory_space<hbm>>
    %dma_wait3A_31 = arith.constant 0 : i32
    %dma_wait3A_32 = tpu.memref_slice %arg5[%mul3A_2, %dma_wait3A_31] : memref<32768x1024xf32, #tpu.memory_space<hbm>> -> memref<16x1024xf32, #tpu.memory_space<hbm>>
    tpu.wait_dma2 semaphore(%arg21 : memref<!tpu.dma_semaphore, #tpu.memory_space<semaphore_mem>>) src(%arg9 : memref<16x1024xf32, #tpu.memory_space<vmem>>) dst(%dma_wait3A_32 : memref<16x1024xf32, #tpu.memory_space<hbm>>)
    %dma_wait3A_33 = arith.constant 0 : i32
    %dma_wait3A_34 = tpu.memref_slice %arg5[%mul3A_2, %dma_wait3A_33] : memref<32768x1024xf32, #tpu.memory_space<hbm>> -> memref<16x1024xf32, #tpu.memory_space<hbm>>
    %dma_wait3A_35 = arith.constant 0 : i32
    %dma_wait3A_36 = tpu.memref_slice %arg5[%mul3A_2, %dma_wait3A_35] : memref<32768x1024xf32, #tpu.memory_space<hbm>> -> memref<16x1024xf32, #tpu.memory_space<hbm>>
    tpu.wait_dma2 semaphore(%arg22 : memref<!tpu.dma_semaphore, #tpu.memory_space<semaphore_mem>>) src(%arg10 : memref<16x1024xf32, #tpu.memory_space<vmem>>) dst(%dma_wait3A_36 : memref<16x1024xf32, #tpu.memory_space<hbm>>)
    return
  }
}

</mosaic_0001>

<sc_bundles>
// kernel: kernel.3.cloned.1.call-start
scs
__scs_entry_jumppad:
0x0: {  	(pc) =	sbr.rel $0x88, $3  }
0x1: {  	(tag) =	ssettag $0x0;
	lr =	simm.s32 $0x1  }
0x2: {  	[smem:$0x3F9E] =	sst lr;
	_ =	strace $0xD0000000  }
0x3: {  	_ = 	snop  }
0x4: {  	_ = 	snop  }
0x5: {  	_ = 	snop  }
0x6: {  	_ = 	snop  }
0x7: {  	_ = 	snop  }
__scs_overlays_trampoline_lowered:
0x8: {  	[smem:$0x3FAD] =	sst s0  }
0x9: {  	[smem:$0x3FAE] =	sst s1  }
0xa: {  	[smem:$0x3FAF] =	sst s2  }
0xb: {  	[smem:$0x3FB0] =	sst s3  }
0xc: {  	[smem:$0x3FB1] =	sst s4  }
0xd: {  	[smem:$0x3FB2] =	sst s5  }
0xe: {  	[smem:$0x3FB3] =	sst s6  }
0xf: {  	[smem:$0x3FB4] =	sst s7  }
0x10: {  	[smem:$0x3FB5] =	sst s8  }
0x11: {  	[smem:$0x3FB6] =	sst s9;
	s0 =	simm.s32 @!p0 $0x0  }
0x12: {  	s1 =	sld [smem:$0x3F9C];
	s0 =	simm.s32 @p0 $0x1  }
0x13: {  	[smem:$0x3FB7] =	sst s0;
	s0 =	simm.s32 @!p1 $0x0  }
0x14: {  	s2 =	sld [smem:$0x3F9B];
	s0 =	simm.s32 @p1 $0x1  }
0x15: {  	[smem:$0x3FB8] =	sst s0;
	s0 =	simm.s32 @!p2 $0x0  }
0x16: {  	s3 =	sld [smem:$0x3FDB];
	s0 =	simm.s32 @p2 $0x1  }
0x17: {  	s4 =	simm.s32 $0x1BF5;
	[smem:$0x3FBA] =	sst s0  }
0x18: {  	s0 =	sld [smem:$0x3F9D];
	_ =	swait.ge [sflag:s4], $0x0  }
0x19: {  	s7 =	sld [smem:$0x3F9E]  }
0x1a: {  	s8 =	sadd.s32 $0xFFFFE003, lr  }
0x1b: {  	s9 =	sadd.s32 $0xFFFFFEF7, lr;
	s5 =	simm.s32 $0xFFFFFFFF;
	p2 =	slt.u32 s8, $0xFFFFF086  }
0x1c: {  	p1 =	slt.u32 s9, $0xF7A;
	s5 =	simm.s32 @!p2 $0x0  }
0x1d: {  	s5 =	simm.s32 @p1 $0x1;
	p0 =	seq.s32 s7, s2  }
0x1e: {  	s7 =	smul.u32 @!p0 $0xF7A, s2;
	p2 =	seq.s32 @!p0 s5, $0x0  }
0x1f: {  	s9 =	smul.u32 $0xF7A, s1;
	s8 =	simm.s32 @!p0 $0x1BF5;
	p2 =	por !p2, p0  }
0x20: {  	[sflag:s8] =	ssyncset.s32 @!p0 $0xFFFFF086;
	s6 =	sadd.s32 @!p0 s3, s7;
	s7 =	simm.s32 @!p0 $0x108  }
0x21: {  	s3 =	sadd.s32 s3, s9;
	s6 =	sadd.s32 @!p0 $0x88, s6;
	s7 =	simm.s32 @p2 $0x1082  }
0x22: {  	[simem:s7], [sflag:s8] =	dma.local @!p0 [hbm:s6], $0xF7A  }
0x23: {  	s9 =	sor.u32 $0xD0000000, s2;
	s6 =	simm.s32 $0x108;
	_ =	swait.ge @!p0 [sflag:s8], $0x0  }
0x24: {  	s3 =	sadd.s32 $0x88, s3;
	s6 =	simm.s32 @!p1 $0x1082;
	[sflag:s4] =	ssyncset.s32 $0xFFFFF086  }
0x25: {  	[simem:s6], [sflag:s4] =	dma.local [hbm:s3], $0xF7A  }
0x26: {  	[smem:$0x3F9E] =	sst s1;
	(tag) =	ssettag s2;
	_ =	strace s9  }
0x27: {  	s1 =	sld [smem:$0x3FAE]  }
0x28: {  	s2 =	sld [smem:$0x3FAF]  }
0x29: {  	s4 =	sld [smem:$0x3FB1]  }
0x2a: {  	p0 =	seq.s32 s5, $0x0;
	s5 =	sld [smem:$0x3FB2]  }
0x2b: {  	s6 =	sld [smem:$0x3FB3]  }
0x2c: {  	s7 =	sld [smem:$0x3FB4]  }
0x2d: {  	s3 =	simm.s32 $0x108;
	s8 =	sld [smem:$0x3FB5]  }
0x2e: {  	s3 =	simm.s32 @!p0 $0x1082;
	s9 =	sld [smem:$0x3FB6]  }
0x2f: {  	lr =	sadd.s32 s0, s3;
	s0 =	sld [smem:$0x3FAD]  }
0x30: {  	s3 =	sld [smem:$0x3FB0]  }
0x31: {  	[smem:$0x3FB9] =	sst s10  }
0x32: {  	s10 =	sld [smem:$0x3FB7];
	_ =	sdelay $0x3  }
0x33: {  	p0 =	seq.s32 s10, $0x1;
	s10 =	sld [smem:$0x3FB9];
	_ =	sdelay $0x3  }
0x34: {  	[smem:$0x3FB9] =	sst s10  }
0x35: {  	s10 =	sld [smem:$0x3FB8];
	_ =	sdelay $0x3  }
0x36: {  	p1 =	seq.s32 s10, $0x1;
	s10 =	sld [smem:$0x3FB9];
	_ =	sdelay $0x3  }
0x37: {  	[smem:$0x3FB9] =	sst s10  }
0x38: {  	s10 =	sld [smem:$0x3FBA]  }
0x39: {  	_ = 	snop;
	(pc) =	sbr.ind lr, $3  }
0x3a: {  	_ = 	snop  }
0x3b: {  	_ = 	snop  }
0x3c: {  	p2 =	seq.s32 s10, $0x1;
	s10 =	sld [smem:$0x3FB9]  }
0x3d: {  	_ =	shalt  }
0x3e: {  	_ =	shalt  }
0x3f: {  	_ =	shalt  }
0x40: {  	_ =	shalt  }
0x41: {  	_ =	shalt  }
0x42: {  	_ =	shalt  }
0x43: {  	_ =	shalt  }
0x44: {  	_ =	shalt  }
0x45: {  	_ =	shalt  }
0x46: {  	_ =	shalt  }
0x47: {  	_ =	shalt  }
0x48: {  	_ =	shalt  }
0x49: {  	_ =	shalt  }
0x4a: {  	_ =	shalt  }
0x4b: {  	_ =	shalt  }
0x4c: {  	_ =	shalt  }
0x4d: {  	_ =	shalt  }
0x4e: {  	_ =	shalt  }
0x4f: {  	_ =	shalt  }
0x50: {  	_ =	shalt  }
0x51: {  	_ =	shalt  }
0x52: {  	_ =	shalt  }
0x53: {  	_ =	shalt  }
0x54: {  	_ =	shalt  }
0x55: {  	_ =	shalt  }
0x56: {  	_ =	shalt  }
0x57: {  	_ =	shalt  }
0x58: {  	_ =	shalt  }
0x59: {  	_ =	shalt  }
0x5a: {  	_ =	shalt  }
0x5b: {  	_ =	shalt  }
0x5c: {  	_ =	shalt  }
0x5d: {  	_ =	shalt  }
0x5e: {  	_ =	shalt  }
0x5f: {  	_ =	shalt  }
0x60: {  	_ =	shalt  }
0x61: {  	_ =	shalt  }
0x62: {  	_ =	shalt  }
0x63: {  	_ =	shalt  }
0x64: {  	_ =	shalt  }
0x65: {  	_ =	shalt  }
0x66: {  	_ =	shalt  }
0x67: {  	_ =	shalt  }
0x68: {  	_ =	shalt  }
0x69: {  	_ =	shalt  }
0x6a: {  	_ =	shalt  }
0x6b: {  	_ =	shalt  }
0x6c: {  	_ =	shalt  }
0x6d: {  	_ =	shalt  }
0x6e: {  	_ =	shalt  }
0x6f: {  	_ =	shalt  }
0x70: {  	_ =	shalt  }
0x71: {  	_ =	shalt  }
0x72: {  	_ =	shalt  }
0x73: {  	_ =	shalt  }
0x74: {  	_ =	shalt  }
0x75: {  	_ =	shalt  }
0x76: {  	_ =	shalt  }
0x77: {  	_ =	shalt  }
0x78: {  	_ =	shalt  }
0x79: {  	_ =	shalt  }
0x7a: {  	_ =	shalt  }
0x7b: {  	_ =	shalt  }
0x7c: {  	_ =	shalt  }
0x7d: {  	_ =	shalt  }
0x7e: {  	_ =	shalt  }
0x7f: {  	_ =	shalt  }
0x80: {  	_ =	shalt  }
0x81: {  	_ =	shalt  }
0x82: {  	_ =	shalt  }
0x83: {  	_ =	shalt  }
0x84: {  	_ =	shalt  }
0x85: {  	_ =	shalt  }
0x86: {  	_ =	shalt  }
0x87: {  	_ =	shalt  }
.Lfunc_end0:
.L_simem_size_0:
called_computation_lowered:
.L_overlay_start_0:
0x88: {  	s2 =	sld [smem:$0x3FD9]  }
0x89: {  	s3 =	sld [smem:$0x3FFE];
	_ =	sdelay $0x1  }
0x8a: {  	s1 =	srdreg.scid  }
0x8b: {  	s0 =	sand.u32 $0x1, s1  }
0x8c: {  	s17 =	sshll.u32 s0, $0xA;
	s2 =	sadd.s32 s3, s2  }
0x8d: {  	s2 =	sadd.s32 s2, s17  }
0x8e: {  	[smem:$0x3FC5] =	sst s2  }
0x8f: {  	_ = 	snop  }
0x90: {  	s2 =	sld [smem:$0x3FC9]  }
0x91: {  	s18 =	sld [smem:$0x3FC7]  }
0x92: {  	s4 =	sld [smem:$0x3FD0];
	(tm) =	ssettm $0x1  }
0x93: {  	s5 =	sld [smem:$0x3FFB];
	_ =	sdelay $0x3  }
0x94: {  	_ =	strace s5  }
0x95: {  	s5 =	sld [smem:$0x3FFC];
	_ =	sdelay $0x3  }
0x96: {  	_ =	strace s5  }
0x97: {  	s5 =	sld [smem:$0x3FFD];
	_ =	sdelay $0x3  }
0x98: {  	_ =	strace s5  }
0x99: {  	_ =	strace $0x8FFFFFFF  }
0x9a: {  	s19 =	sld [smem:$0x3FDB];
	_ =	sdelay $0x1  }
0x9b: {  	s6 =	simm.s32 $_scs_section_size  }
0x9c: {  	s7 =	simm.s32 $_size__tile_overlayer_lowered;
	s8 =	simm.s32 $_tile_overlayer_lowered  }
0x9d: {  	s22 =	simm.s32 $0x1BFF;
	s21 =	sshll.u32 s8, $0x1;
	s5 =	sadd.s32 s6, s19  }
0x9e: {  	s9 =	simm.s32 $0x0;
	s20 =	sshll.u32 s7, $0x1;
	s7 =	sadd.s32 s21, s5  }
0x9f: {  	[timem:s9], [sflag:s22] =	dma.local [hbm:s7], s20  }
0xa0: {  	_ =	swait.ge [sflag:s22], s20  }
0xa1: {  	s6 =	ssub.s32 $0x0, s20;
	[sflag:s22] =	ssyncset.done $0x0  }
0xa2: {  	[sflag:s22] =	ssyncadd.s32 s6;
	_ =	sdelay $0x1  }
0xa3: {  	s23 =	simm.s32 $0x1B8B  }
0xa4: {  	_ =	swait.ge [sflag:s23], $0x1  }
0xa5: {  	[sflag:s23] =	ssyncset.done $0x0  }
0xa6: {  	s25 =	simm.s32 $0x1B8E;
	s24 =	sld [smem:$0x3FFE];
	[sflag:s23] =	ssyncadd.s32 $0xFFFFFFFF  }
0xa7: {  	s26 =	simm.s32 $execute0_lowered;
	[smem:$0x3FD2] =	sst s25  }
0xa8: {  	s7 =	sshll.u32 s26, $0x1;
	_ =	strace $0x80000046;
	[dreg:$0x1] =	wrdreg $0xFFFFFFFF  }
0xa9: {  	s28 =	simm.s32 $_size_execute0_lowered;
	s5 =	sadd.s32 s5, s7;
	[dreg:$0x0] =	wrdreg $0x0  }
0xaa: {  	s7 =	sshll.u32 s28, $0x1;
	[dreg:$0x2] =	wrdreg s5  }
0xab: {  	[dreg:$0x3] =	wrdreg s7  }
0xac: {  	[dreg:$0x4] =	wrdreg $0xC0  }
0xad: {  	_ =	task [dreg:s9], $0x5FFFF  }
0xae: {  	[dreg:$0x1] =	wrdreg $0xFFFFFFFF  }
0xaf: {  	[dreg:$0x0] =	wrdreg $0x60  }
0xb0: {  	[dreg:$0x2] =	wrdreg s2  }
0xb1: {  	[dreg:$0x3] =	wrdreg s24  }
0xb2: {  	[dreg:$0x4] =	wrdreg s18  }
0xb3: {  	[dreg:$0x5] =	wrdreg s4  }
0xb4: {  	[dreg:$0x6] =	wrdreg $0x9  }
0xb5: {  	_ =	task.clear_ibuf [dreg:s9], $0x7FFFF;
	_ =	strace $0x90000046  }
0xb6: {  	s29 =	simm.s32 $0x9;
	_ =	strace $0x80000048  }
0xb7: {  	_ =	swait.ge [sflag:s29], $0x1  }
0xb8: {  	[sflag:s29] =	ssyncadd.s32 $0xFFFFFFFF  }
0xb9: {  	_ =	strace $0x90000048  }
0xba: {  	_ =	sfence  }
0xbb: {  	s30 =	sld [smem:$0x0];
	_ =	sdelay $0x2  }
0xbc: {  	s31 =	sshll.u32 s1, $0xD;
	s1 =	sshrl.u32 s1, $0x2  }
0xbd: {  	s3 =	sand.u32 $0x4000, s31;
	s1 =	sadd.s32 s1, s30  }
0xbe: {  	s0 =	sor.u32 s3, s0;
	s1 =	sshll.u32 s1, $0x11  }
0xbf: {  	s0 =	sor.u32 s1, s0  }
0xc0: {  	s0 =	sadd.s32 $0x8F2B, s0  }
0xc1: {  	[sflag:s0] =	ssyncadd.remote.s32 $0x1  }
0xc2: {  	_ =	sfence.sel $0xFFFF  }
0xc3: {  	[dreg:$0x0] =	wrdreg $0xFFFFFFFF;
	(pc) =	sbr.abs _section_cstart, $3  }
0xc4: {  	[dreg:$0x1] =	wrdreg $0xFFFFFFFF  }
0xc5: {  	_ =	task.clear_ibuf [dreg:s9], $0x2FFFF;
	_ =	strace $0x9FFFFFFF  }
0xc6: {  	(tm) =	ssettm $0x7FFFFFFF  }
0xc7: {  	_ =	shalt  }
tec
execute0_lowered:
.L_overlay_start_1:
0x0: {  	(tag) =	ssettag $0x1  }
0x1: {  	s4 =	rddreg [dreg:$0x0]  }
0x2: {  	s0 =	rddreg [dreg:$0x1]  }
0x3: {  	s2 =	srdreg.scid;
	s3 =	rddreg [dreg:$0x2]  }
0x4: {  	s1 =	stileid.u32;
	s30 =	rddreg [dreg:$0x3];
	s28 =	simm.s32 $0x1  }
0x5: {  	s29 =	simm.s32 $0x5;
	s20 =	simm.s32 $0x2;
	s21 =	simm.s32 $0x6  }
0x6: {  	s22 =	simm.s32 $0x3;
	s2 =	sand.u32 $0x1, s2;
	s6 =	sshll.u32 s1, $0xA  }
0x7: {  	s8 =	sadd.s32 $0x200, s3;
	s10 =	sadd.s32 $0x300, s3;
	s5 =	sshll.u32 s2, $0xE  }
0x8: {  	s2 =	ssub.s32 $0x2, s2;
	s6 =	sor.u32 s6, s5;
	s5 =	simm.s32 $0x0  }
0x9: {  	s23 =	sshrl.u32 s2, $0x1;
	s7 =	sshrl.u32 s6, $0x3;
	s9 =	sshll.u32 s6, $0x7  }
0xa: {  	[smem:$0x7FF] =	sst s5;
	s2 =	ssub.s32 s2, s23;
	s24 =	sadd.s32 s4, s9  }
0xb: {  	_ =	strace $0x80000047;
	s25 =	sor.u32 $0x800, s9;
	[dreg:$0x6] =	wrdreg s24  }
0xc: {  	s23 =	simm.s32 $0x4;
	s26 =	sadd.s32 s30, s9;
	[dreg:$0x7] =	wrdreg s25  }
0xd: {  	v2 =	vlaneseq.u32;
	s0 =	sadd.s32 s7, s0;
	s31 =	smax.u32 s2, $0x1;
	[dreg:$0x8] =	wrdreg s26  }
0xe: {  	vm0 =	vmmov $0xffff;
	v1 =	vshrl.u32 v2, $0x3;
	s7 =	sadd.s32 $0x100, s3;
	s0 =	sadd.s32 $0x400, s0;
	[dreg:$0x9] =	wrdreg s31  }
0xf: {  	v0 =	vand.u32 $0x7, v2;
	v2 =	vor.u32 $0x8, v2;
	v1 =	vmul.u32 $0x8, v1;
	s2 =	simm.s32 $0x0;
	s24 =	simm.s32 $0x8400;
	[dreg:$0x5] =	wrdreg s0  }
.LBB2_1:
0x10: {  	[dreg:$0xa] =	wrdreg s2  }
0x11: {  	s0 =	rddreg [dreg:$0x5];
	s26 =	simm.s32 $0xB  }
0x12: {  	[tilespmem:s5], [sflag:$0xB] =	stream.linear.gather [hbm4b:s0+s5], $0x400, $0x38;
	[tilespmem:$0x18400] =	vst v63  }
0x13: {  	_ =	swait.ge [sflag:s26], $0x400  }
0x14: {  	[sflag:s26] =	ssyncset.done $0x0  }
0x15: {  	[sflag:s26] =	ssyncadd.s32 $0xFFFFFC00  }
0x16: {  	v3 =	vld [tilespmem:$0x0];
	_ =	sdelay $0x4  }
0x17: {  	v4 =	vshll.u32 v3, $0x3  }
0x18: {  	v3 =	vand.u32 $0x7, v3;
	v4 =	vand.u32 $0xFFFFFFC0, v4  }
0x19: {  	v3 =	vor.u32 v3, v4  }
0x1a: {  	v4 =	vperm.xlane v3, v0;
	_ =	sdelay $0x1  }
0x1b: {  	v4 =	vadd.s32 v1, v4;
	_ =	sdelay $0x3  }
0x1c: {  	s31 =	simm.s32 $0x400  }
0x1d: {  	[tilespmem:s31], [sflag:$0x1] =	stream.indirect_vreg.gather [hbm4b:s3+s5], $0x80, v4, vm0, $0xb8;
	[tilespmem:$0x18400] =	vst v63  }
0x1e: {  	s1 =	simm.s32 $0xC00;
	v3 =	vperm.xlane v3, v2  }
0x1f: {  	[tilespmem:s1], [sflag:$0x1] =	stream.indirect_vreg.gather [hbm4b:s7+s5], $0x80, v4, vm0, $0xb8;
	[tilespmem:$0x18400] =	vst v63  }
0x20: {  	s2 =	simm.s32 $0x1400;
	v3 =	vadd.s32 v1, v3  }
0x21: {  	[tilespmem:s2], [sflag:$0x1] =	stream.indirect_vreg.gather [hbm4b:s8+s5], $0x80, v4, vm0, $0xb8;
	[tilespmem:$0x18400] =	vst v63  }
0x22: {  	s4 =	simm.s32 $0x1C00  }
0x23: {  	[tilespmem:s4], [sflag:$0x1] =	stream.indirect_vreg.gather [hbm4b:s10+s5], $0x80, v4, vm0, $0xb8;
	[tilespmem:$0x18400] =	vst v63  }
0x24: {  	s6 =	simm.s32 $0x2400  }
0x25: {  	[tilespmem:s6], [sflag:$0x1] =	stream.indirect_vreg.gather [hbm4b:s3+s5], $0x80, v3, vm0, $0xb8;
	[tilespmem:$0x18400] =	vst v63  }
0x26: {  	s11 =	simm.s32 $0x2C00  }
0x27: {  	[tilespmem:s11], [sflag:$0x1] =	stream.indirect_vreg.gather [hbm4b:s7+s5], $0x80, v3, vm0, $0xb8;
	[tilespmem:$0x18400] =	vst v63  }
0x28: {  	s12 =	simm.s32 $0x3400  }
0x29: {  	[tilespmem:s12], [sflag:$0x1] =	stream.indirect_vreg.gather [hbm4b:s8+s5], $0x80, v3, vm0, $0xb8;
	[tilespmem:$0x18400] =	vst v63  }
0x2a: {  	s13 =	simm.s32 $0x3C00  }
0x2b: {  	[tilespmem:s13], [sflag:$0x1] =	stream.indirect_vreg.gather [hbm4b:s10+s5], $0x80, v3, vm0, $0xb8;
	[tilespmem:$0x18400] =	vst v63  }
0x2c: {  	v3 =	vld [tilespmem:$0x10];
	_ =	sdelay $0x4  }
0x2d: {  	v63 =	vshll.u32 v3, $0x3  }
0x2e: {  	v3 =	vand.u32 $0x7, v3;
	v4 =	vand.u32 $0xFFFFFFC0, v63  }
0x2f: {  	v3 =	vor.u32 v3, v4  }
0x30: {  	v4 =	vperm.xlane v3, v0;
	_ =	sdelay $0x1  }
0x31: {  	v4 =	vadd.s32 v1, v4;
	_ =	sdelay $0x3  }
0x32: {  	s14 =	simm.s32 $0x4400  }
0x33: {  	[tilespmem:s14], [sflag:$0x2] =	stream.indirect_vreg.gather [hbm4b:s3+s5], $0x80, v4, vm0, $0xb8;
	[tilespmem:$0x18400] =	vst v63  }
0x34: {  	s15 =	simm.s32 $0x4C00;
	v3 =	vperm.xlane v3, v2  }
0x35: {  	[tilespmem:s15], [sflag:$0x2] =	stream.indirect_vreg.gather [hbm4b:s7+s5], $0x80, v4, vm0, $0xb8;
	[tilespmem:$0x18400] =	vst v63  }
0x36: {  	s16 =	simm.s32 $0x5400;
	v3 =	vadd.s32 v1, v3  }
0x37: {  	[tilespmem:s16], [sflag:$0x2] =	stream.indirect_vreg.gather [hbm4b:s8+s5], $0x80, v4, vm0, $0xb8;
	[tilespmem:$0x18400] =	vst v63  }
0x38: {  	s17 =	simm.s32 $0x5C00  }
0x39: {  	[tilespmem:s17], [sflag:$0x2] =	stream.indirect_vreg.gather [hbm4b:s10+s5], $0x80, v4, vm0, $0xb8;
	[tilespmem:$0x18400] =	vst v63  }
0x3a: {  	s18 =	simm.s32 $0x6400  }
0x3b: {  	[tilespmem:s18], [sflag:$0x2] =	stream.indirect_vreg.gather [hbm4b:s3+s5], $0x80, v3, vm0, $0xb8;
	[tilespmem:$0x18400] =	vst v63  }
0x3c: {  	s19 =	simm.s32 $0x6C00  }
0x3d: {  	[tilespmem:s19], [sflag:$0x2] =	stream.indirect_vreg.gather [hbm4b:s7+s5], $0x80, v3, vm0, $0xb8;
	[tilespmem:$0x18400] =	vst v63  }
0x3e: {  	s25 =	simm.s32 $0x7400  }
0x3f: {  	[tilespmem:s25], [sflag:$0x2] =	stream.indirect_vreg.gather [hbm4b:s8+s5], $0x80, v3, vm0, $0xb8;
	[tilespmem:$0x18400] =	vst v63  }
0x40: {  	s26 =	simm.s32 $0x7C00  }
0x41: {  	[tilespmem:s26], [sflag:$0x2] =	stream.indirect_vreg.gather [hbm4b:s10+s5], $0x80, v3, vm0, $0xb8;
	[tilespmem:$0x18400] =	vst v63  }
0x42: {  	s31 =	rddreg [dreg:$0x6];
	s1 =	simm.s32 $0x10400;
	s25 =	simm.s32 $0x0  }
0x43: {  	[tilespmem:s1], [sflag:$0x5] =	stream.linear.gather [hbm4b:s31+s5], $0x4000, $0x38;
	[tilespmem:$0x18400] =	vst v63  }
.LBB2_2:
0x44: {  	p0 =	seq.s32 s25, $0x0  }
0x45: {  	s31 =	sshll.u32 s25, $0x2;
	s0 =	simm.s32 @!p0 $0x9  }
0x46: {  	s2 =	sor.u32 $0x2, s31;
	_ =	swait.ge @!p0 [sflag:s0], $0x4000  }
0x47: {  	s6 =	sshll.u32 s2, $0x4;
	[sflag:s0] =	ssyncset.done @!p0 $0x0  }
0x48: {  	s18 =	sand.u32 $0x3FFFFFF0, s6;
	[sflag:s0] =	ssyncadd.s32 @!p0 $0xFFFFC000  }
0x49: {  	v3 =	vld [tilespmem:s18+$0x0];
	_ =	sdelay $0x4  }
0x4a: {  	v4 =	vshll.u32 v3, $0x3  }
0x4b: {  	v3 =	vand.u32 $0x7, v3;
	v4 =	vand.u32 $0xFFFFFFC0, v4  }
0x4c: {  	v3 =	vor.u32 v3, v4  }
0x4d: {  	v4 =	vperm.xlane v3, v0;
	_ =	sdelay $0x1  }
0x4e: {  	v4 =	vadd.s32 v1, v4;
	_ =	sdelay $0x3  }
0x4f: {  	s14 =	simm.s32 $0x0  }
0x50: {  	[tilespmem:s24], [sflag:$0x3] =	stream.indirect_vreg.gather [hbm4b:s3+s14], $0x80, v4, vm0, $0xb8;
	[tilespmem:$0x18400] =	vst v63  }
0x51: {  	s19 =	simm.s32 $0x8C00;
	v3 =	vperm.xlane v3, v2  }
0x52: {  	[tilespmem:s19], [sflag:$0x3] =	stream.indirect_vreg.gather [hbm4b:s7+s14], $0x80, v4, vm0, $0xb8;
	[tilespmem:$0x18400] =	vst v63  }
0x53: {  	v3 =	vadd.s32 v1, v3;
	s24 =	simm.s32 $0x9400  }
0x54: {  	[tilespmem:s24], [sflag:$0x3] =	stream.indirect_vreg.gather [hbm4b:s8+s14], $0x80, v4, vm0, $0xb8;
	[tilespmem:$0x18400] =	vst v63  }
0x55: {  	s26 =	simm.s32 $0x9C00  }
0x56: {  	[tilespmem:s26], [sflag:$0x3] =	stream.indirect_vreg.gather [hbm4b:s10+s14], $0x80, v4, vm0, $0xb8;
	[tilespmem:$0x18400] =	vst v63  }
0x57: {  	s4 =	smov.u32 s30;
	s30 =	simm.s32 $0xA400  }
0x58: {  	[tilespmem:s30], [sflag:$0x3] =	stream.indirect_vreg.gather [hbm4b:s3+s14], $0x80, v3, vm0, $0xb8;
	[tilespmem:$0x18400] =	vst v63  }
0x59: {  	s1 =	simm.s32 $0xAC00  }
0x5a: {  	[tilespmem:s1], [sflag:$0x3] =	stream.indirect_vreg.gather [hbm4b:s7+s14], $0x80, v3, vm0, $0xb8;
	[tilespmem:$0x18400] =	vst v63  }
0x5b: {  	s15 =	sshll.u32 s25, $0xD;
	s6 =	simm.s32 $0xB400;
	s12 =	rddreg [dreg:$0x7]  }
0x5c: {  	[tilespmem:s6], [sflag:$0x3] =	stream.indirect_vreg.gather [hbm4b:s8+s14], $0x80, v3, vm0, $0xb8;
	[tilespmem:$0x18400] =	vst v63  }
0x5d: {  	s11 =	simm.s32 $0xBC00;
	s13 =	rddreg [dreg:$0x0];
	s6 =	sadd.s32 s12, s15  }
0x5e: {  	[tilespmem:s11], [sflag:$0x3] =	stream.indirect_vreg.gather [hbm4b:s10+s14], $0x80, v3, vm0, $0xb8;
	[tilespmem:$0x18400] =	vst v63  }
0x5f: {  	s1 =	simm.s32 $0x14400;
	s0 =	sadd.s32 s13, s6  }
0x60: {  	[tilespmem:s1], [sflag:$0x6] =	stream.linear.gather [hbm4b:s0+s14], $0x4000, $0x38;
	[tilespmem:$0x18400] =	vst v63  }
0x61: {  	_ =	swait.ge [sflag:s28], $0x4000  }
0x62: {  	[sflag:s28] =	ssyncset.done $0x0  }
0x63: {  	[sflag:s28] =	ssyncadd.s32 $0xFFFFC000  }
0x64: {  	s16 =	simm.s32 $0x0;
	_ =	swait.ge [sflag:s29], $0x4000  }
0x65: {  	s12 =	sand.u32 $0x380, s14;
	s0 =	sand.u32 $0x2000, s16;
	[sflag:s29] =	ssyncset.done $0x0  }
0x66: {  	s16 =	sor.u32 s12, s0;
	[sflag:s29] =	ssyncadd.s32 $0xFFFFC000  }
0x67: {  	v3 =	vld [tilespmem:s16+$0x10430]  }
0x68: {  	v4 =	vld [tilespmem:s16+$0x10410]  }
0x69: {  	v5 =	vld [tilespmem:s16+$0x10420]  }
0x6a: {  	v6 =	vld [tilespmem:s16+$0x10400]  }
0x6b: {  	v7 =	vld [tilespmem:s16+$0x10450]  }
0x6c: {  	v8 =	vld [tilespmem:s16+$0x10460]  }
0x6d: {  	v9 =	vld [tilespmem:s16+$0x10440]  }
0x6e: {  	s0 =	sor.u32 $0x400, s16;
	v10 =	vld [tilespmem:s16+$0x10470]  }
0x6f: {  	s17 =	sor.u32 $0x410, s16;
	[tilespmem:s0+$0x0] =	vst.add.f32.msk $0xffff, v6  }
0x70: {  	s18 =	sor.u32 $0x420, s16;
	[tilespmem:s17+$0x0] =	vst.add.f32.msk $0xffff, v4  }
0x71: {  	s12 =	sor.u32 $0x430, s16;
	[tilespmem:s18+$0x0] =	vst.add.f32.msk $0xffff, v5  }
0x72: {  	s19 =	sor.u32 $0x440, s16;
	[tilespmem:s12+$0x0] =	vst.add.f32.msk $0xffff, v3  }
0x73: {  	s24 =	sor.u32 $0x450, s16;
	[tilespmem:s19+$0x0] =	vst.add.f32.msk $0xffff, v9  }
0x74: {  	s26 =	sor.u32 $0x460, s16;
	[tilespmem:s24+$0x0] =	vst.add.f32.msk $0xffff, v7  }
0x75: {  	s30 =	sor.u32 $0x470, s16;
	[tilespmem:s26+$0x0] =	vst.add.f32.msk $0xffff, v8  }
0x76: {  	[tilespmem:s30+$0x0] =	vst.add.f32.msk $0xffff, v10  }
0x77: {  	v3 =	vld [tilespmem:s16+$0x10830]  }
0x78: {  	v4 =	vld [tilespmem:s16+$0x10810]  }
0x79: {  	v5 =	vld [tilespmem:s16+$0x10820]  }
0x7a: {  	v6 =	vld [tilespmem:s16+$0x10800]  }
0x7b: {  	v7 =	vld [tilespmem:s16+$0x10860]  }
0x7c: {  	v8 =	vld [tilespmem:s16+$0x10870]  }
0x7d: {  	v9 =	vld [tilespmem:s16+$0x10840]  }
0x7e: {  	s1 =	sor.u32 $0x800, s16;
	v10 =	vld [tilespmem:s16+$0x10850]  }
0x7f: {  	s11 =	sor.u32 $0x810, s16;
	[tilespmem:s1+$0x0] =	vst.add.f32.msk $0xffff, v6  }
0x80: {  	s12 =	sor.u32 $0x820, s16;
	[tilespmem:s11+$0x0] =	vst.add.f32.msk $0xffff, v4  }
0x81: {  	s13 =	sor.u32 $0x830, s16;
	[tilespmem:s12+$0x0] =	vst.add.f32.msk $0xffff, v5  }
0x82: {  	s17 =	sor.u32 $0x840, s16;
	[tilespmem:s13+$0x0] =	vst.add.f32.msk $0xffff, v3  }
0x83: {  	s18 =	sor.u32 $0x850, s16;
	[tilespmem:s17+$0x0] =	vst.add.f32.msk $0xffff, v9  }
0x84: {  	s19 =	sor.u32 $0x860, s16;
	[tilespmem:s18+$0x0] =	vst.add.f32.msk $0xffff, v10  }
0x85: {  	s24 =	sor.u32 $0x870, s16;
	[tilespmem:s19+$0x0] =	vst.add.f32.msk $0xffff, v7  }
0x86: {  	[tilespmem:s24+$0x0] =	vst.add.f32.msk $0xffff, v8  }
0x87: {  	v3 =	vld [tilespmem:s16+$0x10C30]  }
0x88: {  	v4 =	vld [tilespmem:s16+$0x10C20]  }
0x89: {  	v5 =	vld [tilespmem:s16+$0x10C10]  }
0x8a: {  	v6 =	vld [tilespmem:s16+$0x10C00]  }
0x8b: {  	v7 =	vld [tilespmem:s16+$0x10C40]  }
0x8c: {  	v8 =	vld [tilespmem:s16+$0x10C70]  }
0x8d: {  	v9 =	vld [tilespmem:s16+$0x10C50]  }
0x8e: {  	s26 =	sor.u32 $0xC00, s16;
	v10 =	vld [tilespmem:s16+$0x10C60]  }
0x8f: {  	s30 =	sor.u32 $0xC10, s16;
	[tilespmem:s26+$0x0] =	vst.add.f32.msk $0xffff, v6  }
0x90: {  	s1 =	sor.u32 $0xC20, s16;
	[tilespmem:s30+$0x0] =	vst.add.f32.msk $0xffff, v5  }
0x91: {  	s11 =	sor.u32 $0xC30, s16;
	[tilespmem:s1+$0x0] =	vst.add.f32.msk $0xffff, v4  }
0x92: {  	s12 =	sor.u32 $0xC40, s16;
	[tilespmem:s11+$0x0] =	vst.add.f32.msk $0xffff, v3  }
0x93: {  	s13 =	sor.u32 $0xC50, s16;
	[tilespmem:s12+$0x0] =	vst.add.f32.msk $0xffff, v7  }
0x94: {  	s17 =	sor.u32 $0xC60, s16;
	[tilespmem:s13+$0x0] =	vst.add.f32.msk $0xffff, v9  }
0x95: {  	s18 =	sor.u32 $0xC70, s16;
	[tilespmem:s17+$0x0] =	vst.add.f32.msk $0xffff, v10  }
0x96: {  	[tilespmem:s18+$0x0] =	vst.add.f32.msk $0xffff, v8  }
0x97: {  	v3 =	vld [tilespmem:s16+$0x11030]  }
0x98: {  	v4 =	vld [tilespmem:s16+$0x11020]  }
0x99: {  	v5 =	vld [tilespmem:s16+$0x11010]  }
0x9a: {  	v6 =	vld [tilespmem:s16+$0x11000]  }
0x9b: {  	v7 =	vld [tilespmem:s16+$0x11060]  }
0x9c: {  	v8 =	vld [tilespmem:s16+$0x11040]  }
0x9d: {  	v9 =	vld [tilespmem:s16+$0x11050]  }
0x9e: {  	s19 =	sor.u32 $0x1000, s16;
	v10 =	vld [tilespmem:s16+$0x11070]  }
0x9f: {  	s24 =	sor.u32 $0x1010, s16;
	[tilespmem:s19+$0x0] =	vst.add.f32.msk $0xffff, v6  }
0xa0: {  	s26 =	sor.u32 $0x1020, s16;
	[tilespmem:s24+$0x0] =	vst.add.f32.msk $0xffff, v5  }
0xa1: {  	s30 =	sor.u32 $0x1030, s16;
	[tilespmem:s26+$0x0] =	vst.add.f32.msk $0xffff, v4  }
0xa2: {  	s1 =	sor.u32 $0x1040, s16;
	[tilespmem:s30+$0x0] =	vst.add.f32.msk $0xffff, v3  }
0xa3: {  	s11 =	sor.u32 $0x1050, s16;
	[tilespmem:s1+$0x0] =	vst.add.f32.msk $0xffff, v8  }
0xa4: {  	s12 =	sor.u32 $0x1060, s16;
	[tilespmem:s11+$0x0] =	vst.add.f32.msk $0xffff, v9  }
0xa5: {  	s13 =	sor.u32 $0x1070, s16;
	[tilespmem:s12+$0x0] =	vst.add.f32.msk $0xffff, v7  }
0xa6: {  	[tilespmem:s13+$0x0] =	vst.add.f32.msk $0xffff, v10  }
0xa7: {  	v3 =	vld [tilespmem:s16+$0x11430]  }
0xa8: {  	v4 =	vld [tilespmem:s16+$0x11420]  }
0xa9: {  	v5 =	vld [tilespmem:s16+$0x11410]  }
0xaa: {  	v6 =	vld [tilespmem:s16+$0x11400]  }
0xab: {  	v7 =	vld [tilespmem:s16+$0x11460]  }
0xac: {  	v8 =	vld [tilespmem:s16+$0x11450]  }
0xad: {  	v9 =	vld [tilespmem:s16+$0x11440]  }
0xae: {  	s17 =	sor.u32 $0x1400, s16;
	v10 =	vld [tilespmem:s16+$0x11470]  }
0xaf: {  	s18 =	sor.u32 $0x1410, s16;
	[tilespmem:s17+$0x0] =	vst.add.f32.msk $0xffff, v6  }
0xb0: {  	s19 =	sor.u32 $0x1420, s16;
	[tilespmem:s18+$0x0] =	vst.add.f32.msk $0xffff, v5  }
0xb1: {  	s24 =	sor.u32 $0x1430, s16;
	[tilespmem:s19+$0x0] =	vst.add.f32.msk $0xffff, v4  }
0xb2: {  	s26 =	sor.u32 $0x1440, s16;
	[tilespmem:s24+$0x0] =	vst.add.f32.msk $0xffff, v3  }
0xb3: {  	s30 =	sor.u32 $0x1450, s16;
	[tilespmem:s26+$0x0] =	vst.add.f32.msk $0xffff, v9  }
0xb4: {  	s1 =	sor.u32 $0x1460, s16;
	[tilespmem:s30+$0x0] =	vst.add.f32.msk $0xffff, v8  }
0xb5: {  	s11 =	sor.u32 $0x1470, s16;
	[tilespmem:s1+$0x0] =	vst.add.f32.msk $0xffff, v7  }
0xb6: {  	[tilespmem:s11+$0x0] =	vst.add.f32.msk $0xffff, v10  }
0xb7: {  	v3 =	vld [tilespmem:s16+$0x11830]  }
0xb8: {  	v4 =	vld [tilespmem:s16+$0x11820]  }
0xb9: {  	v5 =	vld [tilespmem:s16+$0x11810]  }
0xba: {  	v6 =	vld [tilespmem:s16+$0x11800]  }
0xbb: {  	v7 =	vld [tilespmem:s16+$0x11840]  }
0xbc: {  	v8 =	vld [tilespmem:s16+$0x11870]  }
0xbd: {  	v9 =	vld [tilespmem:s16+$0x11850]  }
0xbe: {  	s12 =	sor.u32 $0x1800, s16;
	v10 =	vld [tilespmem:s16+$0x11860]  }
0xbf: {  	s13 =	sor.u32 $0x1810, s16;
	[tilespmem:s12+$0x0] =	vst.add.f32.msk $0xffff, v6  }
0xc0: {  	s17 =	sor.u32 $0x1820, s16;
	[tilespmem:s13+$0x0] =	vst.add.f32.msk $0xffff, v5  }
0xc1: {  	s18 =	sor.u32 $0x1830, s16;
	[tilespmem:s17+$0x0] =	vst.add.f32.msk $0xffff, v4  }
0xc2: {  	s19 =	sor.u32 $0x1840, s16;
	[tilespmem:s18+$0x0] =	vst.add.f32.msk $0xffff, v3  }
0xc3: {  	s24 =	sor.u32 $0x1850, s16;
	[tilespmem:s19+$0x0] =	vst.add.f32.msk $0xffff, v7  }
0xc4: {  	s26 =	sor.u32 $0x1860, s16;
	[tilespmem:s24+$0x0] =	vst.add.f32.msk $0xffff, v9  }
0xc5: {  	s30 =	sor.u32 $0x1870, s16;
	[tilespmem:s26+$0x0] =	vst.add.f32.msk $0xffff, v10  }
0xc6: {  	[tilespmem:s30+$0x0] =	vst.add.f32.msk $0xffff, v8  }
0xc7: {  	v3 =	vld [tilespmem:s16+$0x11C70]  }
0xc8: {  	v4 =	vld [tilespmem:s16+$0x11C50]  }
0xc9: {  	v5 =	vld [tilespmem:s16+$0x11C20]  }
0xca: {  	v6 =	vld [tilespmem:s16+$0x11C00]  }
0xcb: {  	v7 =	vld [tilespmem:s16+$0x11C10]  }
0xcc: {  	v8 =	vld [tilespmem:s16+$0x11C30]  }
0xcd: {  	v9 =	vld [tilespmem:s16+$0x11C60]  }
0xce: {  	s1 =	sor.u32 $0x1C00, s16;
	v10 =	vld [tilespmem:s16+$0x11C40]  }
0xcf: {  	s11 =	sor.u32 $0x1C10, s16;
	[tilespmem:s1+$0x0] =	vst.add.f32.msk $0xffff, v6  }
0xd0: {  	s12 =	sor.u32 $0x1C20, s16;
	[tilespmem:s11+$0x0] =	vst.add.f32.msk $0xffff, v7  }
0xd1: {  	s13 =	sor.u32 $0x1C30, s16;
	[tilespmem:s12+$0x0] =	vst.add.f32.msk $0xffff, v5  }
0xd2: {  	s17 =	sor.u32 $0x1C40, s16;
	[tilespmem:s13+$0x0] =	vst.add.f32.msk $0xffff, v8  }
0xd3: {  	s18 =	sand.u32 $0x7, s14;
	s19 =	sor.u32 $0x1C50, s16;
	[tilespmem:s17+$0x0] =	vst.add.f32.msk $0xffff, v10  }
0xd4: {  	s24 =	sor.u32 $0x1C60, s16;
	s12 =	sshll.u32 s18, $0x7;
	[tilespmem:s19+$0x0] =	vst.add.f32.msk $0xffff, v4  }
0xd5: {  	s26 =	sor.u32 $0x1C70, s16;
	s12 =	sadd.s32 $0x0, s12;
	[tilespmem:s24+$0x0] =	vst.add.f32.msk $0xffff, v9  }
0xd6: {  	s0 =	sor.u32 $0x1C70, s12;
	[tilespmem:s26+$0x0] =	vst.add.f32.msk $0xffff, v3  }
0xd7: {  	s30 =	sor.u32 $0x1C10, s12;
	v3 =	vld [tilespmem:s0+$0x10400]  }
0xd8: {  	s18 =	sor.u32 $0x1C20, s12;
	v6 =	vld [tilespmem:s30+$0x10400]  }
0xd9: {  	s19 =	sor.u32 $0x1C00, s12;
	v7 =	vld [tilespmem:s18+$0x10400]  }
0xda: {  	s13 =	sor.u32 $0x1C40, s12;
	v8 =	vld [tilespmem:s19+$0x10400]  }
0xdb: {  	s17 =	sor.u32 $0x1C30, s12;
	v9 =	vld [tilespmem:s13+$0x10400]  }
0xdc: {  	s24 =	sor.u32 $0x1C60, s12;
	v10 =	vld [tilespmem:s17+$0x10400]  }
0xdd: {  	s12 =	sor.u32 $0x1C50, s12;
	v4 =	vld [tilespmem:s24+$0x10400]  }
0xde: {  	v5 =	vld [tilespmem:s12+$0x10400]  }
0xdf: {  	[tilespmem:s19+$0x400] =	vst.add.f32.msk $0xffff, v8  }
0xe0: {  	[tilespmem:s30+$0x400] =	vst.add.f32.msk $0xffff, v6  }
0xe1: {  	[tilespmem:s18+$0x400] =	vst.add.f32.msk $0xffff, v7  }
0xe2: {  	[tilespmem:s17+$0x400] =	vst.add.f32.msk $0xffff, v10  }
0xe3: {  	s16 =	simm.s32 $0x0;
	s19 =	simm.s32 $0xFFFFC400;
	s18 =	simm.s32 $0x80;
	[tilespmem:s13+$0x400] =	vst.add.f32.msk $0xffff, v9  }
.LBB2_3:
0xe4: {  	s13 =	sadd.s32 $0x4000, s19;
	[tilespmem:s12+$0x400] =	vst.add.f32.msk $0xffff, v5;
	s14 =	sadd.s32 $0x400, s14;
	s16 =	sadd.s32 $0x1, s16  }
0xe5: {  	p1 =	sne.s32 s18, $0x780;
	s12 =	sand.u32 $0x2000, s13;
	s13 =	sand.u32 $0x380, s18;
	[tilespmem:s24+$0x400] =	vst.add.f32.msk $0xffff, v4  }
0xe6: {  	s18 =	sadd.s32 $0x80, s18;
	s24 =	sor.u32 s13, s12;
	[tilespmem:s0+$0x400] =	vst.add.f32.msk $0xffff, v3  }
0xe7: {  	v3 =	vld [tilespmem:s24+$0x10430]  }
0xe8: {  	v4 =	vld [tilespmem:s24+$0x10410]  }
0xe9: {  	v5 =	vld [tilespmem:s24+$0x10420]  }
0xea: {  	v6 =	vld [tilespmem:s24+$0x10400]  }
0xeb: {  	v7 =	vld [tilespmem:s24+$0x10450]  }
0xec: {  	v8 =	vld [tilespmem:s24+$0x10460]  }
0xed: {  	v9 =	vld [tilespmem:s24+$0x10440]  }
0xee: {  	s0 =	sor.u32 $0x400, s24;
	s12 =	sor.u32 $0x430, s24;
	v10 =	vld [tilespmem:s24+$0x10470]  }
0xef: {  	s13 =	sor.u32 $0x440, s24;
	[tilespmem:s0+$0x0] =	vst.add.f32.msk $0xffff, v6;
	s0 =	sor.u32 $0x410, s24  }
0xf0: {  	[tilespmem:s0+$0x0] =	vst.add.f32.msk $0xffff, v4;
	s0 =	sor.u32 $0x420, s24  }
0xf1: {  	[tilespmem:s0+$0x0] =	vst.add.f32.msk $0xffff, v5  }
0xf2: {  	[tilespmem:s12+$0x0] =	vst.add.f32.msk $0xffff, v3  }
0xf3: {  	s0 =	sor.u32 $0x450, s24;
	[tilespmem:s13+$0x0] =	vst.add.f32.msk $0xffff, v9  }
0xf4: {  	[tilespmem:s0+$0x0] =	vst.add.f32.msk $0xffff, v7;
	s0 =	sor.u32 $0x460, s24  }
0xf5: {  	[tilespmem:s0+$0x0] =	vst.add.f32.msk $0xffff, v8;
	s0 =	sor.u32 $0x470, s24  }
0xf6: {  	[tilespmem:s0+$0x0] =	vst.add.f32.msk $0xffff, v10  }
0xf7: {  	v3 =	vld [tilespmem:s24+$0x10830]  }
0xf8: {  	v4 =	vld [tilespmem:s24+$0x10810]  }
0xf9: {  	v5 =	vld [tilespmem:s24+$0x10820]  }
0xfa: {  	v6 =	vld [tilespmem:s24+$0x10800]  }
0xfb: {  	v7 =	vld [tilespmem:s24+$0x10860]  }
0xfc: {  	v8 =	vld [tilespmem:s24+$0x10870]  }
0xfd: {  	v9 =	vld [tilespmem:s24+$0x10840]  }
0xfe: {  	s0 =	sor.u32 $0x800, s24;
	v10 =	vld [tilespmem:s24+$0x10850]  }
0xff: {  	[tilespmem:s0+$0x0] =	vst.add.f32.msk $0xffff, v6;
	s0 =	sor.u32 $0x810, s24  }
0x100: {  	[tilespmem:s0+$0x0] =	vst.add.f32.msk $0xffff, v4;
	s0 =	sor.u32 $0x820, s24  }
0x101: {  	[tilespmem:s0+$0x0] =	vst.add.f32.msk $0xffff, v5;
	s0 =	sor.u32 $0x830, s24  }
0x102: {  	[tilespmem:s0+$0x0] =	vst.add.f32.msk $0xffff, v3;
	s0 =	sor.u32 $0x840, s24  }
0x103: {  	[tilespmem:s0+$0x0] =	vst.add.f32.msk $0xffff, v9;
	s0 =	sor.u32 $0x850, s24  }
0x104: {  	[tilespmem:s0+$0x0] =	vst.add.f32.msk $0xffff, v10;
	s0 =	sor.u32 $0x860, s24  }
0x105: {  	[tilespmem:s0+$0x0] =	vst.add.f32.msk $0xffff, v7;
	s0 =	sor.u32 $0x870, s24  }
0x106: {  	[tilespmem:s0+$0x0] =	vst.add.f32.msk $0xffff, v8  }
0x107: {  	v3 =	vld [tilespmem:s24+$0x10C30]  }
0x108: {  	v4 =	vld [tilespmem:s24+$0x10C20]  }
0x109: {  	v5 =	vld [tilespmem:s24+$0x10C10]  }
0x10a: {  	v6 =	vld [tilespmem:s24+$0x10C00]  }
0x10b: {  	v7 =	vld [tilespmem:s24+$0x10C40]  }
0x10c: {  	v8 =	vld [tilespmem:s24+$0x10C70]  }
0x10d: {  	v9 =	vld [tilespmem:s24+$0x10C50]  }
0x10e: {  	s0 =	sor.u32 $0xC00, s24;
	v10 =	vld [tilespmem:s24+$0x10C60]  }
0x10f: {  	[tilespmem:s0+$0x0] =	vst.add.f32.msk $0xffff, v6;
	s0 =	sor.u32 $0xC10, s24  }
0x110: {  	[tilespmem:s0+$0x0] =	vst.add.f32.msk $0xffff, v5;
	s0 =	sor.u32 $0xC20, s24  }
0x111: {  	[tilespmem:s0+$0x0] =	vst.add.f32.msk $0xffff, v4;
	s0 =	sor.u32 $0xC30, s24  }
0x112: {  	[tilespmem:s0+$0x0] =	vst.add.f32.msk $0xffff, v3;
	s0 =	sor.u32 $0xC40, s24  }
0x113: {  	[tilespmem:s0+$0x0] =	vst.add.f32.msk $0xffff, v7;
	s0 =	sor.u32 $0xC50, s24  }
0x114: {  	[tilespmem:s0+$0x0] =	vst.add.f32.msk $0xffff, v9;
	s0 =	sor.u32 $0xC60, s24  }
0x115: {  	[tilespmem:s0+$0x0] =	vst.add.f32.msk $0xffff, v10;
	s0 =	sor.u32 $0xC70, s24  }
0x116: {  	[tilespmem:s0+$0x0] =	vst.add.f32.msk $0xffff, v8  }
0x117: {  	v3 =	vld [tilespmem:s24+$0x11030]  }
0x118: {  	v4 =	vld [tilespmem:s24+$0x11020]  }
0x119: {  	v5 =	vld [tilespmem:s24+$0x11010]  }
0x11a: {  	v6 =	vld [tilespmem:s24+$0x11000]  }
0x11b: {  	v7 =	vld [tilespmem:s24+$0x11060]  }
0x11c: {  	v8 =	vld [tilespmem:s24+$0x11040]  }
0x11d: {  	v9 =	vld [tilespmem:s24+$0x11050]  }
0x11e: {  	s0 =	sor.u32 $0x1000, s24;
	v10 =	vld [tilespmem:s24+$0x11070]  }
0x11f: {  	[tilespmem:s0+$0x0] =	vst.add.f32.msk $0xffff, v6;
	s0 =	sor.u32 $0x1010, s24  }
0x120: {  	[tilespmem:s0+$0x0] =	vst.add.f32.msk $0xffff, v5;
	s0 =	sor.u32 $0x1020, s24  }
0x121: {  	[tilespmem:s0+$0x0] =	vst.add.f32.msk $0xffff, v4;
	s0 =	sor.u32 $0x1030, s24  }
0x122: {  	[tilespmem:s0+$0x0] =	vst.add.f32.msk $0xffff, v3;
	s0 =	sor.u32 $0x1040, s24  }
0x123: {  	[tilespmem:s0+$0x0] =	vst.add.f32.msk $0xffff, v8;
	s0 =	sor.u32 $0x1050, s24  }
0x124: {  	[tilespmem:s0+$0x0] =	vst.add.f32.msk $0xffff, v9;
	s0 =	sor.u32 $0x1060, s24  }
0x125: {  	[tilespmem:s0+$0x0] =	vst.add.f32.msk $0xffff, v7;
	s0 =	sor.u32 $0x1070, s24  }
0x126: {  	[tilespmem:s0+$0x0] =	vst.add.f32.msk $0xffff, v10  }
0x127: {  	v3 =	vld [tilespmem:s24+$0x11430]  }
0x128: {  	v4 =	vld [tilespmem:s24+$0x11420]  }
0x129: {  	v5 =	vld [tilespmem:s24+$0x11410]  }
0x12a: {  	v6 =	vld [tilespmem:s24+$0x11400]  }
0x12b: {  	v7 =	vld [tilespmem:s24+$0x11460]  }
0x12c: {  	v8 =	vld [tilespmem:s24+$0x11450]  }
0x12d: {  	v9 =	vld [tilespmem:s24+$0x11440]  }
0x12e: {  	s0 =	sor.u32 $0x1400, s24;
	v10 =	vld [tilespmem:s24+$0x11470]  }
0x12f: {  	[tilespmem:s0+$0x0] =	vst.add.f32.msk $0xffff, v6;
	s0 =	sor.u32 $0x1410, s24  }
0x130: {  	[tilespmem:s0+$0x0] =	vst.add.f32.msk $0xffff, v5;
	s0 =	sor.u32 $0x1420, s24  }
0x131: {  	[tilespmem:s0+$0x0] =	vst.add.f32.msk $0xffff, v4;
	s0 =	sor.u32 $0x1430, s24  }
0x132: {  	[tilespmem:s0+$0x0] =	vst.add.f32.msk $0xffff, v3;
	s0 =	sor.u32 $0x1440, s24  }
0x133: {  	[tilespmem:s0+$0x0] =	vst.add.f32.msk $0xffff, v9;
	s0 =	sor.u32 $0x1450, s24  }
0x134: {  	[tilespmem:s0+$0x0] =	vst.add.f32.msk $0xffff, v8;
	s0 =	sor.u32 $0x1460, s24  }
0x135: {  	[tilespmem:s0+$0x0] =	vst.add.f32.msk $0xffff, v7;
	s0 =	sor.u32 $0x1470, s24  }
0x136: {  	[tilespmem:s0+$0x0] =	vst.add.f32.msk $0xffff, v10  }
0x137: {  	v3 =	vld [tilespmem:s24+$0x11830]  }
0x138: {  	v4 =	vld [tilespmem:s24+$0x11820]  }
0x139: {  	v5 =	vld [tilespmem:s24+$0x11810]  }
0x13a: {  	v6 =	vld [tilespmem:s24+$0x11800]  }
0x13b: {  	v7 =	vld [tilespmem:s24+$0x11840]  }
0x13c: {  	v8 =	vld [tilespmem:s24+$0x11870]  }
0x13d: {  	v9 =	vld [tilespmem:s24+$0x11850]  }
0x13e: {  	s0 =	sor.u32 $0x1800, s24;
	v10 =	vld [tilespmem:s24+$0x11860]  }
0x13f: {  	[tilespmem:s0+$0x0] =	vst.add.f32.msk $0xffff, v6;
	s0 =	sor.u32 $0x1810, s24  }
0x140: {  	[tilespmem:s0+$0x0] =	vst.add.f32.msk $0xffff, v5;
	s0 =	sor.u32 $0x1820, s24  }
0x141: {  	[tilespmem:s0+$0x0] =	vst.add.f32.msk $0xffff, v4;
	s0 =	sor.u32 $0x1830, s24  }
0x142: {  	[tilespmem:s0+$0x0] =	vst.add.f32.msk $0xffff, v3;
	s0 =	sor.u32 $0x1840, s24  }
0x143: {  	[tilespmem:s0+$0x0] =	vst.add.f32.msk $0xffff, v7;
	s0 =	sor.u32 $0x1850, s24  }
0x144: {  	[tilespmem:s0+$0x0] =	vst.add.f32.msk $0xffff, v9;
	s0 =	sor.u32 $0x1860, s24  }
0x145: {  	[tilespmem:s0+$0x0] =	vst.add.f32.msk $0xffff, v10;
	s0 =	sor.u32 $0x1870, s24  }
0x146: {  	[tilespmem:s0+$0x0] =	vst.add.f32.msk $0xffff, v8  }
0x147: {  	v3 =	vld [tilespmem:s24+$0x11C70]  }
0x148: {  	v4 =	vld [tilespmem:s24+$0x11C50]  }
0x149: {  	v5 =	vld [tilespmem:s24+$0x11C20]  }
0x14a: {  	v6 =	vld [tilespmem:s24+$0x11C00]  }
0x14b: {  	v7 =	vld [tilespmem:s24+$0x11C10]  }
0x14c: {  	v8 =	vld [tilespmem:s24+$0x11C30]  }
0x14d: {  	v9 =	vld [tilespmem:s24+$0x11C60]  }
0x14e: {  	s0 =	sor.u32 $0x1C00, s24;
	v10 =	vld [tilespmem:s24+$0x11C40]  }
0x14f: {  	[tilespmem:s0+$0x0] =	vst.add.f32.msk $0xffff, v6;
	s0 =	sor.u32 $0x1C10, s24  }
0x150: {  	[tilespmem:s0+$0x0] =	vst.add.f32.msk $0xffff, v7;
	s0 =	sor.u32 $0x1C20, s24  }
0x151: {  	[tilespmem:s0+$0x0] =	vst.add.f32.msk $0xffff, v5;
	s0 =	sor.u32 $0x1C30, s24  }
0x152: {  	[tilespmem:s0+$0x0] =	vst.add.f32.msk $0xffff, v8;
	s0 =	sor.u32 $0x1C40, s24  }
0x153: {  	s12 =	sand.u32 $0x7, s16;
	[tilespmem:s0+$0x0] =	vst.add.f32.msk $0xffff, v10;
	s0 =	sor.u32 $0x1C50, s24  }
0x154: {  	s12 =	sshll.u32 s12, $0x7;
	[tilespmem:s0+$0x0] =	vst.add.f32.msk $0xffff, v4;
	s0 =	sor.u32 $0x1C60, s24  }
0x155: {  	s12 =	sadd.s32 s12, s14;
	[tilespmem:s0+$0x0] =	vst.add.f32.msk $0xffff, v9;
	s0 =	sor.u32 $0x1C70, s24  }
0x156: {  	[tilespmem:s0+$0x0] =	vst.add.f32.msk $0xffff, v3;
	s0 =	sor.u32 $0x1C70, s12  }
0x157: {  	s13 =	sor.u32 $0x1C10, s12;
	v3 =	vld [tilespmem:s0+$0x10400]  }
0x158: {  	s17 =	sor.u32 $0x1C00, s12;
	s26 =	sor.u32 $0x1C20, s12;
	v6 =	vld [tilespmem:s13+$0x10400]  }
0x159: {  	v7 =	vld [tilespmem:s26+$0x10400]  }
0x15a: {  	s30 =	sor.u32 $0x1C40, s12;
	v8 =	vld [tilespmem:s17+$0x10400]  }
0x15b: {  	s11 =	sor.u32 $0x1C30, s12;
	v9 =	vld [tilespmem:s30+$0x10400]  }
0x15c: {  	s24 =	sor.u32 $0x1C60, s12;
	v10 =	vld [tilespmem:s11+$0x10400]  }
0x15d: {  	s12 =	sor.u32 $0x1C50, s12;
	v4 =	vld [tilespmem:s24+$0x10400]  }
0x15e: {  	v5 =	vld [tilespmem:s12+$0x10400]  }
.Ltmp0:
0x15f: {  	[tilespmem:s17+$0x400] =	vst.add.f32.msk $0xffff, v8;
	(pc) =	sbr.rel @p1 .LBB2_3-.Ltmp0, $4  }
0x160: {  	[tilespmem:s13+$0x400] =	vst.add.f32.msk $0xffff, v6  }
0x161: {  	[tilespmem:s26+$0x400] =	vst.add.f32.msk $0xffff, v7  }
0x162: {  	[tilespmem:s11+$0x400] =	vst.add.f32.msk $0xffff, v10  }
0x163: {  	s19 =	sadd.s32 $0x400, s19;
	[tilespmem:s30+$0x400] =	vst.add.f32.msk $0xffff, v9  }
0x164: {  	[tilespmem:s12+$0x400] =	vst.add.f32.msk $0xffff, v5  }
0x165: {  	s14 =	rddreg [dreg:$0x8];
	[tilespmem:s24+$0x400] =	vst.add.f32.msk $0xffff, v4  }
0x166: {  	s1 =	simm.s32 $0x400;
	[tilespmem:s0+$0x400] =	vst.add.f32.msk $0xffff, v3;
	s0 =	sadd.s32 s15, s14  }
0x167: {  	[hbm4b:s0+s5] =	stream.linear.scatter [tilespmem:s1], [sflag:$0x7], $0x4000, $0x38;
	[tilespmem:$0x18400] =	vst v63  }
0x168: {  	s0 =	simm.s32 @!p0 $0xA  }
0x169: {  	s14 =	sor.u32 $0x3, s31;
	_ =	swait.ge @!p0 [sflag:s0], $0x4000  }
0x16a: {  	s11 =	sshll.u32 s14, $0x4;
	[sflag:s0] =	ssyncset.done @!p0 $0x0  }
0x16b: {  	s15 =	sand.u32 $0x3FFFFFF0, s11;
	[sflag:s0] =	ssyncadd.s32 @!p0 $0xFFFFC000  }
0x16c: {  	v3 =	vld [tilespmem:s15+$0x0];
	_ =	sdelay $0x4  }
0x16d: {  	v4 =	vshll.u32 v3, $0x3  }
0x16e: {  	v3 =	vand.u32 $0x7, v3;
	v4 =	vand.u32 $0xFFFFFFC0, v4  }
0x16f: {  	v3 =	vor.u32 v3, v4  }
0x170: {  	v4 =	vperm.xlane v3, v0;
	_ =	sdelay $0x1  }
0x171: {  	v4 =	vadd.s32 v1, v4;
	_ =	sdelay $0x3  }
0x172: {  	s16 =	simm.s32 $0xC400;
	s15 =	simm.s32 $0x0  }
0x173: {  	[tilespmem:s16], [sflag:$0x4] =	stream.indirect_vreg.gather [hbm4b:s3+s15], $0x80, v4, vm0, $0xb8;
	[tilespmem:$0x18400] =	vst v63  }
0x174: {  	s17 =	simm.s32 $0xCC00;
	v3 =	vperm.xlane v3, v2  }
0x175: {  	[tilespmem:s17], [sflag:$0x4] =	stream.indirect_vreg.gather [hbm4b:s7+s15], $0x80, v4, vm0, $0xb8;
	[tilespmem:$0x18400] =	vst v63  }
0x176: {  	s18 =	simm.s32 $0xD400;
	v3 =	vadd.s32 v1, v3  }
0x177: {  	[tilespmem:s18], [sflag:$0x4] =	stream.indirect_vreg.gather [hbm4b:s8+s15], $0x80, v4, vm0, $0xb8;
	[tilespmem:$0x18400] =	vst v63  }
0x178: {  	s19 =	simm.s32 $0xDC00  }
0x179: {  	[tilespmem:s19], [sflag:$0x4] =	stream.indirect_vreg.gather [hbm4b:s10+s15], $0x80, v4, vm0, $0xb8;
	[tilespmem:$0x18400] =	vst v63  }
0x17a: {  	s24 =	simm.s32 $0xE400  }
0x17b: {  	[tilespmem:s24], [sflag:$0x4] =	stream.indirect_vreg.gather [hbm4b:s3+s15], $0x80, v3, vm0, $0xb8;
	[tilespmem:$0x18400] =	vst v63  }
0x17c: {  	s26 =	simm.s32 $0xEC00  }
0x17d: {  	[tilespmem:s26], [sflag:$0x4] =	stream.indirect_vreg.gather [hbm4b:s7+s15], $0x80, v3, vm0, $0xb8;
	[tilespmem:$0x18400] =	vst v63  }
0x17e: {  	s30 =	simm.s32 $0xF400;
	s2 =	sshll.u32 s2, $0xB  }
0x17f: {  	[tilespmem:s30], [sflag:$0x4] =	stream.indirect_vreg.gather [hbm4b:s8+s15], $0x80, v3, vm0, $0xb8;
	[tilespmem:$0x18400] =	vst v63  }
0x180: {  	s2 =	sadd.s32 s9, s2;
	s1 =	simm.s32 $0xFC00;
	s11 =	rddreg [dreg:$0x0]  }
0x181: {  	[tilespmem:s1], [sflag:$0x4] =	stream.indirect_vreg.gather [hbm4b:s10+s15], $0x80, v3, vm0, $0xb8;
	[tilespmem:$0x18400] =	vst v63  }
0x182: {  	s12 =	simm.s32 $0x10400;
	s0 =	sadd.s32 s11, s2  }
0x183: {  	[tilespmem:s12], [sflag:$0x5] =	stream.linear.gather [hbm4b:s0+s15], $0x4000, $0x38;
	[tilespmem:$0x18400] =	vst v63  }
0x184: {  	_ =	swait.ge [sflag:s20], $0x4000  }
0x185: {  	[sflag:s20] =	ssyncset.done $0x0  }
0x186: {  	[sflag:s20] =	ssyncadd.s32 $0xFFFFC000  }
0x187: {  	s13 =	simm.s32 $0x0;
	_ =	swait.ge [sflag:s21], $0x4000  }
0x188: {  	s16 =	sand.u32 $0x380, s15;
	s0 =	sand.u32 $0x2000, s13;
	[sflag:s21] =	ssyncset.done $0x0  }
0x189: {  	s16 =	sor.u32 s16, s0;
	[sflag:s21] =	ssyncadd.s32 $0xFFFFC000  }
0x18a: {  	v3 =	vld [tilespmem:s16+$0x14430]  }
0x18b: {  	v4 =	vld [tilespmem:s16+$0x14410]  }
0x18c: {  	v5 =	vld [tilespmem:s16+$0x14420]  }
0x18d: {  	v6 =	vld [tilespmem:s16+$0x14400]  }
0x18e: {  	v7 =	vld [tilespmem:s16+$0x14450]  }
0x18f: {  	v8 =	vld [tilespmem:s16+$0x14460]  }
0x190: {  	v9 =	vld [tilespmem:s16+$0x14440]  }
0x191: {  	s0 =	sor.u32 $0x4400, s16;
	v10 =	vld [tilespmem:s16+$0x14470]  }
0x192: {  	s17 =	sor.u32 $0x4410, s16;
	[tilespmem:s0+$0x0] =	vst.add.f32.msk $0xffff, v6  }
0x193: {  	s18 =	sor.u32 $0x4420, s16;
	[tilespmem:s17+$0x0] =	vst.add.f32.msk $0xffff, v4  }
0x194: {  	s11 =	sor.u32 $0x4430, s16;
	[tilespmem:s18+$0x0] =	vst.add.f32.msk $0xffff, v5  }
0x195: {  	s19 =	sor.u32 $0x4440, s16;
	[tilespmem:s11+$0x0] =	vst.add.f32.msk $0xffff, v3  }
0x196: {  	s24 =	sor.u32 $0x4450, s16;
	[tilespmem:s19+$0x0] =	vst.add.f32.msk $0xffff, v9  }
0x197: {  	s26 =	sor.u32 $0x4460, s16;
	[tilespmem:s24+$0x0] =	vst.add.f32.msk $0xffff, v7  }
0x198: {  	s30 =	sor.u32 $0x4470, s16;
	[tilespmem:s26+$0x0] =	vst.add.f32.msk $0xffff, v8  }
0x199: {  	[tilespmem:s30+$0x0] =	vst.add.f32.msk $0xffff, v10  }
0x19a: {  	v3 =	vld [tilespmem:s16+$0x14830]  }
0x19b: {  	v4 =	vld [tilespmem:s16+$0x14810]  }
0x19c: {  	v5 =	vld [tilespmem:s16+$0x14820]  }
0x19d: {  	v6 =	vld [tilespmem:s16+$0x14800]  }
0x19e: {  	v7 =	vld [tilespmem:s16+$0x14860]  }
0x19f: {  	v8 =	vld [tilespmem:s16+$0x14870]  }
0x1a0: {  	v9 =	vld [tilespmem:s16+$0x14840]  }
0x1a1: {  	s1 =	sor.u32 $0x4800, s16;
	v10 =	vld [tilespmem:s16+$0x14850]  }
0x1a2: {  	s11 =	sor.u32 $0x4810, s16;
	[tilespmem:s1+$0x0] =	vst.add.f32.msk $0xffff, v6  }
0x1a3: {  	s12 =	sor.u32 $0x4820, s16;
	[tilespmem:s11+$0x0] =	vst.add.f32.msk $0xffff, v4  }
0x1a4: {  	s13 =	sor.u32 $0x4830, s16;
	[tilespmem:s12+$0x0] =	vst.add.f32.msk $0xffff, v5  }
0x1a5: {  	s17 =	sor.u32 $0x4840, s16;
	[tilespmem:s13+$0x0] =	vst.add.f32.msk $0xffff, v3  }
0x1a6: {  	s18 =	sor.u32 $0x4850, s16;
	[tilespmem:s17+$0x0] =	vst.add.f32.msk $0xffff, v9  }
0x1a7: {  	s19 =	sor.u32 $0x4860, s16;
	[tilespmem:s18+$0x0] =	vst.add.f32.msk $0xffff, v10  }
0x1a8: {  	s24 =	sor.u32 $0x4870, s16;
	[tilespmem:s19+$0x0] =	vst.add.f32.msk $0xffff, v7  }
0x1a9: {  	[tilespmem:s24+$0x0] =	vst.add.f32.msk $0xffff, v8  }
0x1aa: {  	v3 =	vld [tilespmem:s16+$0x14C30]  }
0x1ab: {  	v4 =	vld [tilespmem:s16+$0x14C20]  }
0x1ac: {  	v5 =	vld [tilespmem:s16+$0x14C10]  }
0x1ad: {  	v6 =	vld [tilespmem:s16+$0x14C00]  }
0x1ae: {  	v7 =	vld [tilespmem:s16+$0x14C40]  }
0x1af: {  	v8 =	vld [tilespmem:s16+$0x14C70]  }
0x1b0: {  	v9 =	vld [tilespmem:s16+$0x14C50]  }
0x1b1: {  	s26 =	sor.u32 $0x4C00, s16;
	v10 =	vld [tilespmem:s16+$0x14C60]  }
0x1b2: {  	s30 =	sor.u32 $0x4C10, s16;
	[tilespmem:s26+$0x0] =	vst.add.f32.msk $0xffff, v6  }
0x1b3: {  	s1 =	sor.u32 $0x4C20, s16;
	[tilespmem:s30+$0x0] =	vst.add.f32.msk $0xffff, v5  }
0x1b4: {  	s11 =	sor.u32 $0x4C30, s16;
	[tilespmem:s1+$0x0] =	vst.add.f32.msk $0xffff, v4  }
0x1b5: {  	s12 =	sor.u32 $0x4C40, s16;
	[tilespmem:s11+$0x0] =	vst.add.f32.msk $0xffff, v3  }
0x1b6: {  	s13 =	sor.u32 $0x4C50, s16;
	[tilespmem:s12+$0x0] =	vst.add.f32.msk $0xffff, v7  }
0x1b7: {  	s17 =	sor.u32 $0x4C60, s16;
	[tilespmem:s13+$0x0] =	vst.add.f32.msk $0xffff, v9  }
0x1b8: {  	s18 =	sor.u32 $0x4C70, s16;
	[tilespmem:s17+$0x0] =	vst.add.f32.msk $0xffff, v10  }
0x1b9: {  	[tilespmem:s18+$0x0] =	vst.add.f32.msk $0xffff, v8  }
0x1ba: {  	v3 =	vld [tilespmem:s16+$0x15030]  }
0x1bb: {  	v4 =	vld [tilespmem:s16+$0x15020]  }
0x1bc: {  	v5 =	vld [tilespmem:s16+$0x15010]  }
0x1bd: {  	v6 =	vld [tilespmem:s16+$0x15000]  }
0x1be: {  	v7 =	vld [tilespmem:s16+$0x15060]  }
0x1bf: {  	v8 =	vld [tilespmem:s16+$0x15040]  }
0x1c0: {  	v9 =	vld [tilespmem:s16+$0x15050]  }
0x1c1: {  	s19 =	sor.u32 $0x5000, s16;
	v10 =	vld [tilespmem:s16+$0x15070]  }
0x1c2: {  	s24 =	sor.u32 $0x5010, s16;
	[tilespmem:s19+$0x0] =	vst.add.f32.msk $0xffff, v6  }
0x1c3: {  	s26 =	sor.u32 $0x5020, s16;
	[tilespmem:s24+$0x0] =	vst.add.f32.msk $0xffff, v5  }
0x1c4: {  	s30 =	sor.u32 $0x5030, s16;
	[tilespmem:s26+$0x0] =	vst.add.f32.msk $0xffff, v4  }
0x1c5: {  	s1 =	sor.u32 $0x5040, s16;
	[tilespmem:s30+$0x0] =	vst.add.f32.msk $0xffff, v3  }
0x1c6: {  	s11 =	sor.u32 $0x5050, s16;
	[tilespmem:s1+$0x0] =	vst.add.f32.msk $0xffff, v8  }
0x1c7: {  	s12 =	sor.u32 $0x5060, s16;
	[tilespmem:s11+$0x0] =	vst.add.f32.msk $0xffff, v9  }
0x1c8: {  	s13 =	sor.u32 $0x5070, s16;
	[tilespmem:s12+$0x0] =	vst.add.f32.msk $0xffff, v7  }
0x1c9: {  	[tilespmem:s13+$0x0] =	vst.add.f32.msk $0xffff, v10  }
0x1ca: {  	v3 =	vld [tilespmem:s16+$0x15430]  }
0x1cb: {  	v4 =	vld [tilespmem:s16+$0x15420]  }
0x1cc: {  	v5 =	vld [tilespmem:s16+$0x15410]  }
0x1cd: {  	v6 =	vld [tilespmem:s16+$0x15400]  }
0x1ce: {  	v7 =	vld [tilespmem:s16+$0x15460]  }
0x1cf: {  	v8 =	vld [tilespmem:s16+$0x15450]  }
0x1d0: {  	v9 =	vld [tilespmem:s16+$0x15440]  }
0x1d1: {  	s17 =	sor.u32 $0x5400, s16;
	v10 =	vld [tilespmem:s16+$0x15470]  }
0x1d2: {  	s18 =	sor.u32 $0x5410, s16;
	[tilespmem:s17+$0x0] =	vst.add.f32.msk $0xffff, v6  }
0x1d3: {  	s19 =	sor.u32 $0x5420, s16;
	[tilespmem:s18+$0x0] =	vst.add.f32.msk $0xffff, v5  }
0x1d4: {  	s24 =	sor.u32 $0x5430, s16;
	[tilespmem:s19+$0x0] =	vst.add.f32.msk $0xffff, v4  }
0x1d5: {  	s26 =	sor.u32 $0x5440, s16;
	[tilespmem:s24+$0x0] =	vst.add.f32.msk $0xffff, v3  }
0x1d6: {  	s30 =	sor.u32 $0x5450, s16;
	[tilespmem:s26+$0x0] =	vst.add.f32.msk $0xffff, v9  }
0x1d7: {  	s1 =	sor.u32 $0x5460, s16;
	[tilespmem:s30+$0x0] =	vst.add.f32.msk $0xffff, v8  }
0x1d8: {  	s11 =	sor.u32 $0x5470, s16;
	[tilespmem:s1+$0x0] =	vst.add.f32.msk $0xffff, v7  }
0x1d9: {  	[tilespmem:s11+$0x0] =	vst.add.f32.msk $0xffff, v10  }
0x1da: {  	v3 =	vld [tilespmem:s16+$0x15830]  }
0x1db: {  	v4 =	vld [tilespmem:s16+$0x15820]  }
0x1dc: {  	v5 =	vld [tilespmem:s16+$0x15810]  }
0x1dd: {  	v6 =	vld [tilespmem:s16+$0x15800]  }
0x1de: {  	v7 =	vld [tilespmem:s16+$0x15840]  }
0x1df: {  	v8 =	vld [tilespmem:s16+$0x15870]  }
0x1e0: {  	v9 =	vld [tilespmem:s16+$0x15850]  }
0x1e1: {  	s12 =	sor.u32 $0x5800, s16;
	v10 =	vld [tilespmem:s16+$0x15860]  }
0x1e2: {  	s13 =	sor.u32 $0x5810, s16;
	[tilespmem:s12+$0x0] =	vst.add.f32.msk $0xffff, v6  }
0x1e3: {  	s17 =	sor.u32 $0x5820, s16;
	[tilespmem:s13+$0x0] =	vst.add.f32.msk $0xffff, v5  }
0x1e4: {  	s18 =	sor.u32 $0x5830, s16;
	[tilespmem:s17+$0x0] =	vst.add.f32.msk $0xffff, v4  }
0x1e5: {  	s19 =	sor.u32 $0x5840, s16;
	[tilespmem:s18+$0x0] =	vst.add.f32.msk $0xffff, v3  }
0x1e6: {  	s24 =	sor.u32 $0x5850, s16;
	[tilespmem:s19+$0x0] =	vst.add.f32.msk $0xffff, v7  }
0x1e7: {  	s26 =	sor.u32 $0x5860, s16;
	[tilespmem:s24+$0x0] =	vst.add.f32.msk $0xffff, v9  }
0x1e8: {  	s30 =	sor.u32 $0x5870, s16;
	[tilespmem:s26+$0x0] =	vst.add.f32.msk $0xffff, v10  }
0x1e9: {  	[tilespmem:s30+$0x0] =	vst.add.f32.msk $0xffff, v8  }
0x1ea: {  	v3 =	vld [tilespmem:s16+$0x15C70]  }
0x1eb: {  	v4 =	vld [tilespmem:s16+$0x15C50]  }
0x1ec: {  	v5 =	vld [tilespmem:s16+$0x15C20]  }
0x1ed: {  	v6 =	vld [tilespmem:s16+$0x15C00]  }
0x1ee: {  	v7 =	vld [tilespmem:s16+$0x15C10]  }
0x1ef: {  	v8 =	vld [tilespmem:s16+$0x15C30]  }
0x1f0: {  	v9 =	vld [tilespmem:s16+$0x15C60]  }
0x1f1: {  	s1 =	sor.u32 $0x5C00, s16;
	v10 =	vld [tilespmem:s16+$0x15C40]  }
0x1f2: {  	s11 =	sor.u32 $0x5C10, s16;
	[tilespmem:s1+$0x0] =	vst.add.f32.msk $0xffff, v6  }
0x1f3: {  	s12 =	sor.u32 $0x5C20, s16;
	[tilespmem:s11+$0x0] =	vst.add.f32.msk $0xffff, v7  }
0x1f4: {  	s13 =	sor.u32 $0x5C30, s16;
	[tilespmem:s12+$0x0] =	vst.add.f32.msk $0xffff, v5  }
0x1f5: {  	s17 =	sor.u32 $0x5C40, s16;
	[tilespmem:s13+$0x0] =	vst.add.f32.msk $0xffff, v8  }
0x1f6: {  	s18 =	sand.u32 $0x7, s15;
	s19 =	sor.u32 $0x5C50, s16;
	[tilespmem:s17+$0x0] =	vst.add.f32.msk $0xffff, v10  }
0x1f7: {  	s24 =	sor.u32 $0x5C60, s16;
	s11 =	sshll.u32 s18, $0x7;
	[tilespmem:s19+$0x0] =	vst.add.f32.msk $0xffff, v4  }
0x1f8: {  	s26 =	sor.u32 $0x5C70, s16;
	s11 =	sadd.s32 $0x0, s11;
	[tilespmem:s24+$0x0] =	vst.add.f32.msk $0xffff, v9  }
0x1f9: {  	s0 =	sor.u32 $0x1C70, s11;
	[tilespmem:s26+$0x0] =	vst.add.f32.msk $0xffff, v3  }
0x1fa: {  	s13 =	sor.u32 $0x1C10, s11;
	v3 =	vld [tilespmem:s0+$0x14400]  }
0x1fb: {  	s30 =	sor.u32 $0x1C20, s11;
	v6 =	vld [tilespmem:s13+$0x14400]  }
0x1fc: {  	s17 =	sor.u32 $0x1C00, s11;
	v7 =	vld [tilespmem:s30+$0x14400]  }
0x1fd: {  	s19 =	sor.u32 $0x1C40, s11;
	v8 =	vld [tilespmem:s17+$0x14400]  }
0x1fe: {  	s18 =	sor.u32 $0x1C30, s11;
	v9 =	vld [tilespmem:s19+$0x14400]  }
0x1ff: {  	s24 =	sor.u32 $0x1C60, s11;
	v10 =	vld [tilespmem:s18+$0x14400]  }
0x200: {  	s12 =	sor.u32 $0x1C50, s11;
	v4 =	vld [tilespmem:s24+$0x14400]  }
0x201: {  	v5 =	vld [tilespmem:s12+$0x14400]  }
0x202: {  	[tilespmem:s17+$0x4400] =	vst.add.f32.msk $0xffff, v8  }
0x203: {  	[tilespmem:s13+$0x4400] =	vst.add.f32.msk $0xffff, v6  }
0x204: {  	[tilespmem:s30+$0x4400] =	vst.add.f32.msk $0xffff, v7  }
0x205: {  	[tilespmem:s18+$0x4400] =	vst.add.f32.msk $0xffff, v10  }
0x206: {  	s16 =	simm.s32 $0x0;
	s18 =	simm.s32 $0x80;
	[tilespmem:s19+$0x4400] =	vst.add.f32.msk $0xffff, v9;
	s19 =	simm.s32 $0xFFFFC400  }
.LBB2_5:
0x207: {  	s11 =	sadd.s32 $0x4000, s19;
	[tilespmem:s12+$0x4400] =	vst.add.f32.msk $0xffff, v5;
	s15 =	sadd.s32 $0x400, s15;
	s16 =	sadd.s32 $0x1, s16  }
0x208: {  	s12 =	sand.u32 $0x380, s18;
	p0 =	sne.s32 s18, $0x780;
	s11 =	sand.u32 $0x2000, s11;
	[tilespmem:s24+$0x4400] =	vst.add.f32.msk $0xffff, v4  }
0x209: {  	s18 =	sadd.s32 $0x80, s18;
	s24 =	sor.u32 s12, s11;
	[tilespmem:s0+$0x4400] =	vst.add.f32.msk $0xffff, v3  }
0x20a: {  	v3 =	vld [tilespmem:s24+$0x14430]  }
0x20b: {  	v4 =	vld [tilespmem:s24+$0x14410]  }
0x20c: {  	v5 =	vld [tilespmem:s24+$0x14420]  }
0x20d: {  	v6 =	vld [tilespmem:s24+$0x14400]  }
0x20e: {  	v7 =	vld [tilespmem:s24+$0x14450]  }
0x20f: {  	v8 =	vld [tilespmem:s24+$0x14460]  }
0x210: {  	v9 =	vld [tilespmem:s24+$0x14440]  }
0x211: {  	s0 =	sor.u32 $0x4400, s24;
	s11 =	sor.u32 $0x4430, s24;
	v10 =	vld [tilespmem:s24+$0x14470]  }
0x212: {  	s12 =	sor.u32 $0x4440, s24;
	[tilespmem:s0+$0x0] =	vst.add.f32.msk $0xffff, v6;
	s0 =	sor.u32 $0x4410, s24  }
0x213: {  	[tilespmem:s0+$0x0] =	vst.add.f32.msk $0xffff, v4;
	s0 =	sor.u32 $0x4420, s24  }
0x214: {  	[tilespmem:s0+$0x0] =	vst.add.f32.msk $0xffff, v5  }
0x215: {  	[tilespmem:s11+$0x0] =	vst.add.f32.msk $0xffff, v3  }
0x216: {  	s0 =	sor.u32 $0x4450, s24;
	[tilespmem:s12+$0x0] =	vst.add.f32.msk $0xffff, v9  }
0x217: {  	[tilespmem:s0+$0x0] =	vst.add.f32.msk $0xffff, v7;
	s0 =	sor.u32 $0x4460, s24  }
0x218: {  	[tilespmem:s0+$0x0] =	vst.add.f32.msk $0xffff, v8;
	s0 =	sor.u32 $0x4470, s24  }
0x219: {  	[tilespmem:s0+$0x0] =	vst.add.f32.msk $0xffff, v10  }
0x21a: {  	v3 =	vld [tilespmem:s24+$0x14830]  }
0x21b: {  	v4 =	vld [tilespmem:s24+$0x14810]  }
0x21c: {  	v5 =	vld [tilespmem:s24+$0x14820]  }
0x21d: {  	v6 =	vld [tilespmem:s24+$0x14800]  }
0x21e: {  	v7 =	vld [tilespmem:s24+$0x14860]  }
0x21f: {  	v8 =	vld [tilespmem:s24+$0x14870]  }
0x220: {  	v9 =	vld [tilespmem:s24+$0x14840]  }
0x221: {  	s0 =	sor.u32 $0x4800, s24;
	v10 =	vld [tilespmem:s24+$0x14850]  }
0x222: {  	[tilespmem:s0+$0x0] =	vst.add.f32.msk $0xffff, v6;
	s0 =	sor.u32 $0x4810, s24  }
0x223: {  	[tilespmem:s0+$0x0] =	vst.add.f32.msk $0xffff, v4;
	s0 =	sor.u32 $0x4820, s24  }
0x224: {  	[tilespmem:s0+$0x0] =	vst.add.f32.msk $0xffff, v5;
	s0 =	sor.u32 $0x4830, s24  }
0x225: {  	[tilespmem:s0+$0x0] =	vst.add.f32.msk $0xffff, v3;
	s0 =	sor.u32 $0x4840, s24  }
0x226: {  	[tilespmem:s0+$0x0] =	vst.add.f32.msk $0xffff, v9;
	s0 =	sor.u32 $0x4850, s24  }
0x227: {  	[tilespmem:s0+$0x0] =	vst.add.f32.msk $0xffff, v10;
	s0 =	sor.u32 $0x4860, s24  }
0x228: {  	[tilespmem:s0+$0x0] =	vst.add.f32.msk $0xffff, v7;
	s0 =	sor.u32 $0x4870, s24  }
0x229: {  	[tilespmem:s0+$0x0] =	vst.add.f32.msk $0xffff, v8  }
0x22a: {  	v3 =	vld [tilespmem:s24+$0x14C30]  }
0x22b: {  	v4 =	vld [tilespmem:s24+$0x14C20]  }
0x22c: {  	v5 =	vld [tilespmem:s24+$0x14C10]  }
0x22d: {  	v6 =	vld [tilespmem:s24+$0x14C00]  }
0x22e: {  	v7 =	vld [tilespmem:s24+$0x14C40]  }
0x22f: {  	v8 =	vld [tilespmem:s24+$0x14C70]  }
0x230: {  	v9 =	vld [tilespmem:s24+$0x14C50]  }
0x231: {  	s0 =	sor.u32 $0x4C00, s24;
	v10 =	vld [tilespmem:s24+$0x14C60]  }
0x232: {  	[tilespmem:s0+$0x0] =	vst.add.f32.msk $0xffff, v6;
	s0 =	sor.u32 $0x4C10, s24  }
0x233: {  	[tilespmem:s0+$0x0] =	vst.add.f32.msk $0xffff, v5;
	s0 =	sor.u32 $0x4C20, s24  }
0x234: {  	[tilespmem:s0+$0x0] =	vst.add.f32.msk $0xffff, v4;
	s0 =	sor.u32 $0x4C30, s24  }
0x235: {  	[tilespmem:s0+$0x0] =	vst.add.f32.msk $0xffff, v3;
	s0 =	sor.u32 $0x4C40, s24  }
0x236: {  	[tilespmem:s0+$0x0] =	vst.add.f32.msk $0xffff, v7;
	s0 =	sor.u32 $0x4C50, s24  }
0x237: {  	[tilespmem:s0+$0x0] =	vst.add.f32.msk $0xffff, v9;
	s0 =	sor.u32 $0x4C60, s24  }
0x238: {  	[tilespmem:s0+$0x0] =	vst.add.f32.msk $0xffff, v10;
	s0 =	sor.u32 $0x4C70, s24  }
0x239: {  	[tilespmem:s0+$0x0] =	vst.add.f32.msk $0xffff, v8  }
0x23a: {  	v3 =	vld [tilespmem:s24+$0x15030]  }
0x23b: {  	v4 =	vld [tilespmem:s24+$0x15020]  }
0x23c: {  	v5 =	vld [tilespmem:s24+$0x15010]  }
0x23d: {  	v6 =	vld [tilespmem:s24+$0x15000]  }
0x23e: {  	v7 =	vld [tilespmem:s24+$0x15060]  }
0x23f: {  	v8 =	vld [tilespmem:s24+$0x15040]  }
0x240: {  	v9 =	vld [tilespmem:s24+$0x15050]  }
0x241: {  	s0 =	sor.u32 $0x5000, s24;
	v10 =	vld [tilespmem:s24+$0x15070]  }
0x242: {  	[tilespmem:s0+$0x0] =	vst.add.f32.msk $0xffff, v6;
	s0 =	sor.u32 $0x5010, s24  }
0x243: {  	[tilespmem:s0+$0x0] =	vst.add.f32.msk $0xffff, v5;
	s0 =	sor.u32 $0x5020, s24  }
0x244: {  	[tilespmem:s0+$0x0] =	vst.add.f32.msk $0xffff, v4;
	s0 =	sor.u32 $0x5030, s24  }
0x245: {  	[tilespmem:s0+$0x0] =	vst.add.f32.msk $0xffff, v3;
	s0 =	sor.u32 $0x5040, s24  }
0x246: {  	[tilespmem:s0+$0x0] =	vst.add.f32.msk $0xffff, v8;
	s0 =	sor.u32 $0x5050, s24  }
0x247: {  	[tilespmem:s0+$0x0] =	vst.add.f32.msk $0xffff, v9;
	s0 =	sor.u32 $0x5060, s24  }
0x248: {  	[tilespmem:s0+$0x0] =	vst.add.f32.msk $0xffff, v7;
	s0 =	sor.u32 $0x5070, s24  }
0x249: {  	[tilespmem:s0+$0x0] =	vst.add.f32.msk $0xffff, v10  }
0x24a: {  	v3 =	vld [tilespmem:s24+$0x15430]  }
0x24b: {  	v4 =	vld [tilespmem:s24+$0x15420]  }
0x24c: {  	v5 =	vld [tilespmem:s24+$0x15410]  }
0x24d: {  	v6 =	vld [tilespmem:s24+$0x15400]  }
0x24e: {  	v7 =	vld [tilespmem:s24+$0x15460]  }
0x24f: {  	v8 =	vld [tilespmem:s24+$0x15450]  }
0x250: {  	v9 =	vld [tilespmem:s24+$0x15440]  }
0x251: {  	s0 =	sor.u32 $0x5400, s24;
	v10 =	vld [tilespmem:s24+$0x15470]  }
0x252: {  	[tilespmem:s0+$0x0] =	vst.add.f32.msk $0xffff, v6;
	s0 =	sor.u32 $0x5410, s24  }
0x253: {  	[tilespmem:s0+$0x0] =	vst.add.f32.msk $0xffff, v5;
	s0 =	sor.u32 $0x5420, s24  }
0x254: {  	[tilespmem:s0+$0x0] =	vst.add.f32.msk $0xffff, v4;
	s0 =	sor.u32 $0x5430, s24  }
0x255: {  	[tilespmem:s0+$0x0] =	vst.add.f32.msk $0xffff, v3;
	s0 =	sor.u32 $0x5440, s24  }
0x256: {  	[tilespmem:s0+$0x0] =	vst.add.f32.msk $0xffff, v9;
	s0 =	sor.u32 $0x5450, s24  }
0x257: {  	[tilespmem:s0+$0x0] =	vst.add.f32.msk $0xffff, v8;
	s0 =	sor.u32 $0x5460, s24  }
0x258: {  	[tilespmem:s0+$0x0] =	vst.add.f32.msk $0xffff, v7;
	s0 =	sor.u32 $0x5470, s24  }
0x259: {  	[tilespmem:s0+$0x0] =	vst.add.f32.msk $0xffff, v10  }
0x25a: {  	v3 =	vld [tilespmem:s24+$0x15830]  }
0x25b: {  	v4 =	vld [tilespmem:s24+$0x15820]  }
0x25c: {  	v5 =	vld [tilespmem:s24+$0x15810]  }
0x25d: {  	v6 =	vld [tilespmem:s24+$0x15800]  }
0x25e: {  	v7 =	vld [tilespmem:s24+$0x15840]  }
0x25f: {  	v8 =	vld [tilespmem:s24+$0x15870]  }
0x260: {  	v9 =	vld [tilespmem:s24+$0x15850]  }
0x261: {  	s0 =	sor.u32 $0x5800, s24;
	v10 =	vld [tilespmem:s24+$0x15860]  }
0x262: {  	[tilespmem:s0+$0x0] =	vst.add.f32.msk $0xffff, v6;
	s0 =	sor.u32 $0x5810, s24  }
0x263: {  	[tilespmem:s0+$0x0] =	vst.add.f32.msk $0xffff, v5;
	s0 =	sor.u32 $0x5820, s24  }
0x264: {  	[tilespmem:s0+$0x0] =	vst.add.f32.msk $0xffff, v4;
	s0 =	sor.u32 $0x5830, s24  }
0x265: {  	[tilespmem:s0+$0x0] =	vst.add.f32.msk $0xffff, v3;
	s0 =	sor.u32 $0x5840, s24  }
0x266: {  	[tilespmem:s0+$0x0] =	vst.add.f32.msk $0xffff, v7;
	s0 =	sor.u32 $0x5850, s24  }
0x267: {  	[tilespmem:s0+$0x0] =	vst.add.f32.msk $0xffff, v9;
	s0 =	sor.u32 $0x5860, s24  }
0x268: {  	[tilespmem:s0+$0x0] =	vst.add.f32.msk $0xffff, v10;
	s0 =	sor.u32 $0x5870, s24  }
0x269: {  	[tilespmem:s0+$0x0] =	vst.add.f32.msk $0xffff, v8  }
0x26a: {  	v3 =	vld [tilespmem:s24+$0x15C70]  }
0x26b: {  	v4 =	vld [tilespmem:s24+$0x15C50]  }
0x26c: {  	v5 =	vld [tilespmem:s24+$0x15C20]  }
0x26d: {  	v6 =	vld [tilespmem:s24+$0x15C00]  }
0x26e: {  	v7 =	vld [tilespmem:s24+$0x15C10]  }
0x26f: {  	v8 =	vld [tilespmem:s24+$0x15C30]  }
0x270: {  	v9 =	vld [tilespmem:s24+$0x15C60]  }
0x271: {  	s0 =	sor.u32 $0x5C00, s24;
	v10 =	vld [tilespmem:s24+$0x15C40]  }
0x272: {  	[tilespmem:s0+$0x0] =	vst.add.f32.msk $0xffff, v6;
	s0 =	sor.u32 $0x5C10, s24  }
0x273: {  	[tilespmem:s0+$0x0] =	vst.add.f32.msk $0xffff, v7;
	s0 =	sor.u32 $0x5C20, s24  }
0x274: {  	[tilespmem:s0+$0x0] =	vst.add.f32.msk $0xffff, v5;
	s0 =	sor.u32 $0x5C30, s24  }
0x275: {  	[tilespmem:s0+$0x0] =	vst.add.f32.msk $0xffff, v8;
	s0 =	sor.u32 $0x5C40, s24  }
0x276: {  	s11 =	sand.u32 $0x7, s16;
	[tilespmem:s0+$0x0] =	vst.add.f32.msk $0xffff, v10;
	s0 =	sor.u32 $0x5C50, s24  }
0x277: {  	s11 =	sshll.u32 s11, $0x7;
	[tilespmem:s0+$0x0] =	vst.add.f32.msk $0xffff, v4;
	s0 =	sor.u32 $0x5C60, s24  }
0x278: {  	s11 =	sadd.s32 s11, s15;
	[tilespmem:s0+$0x0] =	vst.add.f32.msk $0xffff, v9;
	s0 =	sor.u32 $0x5C70, s24  }
0x279: {  	[tilespmem:s0+$0x0] =	vst.add.f32.msk $0xffff, v3;
	s0 =	sor.u32 $0x1C70, s11  }
0x27a: {  	s13 =	sor.u32 $0x1C10, s11;
	v3 =	vld [tilespmem:s0+$0x14400]  }
0x27b: {  	s17 =	sor.u32 $0x1C00, s11;
	s26 =	sor.u32 $0x1C20, s11;
	v6 =	vld [tilespmem:s13+$0x14400]  }
0x27c: {  	v7 =	vld [tilespmem:s26+$0x14400]  }
0x27d: {  	s30 =	sor.u32 $0x1C40, s11;
	v8 =	vld [tilespmem:s17+$0x14400]  }
0x27e: {  	s1 =	sor.u32 $0x1C30, s11;
	v9 =	vld [tilespmem:s30+$0x14400]  }
0x27f: {  	s24 =	sor.u32 $0x1C60, s11;
	v10 =	vld [tilespmem:s1+$0x14400]  }
0x280: {  	s12 =	sor.u32 $0x1C50, s11;
	v4 =	vld [tilespmem:s24+$0x14400]  }
0x281: {  	v5 =	vld [tilespmem:s12+$0x14400]  }
.Ltmp1:
0x282: {  	[tilespmem:s17+$0x4400] =	vst.add.f32.msk $0xffff, v8;
	(pc) =	sbr.rel @p0 .LBB2_5-.Ltmp1, $4  }
0x283: {  	[tilespmem:s13+$0x4400] =	vst.add.f32.msk $0xffff, v6  }
0x284: {  	[tilespmem:s26+$0x4400] =	vst.add.f32.msk $0xffff, v7  }
0x285: {  	[tilespmem:s1+$0x4400] =	vst.add.f32.msk $0xffff, v10  }
0x286: {  	s19 =	sadd.s32 $0x400, s19;
	[tilespmem:s30+$0x4400] =	vst.add.f32.msk $0xffff, v9  }
0x287: {  	[tilespmem:s12+$0x4400] =	vst.add.f32.msk $0xffff, v5  }
0x288: {  	p0 =	seq.s32 s25, $0xF;
	[tilespmem:s24+$0x4400] =	vst.add.f32.msk $0xffff, v4  }
0x289: {  	s13 =	sadd.s32 s4, s6;
	s1 =	simm.s32 $0x4400;
	[tilespmem:s0+$0x4400] =	vst.add.f32.msk $0xffff, v3;
	s0 =	simm.s32 @!p0 $0x7  }
0x28a: {  	[hbm4b:s13+s5] =	stream.linear.scatter [tilespmem:s1], [sflag:$0x8], $0x4000, $0x38;
	[tilespmem:$0x18400] =	vst v63  }
0x28b: {  	s6 =	sadd.s32 $0x4, s31;
	_ =	swait.ge @!p0 [sflag:s0], $0x4000  }
0x28c: {  	s1 =	sshll.u32 @!p0 s6, $0x4;
	[sflag:s0] =	ssyncset.done @!p0 $0x0  }
0x28d: {  	[sflag:s0] =	ssyncadd.s32 @!p0 $0xFFFFC000;
	s0 =	sand.u32 @!p0 $0x3FFFFFF0, s1  }
0x28e: {  	v3 =	vld @!p0 [tilespmem:s0+$0x0];
	_ =	sdelay $0x4  }
0x28f: {  	v4 =	vshll.u32 @!p0 v3, $0x3  }
0x290: {  	v5 =	vlaneseq.u32 @!p0;
	v3 =	vand.u32 @!p0 $0x7, v3;
	v4 =	vand.u32 @!p0 $0xFFFFFFC0, v4  }
0x291: {  	v6 =	vshrl.u32 @!p0 v5, $0x3;
	v3 =	vor.u32 @!p0 v3, v4;
	v4 =	vand.u32 @!p0 $0x7, v5  }
0x292: {  	v6 =	vmul.u32 @!p0 $0x8, v6;
	v4 =	vperm.xlane @!p0 v3, v4;
	_ =	sdelay $0x1  }
0x293: {  	v4 =	vadd.s32 @!p0 v6, v4;
	_ =	sdelay $0x3  }
0x294: {  	vm1 =	vmmov @!p0 $0xffff;
	s1 =	simm.s32 @!p0 $0x400;
	s0 =	simm.s32 @!p0 $0x0  }
0x295: {  	v5 =	vor.u32 @!p0 $0x8, v5;
	[tilespmem:s1], [sflag:$0x1] =	stream.indirect_vreg.gather @!p0 [hbm4b:s3+s0], $0x80, v4, vm1, $0xb8;
	[tilespmem:$0x18400] =	vst v63  }
0x296: {  	v3 =	vperm.xlane @!p0 v3, v5;
	s1 =	simm.s32 @!p0 $0xC00  }
0x297: {  	[tilespmem:s1], [sflag:$0x1] =	stream.indirect_vreg.gather @!p0 [hbm4b:s7+s0], $0x80, v4, vm1, $0xb8;
	[tilespmem:$0x18400] =	vst v63  }
0x298: {  	v3 =	vadd.s32 @!p0 v6, v3;
	s1 =	simm.s32 @!p0 $0x1400  }
0x299: {  	[tilespmem:s1], [sflag:$0x1] =	stream.indirect_vreg.gather @!p0 [hbm4b:s8+s0], $0x80, v4, vm1, $0xb8;
	[tilespmem:$0x18400] =	vst v63  }
0x29a: {  	s1 =	simm.s32 @!p0 $0x1C00  }
0x29b: {  	[tilespmem:s1], [sflag:$0x1] =	stream.indirect_vreg.gather @!p0 [hbm4b:s10+s0], $0x80, v4, vm1, $0xb8;
	[tilespmem:$0x18400] =	vst v63  }
0x29c: {  	s1 =	simm.s32 @!p0 $0x2400  }
0x29d: {  	[tilespmem:s1], [sflag:$0x1] =	stream.indirect_vreg.gather @!p0 [hbm4b:s3+s0], $0x80, v3, vm1, $0xb8;
	[tilespmem:$0x18400] =	vst v63  }
0x29e: {  	s1 =	simm.s32 @!p0 $0x2C00  }
0x29f: {  	[tilespmem:s1], [sflag:$0x1] =	stream.indirect_vreg.gather @!p0 [hbm4b:s7+s0], $0x80, v3, vm1, $0xb8;
	[tilespmem:$0x18400] =	vst v63  }
0x2a0: {  	s15 =	sshll.u32 s14, $0xB;
	s1 =	simm.s32 @!p0 $0x3400  }
0x2a1: {  	[tilespmem:s1], [sflag:$0x1] =	stream.indirect_vreg.gather @!p0 [hbm4b:s8+s0], $0x80, v3, vm1, $0xb8;
	[tilespmem:$0x18400] =	vst v63  }
0x2a2: {  	s31 =	sadd.s32 s9, s15;
	s16 =	rddreg [dreg:$0x0];
	s1 =	simm.s32 @!p0 $0x3C00  }
0x2a3: {  	[tilespmem:s1], [sflag:$0x1] =	stream.indirect_vreg.gather @!p0 [hbm4b:s10+s0], $0x80, v3, vm1, $0xb8;
	[tilespmem:$0x18400] =	vst v63  }
0x2a4: {  	s14 =	simm.s32 $0x0;
	s17 =	simm.s32 $0x14400;
	s0 =	sadd.s32 s16, s31  }
0x2a5: {  	[tilespmem:s17], [sflag:$0x6] =	stream.linear.gather [hbm4b:s0+s14], $0x4000, $0x38;
	[tilespmem:$0x18400] =	vst v63  }
0x2a6: {  	_ =	swait.ge [sflag:s22], $0x4000  }
0x2a7: {  	[sflag:s22] =	ssyncset.done $0x0  }
0x2a8: {  	[sflag:s22] =	ssyncadd.s32 $0xFFFFC000  }
0x2a9: {  	s18 =	simm.s32 $0x0;
	_ =	swait.ge [sflag:s29], $0x4000  }
0x2aa: {  	s19 =	sand.u32 $0x380, s14;
	s0 =	sand.u32 $0x2000, s18;
	[sflag:s29] =	ssyncset.done $0x0  }
0x2ab: {  	s15 =	sor.u32 s19, s0;
	[sflag:s29] =	ssyncadd.s32 $0xFFFFC000  }
0x2ac: {  	v3 =	vld [tilespmem:s15+$0x10430]  }
0x2ad: {  	v4 =	vld [tilespmem:s15+$0x10410]  }
0x2ae: {  	v5 =	vld [tilespmem:s15+$0x10420]  }
0x2af: {  	v6 =	vld [tilespmem:s15+$0x10400]  }
0x2b0: {  	v7 =	vld [tilespmem:s15+$0x10450]  }
0x2b1: {  	v8 =	vld [tilespmem:s15+$0x10460]  }
0x2b2: {  	v9 =	vld [tilespmem:s15+$0x10440]  }
0x2b3: {  	s0 =	sor.u32 $0x8400, s15;
	v10 =	vld [tilespmem:s15+$0x10470]  }
0x2b4: {  	s24 =	sor.u32 $0x8410, s15;
	[tilespmem:s0+$0x0] =	vst.add.f32.msk $0xffff, v6  }
0x2b5: {  	s26 =	sor.u32 $0x8420, s15;
	[tilespmem:s24+$0x0] =	vst.add.f32.msk $0xffff, v4  }
0x2b6: {  	s1 =	sor.u32 $0x8430, s15;
	[tilespmem:s26+$0x0] =	vst.add.f32.msk $0xffff, v5  }
0x2b7: {  	s30 =	smov.u32 s4;
	s4 =	sor.u32 $0x8440, s15;
	[tilespmem:s1+$0x0] =	vst.add.f32.msk $0xffff, v3  }
0x2b8: {  	s11 =	sor.u32 $0x8450, s15;
	[tilespmem:s4+$0x0] =	vst.add.f32.msk $0xffff, v9  }
0x2b9: {  	s12 =	sor.u32 $0x8460, s15;
	[tilespmem:s11+$0x0] =	vst.add.f32.msk $0xffff, v7  }
0x2ba: {  	s13 =	sor.u32 $0x8470, s15;
	[tilespmem:s12+$0x0] =	vst.add.f32.msk $0xffff, v8  }
0x2bb: {  	[tilespmem:s13+$0x0] =	vst.add.f32.msk $0xffff, v10  }
0x2bc: {  	v3 =	vld [tilespmem:s15+$0x10830]  }
0x2bd: {  	v4 =	vld [tilespmem:s15+$0x10810]  }
0x2be: {  	v5 =	vld [tilespmem:s15+$0x10820]  }
0x2bf: {  	v6 =	vld [tilespmem:s15+$0x10800]  }
0x2c0: {  	v7 =	vld [tilespmem:s15+$0x10860]  }
0x2c1: {  	v8 =	vld [tilespmem:s15+$0x10870]  }
0x2c2: {  	v9 =	vld [tilespmem:s15+$0x10840]  }
0x2c3: {  	s16 =	sor.u32 $0x8800, s15;
	v10 =	vld [tilespmem:s15+$0x10850]  }
0x2c4: {  	s17 =	sor.u32 $0x8810, s15;
	[tilespmem:s16+$0x0] =	vst.add.f32.msk $0xffff, v6  }
0x2c5: {  	s18 =	sor.u32 $0x8820, s15;
	[tilespmem:s17+$0x0] =	vst.add.f32.msk $0xffff, v4  }
0x2c6: {  	s19 =	sor.u32 $0x8830, s15;
	[tilespmem:s18+$0x0] =	vst.add.f32.msk $0xffff, v5  }
0x2c7: {  	s24 =	sor.u32 $0x8840, s15;
	[tilespmem:s19+$0x0] =	vst.add.f32.msk $0xffff, v3  }
0x2c8: {  	s26 =	sor.u32 $0x8850, s15;
	[tilespmem:s24+$0x0] =	vst.add.f32.msk $0xffff, v9  }
0x2c9: {  	s1 =	sor.u32 $0x8860, s15;
	[tilespmem:s26+$0x0] =	vst.add.f32.msk $0xffff, v10  }
0x2ca: {  	s4 =	sor.u32 $0x8870, s15;
	[tilespmem:s1+$0x0] =	vst.add.f32.msk $0xffff, v7  }
0x2cb: {  	[tilespmem:s4+$0x0] =	vst.add.f32.msk $0xffff, v8  }
0x2cc: {  	v3 =	vld [tilespmem:s15+$0x10C30]  }
0x2cd: {  	v4 =	vld [tilespmem:s15+$0x10C20]  }
0x2ce: {  	v5 =	vld [tilespmem:s15+$0x10C10]  }
0x2cf: {  	v6 =	vld [tilespmem:s15+$0x10C00]  }
0x2d0: {  	v7 =	vld [tilespmem:s15+$0x10C40]  }
0x2d1: {  	v8 =	vld [tilespmem:s15+$0x10C70]  }
0x2d2: {  	v9 =	vld [tilespmem:s15+$0x10C50]  }
0x2d3: {  	s11 =	sor.u32 $0x8C00, s15;
	v10 =	vld [tilespmem:s15+$0x10C60]  }
0x2d4: {  	s12 =	sor.u32 $0x8C10, s15;
	[tilespmem:s11+$0x0] =	vst.add.f32.msk $0xffff, v6  }
0x2d5: {  	s13 =	sor.u32 $0x8C20, s15;
	[tilespmem:s12+$0x0] =	vst.add.f32.msk $0xffff, v5  }
0x2d6: {  	s16 =	sor.u32 $0x8C30, s15;
	[tilespmem:s13+$0x0] =	vst.add.f32.msk $0xffff, v4  }
0x2d7: {  	s17 =	sor.u32 $0x8C40, s15;
	[tilespmem:s16+$0x0] =	vst.add.f32.msk $0xffff, v3  }
0x2d8: {  	s18 =	sor.u32 $0x8C50, s15;
	[tilespmem:s17+$0x0] =	vst.add.f32.msk $0xffff, v7  }
0x2d9: {  	s19 =	sor.u32 $0x8C60, s15;
	[tilespmem:s18+$0x0] =	vst.add.f32.msk $0xffff, v9  }
0x2da: {  	s24 =	sor.u32 $0x8C70, s15;
	[tilespmem:s19+$0x0] =	vst.add.f32.msk $0xffff, v10  }
0x2db: {  	[tilespmem:s24+$0x0] =	vst.add.f32.msk $0xffff, v8  }
0x2dc: {  	v3 =	vld [tilespmem:s15+$0x11030]  }
0x2dd: {  	v4 =	vld [tilespmem:s15+$0x11020]  }
0x2de: {  	v5 =	vld [tilespmem:s15+$0x11010]  }
0x2df: {  	v6 =	vld [tilespmem:s15+$0x11000]  }
0x2e0: {  	v7 =	vld [tilespmem:s15+$0x11060]  }
0x2e1: {  	v8 =	vld [tilespmem:s15+$0x11040]  }
0x2e2: {  	v9 =	vld [tilespmem:s15+$0x11050]  }
0x2e3: {  	s26 =	sor.u32 $0x9000, s15;
	v10 =	vld [tilespmem:s15+$0x11070]  }
0x2e4: {  	s1 =	sor.u32 $0x9010, s15;
	[tilespmem:s26+$0x0] =	vst.add.f32.msk $0xffff, v6  }
0x2e5: {  	s4 =	sor.u32 $0x9020, s15;
	[tilespmem:s1+$0x0] =	vst.add.f32.msk $0xffff, v5  }
0x2e6: {  	s11 =	sor.u32 $0x9030, s15;
	[tilespmem:s4+$0x0] =	vst.add.f32.msk $0xffff, v4  }
0x2e7: {  	s12 =	sor.u32 $0x9040, s15;
	[tilespmem:s11+$0x0] =	vst.add.f32.msk $0xffff, v3  }
0x2e8: {  	s13 =	sor.u32 $0x9050, s15;
	[tilespmem:s12+$0x0] =	vst.add.f32.msk $0xffff, v8  }
0x2e9: {  	s16 =	sor.u32 $0x9060, s15;
	[tilespmem:s13+$0x0] =	vst.add.f32.msk $0xffff, v9  }
0x2ea: {  	s17 =	sor.u32 $0x9070, s15;
	[tilespmem:s16+$0x0] =	vst.add.f32.msk $0xffff, v7  }
0x2eb: {  	[tilespmem:s17+$0x0] =	vst.add.f32.msk $0xffff, v10  }
0x2ec: {  	v3 =	vld [tilespmem:s15+$0x11430]  }
0x2ed: {  	v4 =	vld [tilespmem:s15+$0x11420]  }
0x2ee: {  	v5 =	vld [tilespmem:s15+$0x11410]  }
0x2ef: {  	v6 =	vld [tilespmem:s15+$0x11400]  }
0x2f0: {  	v7 =	vld [tilespmem:s15+$0x11460]  }
0x2f1: {  	v8 =	vld [tilespmem:s15+$0x11450]  }
0x2f2: {  	v9 =	vld [tilespmem:s15+$0x11440]  }
0x2f3: {  	s18 =	sor.u32 $0x9400, s15;
	v10 =	vld [tilespmem:s15+$0x11470]  }
0x2f4: {  	s19 =	sor.u32 $0x9410, s15;
	[tilespmem:s18+$0x0] =	vst.add.f32.msk $0xffff, v6  }
0x2f5: {  	s24 =	sor.u32 $0x9420, s15;
	[tilespmem:s19+$0x0] =	vst.add.f32.msk $0xffff, v5  }
0x2f6: {  	s26 =	sor.u32 $0x9430, s15;
	[tilespmem:s24+$0x0] =	vst.add.f32.msk $0xffff, v4  }
0x2f7: {  	s1 =	sor.u32 $0x9440, s15;
	[tilespmem:s26+$0x0] =	vst.add.f32.msk $0xffff, v3  }
0x2f8: {  	s4 =	sor.u32 $0x9450, s15;
	[tilespmem:s1+$0x0] =	vst.add.f32.msk $0xffff, v9  }
0x2f9: {  	s11 =	sor.u32 $0x9460, s15;
	[tilespmem:s4+$0x0] =	vst.add.f32.msk $0xffff, v8  }
0x2fa: {  	s12 =	sor.u32 $0x9470, s15;
	[tilespmem:s11+$0x0] =	vst.add.f32.msk $0xffff, v7  }
0x2fb: {  	[tilespmem:s12+$0x0] =	vst.add.f32.msk $0xffff, v10  }
0x2fc: {  	v3 =	vld [tilespmem:s15+$0x11830]  }
0x2fd: {  	v4 =	vld [tilespmem:s15+$0x11820]  }
0x2fe: {  	v5 =	vld [tilespmem:s15+$0x11810]  }
0x2ff: {  	v6 =	vld [tilespmem:s15+$0x11800]  }
0x300: {  	v7 =	vld [tilespmem:s15+$0x11840]  }
0x301: {  	v8 =	vld [tilespmem:s15+$0x11870]  }
0x302: {  	v9 =	vld [tilespmem:s15+$0x11850]  }
0x303: {  	s13 =	sor.u32 $0x9800, s15;
	v10 =	vld [tilespmem:s15+$0x11860]  }
0x304: {  	s16 =	sor.u32 $0x9810, s15;
	[tilespmem:s13+$0x0] =	vst.add.f32.msk $0xffff, v6  }
0x305: {  	s17 =	sor.u32 $0x9820, s15;
	[tilespmem:s16+$0x0] =	vst.add.f32.msk $0xffff, v5  }
0x306: {  	s18 =	sor.u32 $0x9830, s15;
	[tilespmem:s17+$0x0] =	vst.add.f32.msk $0xffff, v4  }
0x307: {  	s19 =	sor.u32 $0x9840, s15;
	[tilespmem:s18+$0x0] =	vst.add.f32.msk $0xffff, v3  }
0x308: {  	s24 =	sor.u32 $0x9850, s15;
	[tilespmem:s19+$0x0] =	vst.add.f32.msk $0xffff, v7  }
0x309: {  	s26 =	sor.u32 $0x9860, s15;
	[tilespmem:s24+$0x0] =	vst.add.f32.msk $0xffff, v9  }
0x30a: {  	s1 =	sor.u32 $0x9870, s15;
	[tilespmem:s26+$0x0] =	vst.add.f32.msk $0xffff, v10  }
0x30b: {  	[tilespmem:s1+$0x0] =	vst.add.f32.msk $0xffff, v8  }
0x30c: {  	v3 =	vld [tilespmem:s15+$0x11C70]  }
0x30d: {  	v4 =	vld [tilespmem:s15+$0x11C50]  }
0x30e: {  	v5 =	vld [tilespmem:s15+$0x11C20]  }
0x30f: {  	v6 =	vld [tilespmem:s15+$0x11C00]  }
0x310: {  	v7 =	vld [tilespmem:s15+$0x11C10]  }
0x311: {  	v8 =	vld [tilespmem:s15+$0x11C30]  }
0x312: {  	v9 =	vld [tilespmem:s15+$0x11C60]  }
0x313: {  	s4 =	sor.u32 $0x9C00, s15;
	v10 =	vld [tilespmem:s15+$0x11C40]  }
0x314: {  	s11 =	sor.u32 $0x9C10, s15;
	[tilespmem:s4+$0x0] =	vst.add.f32.msk $0xffff, v6  }
0x315: {  	s12 =	sor.u32 $0x9C20, s15;
	[tilespmem:s11+$0x0] =	vst.add.f32.msk $0xffff, v7  }
0x316: {  	s13 =	sor.u32 $0x9C30, s15;
	[tilespmem:s12+$0x0] =	vst.add.f32.msk $0xffff, v5  }
0x317: {  	s16 =	sor.u32 $0x9C40, s15;
	[tilespmem:s13+$0x0] =	vst.add.f32.msk $0xffff, v8  }
0x318: {  	s17 =	sand.u32 $0x7, s14;
	s18 =	sor.u32 $0x9C50, s15;
	[tilespmem:s16+$0x0] =	vst.add.f32.msk $0xffff, v10  }
0x319: {  	s19 =	sor.u32 $0x9C60, s15;
	s1 =	sshll.u32 s17, $0x7;
	[tilespmem:s18+$0x0] =	vst.add.f32.msk $0xffff, v4  }
0x31a: {  	s24 =	sor.u32 $0x9C70, s15;
	s1 =	sadd.s32 $0x0, s1;
	[tilespmem:s19+$0x0] =	vst.add.f32.msk $0xffff, v9  }
0x31b: {  	s0 =	sor.u32 $0x1C70, s1;
	[tilespmem:s24+$0x0] =	vst.add.f32.msk $0xffff, v3  }
0x31c: {  	s11 =	sor.u32 $0x1C10, s1;
	v3 =	vld [tilespmem:s0+$0x10400]  }
0x31d: {  	s13 =	sor.u32 $0x1C20, s1;
	v6 =	vld [tilespmem:s11+$0x10400]  }
0x31e: {  	s26 =	sor.u32 $0x1C00, s1;
	v7 =	vld [tilespmem:s13+$0x10400]  }
0x31f: {  	s16 =	sor.u32 $0x1C40, s1;
	v8 =	vld [tilespmem:s26+$0x10400]  }
0x320: {  	s17 =	sor.u32 $0x1C30, s1;
	v9 =	vld [tilespmem:s16+$0x10400]  }
0x321: {  	s19 =	sor.u32 $0x1C60, s1;
	v10 =	vld [tilespmem:s17+$0x10400]  }
0x322: {  	s12 =	sor.u32 $0x1C50, s1;
	v4 =	vld [tilespmem:s19+$0x10400]  }
0x323: {  	v5 =	vld [tilespmem:s12+$0x10400]  }
0x324: {  	[tilespmem:s26+$0x8400] =	vst.add.f32.msk $0xffff, v8  }
0x325: {  	[tilespmem:s11+$0x8400] =	vst.add.f32.msk $0xffff, v6  }
0x326: {  	[tilespmem:s13+$0x8400] =	vst.add.f32.msk $0xffff, v7  }
0x327: {  	[tilespmem:s17+$0x8400] =	vst.add.f32.msk $0xffff, v10  }
0x328: {  	s15 =	simm.s32 $0x80;
	s18 =	simm.s32 $0xFFFFC400;
	[tilespmem:s16+$0x8400] =	vst.add.f32.msk $0xffff, v9;
	s16 =	simm.s32 $0x0  }
.LBB2_7:
0x329: {  	s1 =	sadd.s32 $0x4000, s18;
	[tilespmem:s12+$0x8400] =	vst.add.f32.msk $0xffff, v5;
	s14 =	sadd.s32 $0x400, s14;
	s16 =	sadd.s32 $0x1, s16  }
0x32a: {  	s11 =	sand.u32 $0x380, s15;
	p1 =	sne.s32 s15, $0x780;
	s1 =	sand.u32 $0x2000, s1;
	[tilespmem:s19+$0x8400] =	vst.add.f32.msk $0xffff, v4  }
0x32b: {  	s15 =	sadd.s32 $0x80, s15;
	s19 =	sor.u32 s11, s1;
	[tilespmem:s0+$0x8400] =	vst.add.f32.msk $0xffff, v3  }
0x32c: {  	v3 =	vld [tilespmem:s19+$0x10430]  }
0x32d: {  	v4 =	vld [tilespmem:s19+$0x10410]  }
0x32e: {  	v5 =	vld [tilespmem:s19+$0x10420]  }
0x32f: {  	v6 =	vld [tilespmem:s19+$0x10400]  }
0x330: {  	v7 =	vld [tilespmem:s19+$0x10450]  }
0x331: {  	v8 =	vld [tilespmem:s19+$0x10460]  }
0x332: {  	v9 =	vld [tilespmem:s19+$0x10440]  }
0x333: {  	s0 =	sor.u32 $0x8400, s19;
	s1 =	sor.u32 $0x8430, s19;
	v10 =	vld [tilespmem:s19+$0x10470]  }
0x334: {  	s11 =	sor.u32 $0x8440, s19;
	[tilespmem:s0+$0x0] =	vst.add.f32.msk $0xffff, v6;
	s0 =	sor.u32 $0x8410, s19  }
0x335: {  	[tilespmem:s0+$0x0] =	vst.add.f32.msk $0xffff, v4;
	s0 =	sor.u32 $0x8420, s19  }
0x336: {  	[tilespmem:s0+$0x0] =	vst.add.f32.msk $0xffff, v5  }
0x337: {  	[tilespmem:s1+$0x0] =	vst.add.f32.msk $0xffff, v3  }
0x338: {  	s0 =	sor.u32 $0x8450, s19;
	[tilespmem:s11+$0x0] =	vst.add.f32.msk $0xffff, v9  }
0x339: {  	[tilespmem:s0+$0x0] =	vst.add.f32.msk $0xffff, v7;
	s0 =	sor.u32 $0x8460, s19  }
0x33a: {  	[tilespmem:s0+$0x0] =	vst.add.f32.msk $0xffff, v8;
	s0 =	sor.u32 $0x8470, s19  }
0x33b: {  	[tilespmem:s0+$0x0] =	vst.add.f32.msk $0xffff, v10  }
0x33c: {  	v3 =	vld [tilespmem:s19+$0x10830]  }
0x33d: {  	v4 =	vld [tilespmem:s19+$0x10810]  }
0x33e: {  	v5 =	vld [tilespmem:s19+$0x10820]  }
0x33f: {  	v6 =	vld [tilespmem:s19+$0x10800]  }
0x340: {  	v7 =	vld [tilespmem:s19+$0x10860]  }
0x341: {  	v8 =	vld [tilespmem:s19+$0x10870]  }
0x342: {  	v9 =	vld [tilespmem:s19+$0x10840]  }
0x343: {  	s0 =	sor.u32 $0x8800, s19;
	v10 =	vld [tilespmem:s19+$0x10850]  }
0x344: {  	[tilespmem:s0+$0x0] =	vst.add.f32.msk $0xffff, v6;
	s0 =	sor.u32 $0x8810, s19  }
0x345: {  	[tilespmem:s0+$0x0] =	vst.add.f32.msk $0xffff, v4;
	s0 =	sor.u32 $0x8820, s19  }
0x346: {  	[tilespmem:s0+$0x0] =	vst.add.f32.msk $0xffff, v5;
	s0 =	sor.u32 $0x8830, s19  }
0x347: {  	[tilespmem:s0+$0x0] =	vst.add.f32.msk $0xffff, v3;
	s0 =	sor.u32 $0x8840, s19  }
0x348: {  	[tilespmem:s0+$0x0] =	vst.add.f32.msk $0xffff, v9;
	s0 =	sor.u32 $0x8850, s19  }
0x349: {  	[tilespmem:s0+$0x0] =	vst.add.f32.msk $0xffff, v10;
	s0 =	sor.u32 $0x8860, s19  }
0x34a: {  	[tilespmem:s0+$0x0] =	vst.add.f32.msk $0xffff, v7;
	s0 =	sor.u32 $0x8870, s19  }
0x34b: {  	[tilespmem:s0+$0x0] =	vst.add.f32.msk $0xffff, v8  }
0x34c: {  	v3 =	vld [tilespmem:s19+$0x10C30]  }
0x34d: {  	v4 =	vld [tilespmem:s19+$0x10C20]  }
0x34e: {  	v5 =	vld [tilespmem:s19+$0x10C10]  }
0x34f: {  	v6 =	vld [tilespmem:s19+$0x10C00]  }
0x350: {  	v7 =	vld [tilespmem:s19+$0x10C40]  }
0x351: {  	v8 =	vld [tilespmem:s19+$0x10C70]  }
0x352: {  	v9 =	vld [tilespmem:s19+$0x10C50]  }
0x353: {  	s0 =	sor.u32 $0x8C00, s19;
	v10 =	vld [tilespmem:s19+$0x10C60]  }
0x354: {  	[tilespmem:s0+$0x0] =	vst.add.f32.msk $0xffff, v6;
	s0 =	sor.u32 $0x8C10, s19  }
0x355: {  	[tilespmem:s0+$0x0] =	vst.add.f32.msk $0xffff, v5;
	s0 =	sor.u32 $0x8C20, s19  }
0x356: {  	[tilespmem:s0+$0x0] =	vst.add.f32.msk $0xffff, v4;
	s0 =	sor.u32 $0x8C30, s19  }
0x357: {  	[tilespmem:s0+$0x0] =	vst.add.f32.msk $0xffff, v3;
	s0 =	sor.u32 $0x8C40, s19  }
0x358: {  	[tilespmem:s0+$0x0] =	vst.add.f32.msk $0xffff, v7;
	s0 =	sor.u32 $0x8C50, s19  }
0x359: {  	[tilespmem:s0+$0x0] =	vst.add.f32.msk $0xffff, v9;
	s0 =	sor.u32 $0x8C60, s19  }
0x35a: {  	[tilespmem:s0+$0x0] =	vst.add.f32.msk $0xffff, v10;
	s0 =	sor.u32 $0x8C70, s19  }
0x35b: {  	[tilespmem:s0+$0x0] =	vst.add.f32.msk $0xffff, v8  }
0x35c: {  	v3 =	vld [tilespmem:s19+$0x11030]  }
0x35d: {  	v4 =	vld [tilespmem:s19+$0x11020]  }
0x35e: {  	v5 =	vld [tilespmem:s19+$0x11010]  }
0x35f: {  	v6 =	vld [tilespmem:s19+$0x11000]  }
0x360: {  	v7 =	vld [tilespmem:s19+$0x11060]  }
0x361: {  	v8 =	vld [tilespmem:s19+$0x11040]  }
0x362: {  	v9 =	vld [tilespmem:s19+$0x11050]  }
0x363: {  	s0 =	sor.u32 $0x9000, s19;
	v10 =	vld [tilespmem:s19+$0x11070]  }
0x364: {  	[tilespmem:s0+$0x0] =	vst.add.f32.msk $0xffff, v6;
	s0 =	sor.u32 $0x9010, s19  }
0x365: {  	[tilespmem:s0+$0x0] =	vst.add.f32.msk $0xffff, v5;
	s0 =	sor.u32 $0x9020, s19  }
0x366: {  	[tilespmem:s0+$0x0] =	vst.add.f32.msk $0xffff, v4;
	s0 =	sor.u32 $0x9030, s19  }
0x367: {  	[tilespmem:s0+$0x0] =	vst.add.f32.msk $0xffff, v3;
	s0 =	sor.u32 $0x9040, s19  }
0x368: {  	[tilespmem:s0+$0x0] =	vst.add.f32.msk $0xffff, v8;
	s0 =	sor.u32 $0x9050, s19  }
0x369: {  	[tilespmem:s0+$0x0] =	vst.add.f32.msk $0xffff, v9;
	s0 =	sor.u32 $0x9060, s19  }
0x36a: {  	[tilespmem:s0+$0x0] =	vst.add.f32.msk $0xffff, v7;
	s0 =	sor.u32 $0x9070, s19  }
0x36b: {  	[tilespmem:s0+$0x0] =	vst.add.f32.msk $0xffff, v10  }
0x36c: {  	v3 =	vld [tilespmem:s19+$0x11430]  }
0x36d: {  	v4 =	vld [tilespmem:s19+$0x11420]  }
0x36e: {  	v5 =	vld [tilespmem:s19+$0x11410]  }
0x36f: {  	v6 =	vld [tilespmem:s19+$0x11400]  }
0x370: {  	v7 =	vld [tilespmem:s19+$0x11460]  }
0x371: {  	v8 =	vld [tilespmem:s19+$0x11450]  }
0x372: {  	v9 =	vld [tilespmem:s19+$0x11440]  }
0x373: {  	s0 =	sor.u32 $0x9400, s19;
	v10 =	vld [tilespmem:s19+$0x11470]  }
0x374: {  	[tilespmem:s0+$0x0] =	vst.add.f32.msk $0xffff, v6;
	s0 =	sor.u32 $0x9410, s19  }
0x375: {  	[tilespmem:s0+$0x0] =	vst.add.f32.msk $0xffff, v5;
	s0 =	sor.u32 $0x9420, s19  }
0x376: {  	[tilespmem:s0+$0x0] =	vst.add.f32.msk $0xffff, v4;
	s0 =	sor.u32 $0x9430, s19  }
0x377: {  	[tilespmem:s0+$0x0] =	vst.add.f32.msk $0xffff, v3;
	s0 =	sor.u32 $0x9440, s19  }
0x378: {  	[tilespmem:s0+$0x0] =	vst.add.f32.msk $0xffff, v9;
	s0 =	sor.u32 $0x9450, s19  }
0x379: {  	[tilespmem:s0+$0x0] =	vst.add.f32.msk $0xffff, v8;
	s0 =	sor.u32 $0x9460, s19  }
0x37a: {  	[tilespmem:s0+$0x0] =	vst.add.f32.msk $0xffff, v7;
	s0 =	sor.u32 $0x9470, s19  }
0x37b: {  	[tilespmem:s0+$0x0] =	vst.add.f32.msk $0xffff, v10  }
0x37c: {  	v3 =	vld [tilespmem:s19+$0x11830]  }
0x37d: {  	v4 =	vld [tilespmem:s19+$0x11820]  }
0x37e: {  	v5 =	vld [tilespmem:s19+$0x11810]  }
0x37f: {  	v6 =	vld [tilespmem:s19+$0x11800]  }
0x380: {  	v7 =	vld [tilespmem:s19+$0x11840]  }
0x381: {  	v8 =	vld [tilespmem:s19+$0x11870]  }
0x382: {  	v9 =	vld [tilespmem:s19+$0x11850]  }
0x383: {  	s0 =	sor.u32 $0x9800, s19;
	v10 =	vld [tilespmem:s19+$0x11860]  }
0x384: {  	[tilespmem:s0+$0x0] =	vst.add.f32.msk $0xffff, v6;
	s0 =	sor.u32 $0x9810, s19  }
0x385: {  	[tilespmem:s0+$0x0] =	vst.add.f32.msk $0xffff, v5;
	s0 =	sor.u32 $0x9820, s19  }
0x386: {  	[tilespmem:s0+$0x0] =	vst.add.f32.msk $0xffff, v4;
	s0 =	sor.u32 $0x9830, s19  }
0x387: {  	[tilespmem:s0+$0x0] =	vst.add.f32.msk $0xffff, v3;
	s0 =	sor.u32 $0x9840, s19  }
0x388: {  	[tilespmem:s0+$0x0] =	vst.add.f32.msk $0xffff, v7;
	s0 =	sor.u32 $0x9850, s19  }
0x389: {  	[tilespmem:s0+$0x0] =	vst.add.f32.msk $0xffff, v9;
	s0 =	sor.u32 $0x9860, s19  }
0x38a: {  	[tilespmem:s0+$0x0] =	vst.add.f32.msk $0xffff, v10;
	s0 =	sor.u32 $0x9870, s19  }
0x38b: {  	[tilespmem:s0+$0x0] =	vst.add.f32.msk $0xffff, v8  }
0x38c: {  	v3 =	vld [tilespmem:s19+$0x11C70]  }
0x38d: {  	v4 =	vld [tilespmem:s19+$0x11C50]  }
0x38e: {  	v5 =	vld [tilespmem:s19+$0x11C20]  }
0x38f: {  	v6 =	vld [tilespmem:s19+$0x11C00]  }
0x390: {  	v7 =	vld [tilespmem:s19+$0x11C10]  }
0x391: {  	v8 =	vld [tilespmem:s19+$0x11C30]  }
0x392: {  	v9 =	vld [tilespmem:s19+$0x11C60]  }
0x393: {  	s0 =	sor.u32 $0x9C00, s19;
	v10 =	vld [tilespmem:s19+$0x11C40]  }
0x394: {  	[tilespmem:s0+$0x0] =	vst.add.f32.msk $0xffff, v6;
	s0 =	sor.u32 $0x9C10, s19  }
0x395: {  	[tilespmem:s0+$0x0] =	vst.add.f32.msk $0xffff, v7;
	s0 =	sor.u32 $0x9C20, s19  }
0x396: {  	[tilespmem:s0+$0x0] =	vst.add.f32.msk $0xffff, v5;
	s0 =	sor.u32 $0x9C30, s19  }
0x397: {  	[tilespmem:s0+$0x0] =	vst.add.f32.msk $0xffff, v8;
	s0 =	sor.u32 $0x9C40, s19  }
0x398: {  	s1 =	sand.u32 $0x7, s16;
	[tilespmem:s0+$0x0] =	vst.add.f32.msk $0xffff, v10;
	s0 =	sor.u32 $0x9C50, s19  }
0x399: {  	s1 =	sshll.u32 s1, $0x7;
	[tilespmem:s0+$0x0] =	vst.add.f32.msk $0xffff, v4;
	s0 =	sor.u32 $0x9C60, s19  }
0x39a: {  	s1 =	sadd.s32 s1, s14;
	[tilespmem:s0+$0x0] =	vst.add.f32.msk $0xffff, v9;
	s0 =	sor.u32 $0x9C70, s19  }
0x39b: {  	[tilespmem:s0+$0x0] =	vst.add.f32.msk $0xffff, v3;
	s0 =	sor.u32 $0x1C70, s1  }
0x39c: {  	s11 =	sor.u32 $0x1C10, s1;
	v3 =	vld [tilespmem:s0+$0x10400]  }
0x39d: {  	s13 =	sor.u32 $0x1C00, s1;
	s17 =	sor.u32 $0x1C20, s1;
	v6 =	vld [tilespmem:s11+$0x10400]  }
0x39e: {  	v7 =	vld [tilespmem:s17+$0x10400]  }
0x39f: {  	s24 =	sor.u32 $0x1C40, s1;
	v8 =	vld [tilespmem:s13+$0x10400]  }
0x3a0: {  	s26 =	sor.u32 $0x1C30, s1;
	v9 =	vld [tilespmem:s24+$0x10400]  }
0x3a1: {  	s19 =	sor.u32 $0x1C60, s1;
	v10 =	vld [tilespmem:s26+$0x10400]  }
0x3a2: {  	s12 =	sor.u32 $0x1C50, s1;
	v4 =	vld [tilespmem:s19+$0x10400]  }
0x3a3: {  	v5 =	vld [tilespmem:s12+$0x10400]  }
.Ltmp2:
0x3a4: {  	[tilespmem:s13+$0x8400] =	vst.add.f32.msk $0xffff, v8;
	(pc) =	sbr.rel @p1 .LBB2_7-.Ltmp2, $4  }
0x3a5: {  	[tilespmem:s11+$0x8400] =	vst.add.f32.msk $0xffff, v6  }
0x3a6: {  	[tilespmem:s17+$0x8400] =	vst.add.f32.msk $0xffff, v7  }
0x3a7: {  	[tilespmem:s26+$0x8400] =	vst.add.f32.msk $0xffff, v10  }
0x3a8: {  	s18 =	sadd.s32 $0x400, s18;
	[tilespmem:s24+$0x8400] =	vst.add.f32.msk $0xffff, v9  }
0x3a9: {  	[tilespmem:s12+$0x8400] =	vst.add.f32.msk $0xffff, v5  }
0x3aa: {  	[tilespmem:s19+$0x8400] =	vst.add.f32.msk $0xffff, v4  }
0x3ab: {  	s4 =	sadd.s32 s30, s2;
	s24 =	simm.s32 $0x8400;
	[tilespmem:s0+$0x8400] =	vst.add.f32.msk $0xffff, v3;
	s0 =	simm.s32 @!p0 $0x8  }
0x3ac: {  	[hbm4b:s4+s5] =	stream.linear.scatter [tilespmem:s24], [sflag:$0x9], $0x4000, $0x38;
	[tilespmem:$0x18400] =	vst v63  }
0x3ad: {  	_ =	swait.ge @!p0 [sflag:s0], $0x4000  }
0x3ae: {  	s1 =	sshll.u32 @!p0 s25, $0x6;
	[sflag:s0] =	ssyncset.done @!p0 $0x0  }
0x3af: {  	[sflag:s0] =	ssyncadd.s32 @!p0 $0xFFFFC000;
	s0 =	sand.u32 @!p0 $0x3FFFFFC0, s1  }
0x3b0: {  	v3 =	vld @!p0 [tilespmem:s0+$0x50];
	_ =	sdelay $0x4  }
0x3b1: {  	v4 =	vshll.u32 @!p0 v3, $0x3  }
0x3b2: {  	v5 =	vlaneseq.u32 @!p0;
	v3 =	vand.u32 @!p0 $0x7, v3;
	v4 =	vand.u32 @!p0 $0xFFFFFFC0, v4  }
0x3b3: {  	v6 =	vshrl.u32 @!p0 v5, $0x3;
	v3 =	vor.u32 @!p0 v3, v4;
	v4 =	vand.u32 @!p0 $0x7, v5  }
0x3b4: {  	v6 =	vmul.u32 @!p0 $0x8, v6;
	v4 =	vperm.xlane @!p0 v3, v4;
	_ =	sdelay $0x1  }
0x3b5: {  	v4 =	vadd.s32 @!p0 v6, v4;
	_ =	sdelay $0x3  }
0x3b6: {  	s1 =	simm.s32 @!p0 $0x4400;
	s0 =	simm.s32 @!p0 $0x0  }
0x3b7: {  	v5 =	vor.u32 @!p0 $0x8, v5;
	[tilespmem:s1], [sflag:$0x2] =	stream.indirect_vreg.gather @!p0 [hbm4b:s3+s0], $0x80, v4, vm1, $0xb8;
	[tilespmem:$0x18400] =	vst v63  }
0x3b8: {  	v3 =	vperm.xlane @!p0 v3, v5;
	s1 =	simm.s32 @!p0 $0x4C00  }
0x3b9: {  	[tilespmem:s1], [sflag:$0x2] =	stream.indirect_vreg.gather @!p0 [hbm4b:s7+s0], $0x80, v4, vm1, $0xb8;
	[tilespmem:$0x18400] =	vst v63  }
0x3ba: {  	v3 =	vadd.s32 @!p0 v6, v3;
	s1 =	simm.s32 @!p0 $0x5400  }
0x3bb: {  	[tilespmem:s1], [sflag:$0x2] =	stream.indirect_vreg.gather @!p0 [hbm4b:s8+s0], $0x80, v4, vm1, $0xb8;
	[tilespmem:$0x18400] =	vst v63  }
0x3bc: {  	s1 =	simm.s32 @!p0 $0x5C00  }
0x3bd: {  	[tilespmem:s1], [sflag:$0x2] =	stream.indirect_vreg.gather @!p0 [hbm4b:s10+s0], $0x80, v4, vm1, $0xb8;
	[tilespmem:$0x18400] =	vst v63  }
0x3be: {  	s1 =	simm.s32 @!p0 $0x6400  }
0x3bf: {  	[tilespmem:s1], [sflag:$0x2] =	stream.indirect_vreg.gather @!p0 [hbm4b:s3+s0], $0x80, v3, vm1, $0xb8;
	[tilespmem:$0x18400] =	vst v63  }
0x3c0: {  	s1 =	simm.s32 @!p0 $0x6C00  }
0x3c1: {  	[tilespmem:s1], [sflag:$0x2] =	stream.indirect_vreg.gather @!p0 [hbm4b:s7+s0], $0x80, v3, vm1, $0xb8;
	[tilespmem:$0x18400] =	vst v63  }
0x3c2: {  	s1 =	simm.s32 @!p0 $0x7400  }
0x3c3: {  	[tilespmem:s1], [sflag:$0x2] =	stream.indirect_vreg.gather @!p0 [hbm4b:s8+s0], $0x80, v3, vm1, $0xb8;
	[tilespmem:$0x18400] =	vst v63  }
0x3c4: {  	s1 =	simm.s32 @!p0 $0x7C00  }
0x3c5: {  	[tilespmem:s1], [sflag:$0x2] =	stream.indirect_vreg.gather @!p0 [hbm4b:s10+s0], $0x80, v3, vm1, $0xb8;
	[tilespmem:$0x18400] =	vst v63  }
0x3c6: {  	s2 =	rddreg [dreg:$0x6];
	s1 =	sshll.u32 @!p0 s6, $0xB  }
0x3c7: {  	s1 =	sadd.s32 @!p0 s1, s2;
	s2 =	simm.s32 @!p0 $0x10400  }
0x3c8: {  	[tilespmem:s2], [sflag:$0x5] =	stream.linear.gather @!p0 [hbm4b:s1+s0], $0x4000, $0x38;
	[tilespmem:$0x18400] =	vst v63  }
0x3c9: {  	_ =	swait.ge [sflag:s23], $0x4000  }
0x3ca: {  	[sflag:s23] =	ssyncset.done $0x0  }
0x3cb: {  	[sflag:s23] =	ssyncadd.s32 $0xFFFFC000  }
0x3cc: {  	s11 =	simm.s32 $0x0;
	s2 =	simm.s32 $0x0;
	_ =	swait.ge [sflag:s21], $0x4000  }
0x3cd: {  	s0 =	sand.u32 $0x2000, s11;
	s12 =	sand.u32 $0x380, s2;
	[sflag:s21] =	ssyncset.done $0x0  }
0x3ce: {  	s6 =	sor.u32 s12, s0;
	[sflag:s21] =	ssyncadd.s32 $0xFFFFC000  }
0x3cf: {  	v3 =	vld [tilespmem:s6+$0x14430]  }
0x3d0: {  	v4 =	vld [tilespmem:s6+$0x14410]  }
0x3d1: {  	v5 =	vld [tilespmem:s6+$0x14420]  }
0x3d2: {  	v6 =	vld [tilespmem:s6+$0x14400]  }
0x3d3: {  	v7 =	vld [tilespmem:s6+$0x14450]  }
0x3d4: {  	v8 =	vld [tilespmem:s6+$0x14460]  }
0x3d5: {  	v9 =	vld [tilespmem:s6+$0x14440]  }
0x3d6: {  	s0 =	sor.u32 $0xC400, s6;
	v10 =	vld [tilespmem:s6+$0x14470]  }
0x3d7: {  	s13 =	sor.u32 $0xC410, s6;
	[tilespmem:s0+$0x0] =	vst.add.f32.msk $0xffff, v6  }
0x3d8: {  	s14 =	sor.u32 $0xC420, s6;
	[tilespmem:s13+$0x0] =	vst.add.f32.msk $0xffff, v4  }
0x3d9: {  	s1 =	sor.u32 $0xC430, s6;
	[tilespmem:s14+$0x0] =	vst.add.f32.msk $0xffff, v5  }
0x3da: {  	s15 =	sor.u32 $0xC440, s6;
	[tilespmem:s1+$0x0] =	vst.add.f32.msk $0xffff, v3  }
0x3db: {  	s16 =	sor.u32 $0xC450, s6;
	[tilespmem:s15+$0x0] =	vst.add.f32.msk $0xffff, v9  }
0x3dc: {  	s17 =	sor.u32 $0xC460, s6;
	[tilespmem:s16+$0x0] =	vst.add.f32.msk $0xffff, v7  }
0x3dd: {  	s18 =	sor.u32 $0xC470, s6;
	[tilespmem:s17+$0x0] =	vst.add.f32.msk $0xffff, v8  }
0x3de: {  	[tilespmem:s18+$0x0] =	vst.add.f32.msk $0xffff, v10  }
0x3df: {  	v3 =	vld [tilespmem:s6+$0x14830]  }
0x3e0: {  	v4 =	vld [tilespmem:s6+$0x14810]  }
0x3e1: {  	v5 =	vld [tilespmem:s6+$0x14820]  }
0x3e2: {  	v6 =	vld [tilespmem:s6+$0x14800]  }
0x3e3: {  	v7 =	vld [tilespmem:s6+$0x14860]  }
0x3e4: {  	v8 =	vld [tilespmem:s6+$0x14870]  }
0x3e5: {  	v9 =	vld [tilespmem:s6+$0x14840]  }
0x3e6: {  	s19 =	sor.u32 $0xC800, s6;
	v10 =	vld [tilespmem:s6+$0x14850]  }
0x3e7: {  	s26 =	sor.u32 $0xC810, s6;
	[tilespmem:s19+$0x0] =	vst.add.f32.msk $0xffff, v6  }
0x3e8: {  	s1 =	sor.u32 $0xC820, s6;
	[tilespmem:s26+$0x0] =	vst.add.f32.msk $0xffff, v4  }
0x3e9: {  	s4 =	sor.u32 $0xC830, s6;
	[tilespmem:s1+$0x0] =	vst.add.f32.msk $0xffff, v5  }
0x3ea: {  	s11 =	sor.u32 $0xC840, s6;
	[tilespmem:s4+$0x0] =	vst.add.f32.msk $0xffff, v3  }
0x3eb: {  	s12 =	sor.u32 $0xC850, s6;
	[tilespmem:s11+$0x0] =	vst.add.f32.msk $0xffff, v9  }
0x3ec: {  	s13 =	sor.u32 $0xC860, s6;
	[tilespmem:s12+$0x0] =	vst.add.f32.msk $0xffff, v10  }
0x3ed: {  	s14 =	sor.u32 $0xC870, s6;
	[tilespmem:s13+$0x0] =	vst.add.f32.msk $0xffff, v7  }
0x3ee: {  	[tilespmem:s14+$0x0] =	vst.add.f32.msk $0xffff, v8  }
0x3ef: {  	v3 =	vld [tilespmem:s6+$0x14C30]  }
0x3f0: {  	v4 =	vld [tilespmem:s6+$0x14C20]  }
0x3f1: {  	v5 =	vld [tilespmem:s6+$0x14C10]  }
0x3f2: {  	v6 =	vld [tilespmem:s6+$0x14C00]  }
0x3f3: {  	v7 =	vld [tilespmem:s6+$0x14C40]  }
0x3f4: {  	v8 =	vld [tilespmem:s6+$0x14C70]  }
0x3f5: {  	v9 =	vld [tilespmem:s6+$0x14C50]  }
0x3f6: {  	s15 =	sor.u32 $0xCC00, s6;
	v10 =	vld [tilespmem:s6+$0x14C60]  }
0x3f7: {  	s16 =	sor.u32 $0xCC10, s6;
	[tilespmem:s15+$0x0] =	vst.add.f32.msk $0xffff, v6  }
0x3f8: {  	s17 =	sor.u32 $0xCC20, s6;
	[tilespmem:s16+$0x0] =	vst.add.f32.msk $0xffff, v5  }
0x3f9: {  	s18 =	sor.u32 $0xCC30, s6;
	[tilespmem:s17+$0x0] =	vst.add.f32.msk $0xffff, v4  }
0x3fa: {  	s19 =	sor.u32 $0xCC40, s6;
	[tilespmem:s18+$0x0] =	vst.add.f32.msk $0xffff, v3  }
0x3fb: {  	s26 =	sor.u32 $0xCC50, s6;
	[tilespmem:s19+$0x0] =	vst.add.f32.msk $0xffff, v7  }
0x3fc: {  	s1 =	sor.u32 $0xCC60, s6;
	[tilespmem:s26+$0x0] =	vst.add.f32.msk $0xffff, v9  }
0x3fd: {  	s4 =	sor.u32 $0xCC70, s6;
	[tilespmem:s1+$0x0] =	vst.add.f32.msk $0xffff, v10  }
0x3fe: {  	[tilespmem:s4+$0x0] =	vst.add.f32.msk $0xffff, v8  }
0x3ff: {  	v3 =	vld [tilespmem:s6+$0x15030]  }
0x400: {  	v4 =	vld [tilespmem:s6+$0x15020]  }
0x401: {  	v5 =	vld [tilespmem:s6+$0x15010]  }
0x402: {  	v6 =	vld [tilespmem:s6+$0x15000]  }
0x403: {  	v7 =	vld [tilespmem:s6+$0x15060]  }
0x404: {  	v8 =	vld [tilespmem:s6+$0x15040]  }
0x405: {  	v9 =	vld [tilespmem:s6+$0x15050]  }
0x406: {  	s11 =	sor.u32 $0xD000, s6;
	v10 =	vld [tilespmem:s6+$0x15070]  }
0x407: {  	s12 =	sor.u32 $0xD010, s6;
	[tilespmem:s11+$0x0] =	vst.add.f32.msk $0xffff, v6  }
0x408: {  	s13 =	sor.u32 $0xD020, s6;
	[tilespmem:s12+$0x0] =	vst.add.f32.msk $0xffff, v5  }
0x409: {  	s14 =	sor.u32 $0xD030, s6;
	[tilespmem:s13+$0x0] =	vst.add.f32.msk $0xffff, v4  }
0x40a: {  	s15 =	sor.u32 $0xD040, s6;
	[tilespmem:s14+$0x0] =	vst.add.f32.msk $0xffff, v3  }
0x40b: {  	s16 =	sor.u32 $0xD050, s6;
	[tilespmem:s15+$0x0] =	vst.add.f32.msk $0xffff, v8  }
0x40c: {  	s17 =	sor.u32 $0xD060, s6;
	[tilespmem:s16+$0x0] =	vst.add.f32.msk $0xffff, v9  }
0x40d: {  	s18 =	sor.u32 $0xD070, s6;
	[tilespmem:s17+$0x0] =	vst.add.f32.msk $0xffff, v7  }
0x40e: {  	[tilespmem:s18+$0x0] =	vst.add.f32.msk $0xffff, v10  }
0x40f: {  	v3 =	vld [tilespmem:s6+$0x15430]  }
0x410: {  	v4 =	vld [tilespmem:s6+$0x15420]  }
0x411: {  	v5 =	vld [tilespmem:s6+$0x15410]  }
0x412: {  	v6 =	vld [tilespmem:s6+$0x15400]  }
0x413: {  	v7 =	vld [tilespmem:s6+$0x15460]  }
0x414: {  	v8 =	vld [tilespmem:s6+$0x15450]  }
0x415: {  	v9 =	vld [tilespmem:s6+$0x15440]  }
0x416: {  	s19 =	sor.u32 $0xD400, s6;
	v10 =	vld [tilespmem:s6+$0x15470]  }
0x417: {  	s26 =	sor.u32 $0xD410, s6;
	[tilespmem:s19+$0x0] =	vst.add.f32.msk $0xffff, v6  }
0x418: {  	s1 =	sor.u32 $0xD420, s6;
	[tilespmem:s26+$0x0] =	vst.add.f32.msk $0xffff, v5  }
0x419: {  	s4 =	sor.u32 $0xD430, s6;
	[tilespmem:s1+$0x0] =	vst.add.f32.msk $0xffff, v4  }
0x41a: {  	s11 =	sor.u32 $0xD440, s6;
	[tilespmem:s4+$0x0] =	vst.add.f32.msk $0xffff, v3  }
0x41b: {  	s12 =	sor.u32 $0xD450, s6;
	[tilespmem:s11+$0x0] =	vst.add.f32.msk $0xffff, v9  }
0x41c: {  	s13 =	sor.u32 $0xD460, s6;
	[tilespmem:s12+$0x0] =	vst.add.f32.msk $0xffff, v8  }
0x41d: {  	s14 =	sor.u32 $0xD470, s6;
	[tilespmem:s13+$0x0] =	vst.add.f32.msk $0xffff, v7  }
0x41e: {  	[tilespmem:s14+$0x0] =	vst.add.f32.msk $0xffff, v10  }
0x41f: {  	v3 =	vld [tilespmem:s6+$0x15830]  }
0x420: {  	v4 =	vld [tilespmem:s6+$0x15820]  }
0x421: {  	v5 =	vld [tilespmem:s6+$0x15810]  }
0x422: {  	v6 =	vld [tilespmem:s6+$0x15800]  }
0x423: {  	v7 =	vld [tilespmem:s6+$0x15840]  }
0x424: {  	v8 =	vld [tilespmem:s6+$0x15870]  }
0x425: {  	v9 =	vld [tilespmem:s6+$0x15850]  }
0x426: {  	s15 =	sor.u32 $0xD800, s6;
	v10 =	vld [tilespmem:s6+$0x15860]  }
0x427: {  	s16 =	sor.u32 $0xD810, s6;
	[tilespmem:s15+$0x0] =	vst.add.f32.msk $0xffff, v6  }
0x428: {  	s17 =	sor.u32 $0xD820, s6;
	[tilespmem:s16+$0x0] =	vst.add.f32.msk $0xffff, v5  }
0x429: {  	s18 =	sor.u32 $0xD830, s6;
	[tilespmem:s17+$0x0] =	vst.add.f32.msk $0xffff, v4  }
0x42a: {  	s19 =	sor.u32 $0xD840, s6;
	[tilespmem:s18+$0x0] =	vst.add.f32.msk $0xffff, v3  }
0x42b: {  	s26 =	sor.u32 $0xD850, s6;
	[tilespmem:s19+$0x0] =	vst.add.f32.msk $0xffff, v7  }
0x42c: {  	s1 =	sor.u32 $0xD860, s6;
	[tilespmem:s26+$0x0] =	vst.add.f32.msk $0xffff, v9  }
0x42d: {  	s4 =	sor.u32 $0xD870, s6;
	[tilespmem:s1+$0x0] =	vst.add.f32.msk $0xffff, v10  }
0x42e: {  	[tilespmem:s4+$0x0] =	vst.add.f32.msk $0xffff, v8  }
0x42f: {  	v3 =	vld [tilespmem:s6+$0x15C70]  }
0x430: {  	v4 =	vld [tilespmem:s6+$0x15C50]  }
0x431: {  	v5 =	vld [tilespmem:s6+$0x15C20]  }
0x432: {  	v6 =	vld [tilespmem:s6+$0x15C00]  }
0x433: {  	v7 =	vld [tilespmem:s6+$0x15C10]  }
0x434: {  	v8 =	vld [tilespmem:s6+$0x15C30]  }
0x435: {  	v9 =	vld [tilespmem:s6+$0x15C60]  }
0x436: {  	s11 =	sor.u32 $0xDC00, s6;
	v10 =	vld [tilespmem:s6+$0x15C40]  }
0x437: {  	s12 =	sor.u32 $0xDC10, s6;
	[tilespmem:s11+$0x0] =	vst.add.f32.msk $0xffff, v6  }
0x438: {  	s13 =	sor.u32 $0xDC20, s6;
	[tilespmem:s12+$0x0] =	vst.add.f32.msk $0xffff, v7  }
0x439: {  	s14 =	sor.u32 $0xDC30, s6;
	[tilespmem:s13+$0x0] =	vst.add.f32.msk $0xffff, v5  }
0x43a: {  	s15 =	sor.u32 $0xDC40, s6;
	[tilespmem:s14+$0x0] =	vst.add.f32.msk $0xffff, v8  }
0x43b: {  	s16 =	sand.u32 $0x7, s2;
	s17 =	sor.u32 $0xDC50, s6;
	[tilespmem:s15+$0x0] =	vst.add.f32.msk $0xffff, v10  }
0x43c: {  	s18 =	sor.u32 $0xDC60, s6;
	s1 =	sshll.u32 s16, $0x7;
	[tilespmem:s17+$0x0] =	vst.add.f32.msk $0xffff, v4  }
0x43d: {  	s19 =	sor.u32 $0xDC70, s6;
	s1 =	sadd.s32 $0x0, s1;
	[tilespmem:s18+$0x0] =	vst.add.f32.msk $0xffff, v9  }
0x43e: {  	s0 =	sor.u32 $0x1C70, s1;
	[tilespmem:s19+$0x0] =	vst.add.f32.msk $0xffff, v3  }
0x43f: {  	s26 =	sor.u32 $0x1C10, s1;
	v3 =	vld [tilespmem:s0+$0x14400]  }
0x440: {  	s11 =	sor.u32 $0x1C20, s1;
	v6 =	vld [tilespmem:s26+$0x14400]  }
0x441: {  	s13 =	sor.u32 $0x1C00, s1;
	v7 =	vld [tilespmem:s11+$0x14400]  }
0x442: {  	s14 =	sor.u32 $0x1C40, s1;
	v8 =	vld [tilespmem:s13+$0x14400]  }
0x443: {  	s15 =	sor.u32 $0x1C30, s1;
	v9 =	vld [tilespmem:s14+$0x14400]  }
0x444: {  	s16 =	sor.u32 $0x1C60, s1;
	v10 =	vld [tilespmem:s15+$0x14400]  }
0x445: {  	s12 =	sor.u32 $0x1C50, s1;
	v4 =	vld [tilespmem:s16+$0x14400]  }
0x446: {  	v5 =	vld [tilespmem:s12+$0x14400]  }
0x447: {  	[tilespmem:s13+$0xC400] =	vst.add.f32.msk $0xffff, v8  }
0x448: {  	[tilespmem:s26+$0xC400] =	vst.add.f32.msk $0xffff, v6  }
0x449: {  	[tilespmem:s11+$0xC400] =	vst.add.f32.msk $0xffff, v7  }
0x44a: {  	[tilespmem:s15+$0xC400] =	vst.add.f32.msk $0xffff, v10  }
0x44b: {  	s6 =	simm.s32 $0x80;
	s15 =	simm.s32 $0x0;
	[tilespmem:s14+$0xC400] =	vst.add.f32.msk $0xffff, v9;
	s14 =	simm.s32 $0xFFFFC400  }
.LBB2_9:
0x44c: {  	s1 =	sadd.s32 $0x4000, s14;
	[tilespmem:s12+$0xC400] =	vst.add.f32.msk $0xffff, v5;
	s2 =	sadd.s32 $0x400, s2;
	s15 =	sadd.s32 $0x1, s15  }
0x44d: {  	s11 =	sand.u32 $0x380, s6;
	p0 =	sne.s32 s6, $0x780;
	s1 =	sand.u32 $0x2000, s1;
	[tilespmem:s16+$0xC400] =	vst.add.f32.msk $0xffff, v4  }
0x44e: {  	s6 =	sadd.s32 $0x80, s6;
	s16 =	sor.u32 s11, s1;
	[tilespmem:s0+$0xC400] =	vst.add.f32.msk $0xffff, v3  }
0x44f: {  	v3 =	vld [tilespmem:s16+$0x14430]  }
0x450: {  	v4 =	vld [tilespmem:s16+$0x14410]  }
0x451: {  	v5 =	vld [tilespmem:s16+$0x14420]  }
0x452: {  	v6 =	vld [tilespmem:s16+$0x14400]  }
0x453: {  	v7 =	vld [tilespmem:s16+$0x14450]  }
0x454: {  	v8 =	vld [tilespmem:s16+$0x14460]  }
0x455: {  	v9 =	vld [tilespmem:s16+$0x14440]  }
0x456: {  	s0 =	sor.u32 $0xC400, s16;
	s1 =	sor.u32 $0xC430, s16;
	v10 =	vld [tilespmem:s16+$0x14470]  }
0x457: {  	s11 =	sor.u32 $0xC440, s16;
	[tilespmem:s0+$0x0] =	vst.add.f32.msk $0xffff, v6;
	s0 =	sor.u32 $0xC410, s16  }
0x458: {  	[tilespmem:s0+$0x0] =	vst.add.f32.msk $0xffff, v4;
	s0 =	sor.u32 $0xC420, s16  }
0x459: {  	[tilespmem:s0+$0x0] =	vst.add.f32.msk $0xffff, v5  }
0x45a: {  	[tilespmem:s1+$0x0] =	vst.add.f32.msk $0xffff, v3  }
0x45b: {  	s0 =	sor.u32 $0xC450, s16;
	[tilespmem:s11+$0x0] =	vst.add.f32.msk $0xffff, v9  }
0x45c: {  	[tilespmem:s0+$0x0] =	vst.add.f32.msk $0xffff, v7;
	s0 =	sor.u32 $0xC460, s16  }
0x45d: {  	[tilespmem:s0+$0x0] =	vst.add.f32.msk $0xffff, v8;
	s0 =	sor.u32 $0xC470, s16  }
0x45e: {  	[tilespmem:s0+$0x0] =	vst.add.f32.msk $0xffff, v10  }
0x45f: {  	v3 =	vld [tilespmem:s16+$0x14830]  }
0x460: {  	v4 =	vld [tilespmem:s16+$0x14810]  }
0x461: {  	v5 =	vld [tilespmem:s16+$0x14820]  }
0x462: {  	v6 =	vld [tilespmem:s16+$0x14800]  }
0x463: {  	v7 =	vld [tilespmem:s16+$0x14860]  }
0x464: {  	v8 =	vld [tilespmem:s16+$0x14870]  }
0x465: {  	v9 =	vld [tilespmem:s16+$0x14840]  }
0x466: {  	s0 =	sor.u32 $0xC800, s16;
	v10 =	vld [tilespmem:s16+$0x14850]  }
0x467: {  	[tilespmem:s0+$0x0] =	vst.add.f32.msk $0xffff, v6;
	s0 =	sor.u32 $0xC810, s16  }
0x468: {  	[tilespmem:s0+$0x0] =	vst.add.f32.msk $0xffff, v4;
	s0 =	sor.u32 $0xC820, s16  }
0x469: {  	[tilespmem:s0+$0x0] =	vst.add.f32.msk $0xffff, v5;
	s0 =	sor.u32 $0xC830, s16  }
0x46a: {  	[tilespmem:s0+$0x0] =	vst.add.f32.msk $0xffff, v3;
	s0 =	sor.u32 $0xC840, s16  }
0x46b: {  	[tilespmem:s0+$0x0] =	vst.add.f32.msk $0xffff, v9;
	s0 =	sor.u32 $0xC850, s16  }
0x46c: {  	[tilespmem:s0+$0x0] =	vst.add.f32.msk $0xffff, v10;
	s0 =	sor.u32 $0xC860, s16  }
0x46d: {  	[tilespmem:s0+$0x0] =	vst.add.f32.msk $0xffff, v7;
	s0 =	sor.u32 $0xC870, s16  }
0x46e: {  	[tilespmem:s0+$0x0] =	vst.add.f32.msk $0xffff, v8  }
0x46f: {  	v3 =	vld [tilespmem:s16+$0x14C30]  }
0x470: {  	v4 =	vld [tilespmem:s16+$0x14C20]  }
0x471: {  	v5 =	vld [tilespmem:s16+$0x14C10]  }
0x472: {  	v6 =	vld [tilespmem:s16+$0x14C00]  }
0x473: {  	v7 =	vld [tilespmem:s16+$0x14C40]  }
0x474: {  	v8 =	vld [tilespmem:s16+$0x14C70]  }
0x475: {  	v9 =	vld [tilespmem:s16+$0x14C50]  }
0x476: {  	s0 =	sor.u32 $0xCC00, s16;
	v10 =	vld [tilespmem:s16+$0x14C60]  }
0x477: {  	[tilespmem:s0+$0x0] =	vst.add.f32.msk $0xffff, v6;
	s0 =	sor.u32 $0xCC10, s16  }
0x478: {  	[tilespmem:s0+$0x0] =	vst.add.f32.msk $0xffff, v5;
	s0 =	sor.u32 $0xCC20, s16  }
0x479: {  	[tilespmem:s0+$0x0] =	vst.add.f32.msk $0xffff, v4;
	s0 =	sor.u32 $0xCC30, s16  }
0x47a: {  	[tilespmem:s0+$0x0] =	vst.add.f32.msk $0xffff, v3;
	s0 =	sor.u32 $0xCC40, s16  }
0x47b: {  	[tilespmem:s0+$0x0] =	vst.add.f32.msk $0xffff, v7;
	s0 =	sor.u32 $0xCC50, s16  }
0x47c: {  	[tilespmem:s0+$0x0] =	vst.add.f32.msk $0xffff, v9;
	s0 =	sor.u32 $0xCC60, s16  }
0x47d: {  	[tilespmem:s0+$0x0] =	vst.add.f32.msk $0xffff, v10;
	s0 =	sor.u32 $0xCC70, s16  }
0x47e: {  	[tilespmem:s0+$0x0] =	vst.add.f32.msk $0xffff, v8  }
0x47f: {  	v3 =	vld [tilespmem:s16+$0x15030]  }
0x480: {  	v4 =	vld [tilespmem:s16+$0x15020]  }
0x481: {  	v5 =	vld [tilespmem:s16+$0x15010]  }
0x482: {  	v6 =	vld [tilespmem:s16+$0x15000]  }
0x483: {  	v7 =	vld [tilespmem:s16+$0x15060]  }
0x484: {  	v8 =	vld [tilespmem:s16+$0x15040]  }
0x485: {  	v9 =	vld [tilespmem:s16+$0x15050]  }
0x486: {  	s0 =	sor.u32 $0xD000, s16;
	v10 =	vld [tilespmem:s16+$0x15070]  }
0x487: {  	[tilespmem:s0+$0x0] =	vst.add.f32.msk $0xffff, v6;
	s0 =	sor.u32 $0xD010, s16  }
0x488: {  	[tilespmem:s0+$0x0] =	vst.add.f32.msk $0xffff, v5;
	s0 =	sor.u32 $0xD020, s16  }
0x489: {  	[tilespmem:s0+$0x0] =	vst.add.f32.msk $0xffff, v4;
	s0 =	sor.u32 $0xD030, s16  }
0x48a: {  	[tilespmem:s0+$0x0] =	vst.add.f32.msk $0xffff, v3;
	s0 =	sor.u32 $0xD040, s16  }
0x48b: {  	[tilespmem:s0+$0x0] =	vst.add.f32.msk $0xffff, v8;
	s0 =	sor.u32 $0xD050, s16  }
0x48c: {  	[tilespmem:s0+$0x0] =	vst.add.f32.msk $0xffff, v9;
	s0 =	sor.u32 $0xD060, s16  }
0x48d: {  	[tilespmem:s0+$0x0] =	vst.add.f32.msk $0xffff, v7;
	s0 =	sor.u32 $0xD070, s16  }
0x48e: {  	[tilespmem:s0+$0x0] =	vst.add.f32.msk $0xffff, v10  }
0x48f: {  	v3 =	vld [tilespmem:s16+$0x15430]  }
0x490: {  	v4 =	vld [tilespmem:s16+$0x15420]  }
0x491: {  	v5 =	vld [tilespmem:s16+$0x15410]  }
0x492: {  	v6 =	vld [tilespmem:s16+$0x15400]  }
0x493: {  	v7 =	vld [tilespmem:s16+$0x15460]  }
0x494: {  	v8 =	vld [tilespmem:s16+$0x15450]  }
0x495: {  	v9 =	vld [tilespmem:s16+$0x15440]  }
0x496: {  	s0 =	sor.u32 $0xD400, s16;
	v10 =	vld [tilespmem:s16+$0x15470]  }
0x497: {  	[tilespmem:s0+$0x0] =	vst.add.f32.msk $0xffff, v6;
	s0 =	sor.u32 $0xD410, s16  }
0x498: {  	[tilespmem:s0+$0x0] =	vst.add.f32.msk $0xffff, v5;
	s0 =	sor.u32 $0xD420, s16  }
0x499: {  	[tilespmem:s0+$0x0] =	vst.add.f32.msk $0xffff, v4;
	s0 =	sor.u32 $0xD430, s16  }
0x49a: {  	[tilespmem:s0+$0x0] =	vst.add.f32.msk $0xffff, v3;
	s0 =	sor.u32 $0xD440, s16  }
0x49b: {  	[tilespmem:s0+$0x0] =	vst.add.f32.msk $0xffff, v9;
	s0 =	sor.u32 $0xD450, s16  }
0x49c: {  	[tilespmem:s0+$0x0] =	vst.add.f32.msk $0xffff, v8;
	s0 =	sor.u32 $0xD460, s16  }
0x49d: {  	[tilespmem:s0+$0x0] =	vst.add.f32.msk $0xffff, v7;
	s0 =	sor.u32 $0xD470, s16  }
0x49e: {  	[tilespmem:s0+$0x0] =	vst.add.f32.msk $0xffff, v10  }
0x49f: {  	v3 =	vld [tilespmem:s16+$0x15830]  }
0x4a0: {  	v4 =	vld [tilespmem:s16+$0x15820]  }
0x4a1: {  	v5 =	vld [tilespmem:s16+$0x15810]  }
0x4a2: {  	v6 =	vld [tilespmem:s16+$0x15800]  }
0x4a3: {  	v7 =	vld [tilespmem:s16+$0x15840]  }
0x4a4: {  	v8 =	vld [tilespmem:s16+$0x15870]  }
0x4a5: {  	v9 =	vld [tilespmem:s16+$0x15850]  }
0x4a6: {  	s0 =	sor.u32 $0xD800, s16;
	v10 =	vld [tilespmem:s16+$0x15860]  }
0x4a7: {  	[tilespmem:s0+$0x0] =	vst.add.f32.msk $0xffff, v6;
	s0 =	sor.u32 $0xD810, s16  }
0x4a8: {  	[tilespmem:s0+$0x0] =	vst.add.f32.msk $0xffff, v5;
	s0 =	sor.u32 $0xD820, s16  }
0x4a9: {  	[tilespmem:s0+$0x0] =	vst.add.f32.msk $0xffff, v4;
	s0 =	sor.u32 $0xD830, s16  }
0x4aa: {  	[tilespmem:s0+$0x0] =	vst.add.f32.msk $0xffff, v3;
	s0 =	sor.u32 $0xD840, s16  }
0x4ab: {  	[tilespmem:s0+$0x0] =	vst.add.f32.msk $0xffff, v7;
	s0 =	sor.u32 $0xD850, s16  }
0x4ac: {  	[tilespmem:s0+$0x0] =	vst.add.f32.msk $0xffff, v9;
	s0 =	sor.u32 $0xD860, s16  }
0x4ad: {  	[tilespmem:s0+$0x0] =	vst.add.f32.msk $0xffff, v10;
	s0 =	sor.u32 $0xD870, s16  }
0x4ae: {  	[tilespmem:s0+$0x0] =	vst.add.f32.msk $0xffff, v8  }
0x4af: {  	v3 =	vld [tilespmem:s16+$0x15C70]  }
0x4b0: {  	v4 =	vld [tilespmem:s16+$0x15C50]  }
0x4b1: {  	v5 =	vld [tilespmem:s16+$0x15C20]  }
0x4b2: {  	v6 =	vld [tilespmem:s16+$0x15C00]  }
0x4b3: {  	v7 =	vld [tilespmem:s16+$0x15C10]  }
0x4b4: {  	v8 =	vld [tilespmem:s16+$0x15C30]  }
0x4b5: {  	v9 =	vld [tilespmem:s16+$0x15C60]  }
0x4b6: {  	s0 =	sor.u32 $0xDC00, s16;
	v10 =	vld [tilespmem:s16+$0x15C40]  }
0x4b7: {  	[tilespmem:s0+$0x0] =	vst.add.f32.msk $0xffff, v6;
	s0 =	sor.u32 $0xDC10, s16  }
0x4b8: {  	[tilespmem:s0+$0x0] =	vst.add.f32.msk $0xffff, v7;
	s0 =	sor.u32 $0xDC20, s16  }
0x4b9: {  	[tilespmem:s0+$0x0] =	vst.add.f32.msk $0xffff, v5;
	s0 =	sor.u32 $0xDC30, s16  }
0x4ba: {  	[tilespmem:s0+$0x0] =	vst.add.f32.msk $0xffff, v8;
	s0 =	sor.u32 $0xDC40, s16  }
0x4bb: {  	s1 =	sand.u32 $0x7, s15;
	[tilespmem:s0+$0x0] =	vst.add.f32.msk $0xffff, v10;
	s0 =	sor.u32 $0xDC50, s16  }
0x4bc: {  	s1 =	sshll.u32 s1, $0x7;
	[tilespmem:s0+$0x0] =	vst.add.f32.msk $0xffff, v4;
	s0 =	sor.u32 $0xDC60, s16  }
0x4bd: {  	s1 =	sadd.s32 s1, s2;
	[tilespmem:s0+$0x0] =	vst.add.f32.msk $0xffff, v9;
	s0 =	sor.u32 $0xDC70, s16  }
0x4be: {  	[tilespmem:s0+$0x0] =	vst.add.f32.msk $0xffff, v3;
	s0 =	sor.u32 $0x1C70, s1  }
0x4bf: {  	s11 =	sor.u32 $0x1C10, s1;
	v3 =	vld [tilespmem:s0+$0x14400]  }
0x4c0: {  	s13 =	sor.u32 $0x1C00, s1;
	s17 =	sor.u32 $0x1C20, s1;
	v6 =	vld [tilespmem:s11+$0x14400]  }
0x4c1: {  	v7 =	vld [tilespmem:s17+$0x14400]  }
0x4c2: {  	s18 =	sor.u32 $0x1C40, s1;
	v8 =	vld [tilespmem:s13+$0x14400]  }
0x4c3: {  	s19 =	sor.u32 $0x1C30, s1;
	v9 =	vld [tilespmem:s18+$0x14400]  }
0x4c4: {  	s16 =	sor.u32 $0x1C60, s1;
	v10 =	vld [tilespmem:s19+$0x14400]  }
0x4c5: {  	s12 =	sor.u32 $0x1C50, s1;
	v4 =	vld [tilespmem:s16+$0x14400]  }
0x4c6: {  	v5 =	vld [tilespmem:s12+$0x14400]  }
.Ltmp3:
0x4c7: {  	[tilespmem:s13+$0xC400] =	vst.add.f32.msk $0xffff, v8;
	(pc) =	sbr.rel @p0 .LBB2_9-.Ltmp3, $4  }
0x4c8: {  	[tilespmem:s11+$0xC400] =	vst.add.f32.msk $0xffff, v6  }
0x4c9: {  	[tilespmem:s17+$0xC400] =	vst.add.f32.msk $0xffff, v7  }
0x4ca: {  	[tilespmem:s19+$0xC400] =	vst.add.f32.msk $0xffff, v10  }
0x4cb: {  	s14 =	sadd.s32 $0x400, s14;
	[tilespmem:s18+$0xC400] =	vst.add.f32.msk $0xffff, v9  }
0x4cc: {  	s25 =	sadd.s32 $0x1, s25  }
0x4cd: {  	p0 =	sne.s32 s25, $0x10  }
.Ltmp4:
0x4ce: {  	_ = 	snop;
	(pc) =	sbr.rel @p0 .LBB2_2-.Ltmp4, $4  }
0x4cf: {  	[tilespmem:s12+$0xC400] =	vst.add.f32.msk $0xffff, v5  }
0x4d0: {  	[tilespmem:s16+$0xC400] =	vst.add.f32.msk $0xffff, v4  }
0x4d1: {  	s31 =	sadd.s32 s30, s31;
	s1 =	simm.s32 $0xC400;
	[tilespmem:s0+$0xC400] =	vst.add.f32.msk $0xffff, v3  }
0x4d2: {  	[hbm4b:s31+s5] =	stream.linear.scatter [tilespmem:s1], [sflag:$0xA], $0x4000, $0x38;
	[tilespmem:$0x18400] =	vst v63  }
0x4d3: {  	s0 =	simm.s32 $0x7  }
0x4d4: {  	_ =	swait.ge [sflag:s0], $0x4000  }
0x4d5: {  	[sflag:s0] =	ssyncset.done $0x0  }
0x4d6: {  	s25 =	simm.s32 $0x8;
	[sflag:s0] =	ssyncadd.s32 $0xFFFFC000  }
0x4d7: {  	_ =	swait.ge [sflag:s25], $0x4000  }
0x4d8: {  	[sflag:s25] =	ssyncset.done $0x0  }
0x4d9: {  	s26 =	simm.s32 $0x9;
	[sflag:s25] =	ssyncadd.s32 $0xFFFFC000  }
0x4da: {  	_ =	swait.ge [sflag:s26], $0x4000  }
0x4db: {  	[sflag:s26] =	ssyncset.done $0x0  }
0x4dc: {  	s1 =	simm.s32 $0xA;
	[sflag:s26] =	ssyncadd.s32 $0xFFFFC000  }
0x4dd: {  	_ =	swait.ge [sflag:s1], $0x4000  }
0x4de: {  	s2 =	rddreg [dreg:$0xa]  }
0x4df: {  	s31 =	rddreg [dreg:$0x9];
	s2 =	sadd.s32 $0x1, s2  }
0x4e0: {  	p0 =	sne.s32 s2, s31  }
.Ltmp5:
0x4e1: {  	_ = 	snop;
	(pc) =	sbr.rel @p0 .LBB2_1-.Ltmp5, $3  }
0x4e2: {  	_ =	sdelay $0x1  }
0x4e3: {  	[sflag:s1] =	ssyncset.done $0x0  }
0x4e4: {  	[sflag:s1] =	ssyncadd.s32 $0xFFFFC000  }
0x4e5: {  	_ =	sfence.sel $0x180000  }
0x4e6: {  	[bflag:$0x0] =	sbarrier.arrive $0xFFFF  }
0x4e7: {  	_ =	strace $0x90000047  }
0x4e8: {  	s0 =	stileid.u32;
	[bflag:$0x2] =	sbarrier.arrive $0xFFFF  }
0x4e9: {  	p0 =	sne.s32 s0, $0x0;
	s0 =	rddreg [dreg:$0x4]  }
0x4ea: {  	s0 =	sadd.s32 @!p0 $0x100000, s0  }
0x4eb: {  	[sflag:s0] =	ssyncadd.tile.s32 @!p0 $0x1;
	_ =	shalt  }
.Lfunc_end2:
_tile_overlayer_lowered:
.L_overlay_start_2:
0x4ec: {  	(tag) =	ssettag $0x2  }
0x4ed: {  	s0 =	rddreg [dreg:$0x0];
	s2 =	stileid.u32  }
0x4ee: {  	s1 =	rddreg [dreg:$0x1];
	p0 =	sne.s32 s2, $0x0  }
0x4ef: {  	s3 =	rddreg [dreg:$0x2];
	[bflag:$0x3] =	sbarrier.arrive $0xFFFF;
	s2 =	simm.s32 @!p0 $0x1C0B  }
0x4f0: {  	[timem:s3], [sflag:s2] =	dma.local @!p0 [hbm:s0], s1  }
0x4f1: {  	s0 =	simm.s32 @!p0 $0xB  }
0x4f2: {  	_ =	swait.ge @!p0 [sflag:s0], s1  }
0x4f3: {  	s1 =	ssub.s32 @!p0 $0x0, s1;
	[sflag:s0] =	ssyncset.done @!p0 $0x0  }
0x4f4: {  	[sflag:s0] =	ssyncadd.s32 @!p0 s1  }
0x4f5: {  	[bflag:$0x3] =	sbarrier.arrive $0xFFFF  }
0x4f6: {  	_ =	shalt  }

</sc_bundles>
